<compile_context>
chip_gen: v7x
topology: tpu7x:2x2x1
jax: 0.10.2.dev20260603
libtpu: 0.0.44.dev20260713+nightly
codegen_flags: <defaults>
</compile_context>

<pallas_src>
import functools

import jax
import jax.numpy as jnp
from jax import lax
from jax.experimental import pallas as pl
from jax.experimental.pallas import tpu as pltpu
from jax.experimental.pallas import tpu_sc as plsc

NC = 2
NS = 16
L = 16
NW = NC * NS

TILE = 128
CT = 32
CHUNK = CT * TILE


def _compute_chunk(xyzw_v, ids_v, pose_v, o_v, d_v):
  pv = [pose_v.at[pl.ds(c * 8, 8)] for c in range(12)]

  @plsc.parallel_loop(0, CT, unroll=1)
  def tile_body(t):
    for k in range(8):
      s = k * L
      ids16 = ids_v[t, pl.ds(s, L)]
      x = xyzw_v[t, 0, pl.ds(s, L)]
      y = xyzw_v[t, 1, pl.ds(s, L)]
      z = xyzw_v[t, 2, pl.ds(s, L)]
      w = xyzw_v[t, 3, pl.ds(s, L)]

      m00 = plsc.load_gather(pv[0], [ids16])
      m01 = plsc.load_gather(pv[1], [ids16])
      m02 = plsc.load_gather(pv[2], [ids16])
      ox = plsc.load_gather(pv[3], [ids16])
      m10 = plsc.load_gather(pv[4], [ids16])
      m11 = plsc.load_gather(pv[5], [ids16])
      m12 = plsc.load_gather(pv[6], [ids16])
      oy = plsc.load_gather(pv[7], [ids16])
      m20 = plsc.load_gather(pv[8], [ids16])
      m21 = plsc.load_gather(pv[9], [ids16])
      m22 = plsc.load_gather(pv[10], [ids16])
      oz = plsc.load_gather(pv[11], [ids16])

      wm1 = w - 1.0
      dx = m00 * x + m01 * y + m02 * z + wm1 * ox
      dy = m10 * x + m11 * y + m12 * z + wm1 * oy
      dz = m20 * x + m21 * y + m22 * z + wm1 * oz

      sq = dx * dx + dy * dy + dz * dz
      h = sq * 0.5
      seed = jnp.int32(0x5F3759DF) - (plsc.bitcast(sq, jnp.int32) >> 1)
      r = plsc.bitcast(seed, jnp.float32)
      r = r * (1.5 - h * r * r)

      o_v[t, 0, pl.ds(s, L)] = ox
      o_v[t, 1, pl.ds(s, L)] = oy
      o_v[t, 2, pl.ds(s, L)] = oz
      d_v[t, 0, pl.ds(s, L)] = dx * r
      d_v[t, 1, pl.ds(s, L)] = dy * r
      d_v[t, 2, pl.ds(s, L)] = dz * r


def _make_kernel(n):
  assert n % (NW * CHUNK) == 0
  nt = n // TILE
  per_w = nt // NW
  nchunk = per_w // CT

  @functools.partial(
      pl.kernel,
      out_type=(
          jax.ShapeDtypeStruct((nt, 4, TILE), jnp.float32),
          jax.ShapeDtypeStruct((nt, 4, TILE), jnp.float32),
      ),
      mesh=plsc.VectorSubcoreMesh(core_axis_name="c", subcore_axis_name="s"),
      compiler_params=pltpu.CompilerParams(needs_layout_passes=False),
      scratch_types=dict(
          pose_v=pltpu.VMEM((96,), jnp.float32),
          xyzw_v0=pltpu.VMEM((CT, 4, TILE), jnp.float32),
          xyzw_v1=pltpu.VMEM((CT, 4, TILE), jnp.float32),
          ids_v0=pltpu.VMEM((CT, TILE), jnp.int32),
          ids_v1=pltpu.VMEM((CT, TILE), jnp.int32),
          o_v0=pltpu.VMEM((CT, 4, TILE), jnp.float32),
          o_v1=pltpu.VMEM((CT, 4, TILE), jnp.float32),
          d_v0=pltpu.VMEM((CT, 4, TILE), jnp.float32),
          d_v1=pltpu.VMEM((CT, 4, TILE), jnp.float32),
          in_sems=pltpu.SemaphoreType.DMA((2, 2)),
          out_sems=pltpu.SemaphoreType.DMA((2, 2)),
      ),
  )
  def pose_rays(xyzw_hbm, ids_hbm, pose_hbm, o_hbm, d_hbm, *, pose_v,
                xyzw_v0, xyzw_v1, ids_v0, ids_v1, o_v0, o_v1, d_v0, d_v1,
                in_sems, out_sems):
    xyzw_v = (xyzw_v0, xyzw_v1)
    ids_v = (ids_v0, ids_v1)
    o_v = (o_v0, o_v1)
    d_v = (d_v0, d_v1)
    wid = lax.axis_index("s") * NC + lax.axis_index("c")
    tbase = wid * per_w
    pltpu.sync_copy(pose_hbm, pose_v)

    def start_in(ci, slot):
      ts = tbase + ci * CT
      pltpu.async_copy(xyzw_hbm.at[pl.ds(ts, CT)],
                       xyzw_v[slot], in_sems.at[slot, 0])
      pltpu.async_copy(ids_hbm.at[pl.ds(ts, CT)],
                       ids_v[slot], in_sems.at[slot, 1])

    def wait_in(ci, slot):
      ts = tbase + ci * CT
      pltpu.make_async_copy(xyzw_hbm.at[pl.ds(ts, CT)],
                            xyzw_v[slot], in_sems.at[slot, 0]).wait()
      pltpu.make_async_copy(ids_hbm.at[pl.ds(ts, CT)],
                            ids_v[slot], in_sems.at[slot, 1]).wait()

    def start_out(ci, slot):
      ts = tbase + ci * CT
      pltpu.async_copy(o_v[slot], o_hbm.at[pl.ds(ts, CT)],
                       out_sems.at[slot, 0])
      pltpu.async_copy(d_v[slot], d_hbm.at[pl.ds(ts, CT)],
                       out_sems.at[slot, 1])

    def wait_out(ci, slot):
      ts = tbase + ci * CT
      pltpu.make_async_copy(o_v[slot], o_hbm.at[pl.ds(ts, CT)],
                            out_sems.at[slot, 0]).wait()
      pltpu.make_async_copy(d_v[slot], d_hbm.at[pl.ds(ts, CT)],
                            out_sems.at[slot, 1]).wait()

    start_in(0, 0)

    def pair_body(it, _):
      for b in range(2):
        ci = it * 2 + b

        @pl.when(ci + 1 < nchunk)
        def _():
          start_in(ci + 1, 1 - b)

        wait_in(ci, b)

        @pl.when(ci >= 2)
        def _():
          wait_out(ci - 2, b)

        _compute_chunk(xyzw_v[b], ids_v[b], pose_v, o_v[b], d_v[b])
        start_out(ci, b)
      return 0

    lax.fori_loop(0, nchunk // 2, pair_body, 0)
    wait_out(nchunk - 2, 0)
    wait_out(nchunk - 1, 1)

  return pose_rays


def kernel(xyzw, image_ids, pose):
  n = xyzw.shape[0]
  nt = n // TILE
  xyzw_t = jnp.swapaxes(xyzw.reshape(nt, TILE, 4), 1, 2)
  o_t, d_t = _make_kernel(n)(
      xyzw_t,
      image_ids.astype(jnp.int32).reshape(nt, TILE),
      pose.astype(jnp.float32).reshape(8, 16)[:, :12].T.reshape(96),
  )
  o = jnp.swapaxes(o_t, 1, 2).reshape(n, 4)[:, :3]
  d = jnp.swapaxes(d_t, 1, 2).reshape(n, 4)[:, :3]
  return o, d

# --- scband reference (transcript-rebuilt; emitter-appended) ---
"""Pipeline reference for scband-pose-extrinsic-48447231098899 (READ-ONLY COPY).

The authoritative reference and input builder live on the scoring server;
editing this copy changes nothing except your own understanding.
"""

import jax, jax.numpy as jnp
import numpy as np


def setup_inputs(seed: int = 0) -> dict:
    key = jax.random.key(seed)
    k1, k2 = jax.random.split(key)
    N = 2097152
    image_num = 8
    xyzw = jax.random.normal(k1, (N, 4), dtype=jnp.float32)
    image_ids = jax.random.randint(k2, (N,), 0, image_num, dtype=jnp.int64 if jax.config.jax_enable_x64 else jnp.int32)
    # learned parameter: pose (image_num, 4, 4), initialized to identity per init_kwargs
    pose = jnp.tile(jnp.eye(4, dtype=jnp.float32)[None, :, :], (image_num, 1, 1))
    return {"xyzw": xyzw, "image_ids": image_ids, "pose": pose}


def reference(xyzw, image_ids, pose):
    # gather per-ray pose matrices: embedding-style lookup
    pose_g = jnp.take(pose, image_ids, axis=0)  # (N, 4, 4)
    # homogeneous origin [0,0,0,1]
    _o = jnp.zeros_like(xyzw).at[:, 3].set(1.0)  # (N, 4)
    # batched matmul: pose @ xyzw, pose @ origin
    d = jnp.einsum('nij,nj->ni', pose_g, xyzw)[:, :3]
    o = jnp.einsum('nij,nj->ni', pose_g, _o)[:, :3]
    d = d - o
    d = d / jnp.linalg.norm(d, axis=1, keepdims=True)
    return (o, d)

if __name__ == "__main__":
    import jax
    _d = setup_inputs()
    print(jax.jit(kernel)(*tuple(_d.values())))

</pallas_src>

<mosaic_0001>
#map = affine_map<(d0, d1) -> (0, 0, 0)>
#map1 = affine_map<(d0, d1) -> (0, 0)>
#map2 = affine_map<(d0, d1) -> (0)>
module attributes {stable_mosaic.version = 14 : i64} {
  func.func @pose_rays(%arg0: i32, %arg1: i32, %arg2: memref<16384x4x128xf32, #tpu.memory_space<hbm>>, %arg3: memref<16384x128xi32, #tpu.memory_space<hbm>>, %arg4: memref<96xf32, #tpu.memory_space<hbm>>, %arg5: memref<16384x4x128xf32, #tpu.memory_space<hbm>>, %arg6: memref<16384x4x128xf32, #tpu.memory_space<hbm>>, %arg7: memref<32x4x128xf32, #tpu.memory_space<vmem>>, %arg8: memref<32x4x128xf32, #tpu.memory_space<vmem>>, %arg9: memref<32x128xi32, #tpu.memory_space<vmem>>, %arg10: memref<32x128xi32, #tpu.memory_space<vmem>>, %arg11: memref<2x2x!tpu.dma_semaphore, #tpu.memory_space<semaphore_mem>>, %arg12: memref<32x4x128xf32, #tpu.memory_space<vmem>>, %arg13: memref<32x4x128xf32, #tpu.memory_space<vmem>>, %arg14: memref<2x2x!tpu.dma_semaphore, #tpu.memory_space<semaphore_mem>>, %arg15: memref<96xf32, #tpu.memory_space<vmem>>, %arg16: memref<32x4x128xf32, #tpu.memory_space<vmem>>, %arg17: memref<32x4x128xf32, #tpu.memory_space<vmem>>) attributes {dimension_semantics = [#tpu.dimension_semantics<core_parallel>, #tpu.dimension_semantics<subcore_parallel>], iteration_bounds = array<i64: 2, 16>, scalar_prefetch = 0 : i64, scratch_operands = 11 : i64, tpu.core_type = #tpu.core_type<sc_vector_subcore>, window_params = [{transform_indices = #map}, {transform_indices = #map1}, {transform_indices = #map2}, {transform_indices = #map}, {transform_indices = #map}]} {
    %mul3A = arith.constant 2 : i32
    %mul3A_0 = arith.muli %arg1, %mul3A : i32
    %add3A = arith.addi %mul3A_0, %arg0 : i32
    %mul3A_1 = arith.constant 512 : i32
    %mul3A_2 = arith.muli %add3A, %mul3A_1 : i32
    "tpu.region"() ({
      %run_scoped3A = tpu.sem_alloc : memref<!tpu.dma_semaphore, #tpu.memory_space<semaphore_mem>>
      tpu.enqueue_dma source(%arg4 : memref<96xf32, #tpu.memory_space<hbm>>) target(%arg15 : memref<96xf32, #tpu.memory_space<vmem>>) target_semaphore(%run_scoped3A : memref<!tpu.dma_semaphore, #tpu.memory_space<semaphore_mem>>)
      tpu.wait_dma2 semaphore(%run_scoped3A : memref<!tpu.dma_semaphore, #tpu.memory_space<semaphore_mem>>) src(%arg4 : memref<96xf32, #tpu.memory_space<hbm>>) dst(%arg15 : memref<96xf32, #tpu.memory_space<vmem>>)
      tpu.yield
    }) : () -> ()
    %add3A_3 = arith.constant 0 : i32
    %add3A_4 = arith.addi %mul3A_2, %add3A_3 : i32
    %dma_start3A = arith.constant 0 : i32
    %dma_start3A_5 = arith.constant 0 : i32
    %dma_start3A_6 = arith.constant 0 : i32
    %dma_start3A_7 = arith.constant 0 : i32
    %dma_start3A_8 = tpu.memref_slice %arg2[%add3A_4, %dma_start3A_6, %dma_start3A_7] : memref<16384x4x128xf32, #tpu.memory_space<hbm>> -> memref<32x4x128xf32, #tpu.memory_space<hbm>>
    %dma_start3A_9 = tpu.memref_slice %arg11[%dma_start3A, %dma_start3A_5] : memref<2x2x!tpu.dma_semaphore, #tpu.memory_space<semaphore_mem>> -> memref<1x1x!tpu.dma_semaphore, #tpu.memory_space<semaphore_mem>>
    %dma_start3A_10 = tpu.memref_squeeze %dma_start3A_9 : memref<1x1x!tpu.dma_semaphore, #tpu.memory_space<semaphore_mem>> -> memref<!tpu.dma_semaphore, #tpu.memory_space<semaphore_mem>>
    %dma_start3A_11 = arith.constant 0 : i32
    %dma_start3A_12 = arith.constant 0 : i32
    %dma_start3A_13 = tpu.memref_slice %arg2[%add3A_4, %dma_start3A_11, %dma_start3A_12] : memref<16384x4x128xf32, #tpu.memory_space<hbm>> -> memref<32x4x128xf32, #tpu.memory_space<hbm>>
    tpu.enqueue_dma source(%dma_start3A_13 : memref<32x4x128xf32, #tpu.memory_space<hbm>>) target(%arg16 : memref<32x4x128xf32, #tpu.memory_space<vmem>>) target_semaphore(%dma_start3A_10 : memref<!tpu.dma_semaphore, #tpu.memory_space<semaphore_mem>>)
    %dma_start3A_14 = arith.constant 0 : i32
    %dma_start3A_15 = arith.constant 1 : i32
    %dma_start3A_16 = arith.constant 0 : i32
    %dma_start3A_17 = tpu.memref_slice %arg3[%add3A_4, %dma_start3A_16] : memref<16384x128xi32, #tpu.memory_space<hbm>> -> memref<32x128xi32, #tpu.memory_space<hbm>>
    %dma_start3A_18 = tpu.memref_slice %arg11[%dma_start3A_14, %dma_start3A_15] : memref<2x2x!tpu.dma_semaphore, #tpu.memory_space<semaphore_mem>> -> memref<1x1x!tpu.dma_semaphore, #tpu.memory_space<semaphore_mem>>
    %dma_start3A_19 = tpu.memref_squeeze %dma_start3A_18 : memref<1x1x!tpu.dma_semaphore, #tpu.memory_space<semaphore_mem>> -> memref<!tpu.dma_semaphore, #tpu.memory_space<semaphore_mem>>
    %dma_start3A_20 = arith.constant 0 : i32
    %dma_start3A_21 = tpu.memref_slice %arg3[%add3A_4, %dma_start3A_20] : memref<16384x128xi32, #tpu.memory_space<hbm>> -> memref<32x128xi32, #tpu.memory_space<hbm>>
    tpu.enqueue_dma source(%dma_start3A_21 : memref<32x128xi32, #tpu.memory_space<hbm>>) target(%arg9 : memref<32x128xi32, #tpu.memory_space<vmem>>) target_semaphore(%dma_start3A_19 : memref<!tpu.dma_semaphore, #tpu.memory_space<semaphore_mem>>)
    %scan3A = arith.constant 0 : i32
    %scan3A_22 = arith.constant 0 : i32
    %scan3A_23 = arith.constant 8 : i32
    %scan3A_24 = arith.addi %scan3A_22, %scan3A_23 : i32
    %scan3A_25 = arith.constant 1 : i32
    %scan3A_26 = scf.for %scan3A_71 = %scan3A_22 to %scan3A_24 step %scan3A_25 iter_args(%scan3A_72 = %scan3A) -> (i32)  : i32 {
      %mul3A_73 = arith.constant 2 : i32
      %mul3A_74 = arith.muli %scan3A_71, %mul3A_73 : i32
      %add3A_75 = arith.constant 0 : i32
      %add3A_76 = arith.addi %mul3A_74, %add3A_75 : i32
      %add3A_77 = arith.constant 1 : i32
      %add3A_78 = arith.addi %add3A_76, %add3A_77 : i32
      %lt3A = arith.constant 16 : i32
      %lt3A_79 = arith.cmpi slt, %add3A_78, %lt3A : i32
      %convert_element_type3A = arith.extui %lt3A_79 : i1 to i32
      %cond3A = arith.constant 0 : i32
      %cond3A_80 = arith.cmpi ne, %convert_element_type3A, %cond3A : i32
      scf.if %cond3A_80 {
        %add3A_195 = arith.constant 1 : i32
        %add3A_196 = arith.addi %add3A_76, %add3A_195 : i32
        %mul3A_197 = arith.constant 32 : i32
        %mul3A_198 = arith.muli %add3A_196, %mul3A_197 : i32
        %add3A_199 = arith.addi %mul3A_2, %mul3A_198 : i32
        %dma_start3A_200 = arith.constant 1 : i32
        %dma_start3A_201 = arith.constant 0 : i32
        %dma_start3A_202 = arith.constant 0 : i32
        %dma_start3A_203 = arith.constant 0 : i32
        %dma_start3A_204 = tpu.memref_slice %arg2[%add3A_199, %dma_start3A_202, %dma_start3A_203] : memref<16384x4x128xf32, #tpu.memory_space<hbm>> -> memref<32x4x128xf32, #tpu.memory_space<hbm>>
        %dma_start3A_205 = tpu.memref_slice %arg11[%dma_start3A_200, %dma_start3A_201] : memref<2x2x!tpu.dma_semaphore, #tpu.memory_space<semaphore_mem>> -> memref<1x1x!tpu.dma_semaphore, #tpu.memory_space<semaphore_mem>>
        %dma_start3A_206 = tpu.memref_squeeze %dma_start3A_205 : memref<1x1x!tpu.dma_semaphore, #tpu.memory_space<semaphore_mem>> -> memref<!tpu.dma_semaphore, #tpu.memory_space<semaphore_mem>>
        %dma_start3A_207 = arith.constant 0 : i32
        %dma_start3A_208 = arith.constant 0 : i32
        %dma_start3A_209 = tpu.memref_slice %arg2[%add3A_199, %dma_start3A_207, %dma_start3A_208] : memref<16384x4x128xf32, #tpu.memory_space<hbm>> -> memref<32x4x128xf32, #tpu.memory_space<hbm>>
        tpu.enqueue_dma source(%dma_start3A_209 : memref<32x4x128xf32, #tpu.memory_space<hbm>>) target(%arg17 : memref<32x4x128xf32, #tpu.memory_space<vmem>>) target_semaphore(%dma_start3A_206 : memref<!tpu.dma_semaphore, #tpu.memory_space<semaphore_mem>>)
        %dma_start3A_210 = arith.constant 1 : i32
        %dma_start3A_211 = arith.constant 1 : i32
        %dma_start3A_212 = arith.constant 0 : i32
        %dma_start3A_213 = tpu.memref_slice %arg3[%add3A_199, %dma_start3A_212] : memref<16384x128xi32, #tpu.memory_space<hbm>> -> memref<32x128xi32, #tpu.memory_space<hbm>>
        %dma_start3A_214 = tpu.memref_slice %arg11[%dma_start3A_210, %dma_start3A_211] : memref<2x2x!tpu.dma_semaphore, #tpu.memory_space<semaphore_mem>> -> memref<1x1x!tpu.dma_semaphore, #tpu.memory_space<semaphore_mem>>
        %dma_start3A_215 = tpu.memref_squeeze %dma_start3A_214 : memref<1x1x!tpu.dma_semaphore, #tpu.memory_space<semaphore_mem>> -> memref<!tpu.dma_semaphore, #tpu.memory_space<semaphore_mem>>
        %dma_start3A_216 = arith.constant 0 : i32
        %dma_start3A_217 = tpu.memref_slice %arg3[%add3A_199, %dma_start3A_216] : memref<16384x128xi32, #tpu.memory_space<hbm>> -> memref<32x128xi32, #tpu.memory_space<hbm>>
        tpu.enqueue_dma source(%dma_start3A_217 : memref<32x128xi32, #tpu.memory_space<hbm>>) target(%arg10 : memref<32x128xi32, #tpu.memory_space<vmem>>) target_semaphore(%dma_start3A_215 : memref<!tpu.dma_semaphore, #tpu.memory_space<semaphore_mem>>)
      } else {
      }
      %mul3A_81 = arith.constant 32 : i32
      %mul3A_82 = arith.muli %add3A_76, %mul3A_81 : i32
      %add3A_83 = arith.addi %mul3A_2, %mul3A_82 : i32
      %dma_wait3A_84 = arith.constant 0 : i32
      %dma_wait3A_85 = arith.constant 0 : i32
      %dma_wait3A_86 = arith.constant 0 : i32
      %dma_wait3A_87 = arith.constant 0 : i32
      %dma_wait3A_88 = tpu.memref_slice %arg2[%add3A_83, %dma_wait3A_86, %dma_wait3A_87] : memref<16384x4x128xf32, #tpu.memory_space<hbm>> -> memref<32x4x128xf32, #tpu.memory_space<hbm>>
      %dma_wait3A_89 = tpu.memref_slice %arg11[%dma_wait3A_84, %dma_wait3A_85] : memref<2x2x!tpu.dma_semaphore, #tpu.memory_space<semaphore_mem>> -> memref<1x1x!tpu.dma_semaphore, #tpu.memory_space<semaphore_mem>>
      %dma_wait3A_90 = tpu.memref_squeeze %dma_wait3A_89 : memref<1x1x!tpu.dma_semaphore, #tpu.memory_space<semaphore_mem>> -> memref<!tpu.dma_semaphore, #tpu.memory_space<semaphore_mem>>
      %dma_wait3A_91 = arith.constant 0 : i32
      %dma_wait3A_92 = arith.constant 0 : i32
      %dma_wait3A_93 = tpu.memref_slice %arg2[%add3A_83, %dma_wait3A_91, %dma_wait3A_92] : memref<16384x4x128xf32, #tpu.memory_space<hbm>> -> memref<32x4x128xf32, #tpu.memory_space<hbm>>
      tpu.wait_dma2 semaphore(%dma_wait3A_90 : memref<!tpu.dma_semaphore, #tpu.memory_space<semaphore_mem>>) src(%dma_wait3A_93 : memref<32x4x128xf32, #tpu.memory_space<hbm>>) dst(%arg16 : memref<32x4x128xf32, #tpu.memory_space<vmem>>)
      %dma_wait3A_94 = arith.constant 0 : i32
      %dma_wait3A_95 = arith.constant 1 : i32
      %dma_wait3A_96 = arith.constant 0 : i32
      %dma_wait3A_97 = tpu.memref_slice %arg3[%add3A_83, %dma_wait3A_96] : memref<16384x128xi32, #tpu.memory_space<hbm>> -> memref<32x128xi32, #tpu.memory_space<hbm>>
      %dma_wait3A_98 = tpu.memref_slice %arg11[%dma_wait3A_94, %dma_wait3A_95] : memref<2x2x!tpu.dma_semaphore, #tpu.memory_space<semaphore_mem>> -> memref<1x1x!tpu.dma_semaphore, #tpu.memory_space<semaphore_mem>>
      %dma_wait3A_99 = tpu.memref_squeeze %dma_wait3A_98 : memref<1x1x!tpu.dma_semaphore, #tpu.memory_space<semaphore_mem>> -> memref<!tpu.dma_semaphore, #tpu.memory_space<semaphore_mem>>
      %dma_wait3A_100 = arith.constant 0 : i32
      %dma_wait3A_101 = tpu.memref_slice %arg3[%add3A_83, %dma_wait3A_100] : memref<16384x128xi32, #tpu.memory_space<hbm>> -> memref<32x128xi32, #tpu.memory_space<hbm>>
      tpu.wait_dma2 semaphore(%dma_wait3A_99 : memref<!tpu.dma_semaphore, #tpu.memory_space<semaphore_mem>>) src(%dma_wait3A_101 : memref<32x128xi32, #tpu.memory_space<hbm>>) dst(%arg9 : memref<32x128xi32, #tpu.memory_space<vmem>>)
      %ge3A = arith.constant 2 : i32
      %ge3A_102 = arith.cmpi sge, %add3A_76, %ge3A : i32
      %convert_element_type3A_103 = arith.extui %ge3A_102 : i1 to i32
      %cond3A_104 = arith.constant 0 : i32
      %cond3A_105 = arith.cmpi ne, %convert_element_type3A_103, %cond3A_104 : i32
      scf.if %cond3A_105 {
        %sub3A = arith.constant 2 : i32
        %sub3A_195 = arith.subi %add3A_76, %sub3A : i32
        %mul3A_196 = arith.constant 32 : i32
        %mul3A_197 = arith.muli %sub3A_195, %mul3A_196 : i32
        %add3A_198 = arith.addi %mul3A_2, %mul3A_197 : i32
        %dma_wait3A_199 = arith.constant 0 : i32
        %dma_wait3A_200 = arith.constant 0 : i32
        %dma_wait3A_201 = arith.constant 0 : i32
        %dma_wait3A_202 = arith.constant 0 : i32
        %dma_wait3A_203 = tpu.memref_slice %arg5[%add3A_198, %dma_wait3A_201, %dma_wait3A_202] : memref<16384x4x128xf32, #tpu.memory_space<hbm>> -> memref<32x4x128xf32, #tpu.memory_space<hbm>>
        %dma_wait3A_204 = tpu.memref_slice %arg14[%dma_wait3A_199, %dma_wait3A_200] : memref<2x2x!tpu.dma_semaphore, #tpu.memory_space<semaphore_mem>> -> memref<1x1x!tpu.dma_semaphore, #tpu.memory_space<semaphore_mem>>
        %dma_wait3A_205 = tpu.memref_squeeze %dma_wait3A_204 : memref<1x1x!tpu.dma_semaphore, #tpu.memory_space<semaphore_mem>> -> memref<!tpu.dma_semaphore, #tpu.memory_space<semaphore_mem>>
        %dma_wait3A_206 = arith.constant 0 : i32
        %dma_wait3A_207 = arith.constant 0 : i32
        %dma_wait3A_208 = tpu.memref_slice %arg5[%add3A_198, %dma_wait3A_206, %dma_wait3A_207] : memref<16384x4x128xf32, #tpu.memory_space<hbm>> -> memref<32x4x128xf32, #tpu.memory_space<hbm>>
        tpu.wait_dma2 semaphore(%dma_wait3A_205 : memref<!tpu.dma_semaphore, #tpu.memory_space<semaphore_mem>>) src(%arg12 : memref<32x4x128xf32, #tpu.memory_space<vmem>>) dst(%dma_wait3A_208 : memref<32x4x128xf32, #tpu.memory_space<hbm>>)
        %dma_wait3A_209 = arith.constant 0 : i32
        %dma_wait3A_210 = arith.constant 1 : i32
        %dma_wait3A_211 = arith.constant 0 : i32
        %dma_wait3A_212 = arith.constant 0 : i32
        %dma_wait3A_213 = tpu.memref_slice %arg6[%add3A_198, %dma_wait3A_211, %dma_wait3A_212] : memref<16384x4x128xf32, #tpu.memory_space<hbm>> -> memref<32x4x128xf32, #tpu.memory_space<hbm>>
        %dma_wait3A_214 = tpu.memref_slice %arg14[%dma_wait3A_209, %dma_wait3A_210] : memref<2x2x!tpu.dma_semaphore, #tpu.memory_space<semaphore_mem>> -> memref<1x1x!tpu.dma_semaphore, #tpu.memory_space<semaphore_mem>>
        %dma_wait3A_215 = tpu.memref_squeeze %dma_wait3A_214 : memref<1x1x!tpu.dma_semaphore, #tpu.memory_space<semaphore_mem>> -> memref<!tpu.dma_semaphore, #tpu.memory_space<semaphore_mem>>
        %dma_wait3A_216 = arith.constant 0 : i32
        %dma_wait3A_217 = arith.constant 0 : i32
        %dma_wait3A_218 = tpu.memref_slice %arg6[%add3A_198, %dma_wait3A_216, %dma_wait3A_217] : memref<16384x4x128xf32, #tpu.memory_space<hbm>> -> memref<32x4x128xf32, #tpu.memory_space<hbm>>
        tpu.wait_dma2 semaphore(%dma_wait3A_215 : memref<!tpu.dma_semaphore, #tpu.memory_space<semaphore_mem>>) src(%arg7 : memref<32x4x128xf32, #tpu.memory_space<vmem>>) dst(%dma_wait3A_218 : memref<32x4x128xf32, #tpu.memory_space<hbm>>)
      } else {
      }
      %parallel_loop3A = arith.constant 0 : i32
      %parallel_loop3A_106 = arith.constant 32 : i32
      %parallel_loop3A_107 = arith.constant 1 : i32
      scf.for %parallel_loop3A_195 = %parallel_loop3A to %parallel_loop3A_106 step %parallel_loop3A_107  : i32 {
        %parallel_loop3A_196 = arith.index_cast %parallel_loop3A_195 : i32 to index
        %parallel_loop3A_197 = arith.constant 0 : index
        %parallel_loop3A_198 = tpu.vector_load %arg9[%parallel_loop3A_196, %parallel_loop3A_197] {strides = array<i32>} : memref<32x128xi32, #tpu.memory_space<vmem>>, vector<16xi32>,
        %parallel_loop3A_199 = arith.constant 0 : i32
        %parallel_loop3A_200 = arith.index_cast %parallel_loop3A_195 : i32 to index
        %parallel_loop3A_201 = arith.index_cast %parallel_loop3A_199 : i32 to index
        %parallel_loop3A_202 = arith.constant 0 : index
        %parallel_loop3A_203 = tpu.vector_load %arg16[%parallel_loop3A_200, %parallel_loop3A_201, %parallel_loop3A_202] {strides = array<i32>} : memref<32x4x128xf32, #tpu.memory_space<vmem>>, vector<16xf32>,
        %parallel_loop3A_204 = arith.constant 1 : i32
        %parallel_loop3A_205 = arith.index_cast %parallel_loop3A_195 : i32 to index
        %parallel_loop3A_206 = arith.index_cast %parallel_loop3A_204 : i32 to index
        %parallel_loop3A_207 = arith.constant 0 : index
        %parallel_loop3A_208 = tpu.vector_load %arg16[%parallel_loop3A_205, %parallel_loop3A_206, %parallel_loop3A_207] {strides = array<i32>} : memref<32x4x128xf32, #tpu.memory_space<vmem>>, vector<16xf32>,
        %parallel_loop3A_209 = arith.constant 2 : i32
        %parallel_loop3A_210 = arith.index_cast %parallel_loop3A_195 : i32 to index
        %parallel_loop3A_211 = arith.index_cast %parallel_loop3A_209 : i32 to index
        %parallel_loop3A_212 = arith.constant 0 : index
        %parallel_loop3A_213 = tpu.vector_load %arg16[%parallel_loop3A_210, %parallel_loop3A_211, %parallel_loop3A_212] {strides = array<i32>} : memref<32x4x128xf32, #tpu.memory_space<vmem>>, vector<16xf32>,
        %parallel_loop3A_214 = arith.constant 3 : i32
        %parallel_loop3A_215 = arith.index_cast %parallel_loop3A_195 : i32 to index
        %parallel_loop3A_216 = arith.index_cast %parallel_loop3A_214 : i32 to index
        %parallel_loop3A_217 = arith.constant 0 : index
        %parallel_loop3A_218 = tpu.vector_load %arg16[%parallel_loop3A_215, %parallel_loop3A_216, %parallel_loop3A_217] {strides = array<i32>} : memref<32x4x128xf32, #tpu.memory_space<vmem>>, vector<16xf32>,
        %parallel_loop3A_219 = arith.constant 0 : i32
        %parallel_loop3A_220 = tpu.memref_slice %arg15[%parallel_loop3A_219] : memref<96xf32, #tpu.memory_space<vmem>> -> memref<8xf32, #tpu.memory_space<vmem>>
        %parallel_loop3A_221 = tpu.vector_load_idx %parallel_loop3A_220[%parallel_loop3A_198] : memref<8xf32, #tpu.memory_space<vmem>>[vector<16xi32>], vector<16xf32>,
        %parallel_loop3A_222 = arith.constant 8 : i32
        %parallel_loop3A_223 = tpu.memref_slice %arg15[%parallel_loop3A_222] : memref<96xf32, #tpu.memory_space<vmem>> -> memref<8xf32, #tpu.memory_space<vmem>>
        %parallel_loop3A_224 = tpu.vector_load_idx %parallel_loop3A_223[%parallel_loop3A_198] : memref<8xf32, #tpu.memory_space<vmem>>[vector<16xi32>], vector<16xf32>,
        %parallel_loop3A_225 = arith.constant 16 : i32
        %parallel_loop3A_226 = tpu.memref_slice %arg15[%parallel_loop3A_225] : memref<96xf32, #tpu.memory_space<vmem>> -> memref<8xf32, #tpu.memory_space<vmem>>
        %parallel_loop3A_227 = tpu.vector_load_idx %parallel_loop3A_226[%parallel_loop3A_198] : memref<8xf32, #tpu.memory_space<vmem>>[vector<16xi32>], vector<16xf32>,
        %parallel_loop3A_228 = arith.constant 24 : i32
        %parallel_loop3A_229 = tpu.memref_slice %arg15[%parallel_loop3A_228] : memref<96xf32, #tpu.memory_space<vmem>> -> memref<8xf32, #tpu.memory_space<vmem>>
        %parallel_loop3A_230 = tpu.vector_load_idx %parallel_loop3A_229[%parallel_loop3A_198] : memref<8xf32, #tpu.memory_space<vmem>>[vector<16xi32>], vector<16xf32>,
        %parallel_loop3A_231 = arith.constant 32 : i32
        %parallel_loop3A_232 = tpu.memref_slice %arg15[%parallel_loop3A_231] : memref<96xf32, #tpu.memory_space<vmem>> -> memref<8xf32, #tpu.memory_space<vmem>>
        %parallel_loop3A_233 = tpu.vector_load_idx %parallel_loop3A_232[%parallel_loop3A_198] : memref<8xf32, #tpu.memory_space<vmem>>[vector<16xi32>], vector<16xf32>,
        %parallel_loop3A_234 = arith.constant 40 : i32
        %parallel_loop3A_235 = tpu.memref_slice %arg15[%parallel_loop3A_234] : memref<96xf32, #tpu.memory_space<vmem>> -> memref<8xf32, #tpu.memory_space<vmem>>
        %parallel_loop3A_236 = tpu.vector_load_idx %parallel_loop3A_235[%parallel_loop3A_198] : memref<8xf32, #tpu.memory_space<vmem>>[vector<16xi32>], vector<16xf32>,
        %parallel_loop3A_237 = arith.constant 48 : i32
        %parallel_loop3A_238 = tpu.memref_slice %arg15[%parallel_loop3A_237] : memref<96xf32, #tpu.memory_space<vmem>> -> memref<8xf32, #tpu.memory_space<vmem>>
        %parallel_loop3A_239 = tpu.vector_load_idx %parallel_loop3A_238[%parallel_loop3A_198] : memref<8xf32, #tpu.memory_space<vmem>>[vector<16xi32>], vector<16xf32>,
        %parallel_loop3A_240 = arith.constant 56 : i32
        %parallel_loop3A_241 = tpu.memref_slice %arg15[%parallel_loop3A_240] : memref<96xf32, #tpu.memory_space<vmem>> -> memref<8xf32, #tpu.memory_space<vmem>>
        %parallel_loop3A_242 = tpu.vector_load_idx %parallel_loop3A_241[%parallel_loop3A_198] : memref<8xf32, #tpu.memory_space<vmem>>[vector<16xi32>], vector<16xf32>,
        %parallel_loop3A_243 = arith.constant 64 : i32
        %parallel_loop3A_244 = tpu.memref_slice %arg15[%parallel_loop3A_243] : memref<96xf32, #tpu.memory_space<vmem>> -> memref<8xf32, #tpu.memory_space<vmem>>
        %parallel_loop3A_245 = tpu.vector_load_idx %parallel_loop3A_244[%parallel_loop3A_198] : memref<8xf32, #tpu.memory_space<vmem>>[vector<16xi32>], vector<16xf32>,
        %parallel_loop3A_246 = arith.constant 72 : i32
        %parallel_loop3A_247 = tpu.memref_slice %arg15[%parallel_loop3A_246] : memref<96xf32, #tpu.memory_space<vmem>> -> memref<8xf32, #tpu.memory_space<vmem>>
        %parallel_loop3A_248 = tpu.vector_load_idx %parallel_loop3A_247[%parallel_loop3A_198] : memref<8xf32, #tpu.memory_space<vmem>>[vector<16xi32>], vector<16xf32>,
        %parallel_loop3A_249 = arith.constant 80 : i32
        %parallel_loop3A_250 = tpu.memref_slice %arg15[%parallel_loop3A_249] : memref<96xf32, #tpu.memory_space<vmem>> -> memref<8xf32, #tpu.memory_space<vmem>>
        %parallel_loop3A_251 = tpu.vector_load_idx %parallel_loop3A_250[%parallel_loop3A_198] : memref<8xf32, #tpu.memory_space<vmem>>[vector<16xi32>], vector<16xf32>,
        %parallel_loop3A_252 = arith.constant 88 : i32
        %parallel_loop3A_253 = tpu.memref_slice %arg15[%parallel_loop3A_252] : memref<96xf32, #tpu.memory_space<vmem>> -> memref<8xf32, #tpu.memory_space<vmem>>
        %parallel_loop3A_254 = tpu.vector_load_idx %parallel_loop3A_253[%parallel_loop3A_198] : memref<8xf32, #tpu.memory_space<vmem>>[vector<16xi32>], vector<16xf32>,
        %parallel_loop3A_255 = arith.constant 1.000000e+00 : f32
        %parallel_loop3A_256 = vector.broadcast %parallel_loop3A_255 : f32 to vector<16xf32>
        %parallel_loop3A_257 = arith.subf %parallel_loop3A_218, %parallel_loop3A_256 : vector<16xf32>
        %parallel_loop3A_258 = arith.mulf %parallel_loop3A_221, %parallel_loop3A_203 : vector<16xf32>
        %parallel_loop3A_259 = arith.mulf %parallel_loop3A_224, %parallel_loop3A_208 : vector<16xf32>
        %parallel_loop3A_260 = arith.addf %parallel_loop3A_258, %parallel_loop3A_259 : vector<16xf32>
        %parallel_loop3A_261 = arith.mulf %parallel_loop3A_227, %parallel_loop3A_213 : vector<16xf32>
        %parallel_loop3A_262 = arith.addf %parallel_loop3A_260, %parallel_loop3A_261 : vector<16xf32>
        %parallel_loop3A_263 = arith.mulf %parallel_loop3A_257, %parallel_loop3A_230 : vector<16xf32>
        %parallel_loop3A_264 = arith.addf %parallel_loop3A_262, %parallel_loop3A_263 : vector<16xf32>
        %parallel_loop3A_265 = arith.mulf %parallel_loop3A_233, %parallel_loop3A_203 : vector<16xf32>
        %parallel_loop3A_266 = arith.mulf %parallel_loop3A_236, %parallel_loop3A_208 : vector<16xf32>
        %parallel_loop3A_267 = arith.addf %parallel_loop3A_265, %parallel_loop3A_266 : vector<16xf32>
        %parallel_loop3A_268 = arith.mulf %parallel_loop3A_239, %parallel_loop3A_213 : vector<16xf32>
        %parallel_loop3A_269 = arith.addf %parallel_loop3A_267, %parallel_loop3A_268 : vector<16xf32>
        %parallel_loop3A_270 = arith.mulf %parallel_loop3A_257, %parallel_loop3A_242 : vector<16xf32>
        %parallel_loop3A_271 = arith.addf %parallel_loop3A_269, %parallel_loop3A_270 : vector<16xf32>
        %parallel_loop3A_272 = arith.mulf %parallel_loop3A_245, %parallel_loop3A_203 : vector<16xf32>
        %parallel_loop3A_273 = arith.mulf %parallel_loop3A_248, %parallel_loop3A_208 : vector<16xf32>
        %parallel_loop3A_274 = arith.addf %parallel_loop3A_272, %parallel_loop3A_273 : vector<16xf32>
        %parallel_loop3A_275 = arith.mulf %parallel_loop3A_251, %parallel_loop3A_213 : vector<16xf32>
        %parallel_loop3A_276 = arith.addf %parallel_loop3A_274, %parallel_loop3A_275 : vector<16xf32>
        %parallel_loop3A_277 = arith.mulf %parallel_loop3A_257, %parallel_loop3A_254 : vector<16xf32>
        %parallel_loop3A_278 = arith.addf %parallel_loop3A_276, %parallel_loop3A_277 : vector<16xf32>
        %parallel_loop3A_279 = arith.mulf %parallel_loop3A_264, %parallel_loop3A_264 : vector<16xf32>
        %parallel_loop3A_280 = arith.mulf %parallel_loop3A_271, %parallel_loop3A_271 : vector<16xf32>
        %parallel_loop3A_281 = arith.addf %parallel_loop3A_279, %parallel_loop3A_280 : vector<16xf32>
        %parallel_loop3A_282 = arith.mulf %parallel_loop3A_278, %parallel_loop3A_278 : vector<16xf32>
        %parallel_loop3A_283 = arith.addf %parallel_loop3A_281, %parallel_loop3A_282 : vector<16xf32>
        %parallel_loop3A_284 = arith.constant 5.000000e-01 : f32
        %parallel_loop3A_285 = vector.broadcast %parallel_loop3A_284 : f32 to vector<16xf32>
        %parallel_loop3A_286 = arith.mulf %parallel_loop3A_283, %parallel_loop3A_285 : vector<16xf32>
        %parallel_loop3A_287 = vector.bitcast %parallel_loop3A_283 : vector<16xf32> to vector<16xi32>
        %parallel_loop3A_288 = arith.constant 1 : i32
        %parallel_loop3A_289 = vector.broadcast %parallel_loop3A_288 : i32 to vector<16xi32>
        %parallel_loop3A_290 = arith.shrsi %parallel_loop3A_287, %parallel_loop3A_289 : vector<16xi32>
        %parallel_loop3A_291 = arith.constant 1597463007 : i32
        %parallel_loop3A_292 = vector.broadcast %parallel_loop3A_291 : i32 to vector<16xi32>
        %parallel_loop3A_293 = arith.subi %parallel_loop3A_292, %parallel_loop3A_290 : vector<16xi32>
        %parallel_loop3A_294 = vector.bitcast %parallel_loop3A_293 : vector<16xi32> to vector<16xf32>
        %parallel_loop3A_295 = arith.mulf %parallel_loop3A_286, %parallel_loop3A_294 : vector<16xf32>
        %parallel_loop3A_296 = arith.mulf %parallel_loop3A_295, %parallel_loop3A_294 : vector<16xf32>
        %parallel_loop3A_297 = arith.constant 1.500000e+00 : f32
        %parallel_loop3A_298 = vector.broadcast %parallel_loop3A_297 : f32 to vector<16xf32>
        %parallel_loop3A_299 = arith.subf %parallel_loop3A_298, %parallel_loop3A_296 : vector<16xf32>
        %parallel_loop3A_300 = arith.mulf %parallel_loop3A_294, %parallel_loop3A_299 : vector<16xf32>
        %parallel_loop3A_301 = arith.constant 0 : i32
        %parallel_loop3A_302 = arith.index_cast %parallel_loop3A_195 : i32 to index
        %parallel_loop3A_303 = arith.index_cast %parallel_loop3A_301 : i32 to index
        %parallel_loop3A_304 = arith.constant 0 : index
        %parallel_loop3A_305 = tpu.vector_load %arg12[%parallel_loop3A_302, %parallel_loop3A_303, %parallel_loop3A_304] {strides = array<i32>} : memref<32x4x128xf32, #tpu.memory_space<vmem>>, vector<16xf32>,
        tpu.vector_store %arg12[%parallel_loop3A_302, %parallel_loop3A_303, %parallel_loop3A_304], %parallel_loop3A_230 {strides = array<i32>} : memref<32x4x128xf32, #tpu.memory_space<vmem>>, vector<16xf32>,
        %parallel_loop3A_306 = arith.constant 1 : i32
        %parallel_loop3A_307 = arith.index_cast %parallel_loop3A_195 : i32 to index
        %parallel_loop3A_308 = arith.index_cast %parallel_loop3A_306 : i32 to index
        %parallel_loop3A_309 = arith.constant 0 : index
        %parallel_loop3A_310 = tpu.vector_load %arg12[%parallel_loop3A_307, %parallel_loop3A_308, %parallel_loop3A_309] {strides = array<i32>} : memref<32x4x128xf32, #tpu.memory_space<vmem>>, vector<16xf32>,
        tpu.vector_store %arg12[%parallel_loop3A_307, %parallel_loop3A_308, %parallel_loop3A_309], %parallel_loop3A_242 {strides = array<i32>} : memref<32x4x128xf32, #tpu.memory_space<vmem>>, vector<16xf32>,
        %parallel_loop3A_311 = arith.constant 2 : i32
        %parallel_loop3A_312 = arith.index_cast %parallel_loop3A_195 : i32 to index
        %parallel_loop3A_313 = arith.index_cast %parallel_loop3A_311 : i32 to index
        %parallel_loop3A_314 = arith.constant 0 : index
        %parallel_loop3A_315 = tpu.vector_load %arg12[%parallel_loop3A_312, %parallel_loop3A_313, %parallel_loop3A_314] {strides = array<i32>} : memref<32x4x128xf32, #tpu.memory_space<vmem>>, vector<16xf32>,
        tpu.vector_store %arg12[%parallel_loop3A_312, %parallel_loop3A_313, %parallel_loop3A_314], %parallel_loop3A_254 {strides = array<i32>} : memref<32x4x128xf32, #tpu.memory_space<vmem>>, vector<16xf32>,
        %parallel_loop3A_316 = arith.mulf %parallel_loop3A_264, %parallel_loop3A_300 : vector<16xf32>
        %parallel_loop3A_317 = arith.constant 0 : i32
        %parallel_loop3A_318 = arith.index_cast %parallel_loop3A_195 : i32 to index
        %parallel_loop3A_319 = arith.index_cast %parallel_loop3A_317 : i32 to index
        %parallel_loop3A_320 = arith.constant 0 : index
        %parallel_loop3A_321 = tpu.vector_load %arg7[%parallel_loop3A_318, %parallel_loop3A_319, %parallel_loop3A_320] {strides = array<i32>} : memref<32x4x128xf32, #tpu.memory_space<vmem>>, vector<16xf32>,
        tpu.vector_store %arg7[%parallel_loop3A_318, %parallel_loop3A_319, %parallel_loop3A_320], %parallel_loop3A_316 {strides = array<i32>} : memref<32x4x128xf32, #tpu.memory_space<vmem>>, vector<16xf32>,
        %parallel_loop3A_322 = arith.mulf %parallel_loop3A_271, %parallel_loop3A_300 : vector<16xf32>
        %parallel_loop3A_323 = arith.constant 1 : i32
        %parallel_loop3A_324 = arith.index_cast %parallel_loop3A_195 : i32 to index
        %parallel_loop3A_325 = arith.index_cast %parallel_loop3A_323 : i32 to index
        %parallel_loop3A_326 = arith.constant 0 : index
        %parallel_loop3A_327 = tpu.vector_load %arg7[%parallel_loop3A_324, %parallel_loop3A_325, %parallel_loop3A_326] {strides = array<i32>} : memref<32x4x128xf32, #tpu.memory_space<vmem>>, vector<16xf32>,
        tpu.vector_store %arg7[%parallel_loop3A_324, %parallel_loop3A_325, %parallel_loop3A_326], %parallel_loop3A_322 {strides = array<i32>} : memref<32x4x128xf32, #tpu.memory_space<vmem>>, vector<16xf32>,
        %parallel_loop3A_328 = arith.mulf %parallel_loop3A_278, %parallel_loop3A_300 : vector<16xf32>
        %parallel_loop3A_329 = arith.constant 2 : i32
        %parallel_loop3A_330 = arith.index_cast %parallel_loop3A_195 : i32 to index
        %parallel_loop3A_331 = arith.index_cast %parallel_loop3A_329 : i32 to index
        %parallel_loop3A_332 = arith.constant 0 : index
        %parallel_loop3A_333 = tpu.vector_load %arg7[%parallel_loop3A_330, %parallel_loop3A_331, %parallel_loop3A_332] {strides = array<i32>} : memref<32x4x128xf32, #tpu.memory_space<vmem>>, vector<16xf32>,
        tpu.vector_store %arg7[%parallel_loop3A_330, %parallel_loop3A_331, %parallel_loop3A_332], %parallel_loop3A_328 {strides = array<i32>} : memref<32x4x128xf32, #tpu.memory_space<vmem>>, vector<16xf32>,
        %parallel_loop3A_334 = arith.index_cast %parallel_loop3A_195 : i32 to index
        %parallel_loop3A_335 = arith.constant 16 : index
        %parallel_loop3A_336 = tpu.vector_load %arg9[%parallel_loop3A_334, %parallel_loop3A_335] {strides = array<i32>} : memref<32x128xi32, #tpu.memory_space<vmem>>, vector<16xi32>,
        %parallel_loop3A_337 = arith.constant 0 : i32
        %parallel_loop3A_338 = arith.index_cast %parallel_loop3A_195 : i32 to index
        %parallel_loop3A_339 = arith.index_cast %parallel_loop3A_337 : i32 to index
        %parallel_loop3A_340 = arith.constant 16 : index
        %parallel_loop3A_341 = tpu.vector_load %arg16[%parallel_loop3A_338, %parallel_loop3A_339, %parallel_loop3A_340] {strides = array<i32>} : memref<32x4x128xf32, #tpu.memory_space<vmem>>, vector<16xf32>,
        %parallel_loop3A_342 = arith.constant 1 : i32
        %parallel_loop3A_343 = arith.index_cast %parallel_loop3A_195 : i32 to index
        %parallel_loop3A_344 = arith.index_cast %parallel_loop3A_342 : i32 to index
        %parallel_loop3A_345 = arith.constant 16 : index
        %parallel_loop3A_346 = tpu.vector_load %arg16[%parallel_loop3A_343, %parallel_loop3A_344, %parallel_loop3A_345] {strides = array<i32>} : memref<32x4x128xf32, #tpu.memory_space<vmem>>, vector<16xf32>,
        %parallel_loop3A_347 = arith.constant 2 : i32
        %parallel_loop3A_348 = arith.index_cast %parallel_loop3A_195 : i32 to index
        %parallel_loop3A_349 = arith.index_cast %parallel_loop3A_347 : i32 to index
        %parallel_loop3A_350 = arith.constant 16 : index
        %parallel_loop3A_351 = tpu.vector_load %arg16[%parallel_loop3A_348, %parallel_loop3A_349, %parallel_loop3A_350] {strides = array<i32>} : memref<32x4x128xf32, #tpu.memory_space<vmem>>, vector<16xf32>,
        %parallel_loop3A_352 = arith.constant 3 : i32
        %parallel_loop3A_353 = arith.index_cast %parallel_loop3A_195 : i32 to index
        %parallel_loop3A_354 = arith.index_cast %parallel_loop3A_352 : i32 to index
        %parallel_loop3A_355 = arith.constant 16 : index
        %parallel_loop3A_356 = tpu.vector_load %arg16[%parallel_loop3A_353, %parallel_loop3A_354, %parallel_loop3A_355] {strides = array<i32>} : memref<32x4x128xf32, #tpu.memory_space<vmem>>, vector<16xf32>,
        %parallel_loop3A_357 = arith.constant 0 : i32
        %parallel_loop3A_358 = tpu.memref_slice %arg15[%parallel_loop3A_357] : memref<96xf32, #tpu.memory_space<vmem>> -> memref<8xf32, #tpu.memory_space<vmem>>
        %parallel_loop3A_359 = tpu.vector_load_idx %parallel_loop3A_358[%parallel_loop3A_336] : memref<8xf32, #tpu.memory_space<vmem>>[vector<16xi32>], vector<16xf32>,
        %parallel_loop3A_360 = arith.constant 8 : i32
        %parallel_loop3A_361 = tpu.memref_slice %arg15[%parallel_loop3A_360] : memref<96xf32, #tpu.memory_space<vmem>> -> memref<8xf32, #tpu.memory_space<vmem>>
        %parallel_loop3A_362 = tpu.vector_load_idx %parallel_loop3A_361[%parallel_loop3A_336] : memref<8xf32, #tpu.memory_space<vmem>>[vector<16xi32>], vector<16xf32>,
        %parallel_loop3A_363 = arith.constant 16 : i32
        %parallel_loop3A_364 = tpu.memref_slice %arg15[%parallel_loop3A_363] : memref<96xf32, #tpu.memory_space<vmem>> -> memref<8xf32, #tpu.memory_space<vmem>>
        %parallel_loop3A_365 = tpu.vector_load_idx %parallel_loop3A_364[%parallel_loop3A_336] : memref<8xf32, #tpu.memory_space<vmem>>[vector<16xi32>], vector<16xf32>,
        %parallel_loop3A_366 = arith.constant 24 : i32
        %parallel_loop3A_367 = tpu.memref_slice %arg15[%parallel_loop3A_366] : memref<96xf32, #tpu.memory_space<vmem>> -> memref<8xf32, #tpu.memory_space<vmem>>
        %parallel_loop3A_368 = tpu.vector_load_idx %parallel_loop3A_367[%parallel_loop3A_336] : memref<8xf32, #tpu.memory_space<vmem>>[vector<16xi32>], vector<16xf32>,
        %parallel_loop3A_369 = arith.constant 32 : i32
        %parallel_loop3A_370 = tpu.memref_slice %arg15[%parallel_loop3A_369] : memref<96xf32, #tpu.memory_space<vmem>> -> memref<8xf32, #tpu.memory_space<vmem>>
        %parallel_loop3A_371 = tpu.vector_load_idx %parallel_loop3A_370[%parallel_loop3A_336] : memref<8xf32, #tpu.memory_space<vmem>>[vector<16xi32>], vector<16xf32>,
        %parallel_loop3A_372 = arith.constant 40 : i32
        %parallel_loop3A_373 = tpu.memref_slice %arg15[%parallel_loop3A_372] : memref<96xf32, #tpu.memory_space<vmem>> -> memref<8xf32, #tpu.memory_space<vmem>>
        %parallel_loop3A_374 = tpu.vector_load_idx %parallel_loop3A_373[%parallel_loop3A_336] : memref<8xf32, #tpu.memory_space<vmem>>[vector<16xi32>], vector<16xf32>,
        %parallel_loop3A_375 = arith.constant 48 : i32
        %parallel_loop3A_376 = tpu.memref_slice %arg15[%parallel_loop3A_375] : memref<96xf32, #tpu.memory_space<vmem>> -> memref<8xf32, #tpu.memory_space<vmem>>
        %parallel_loop3A_377 = tpu.vector_load_idx %parallel_loop3A_376[%parallel_loop3A_336] : memref<8xf32, #tpu.memory_space<vmem>>[vector<16xi32>], vector<16xf32>,
        %parallel_loop3A_378 = arith.constant 56 : i32
        %parallel_loop3A_379 = tpu.memref_slice %arg15[%parallel_loop3A_378] : memref<96xf32, #tpu.memory_space<vmem>> -> memref<8xf32, #tpu.memory_space<vmem>>
        %parallel_loop3A_380 = tpu.vector_load_idx %parallel_loop3A_379[%parallel_loop3A_336] : memref<8xf32, #tpu.memory_space<vmem>>[vector<16xi32>], vector<16xf32>,
        %parallel_loop3A_381 = arith.constant 64 : i32
        %parallel_loop3A_382 = tpu.memref_slice %arg15[%parallel_loop3A_381] : memref<96xf32, #tpu.memory_space<vmem>> -> memref<8xf32, #tpu.memory_space<vmem>>
        %parallel_loop3A_383 = tpu.vector_load_idx %parallel_loop3A_382[%parallel_loop3A_336] : memref<8xf32, #tpu.memory_space<vmem>>[vector<16xi32>], vector<16xf32>,
        %parallel_loop3A_384 = arith.constant 72 : i32
        %parallel_loop3A_385 = tpu.memref_slice %arg15[%parallel_loop3A_384] : memref<96xf32, #tpu.memory_space<vmem>> -> memref<8xf32, #tpu.memory_space<vmem>>
        %parallel_loop3A_386 = tpu.vector_load_idx %parallel_loop3A_385[%parallel_loop3A_336] : memref<8xf32, #tpu.memory_space<vmem>>[vector<16xi32>], vector<16xf32>,
        %parallel_loop3A_387 = arith.constant 80 : i32
        %parallel_loop3A_388 = tpu.memref_slice %arg15[%parallel_loop3A_387] : memref<96xf32, #tpu.memory_space<vmem>> -> memref<8xf32, #tpu.memory_space<vmem>>
        %parallel_loop3A_389 = tpu.vector_load_idx %parallel_loop3A_388[%parallel_loop3A_336] : memref<8xf32, #tpu.memory_space<vmem>>[vector<16xi32>], vector<16xf32>,
        %parallel_loop3A_390 = arith.constant 88 : i32
        %parallel_loop3A_391 = tpu.memref_slice %arg15[%parallel_loop3A_390] : memref<96xf32, #tpu.memory_space<vmem>> -> memref<8xf32, #tpu.memory_space<vmem>>
        %parallel_loop3A_392 = tpu.vector_load_idx %parallel_loop3A_391[%parallel_loop3A_336] : memref<8xf32, #tpu.memory_space<vmem>>[vector<16xi32>], vector<16xf32>,
        %parallel_loop3A_393 = arith.constant 1.000000e+00 : f32
        %parallel_loop3A_394 = vector.broadcast %parallel_loop3A_393 : f32 to vector<16xf32>
        %parallel_loop3A_395 = arith.subf %parallel_loop3A_356, %parallel_loop3A_394 : vector<16xf32>
        %parallel_loop3A_396 = arith.mulf %parallel_loop3A_359, %parallel_loop3A_341 : vector<16xf32>
        %parallel_loop3A_397 = arith.mulf %parallel_loop3A_362, %parallel_loop3A_346 : vector<16xf32>
        %parallel_loop3A_398 = arith.addf %parallel_loop3A_396, %parallel_loop3A_397 : vector<16xf32>
        %parallel_loop3A_399 = arith.mulf %parallel_loop3A_365, %parallel_loop3A_351 : vector<16xf32>
        %parallel_loop3A_400 = arith.addf %parallel_loop3A_398, %parallel_loop3A_399 : vector<16xf32>
        %parallel_loop3A_401 = arith.mulf %parallel_loop3A_395, %parallel_loop3A_368 : vector<16xf32>
        %parallel_loop3A_402 = arith.addf %parallel_loop3A_400, %parallel_loop3A_401 : vector<16xf32>
        %parallel_loop3A_403 = arith.mulf %parallel_loop3A_371, %parallel_loop3A_341 : vector<16xf32>
        %parallel_loop3A_404 = arith.mulf %parallel_loop3A_374, %parallel_loop3A_346 : vector<16xf32>
        %parallel_loop3A_405 = arith.addf %parallel_loop3A_403, %parallel_loop3A_404 : vector<16xf32>
        %parallel_loop3A_406 = arith.mulf %parallel_loop3A_377, %parallel_loop3A_351 : vector<16xf32>
        %parallel_loop3A_407 = arith.addf %parallel_loop3A_405, %parallel_loop3A_406 : vector<16xf32>
        %parallel_loop3A_408 = arith.mulf %parallel_loop3A_395, %parallel_loop3A_380 : vector<16xf32>
        %parallel_loop3A_409 = arith.addf %parallel_loop3A_407, %parallel_loop3A_408 : vector<16xf32>
        %parallel_loop3A_410 = arith.mulf %parallel_loop3A_383, %parallel_loop3A_341 : vector<16xf32>
        %parallel_loop3A_411 = arith.mulf %parallel_loop3A_386, %parallel_loop3A_346 : vector<16xf32>
        %parallel_loop3A_412 = arith.addf %parallel_loop3A_410, %parallel_loop3A_411 : vector<16xf32>
        %parallel_loop3A_413 = arith.mulf %parallel_loop3A_389, %parallel_loop3A_351 : vector<16xf32>
        %parallel_loop3A_414 = arith.addf %parallel_loop3A_412, %parallel_loop3A_413 : vector<16xf32>
        %parallel_loop3A_415 = arith.mulf %parallel_loop3A_395, %parallel_loop3A_392 : vector<16xf32>
        %parallel_loop3A_416 = arith.addf %parallel_loop3A_414, %parallel_loop3A_415 : vector<16xf32>
        %parallel_loop3A_417 = arith.mulf %parallel_loop3A_402, %parallel_loop3A_402 : vector<16xf32>
        %parallel_loop3A_418 = arith.mulf %parallel_loop3A_409, %parallel_loop3A_409 : vector<16xf32>
        %parallel_loop3A_419 = arith.addf %parallel_loop3A_417, %parallel_loop3A_418 : vector<16xf32>
        %parallel_loop3A_420 = arith.mulf %parallel_loop3A_416, %parallel_loop3A_416 : vector<16xf32>
        %parallel_loop3A_421 = arith.addf %parallel_loop3A_419, %parallel_loop3A_420 : vector<16xf32>
        %parallel_loop3A_422 = arith.constant 5.000000e-01 : f32
        %parallel_loop3A_423 = vector.broadcast %parallel_loop3A_422 : f32 to vector<16xf32>
        %parallel_loop3A_424 = arith.mulf %parallel_loop3A_421, %parallel_loop3A_423 : vector<16xf32>
        %parallel_loop3A_425 = vector.bitcast %parallel_loop3A_421 : vector<16xf32> to vector<16xi32>
        %parallel_loop3A_426 = arith.constant 1 : i32
        %parallel_loop3A_427 = vector.broadcast %parallel_loop3A_426 : i32 to vector<16xi32>
        %parallel_loop3A_428 = arith.shrsi %parallel_loop3A_425, %parallel_loop3A_427 : vector<16xi32>
        %parallel_loop3A_429 = arith.constant 1597463007 : i32
        %parallel_loop3A_430 = vector.broadcast %parallel_loop3A_429 : i32 to vector<16xi32>
        %parallel_loop3A_431 = arith.subi %parallel_loop3A_430, %parallel_loop3A_428 : vector<16xi32>
        %parallel_loop3A_432 = vector.bitcast %parallel_loop3A_431 : vector<16xi32> to vector<16xf32>
        %parallel_loop3A_433 = arith.mulf %parallel_loop3A_424, %parallel_loop3A_432 : vector<16xf32>
        %parallel_loop3A_434 = arith.mulf %parallel_loop3A_433, %parallel_loop3A_432 : vector<16xf32>
        %parallel_loop3A_435 = arith.constant 1.500000e+00 : f32
        %parallel_loop3A_436 = vector.broadcast %parallel_loop3A_435 : f32 to vector<16xf32>
        %parallel_loop3A_437 = arith.subf %parallel_loop3A_436, %parallel_loop3A_434 : vector<16xf32>
        %parallel_loop3A_438 = arith.mulf %parallel_loop3A_432, %parallel_loop3A_437 : vector<16xf32>
        %parallel_loop3A_439 = arith.constant 0 : i32
        %parallel_loop3A_440 = arith.index_cast %parallel_loop3A_195 : i32 to index
        %parallel_loop3A_441 = arith.index_cast %parallel_loop3A_439 : i32 to index
        %parallel_loop3A_442 = arith.constant 16 : index
        %parallel_loop3A_443 = tpu.vector_load %arg12[%parallel_loop3A_440, %parallel_loop3A_441, %parallel_loop3A_442] {strides = array<i32>} : memref<32x4x128xf32, #tpu.memory_space<vmem>>, vector<16xf32>,
        tpu.vector_store %arg12[%parallel_loop3A_440, %parallel_loop3A_441, %parallel_loop3A_442], %parallel_loop3A_368 {strides = array<i32>} : memref<32x4x128xf32, #tpu.memory_space<vmem>>, vector<16xf32>,
        %parallel_loop3A_444 = arith.constant 1 : i32
        %parallel_loop3A_445 = arith.index_cast %parallel_loop3A_195 : i32 to index
        %parallel_loop3A_446 = arith.index_cast %parallel_loop3A_444 : i32 to index
        %parallel_loop3A_447 = arith.constant 16 : index
        %parallel_loop3A_448 = tpu.vector_load %arg12[%parallel_loop3A_445, %parallel_loop3A_446, %parallel_loop3A_447] {strides = array<i32>} : memref<32x4x128xf32, #tpu.memory_space<vmem>>, vector<16xf32>,
        tpu.vector_store %arg12[%parallel_loop3A_445, %parallel_loop3A_446, %parallel_loop3A_447], %parallel_loop3A_380 {strides = array<i32>} : memref<32x4x128xf32, #tpu.memory_space<vmem>>, vector<16xf32>,
        %parallel_loop3A_449 = arith.constant 2 : i32
        %parallel_loop3A_450 = arith.index_cast %parallel_loop3A_195 : i32 to index
        %parallel_loop3A_451 = arith.index_cast %parallel_loop3A_449 : i32 to index
        %parallel_loop3A_452 = arith.constant 16 : index
        %parallel_loop3A_453 = tpu.vector_load %arg12[%parallel_loop3A_450, %parallel_loop3A_451, %parallel_loop3A_452] {strides = array<i32>} : memref<32x4x128xf32, #tpu.memory_space<vmem>>, vector<16xf32>,
        tpu.vector_store %arg12[%parallel_loop3A_450, %parallel_loop3A_451, %parallel_loop3A_452], %parallel_loop3A_392 {strides = array<i32>} : memref<32x4x128xf32, #tpu.memory_space<vmem>>, vector<16xf32>,
        %parallel_loop3A_454 = arith.mulf %parallel_loop3A_402, %parallel_loop3A_438 : vector<16xf32>
        %parallel_loop3A_455 = arith.constant 0 : i32
        %parallel_loop3A_456 = arith.index_cast %parallel_loop3A_195 : i32 to index
        %parallel_loop3A_457 = arith.index_cast %parallel_loop3A_455 : i32 to index
        %parallel_loop3A_458 = arith.constant 16 : index
        %parallel_loop3A_459 = tpu.vector_load %arg7[%parallel_loop3A_456, %parallel_loop3A_457, %parallel_loop3A_458] {strides = array<i32>} : memref<32x4x128xf32, #tpu.memory_space<vmem>>, vector<16xf32>,
        tpu.vector_store %arg7[%parallel_loop3A_456, %parallel_loop3A_457, %parallel_loop3A_458], %parallel_loop3A_454 {strides = array<i32>} : memref<32x4x128xf32, #tpu.memory_space<vmem>>, vector<16xf32>,
        %parallel_loop3A_460 = arith.mulf %parallel_loop3A_409, %parallel_loop3A_438 : vector<16xf32>
        %parallel_loop3A_461 = arith.constant 1 : i32
        %parallel_loop3A_462 = arith.index_cast %parallel_loop3A_195 : i32 to index
        %parallel_loop3A_463 = arith.index_cast %parallel_loop3A_461 : i32 to index
        %parallel_loop3A_464 = arith.constant 16 : index
        %parallel_loop3A_465 = tpu.vector_load %arg7[%parallel_loop3A_462, %parallel_loop3A_463, %parallel_loop3A_464] {strides = array<i32>} : memref<32x4x128xf32, #tpu.memory_space<vmem>>, vector<16xf32>,
        tpu.vector_store %arg7[%parallel_loop3A_462, %parallel_loop3A_463, %parallel_loop3A_464], %parallel_loop3A_460 {strides = array<i32>} : memref<32x4x128xf32, #tpu.memory_space<vmem>>, vector<16xf32>,
        %parallel_loop3A_466 = arith.mulf %parallel_loop3A_416, %parallel_loop3A_438 : vector<16xf32>
        %parallel_loop3A_467 = arith.constant 2 : i32
        %parallel_loop3A_468 = arith.index_cast %parallel_loop3A_195 : i32 to index
        %parallel_loop3A_469 = arith.index_cast %parallel_loop3A_467 : i32 to index
        %parallel_loop3A_470 = arith.constant 16 : index
        %parallel_loop3A_471 = tpu.vector_load %arg7[%parallel_loop3A_468, %parallel_loop3A_469, %parallel_loop3A_470] {strides = array<i32>} : memref<32x4x128xf32, #tpu.memory_space<vmem>>, vector<16xf32>,
        tpu.vector_store %arg7[%parallel_loop3A_468, %parallel_loop3A_469, %parallel_loop3A_470], %parallel_loop3A_466 {strides = array<i32>} : memref<32x4x128xf32, #tpu.memory_space<vmem>>, vector<16xf32>,
        %parallel_loop3A_472 = arith.index_cast %parallel_loop3A_195 : i32 to index
        %parallel_loop3A_473 = arith.constant 32 : index
        %parallel_loop3A_474 = tpu.vector_load %arg9[%parallel_loop3A_472, %parallel_loop3A_473] {strides = array<i32>} : memref<32x128xi32, #tpu.memory_space<vmem>>, vector<16xi32>,
        %parallel_loop3A_475 = arith.constant 0 : i32
        %parallel_loop3A_476 = arith.index_cast %parallel_loop3A_195 : i32 to index
        %parallel_loop3A_477 = arith.index_cast %parallel_loop3A_475 : i32 to index
        %parallel_loop3A_478 = arith.constant 32 : index
        %parallel_loop3A_479 = tpu.vector_load %arg16[%parallel_loop3A_476, %parallel_loop3A_477, %parallel_loop3A_478] {strides = array<i32>} : memref<32x4x128xf32, #tpu.memory_space<vmem>>, vector<16xf32>,
        %parallel_loop3A_480 = arith.constant 1 : i32
        %parallel_loop3A_481 = arith.index_cast %parallel_loop3A_195 : i32 to index
        %parallel_loop3A_482 = arith.index_cast %parallel_loop3A_480 : i32 to index
        %parallel_loop3A_483 = arith.constant 32 : index
        %parallel_loop3A_484 = tpu.vector_load %arg16[%parallel_loop3A_481, %parallel_loop3A_482, %parallel_loop3A_483] {strides = array<i32>} : memref<32x4x128xf32, #tpu.memory_space<vmem>>, vector<16xf32>,
        %parallel_loop3A_485 = arith.constant 2 : i32
        %parallel_loop3A_486 = arith.index_cast %parallel_loop3A_195 : i32 to index
        %parallel_loop3A_487 = arith.index_cast %parallel_loop3A_485 : i32 to index
        %parallel_loop3A_488 = arith.constant 32 : index
        %parallel_loop3A_489 = tpu.vector_load %arg16[%parallel_loop3A_486, %parallel_loop3A_487, %parallel_loop3A_488] {strides = array<i32>} : memref<32x4x128xf32, #tpu.memory_space<vmem>>, vector<16xf32>,
        %parallel_loop3A_490 = arith.constant 3 : i32
        %parallel_loop3A_491 = arith.index_cast %parallel_loop3A_195 : i32 to index
        %parallel_loop3A_492 = arith.index_cast %parallel_loop3A_490 : i32 to index
        %parallel_loop3A_493 = arith.constant 32 : index
        %parallel_loop3A_494 = tpu.vector_load %arg16[%parallel_loop3A_491, %parallel_loop3A_492, %parallel_loop3A_493] {strides = array<i32>} : memref<32x4x128xf32, #tpu.memory_space<vmem>>, vector<16xf32>,
        %parallel_loop3A_495 = arith.constant 0 : i32
        %parallel_loop3A_496 = tpu.memref_slice %arg15[%parallel_loop3A_495] : memref<96xf32, #tpu.memory_space<vmem>> -> memref<8xf32, #tpu.memory_space<vmem>>
        %parallel_loop3A_497 = tpu.vector_load_idx %parallel_loop3A_496[%parallel_loop3A_474] : memref<8xf32, #tpu.memory_space<vmem>>[vector<16xi32>], vector<16xf32>,
        %parallel_loop3A_498 = arith.constant 8 : i32
        %parallel_loop3A_499 = tpu.memref_slice %arg15[%parallel_loop3A_498] : memref<96xf32, #tpu.memory_space<vmem>> -> memref<8xf32, #tpu.memory_space<vmem>>
        %parallel_loop3A_500 = tpu.vector_load_idx %parallel_loop3A_499[%parallel_loop3A_474] : memref<8xf32, #tpu.memory_space<vmem>>[vector<16xi32>], vector<16xf32>,
        %parallel_loop3A_501 = arith.constant 16 : i32
        %parallel_loop3A_502 = tpu.memref_slice %arg15[%parallel_loop3A_501] : memref<96xf32, #tpu.memory_space<vmem>> -> memref<8xf32, #tpu.memory_space<vmem>>
        %parallel_loop3A_503 = tpu.vector_load_idx %parallel_loop3A_502[%parallel_loop3A_474] : memref<8xf32, #tpu.memory_space<vmem>>[vector<16xi32>], vector<16xf32>,
        %parallel_loop3A_504 = arith.constant 24 : i32
        %parallel_loop3A_505 = tpu.memref_slice %arg15[%parallel_loop3A_504] : memref<96xf32, #tpu.memory_space<vmem>> -> memref<8xf32, #tpu.memory_space<vmem>>
        %parallel_loop3A_506 = tpu.vector_load_idx %parallel_loop3A_505[%parallel_loop3A_474] : memref<8xf32, #tpu.memory_space<vmem>>[vector<16xi32>], vector<16xf32>,
        %parallel_loop3A_507 = arith.constant 32 : i32
        %parallel_loop3A_508 = tpu.memref_slice %arg15[%parallel_loop3A_507] : memref<96xf32, #tpu.memory_space<vmem>> -> memref<8xf32, #tpu.memory_space<vmem>>
        %parallel_loop3A_509 = tpu.vector_load_idx %parallel_loop3A_508[%parallel_loop3A_474] : memref<8xf32, #tpu.memory_space<vmem>>[vector<16xi32>], vector<16xf32>,
        %parallel_loop3A_510 = arith.constant 40 : i32
        %parallel_loop3A_511 = tpu.memref_slice %arg15[%parallel_loop3A_510] : memref<96xf32, #tpu.memory_space<vmem>> -> memref<8xf32, #tpu.memory_space<vmem>>
        %parallel_loop3A_512 = tpu.vector_load_idx %parallel_loop3A_511[%parallel_loop3A_474] : memref<8xf32, #tpu.memory_space<vmem>>[vector<16xi32>], vector<16xf32>,
        %parallel_loop3A_513 = arith.constant 48 : i32
        %parallel_loop3A_514 = tpu.memref_slice %arg15[%parallel_loop3A_513] : memref<96xf32, #tpu.memory_space<vmem>> -> memref<8xf32, #tpu.memory_space<vmem>>
        %parallel_loop3A_515 = tpu.vector_load_idx %parallel_loop3A_514[%parallel_loop3A_474] : memref<8xf32, #tpu.memory_space<vmem>>[vector<16xi32>], vector<16xf32>,
        %parallel_loop3A_516 = arith.constant 56 : i32
        %parallel_loop3A_517 = tpu.memref_slice %arg15[%parallel_loop3A_516] : memref<96xf32, #tpu.memory_space<vmem>> -> memref<8xf32, #tpu.memory_space<vmem>>
        %parallel_loop3A_518 = tpu.vector_load_idx %parallel_loop3A_517[%parallel_loop3A_474] : memref<8xf32, #tpu.memory_space<vmem>>[vector<16xi32>], vector<16xf32>,
        %parallel_loop3A_519 = arith.constant 64 : i32
        %parallel_loop3A_520 = tpu.memref_slice %arg15[%parallel_loop3A_519] : memref<96xf32, #tpu.memory_space<vmem>> -> memref<8xf32, #tpu.memory_space<vmem>>
        %parallel_loop3A_521 = tpu.vector_load_idx %parallel_loop3A_520[%parallel_loop3A_474] : memref<8xf32, #tpu.memory_space<vmem>>[vector<16xi32>], vector<16xf32>,
        %parallel_loop3A_522 = arith.constant 72 : i32
        %parallel_loop3A_523 = tpu.memref_slice %arg15[%parallel_loop3A_522] : memref<96xf32, #tpu.memory_space<vmem>> -> memref<8xf32, #tpu.memory_space<vmem>>
        %parallel_loop3A_524 = tpu.vector_load_idx %parallel_loop3A_523[%parallel_loop3A_474] : memref<8xf32, #tpu.memory_space<vmem>>[vector<16xi32>], vector<16xf32>,
        %parallel_loop3A_525 = arith.constant 80 : i32
        %parallel_loop3A_526 = tpu.memref_slice %arg15[%parallel_loop3A_525] : memref<96xf32, #tpu.memory_space<vmem>> -> memref<8xf32, #tpu.memory_space<vmem>>
        %parallel_loop3A_527 = tpu.vector_load_idx %parallel_loop3A_526[%parallel_loop3A_474] : memref<8xf32, #tpu.memory_space<vmem>>[vector<16xi32>], vector<16xf32>,
        %parallel_loop3A_528 = arith.constant 88 : i32
        %parallel_loop3A_529 = tpu.memref_slice %arg15[%parallel_loop3A_528] : memref<96xf32, #tpu.memory_space<vmem>> -> memref<8xf32, #tpu.memory_space<vmem>>
        %parallel_loop3A_530 = tpu.vector_load_idx %parallel_loop3A_529[%parallel_loop3A_474] : memref<8xf32, #tpu.memory_space<vmem>>[vector<16xi32>], vector<16xf32>,
        %parallel_loop3A_531 = arith.constant 1.000000e+00 : f32
        %parallel_loop3A_532 = vector.broadcast %parallel_loop3A_531 : f32 to vector<16xf32>
        %parallel_loop3A_533 = arith.subf %parallel_loop3A_494, %parallel_loop3A_532 : vector<16xf32>
        %parallel_loop3A_534 = arith.mulf %parallel_loop3A_497, %parallel_loop3A_479 : vector<16xf32>
        %parallel_loop3A_535 = arith.mulf %parallel_loop3A_500, %parallel_loop3A_484 : vector<16xf32>
        %parallel_loop3A_536 = arith.addf %parallel_loop3A_534, %parallel_loop3A_535 : vector<16xf32>
        %parallel_loop3A_537 = arith.mulf %parallel_loop3A_503, %parallel_loop3A_489 : vector<16xf32>
        %parallel_loop3A_538 = arith.addf %parallel_loop3A_536, %parallel_loop3A_537 : vector<16xf32>
        %parallel_loop3A_539 = arith.mulf %parallel_loop3A_533, %parallel_loop3A_506 : vector<16xf32>
        %parallel_loop3A_540 = arith.addf %parallel_loop3A_538, %parallel_loop3A_539 : vector<16xf32>
        %parallel_loop3A_541 = arith.mulf %parallel_loop3A_509, %parallel_loop3A_479 : vector<16xf32>
        %parallel_loop3A_542 = arith.mulf %parallel_loop3A_512, %parallel_loop3A_484 : vector<16xf32>
        %parallel_loop3A_543 = arith.addf %parallel_loop3A_541, %parallel_loop3A_542 : vector<16xf32>
        %parallel_loop3A_544 = arith.mulf %parallel_loop3A_515, %parallel_loop3A_489 : vector<16xf32>
        %parallel_loop3A_545 = arith.addf %parallel_loop3A_543, %parallel_loop3A_544 : vector<16xf32>
        %parallel_loop3A_546 = arith.mulf %parallel_loop3A_533, %parallel_loop3A_518 : vector<16xf32>
        %parallel_loop3A_547 = arith.addf %parallel_loop3A_545, %parallel_loop3A_546 : vector<16xf32>
        %parallel_loop3A_548 = arith.mulf %parallel_loop3A_521, %parallel_loop3A_479 : vector<16xf32>
        %parallel_loop3A_549 = arith.mulf %parallel_loop3A_524, %parallel_loop3A_484 : vector<16xf32>
        %parallel_loop3A_550 = arith.addf %parallel_loop3A_548, %parallel_loop3A_549 : vector<16xf32>
        %parallel_loop3A_551 = arith.mulf %parallel_loop3A_527, %parallel_loop3A_489 : vector<16xf32>
        %parallel_loop3A_552 = arith.addf %parallel_loop3A_550, %parallel_loop3A_551 : vector<16xf32>
        %parallel_loop3A_553 = arith.mulf %parallel_loop3A_533, %parallel_loop3A_530 : vector<16xf32>
        %parallel_loop3A_554 = arith.addf %parallel_loop3A_552, %parallel_loop3A_553 : vector<16xf32>
        %parallel_loop3A_555 = arith.mulf %parallel_loop3A_540, %parallel_loop3A_540 : vector<16xf32>
        %parallel_loop3A_556 = arith.mulf %parallel_loop3A_547, %parallel_loop3A_547 : vector<16xf32>
        %parallel_loop3A_557 = arith.addf %parallel_loop3A_555, %parallel_loop3A_556 : vector<16xf32>
        %parallel_loop3A_558 = arith.mulf %parallel_loop3A_554, %parallel_loop3A_554 : vector<16xf32>
        %parallel_loop3A_559 = arith.addf %parallel_loop3A_557, %parallel_loop3A_558 : vector<16xf32>
        %parallel_loop3A_560 = arith.constant 5.000000e-01 : f32
        %parallel_loop3A_561 = vector.broadcast %parallel_loop3A_560 : f32 to vector<16xf32>
        %parallel_loop3A_562 = arith.mulf %parallel_loop3A_559, %parallel_loop3A_561 : vector<16xf32>
        %parallel_loop3A_563 = vector.bitcast %parallel_loop3A_559 : vector<16xf32> to vector<16xi32>
        %parallel_loop3A_564 = arith.constant 1 : i32
        %parallel_loop3A_565 = vector.broadcast %parallel_loop3A_564 : i32 to vector<16xi32>
        %parallel_loop3A_566 = arith.shrsi %parallel_loop3A_563, %parallel_loop3A_565 : vector<16xi32>
        %parallel_loop3A_567 = arith.constant 1597463007 : i32
        %parallel_loop3A_568 = vector.broadcast %parallel_loop3A_567 : i32 to vector<16xi32>
        %parallel_loop3A_569 = arith.subi %parallel_loop3A_568, %parallel_loop3A_566 : vector<16xi32>
        %parallel_loop3A_570 = vector.bitcast %parallel_loop3A_569 : vector<16xi32> to vector<16xf32>
        %parallel_loop3A_571 = arith.mulf %parallel_loop3A_562, %parallel_loop3A_570 : vector<16xf32>
        %parallel_loop3A_572 = arith.mulf %parallel_loop3A_571, %parallel_loop3A_570 : vector<16xf32>
        %parallel_loop3A_573 = arith.constant 1.500000e+00 : f32
        %parallel_loop3A_574 = vector.broadcast %parallel_loop3A_573 : f32 to vector<16xf32>
        %parallel_loop3A_575 = arith.subf %parallel_loop3A_574, %parallel_loop3A_572 : vector<16xf32>
        %parallel_loop3A_576 = arith.mulf %parallel_loop3A_570, %parallel_loop3A_575 : vector<16xf32>
        %parallel_loop3A_577 = arith.constant 0 : i32
        %parallel_loop3A_578 = arith.index_cast %parallel_loop3A_195 : i32 to index
        %parallel_loop3A_579 = arith.index_cast %parallel_loop3A_577 : i32 to index
        %parallel_loop3A_580 = arith.constant 32 : index
        %parallel_loop3A_581 = tpu.vector_load %arg12[%parallel_loop3A_578, %parallel_loop3A_579, %parallel_loop3A_580] {strides = array<i32>} : memref<32x4x128xf32, #tpu.memory_space<vmem>>, vector<16xf32>,
        tpu.vector_store %arg12[%parallel_loop3A_578, %parallel_loop3A_579, %parallel_loop3A_580], %parallel_loop3A_506 {strides = array<i32>} : memref<32x4x128xf32, #tpu.memory_space<vmem>>, vector<16xf32>,
        %parallel_loop3A_582 = arith.constant 1 : i32
        %parallel_loop3A_583 = arith.index_cast %parallel_loop3A_195 : i32 to index
        %parallel_loop3A_584 = arith.index_cast %parallel_loop3A_582 : i32 to index
        %parallel_loop3A_585 = arith.constant 32 : index
        %parallel_loop3A_586 = tpu.vector_load %arg12[%parallel_loop3A_583, %parallel_loop3A_584, %parallel_loop3A_585] {strides = array<i32>} : memref<32x4x128xf32, #tpu.memory_space<vmem>>, vector<16xf32>,
        tpu.vector_store %arg12[%parallel_loop3A_583, %parallel_loop3A_584, %parallel_loop3A_585], %parallel_loop3A_518 {strides = array<i32>} : memref<32x4x128xf32, #tpu.memory_space<vmem>>, vector<16xf32>,
        %parallel_loop3A_587 = arith.constant 2 : i32
        %parallel_loop3A_588 = arith.index_cast %parallel_loop3A_195 : i32 to index
        %parallel_loop3A_589 = arith.index_cast %parallel_loop3A_587 : i32 to index
        %parallel_loop3A_590 = arith.constant 32 : index
        %parallel_loop3A_591 = tpu.vector_load %arg12[%parallel_loop3A_588, %parallel_loop3A_589, %parallel_loop3A_590] {strides = array<i32>} : memref<32x4x128xf32, #tpu.memory_space<vmem>>, vector<16xf32>,
        tpu.vector_store %arg12[%parallel_loop3A_588, %parallel_loop3A_589, %parallel_loop3A_590], %parallel_loop3A_530 {strides = array<i32>} : memref<32x4x128xf32, #tpu.memory_space<vmem>>, vector<16xf32>,
        %parallel_loop3A_592 = arith.mulf %parallel_loop3A_540, %parallel_loop3A_576 : vector<16xf32>
        %parallel_loop3A_593 = arith.constant 0 : i32
        %parallel_loop3A_594 = arith.index_cast %parallel_loop3A_195 : i32 to index
        %parallel_loop3A_595 = arith.index_cast %parallel_loop3A_593 : i32 to index
        %parallel_loop3A_596 = arith.constant 32 : index
        %parallel_loop3A_597 = tpu.vector_load %arg7[%parallel_loop3A_594, %parallel_loop3A_595, %parallel_loop3A_596] {strides = array<i32>} : memref<32x4x128xf32, #tpu.memory_space<vmem>>, vector<16xf32>,
        tpu.vector_store %arg7[%parallel_loop3A_594, %parallel_loop3A_595, %parallel_loop3A_596], %parallel_loop3A_592 {strides = array<i32>} : memref<32x4x128xf32, #tpu.memory_space<vmem>>, vector<16xf32>,
        %parallel_loop3A_598 = arith.mulf %parallel_loop3A_547, %parallel_loop3A_576 : vector<16xf32>
        %parallel_loop3A_599 = arith.constant 1 : i32
        %parallel_loop3A_600 = arith.index_cast %parallel_loop3A_195 : i32 to index
        %parallel_loop3A_601 = arith.index_cast %parallel_loop3A_599 : i32 to index
        %parallel_loop3A_602 = arith.constant 32 : index
        %parallel_loop3A_603 = tpu.vector_load %arg7[%parallel_loop3A_600, %parallel_loop3A_601, %parallel_loop3A_602] {strides = array<i32>} : memref<32x4x128xf32, #tpu.memory_space<vmem>>, vector<16xf32>,
        tpu.vector_store %arg7[%parallel_loop3A_600, %parallel_loop3A_601, %parallel_loop3A_602], %parallel_loop3A_598 {strides = array<i32>} : memref<32x4x128xf32, #tpu.memory_space<vmem>>, vector<16xf32>,
        %parallel_loop3A_604 = arith.mulf %parallel_loop3A_554, %parallel_loop3A_576 : vector<16xf32>
        %parallel_loop3A_605 = arith.constant 2 : i32
        %parallel_loop3A_606 = arith.index_cast %parallel_loop3A_195 : i32 to index
        %parallel_loop3A_607 = arith.index_cast %parallel_loop3A_605 : i32 to index
        %parallel_loop3A_608 = arith.constant 32 : index
        %parallel_loop3A_609 = tpu.vector_load %arg7[%parallel_loop3A_606, %parallel_loop3A_607, %parallel_loop3A_608] {strides = array<i32>} : memref<32x4x128xf32, #tpu.memory_space<vmem>>, vector<16xf32>,
        tpu.vector_store %arg7[%parallel_loop3A_606, %parallel_loop3A_607, %parallel_loop3A_608], %parallel_loop3A_604 {strides = array<i32>} : memref<32x4x128xf32, #tpu.memory_space<vmem>>, vector<16xf32>,
        %parallel_loop3A_610 = arith.index_cast %parallel_loop3A_195 : i32 to index
        %parallel_loop3A_611 = arith.constant 48 : index
        %parallel_loop3A_612 = tpu.vector_load %arg9[%parallel_loop3A_610, %parallel_loop3A_611] {strides = array<i32>} : memref<32x128xi32, #tpu.memory_space<vmem>>, vector<16xi32>,
        %parallel_loop3A_613 = arith.constant 0 : i32
        %parallel_loop3A_614 = arith.index_cast %parallel_loop3A_195 : i32 to index
        %parallel_loop3A_615 = arith.index_cast %parallel_loop3A_613 : i32 to index
        %parallel_loop3A_616 = arith.constant 48 : index
        %parallel_loop3A_617 = tpu.vector_load %arg16[%parallel_loop3A_614, %parallel_loop3A_615, %parallel_loop3A_616] {strides = array<i32>} : memref<32x4x128xf32, #tpu.memory_space<vmem>>, vector<16xf32>,
        %parallel_loop3A_618 = arith.constant 1 : i32
        %parallel_loop3A_619 = arith.index_cast %parallel_loop3A_195 : i32 to index
        %parallel_loop3A_620 = arith.index_cast %parallel_loop3A_618 : i32 to index
        %parallel_loop3A_621 = arith.constant 48 : index
        %parallel_loop3A_622 = tpu.vector_load %arg16[%parallel_loop3A_619, %parallel_loop3A_620, %parallel_loop3A_621] {strides = array<i32>} : memref<32x4x128xf32, #tpu.memory_space<vmem>>, vector<16xf32>,
        %parallel_loop3A_623 = arith.constant 2 : i32
        %parallel_loop3A_624 = arith.index_cast %parallel_loop3A_195 : i32 to index
        %parallel_loop3A_625 = arith.index_cast %parallel_loop3A_623 : i32 to index
        %parallel_loop3A_626 = arith.constant 48 : index
        %parallel_loop3A_627 = tpu.vector_load %arg16[%parallel_loop3A_624, %parallel_loop3A_625, %parallel_loop3A_626] {strides = array<i32>} : memref<32x4x128xf32, #tpu.memory_space<vmem>>, vector<16xf32>,
        %parallel_loop3A_628 = arith.constant 3 : i32
        %parallel_loop3A_629 = arith.index_cast %parallel_loop3A_195 : i32 to index
        %parallel_loop3A_630 = arith.index_cast %parallel_loop3A_628 : i32 to index
        %parallel_loop3A_631 = arith.constant 48 : index
        %parallel_loop3A_632 = tpu.vector_load %arg16[%parallel_loop3A_629, %parallel_loop3A_630, %parallel_loop3A_631] {strides = array<i32>} : memref<32x4x128xf32, #tpu.memory_space<vmem>>, vector<16xf32>,
        %parallel_loop3A_633 = arith.constant 0 : i32
        %parallel_loop3A_634 = tpu.memref_slice %arg15[%parallel_loop3A_633] : memref<96xf32, #tpu.memory_space<vmem>> -> memref<8xf32, #tpu.memory_space<vmem>>
        %parallel_loop3A_635 = tpu.vector_load_idx %parallel_loop3A_634[%parallel_loop3A_612] : memref<8xf32, #tpu.memory_space<vmem>>[vector<16xi32>], vector<16xf32>,
        %parallel_loop3A_636 = arith.constant 8 : i32
        %parallel_loop3A_637 = tpu.memref_slice %arg15[%parallel_loop3A_636] : memref<96xf32, #tpu.memory_space<vmem>> -> memref<8xf32, #tpu.memory_space<vmem>>
        %parallel_loop3A_638 = tpu.vector_load_idx %parallel_loop3A_637[%parallel_loop3A_612] : memref<8xf32, #tpu.memory_space<vmem>>[vector<16xi32>], vector<16xf32>,
        %parallel_loop3A_639 = arith.constant 16 : i32
        %parallel_loop3A_640 = tpu.memref_slice %arg15[%parallel_loop3A_639] : memref<96xf32, #tpu.memory_space<vmem>> -> memref<8xf32, #tpu.memory_space<vmem>>
        %parallel_loop3A_641 = tpu.vector_load_idx %parallel_loop3A_640[%parallel_loop3A_612] : memref<8xf32, #tpu.memory_space<vmem>>[vector<16xi32>], vector<16xf32>,
        %parallel_loop3A_642 = arith.constant 24 : i32
        %parallel_loop3A_643 = tpu.memref_slice %arg15[%parallel_loop3A_642] : memref<96xf32, #tpu.memory_space<vmem>> -> memref<8xf32, #tpu.memory_space<vmem>>
        %parallel_loop3A_644 = tpu.vector_load_idx %parallel_loop3A_643[%parallel_loop3A_612] : memref<8xf32, #tpu.memory_space<vmem>>[vector<16xi32>], vector<16xf32>,
        %parallel_loop3A_645 = arith.constant 32 : i32
        %parallel_loop3A_646 = tpu.memref_slice %arg15[%parallel_loop3A_645] : memref<96xf32, #tpu.memory_space<vmem>> -> memref<8xf32, #tpu.memory_space<vmem>>
        %parallel_loop3A_647 = tpu.vector_load_idx %parallel_loop3A_646[%parallel_loop3A_612] : memref<8xf32, #tpu.memory_space<vmem>>[vector<16xi32>], vector<16xf32>,
        %parallel_loop3A_648 = arith.constant 40 : i32
        %parallel_loop3A_649 = tpu.memref_slice %arg15[%parallel_loop3A_648] : memref<96xf32, #tpu.memory_space<vmem>> -> memref<8xf32, #tpu.memory_space<vmem>>
        %parallel_loop3A_650 = tpu.vector_load_idx %parallel_loop3A_649[%parallel_loop3A_612] : memref<8xf32, #tpu.memory_space<vmem>>[vector<16xi32>], vector<16xf32>,
        %parallel_loop3A_651 = arith.constant 48 : i32
        %parallel_loop3A_652 = tpu.memref_slice %arg15[%parallel_loop3A_651] : memref<96xf32, #tpu.memory_space<vmem>> -> memref<8xf32, #tpu.memory_space<vmem>>
        %parallel_loop3A_653 = tpu.vector_load_idx %parallel_loop3A_652[%parallel_loop3A_612] : memref<8xf32, #tpu.memory_space<vmem>>[vector<16xi32>], vector<16xf32>,
        %parallel_loop3A_654 = arith.constant 56 : i32
        %parallel_loop3A_655 = tpu.memref_slice %arg15[%parallel_loop3A_654] : memref<96xf32, #tpu.memory_space<vmem>> -> memref<8xf32, #tpu.memory_space<vmem>>
        %parallel_loop3A_656 = tpu.vector_load_idx %parallel_loop3A_655[%parallel_loop3A_612] : memref<8xf32, #tpu.memory_space<vmem>>[vector<16xi32>], vector<16xf32>,
        %parallel_loop3A_657 = arith.constant 64 : i32
        %parallel_loop3A_658 = tpu.memref_slice %arg15[%parallel_loop3A_657] : memref<96xf32, #tpu.memory_space<vmem>> -> memref<8xf32, #tpu.memory_space<vmem>>
        %parallel_loop3A_659 = tpu.vector_load_idx %parallel_loop3A_658[%parallel_loop3A_612] : memref<8xf32, #tpu.memory_space<vmem>>[vector<16xi32>], vector<16xf32>,
        %parallel_loop3A_660 = arith.constant 72 : i32
        %parallel_loop3A_661 = tpu.memref_slice %arg15[%parallel_loop3A_660] : memref<96xf32, #tpu.memory_space<vmem>> -> memref<8xf32, #tpu.memory_space<vmem>>
        %parallel_loop3A_662 = tpu.vector_load_idx %parallel_loop3A_661[%parallel_loop3A_612] : memref<8xf32, #tpu.memory_space<vmem>>[vector<16xi32>], vector<16xf32>,
        %parallel_loop3A_663 = arith.constant 80 : i32
        %parallel_loop3A_664 = tpu.memref_slice %arg15[%parallel_loop3A_663] : memref<96xf32, #tpu.memory_space<vmem>> -> memref<8xf32, #tpu.memory_space<vmem>>
        %parallel_loop3A_665 = tpu.vector_load_idx %parallel_loop3A_664[%parallel_loop3A_612] : memref<8xf32, #tpu.memory_space<vmem>>[vector<16xi32>], vector<16xf32>,
        %parallel_loop3A_666 = arith.constant 88 : i32
        %parallel_loop3A_667 = tpu.memref_slice %arg15[%parallel_loop3A_666] : memref<96xf32, #tpu.memory_space<vmem>> -> memref<8xf32, #tpu.memory_space<vmem>>
        %parallel_loop3A_668 = tpu.vector_load_idx %parallel_loop3A_667[%parallel_loop3A_612] : memref<8xf32, #tpu.memory_space<vmem>>[vector<16xi32>], vector<16xf32>,
        %parallel_loop3A_669 = arith.constant 1.000000e+00 : f32
        %parallel_loop3A_670 = vector.broadcast %parallel_loop3A_669 : f32 to vector<16xf32>
        %parallel_loop3A_671 = arith.subf %parallel_loop3A_632, %parallel_loop3A_670 : vector<16xf32>
        %parallel_loop3A_672 = arith.mulf %parallel_loop3A_635, %parallel_loop3A_617 : vector<16xf32>
        %parallel_loop3A_673 = arith.mulf %parallel_loop3A_638, %parallel_loop3A_622 : vector<16xf32>
        %parallel_loop3A_674 = arith.addf %parallel_loop3A_672, %parallel_loop3A_673 : vector<16xf32>
        %parallel_loop3A_675 = arith.mulf %parallel_loop3A_641, %parallel_loop3A_627 : vector<16xf32>
        %parallel_loop3A_676 = arith.addf %parallel_loop3A_674, %parallel_loop3A_675 : vector<16xf32>
        %parallel_loop3A_677 = arith.mulf %parallel_loop3A_671, %parallel_loop3A_644 : vector<16xf32>
        %parallel_loop3A_678 = arith.addf %parallel_loop3A_676, %parallel_loop3A_677 : vector<16xf32>
        %parallel_loop3A_679 = arith.mulf %parallel_loop3A_647, %parallel_loop3A_617 : vector<16xf32>
        %parallel_loop3A_680 = arith.mulf %parallel_loop3A_650, %parallel_loop3A_622 : vector<16xf32>
        %parallel_loop3A_681 = arith.addf %parallel_loop3A_679, %parallel_loop3A_680 : vector<16xf32>
        %parallel_loop3A_682 = arith.mulf %parallel_loop3A_653, %parallel_loop3A_627 : vector<16xf32>
        %parallel_loop3A_683 = arith.addf %parallel_loop3A_681, %parallel_loop3A_682 : vector<16xf32>
        %parallel_loop3A_684 = arith.mulf %parallel_loop3A_671, %parallel_loop3A_656 : vector<16xf32>
        %parallel_loop3A_685 = arith.addf %parallel_loop3A_683, %parallel_loop3A_684 : vector<16xf32>
        %parallel_loop3A_686 = arith.mulf %parallel_loop3A_659, %parallel_loop3A_617 : vector<16xf32>
        %parallel_loop3A_687 = arith.mulf %parallel_loop3A_662, %parallel_loop3A_622 : vector<16xf32>
        %parallel_loop3A_688 = arith.addf %parallel_loop3A_686, %parallel_loop3A_687 : vector<16xf32>
        %parallel_loop3A_689 = arith.mulf %parallel_loop3A_665, %parallel_loop3A_627 : vector<16xf32>
        %parallel_loop3A_690 = arith.addf %parallel_loop3A_688, %parallel_loop3A_689 : vector<16xf32>
        %parallel_loop3A_691 = arith.mulf %parallel_loop3A_671, %parallel_loop3A_668 : vector<16xf32>
        %parallel_loop3A_692 = arith.addf %parallel_loop3A_690, %parallel_loop3A_691 : vector<16xf32>
        %parallel_loop3A_693 = arith.mulf %parallel_loop3A_678, %parallel_loop3A_678 : vector<16xf32>
        %parallel_loop3A_694 = arith.mulf %parallel_loop3A_685, %parallel_loop3A_685 : vector<16xf32>
        %parallel_loop3A_695 = arith.addf %parallel_loop3A_693, %parallel_loop3A_694 : vector<16xf32>
        %parallel_loop3A_696 = arith.mulf %parallel_loop3A_692, %parallel_loop3A_692 : vector<16xf32>
        %parallel_loop3A_697 = arith.addf %parallel_loop3A_695, %parallel_loop3A_696 : vector<16xf32>
        %parallel_loop3A_698 = arith.constant 5.000000e-01 : f32
        %parallel_loop3A_699 = vector.broadcast %parallel_loop3A_698 : f32 to vector<16xf32>
        %parallel_loop3A_700 = arith.mulf %parallel_loop3A_697, %parallel_loop3A_699 : vector<16xf32>
        %parallel_loop3A_701 = vector.bitcast %parallel_loop3A_697 : vector<16xf32> to vector<16xi32>
        %parallel_loop3A_702 = arith.constant 1 : i32
        %parallel_loop3A_703 = vector.broadcast %parallel_loop3A_702 : i32 to vector<16xi32>
        %parallel_loop3A_704 = arith.shrsi %parallel_loop3A_701, %parallel_loop3A_703 : vector<16xi32>
        %parallel_loop3A_705 = arith.constant 1597463007 : i32
        %parallel_loop3A_706 = vector.broadcast %parallel_loop3A_705 : i32 to vector<16xi32>
        %parallel_loop3A_707 = arith.subi %parallel_loop3A_706, %parallel_loop3A_704 : vector<16xi32>
        %parallel_loop3A_708 = vector.bitcast %parallel_loop3A_707 : vector<16xi32> to vector<16xf32>
        %parallel_loop3A_709 = arith.mulf %parallel_loop3A_700, %parallel_loop3A_708 : vector<16xf32>
        %parallel_loop3A_710 = arith.mulf %parallel_loop3A_709, %parallel_loop3A_708 : vector<16xf32>
        %parallel_loop3A_711 = arith.constant 1.500000e+00 : f32
        %parallel_loop3A_712 = vector.broadcast %parallel_loop3A_711 : f32 to vector<16xf32>
        %parallel_loop3A_713 = arith.subf %parallel_loop3A_712, %parallel_loop3A_710 : vector<16xf32>
        %parallel_loop3A_714 = arith.mulf %parallel_loop3A_708, %parallel_loop3A_713 : vector<16xf32>
        %parallel_loop3A_715 = arith.constant 0 : i32
        %parallel_loop3A_716 = arith.index_cast %parallel_loop3A_195 : i32 to index
        %parallel_loop3A_717 = arith.index_cast %parallel_loop3A_715 : i32 to index
        %parallel_loop3A_718 = arith.constant 48 : index
        %parallel_loop3A_719 = tpu.vector_load %arg12[%parallel_loop3A_716, %parallel_loop3A_717, %parallel_loop3A_718] {strides = array<i32>} : memref<32x4x128xf32, #tpu.memory_space<vmem>>, vector<16xf32>,
        tpu.vector_store %arg12[%parallel_loop3A_716, %parallel_loop3A_717, %parallel_loop3A_718], %parallel_loop3A_644 {strides = array<i32>} : memref<32x4x128xf32, #tpu.memory_space<vmem>>, vector<16xf32>,
        %parallel_loop3A_720 = arith.constant 1 : i32
        %parallel_loop3A_721 = arith.index_cast %parallel_loop3A_195 : i32 to index
        %parallel_loop3A_722 = arith.index_cast %parallel_loop3A_720 : i32 to index
        %parallel_loop3A_723 = arith.constant 48 : index
        %parallel_loop3A_724 = tpu.vector_load %arg12[%parallel_loop3A_721, %parallel_loop3A_722, %parallel_loop3A_723] {strides = array<i32>} : memref<32x4x128xf32, #tpu.memory_space<vmem>>, vector<16xf32>,
        tpu.vector_store %arg12[%parallel_loop3A_721, %parallel_loop3A_722, %parallel_loop3A_723], %parallel_loop3A_656 {strides = array<i32>} : memref<32x4x128xf32, #tpu.memory_space<vmem>>, vector<16xf32>,
        %parallel_loop3A_725 = arith.constant 2 : i32
        %parallel_loop3A_726 = arith.index_cast %parallel_loop3A_195 : i32 to index
        %parallel_loop3A_727 = arith.index_cast %parallel_loop3A_725 : i32 to index
        %parallel_loop3A_728 = arith.constant 48 : index
        %parallel_loop3A_729 = tpu.vector_load %arg12[%parallel_loop3A_726, %parallel_loop3A_727, %parallel_loop3A_728] {strides = array<i32>} : memref<32x4x128xf32, #tpu.memory_space<vmem>>, vector<16xf32>,
        tpu.vector_store %arg12[%parallel_loop3A_726, %parallel_loop3A_727, %parallel_loop3A_728], %parallel_loop3A_668 {strides = array<i32>} : memref<32x4x128xf32, #tpu.memory_space<vmem>>, vector<16xf32>,
        %parallel_loop3A_730 = arith.mulf %parallel_loop3A_678, %parallel_loop3A_714 : vector<16xf32>
        %parallel_loop3A_731 = arith.constant 0 : i32
        %parallel_loop3A_732 = arith.index_cast %parallel_loop3A_195 : i32 to index
        %parallel_loop3A_733 = arith.index_cast %parallel_loop3A_731 : i32 to index
        %parallel_loop3A_734 = arith.constant 48 : index
        %parallel_loop3A_735 = tpu.vector_load %arg7[%parallel_loop3A_732, %parallel_loop3A_733, %parallel_loop3A_734] {strides = array<i32>} : memref<32x4x128xf32, #tpu.memory_space<vmem>>, vector<16xf32>,
        tpu.vector_store %arg7[%parallel_loop3A_732, %parallel_loop3A_733, %parallel_loop3A_734], %parallel_loop3A_730 {strides = array<i32>} : memref<32x4x128xf32, #tpu.memory_space<vmem>>, vector<16xf32>,
        %parallel_loop3A_736 = arith.mulf %parallel_loop3A_685, %parallel_loop3A_714 : vector<16xf32>
        %parallel_loop3A_737 = arith.constant 1 : i32
        %parallel_loop3A_738 = arith.index_cast %parallel_loop3A_195 : i32 to index
        %parallel_loop3A_739 = arith.index_cast %parallel_loop3A_737 : i32 to index
        %parallel_loop3A_740 = arith.constant 48 : index
        %parallel_loop3A_741 = tpu.vector_load %arg7[%parallel_loop3A_738, %parallel_loop3A_739, %parallel_loop3A_740] {strides = array<i32>} : memref<32x4x128xf32, #tpu.memory_space<vmem>>, vector<16xf32>,
        tpu.vector_store %arg7[%parallel_loop3A_738, %parallel_loop3A_739, %parallel_loop3A_740], %parallel_loop3A_736 {strides = array<i32>} : memref<32x4x128xf32, #tpu.memory_space<vmem>>, vector<16xf32>,
        %parallel_loop3A_742 = arith.mulf %parallel_loop3A_692, %parallel_loop3A_714 : vector<16xf32>
        %parallel_loop3A_743 = arith.constant 2 : i32
        %parallel_loop3A_744 = arith.index_cast %parallel_loop3A_195 : i32 to index
        %parallel_loop3A_745 = arith.index_cast %parallel_loop3A_743 : i32 to index
        %parallel_loop3A_746 = arith.constant 48 : index
        %parallel_loop3A_747 = tpu.vector_load %arg7[%parallel_loop3A_744, %parallel_loop3A_745, %parallel_loop3A_746] {strides = array<i32>} : memref<32x4x128xf32, #tpu.memory_space<vmem>>, vector<16xf32>,
        tpu.vector_store %arg7[%parallel_loop3A_744, %parallel_loop3A_745, %parallel_loop3A_746], %parallel_loop3A_742 {strides = array<i32>} : memref<32x4x128xf32, #tpu.memory_space<vmem>>, vector<16xf32>,
        %parallel_loop3A_748 = arith.index_cast %parallel_loop3A_195 : i32 to index
        %parallel_loop3A_749 = arith.constant 64 : index
        %parallel_loop3A_750 = tpu.vector_load %arg9[%parallel_loop3A_748, %parallel_loop3A_749] {strides = array<i32>} : memref<32x128xi32, #tpu.memory_space<vmem>>, vector<16xi32>,
        %parallel_loop3A_751 = arith.constant 0 : i32
        %parallel_loop3A_752 = arith.index_cast %parallel_loop3A_195 : i32 to index
        %parallel_loop3A_753 = arith.index_cast %parallel_loop3A_751 : i32 to index
        %parallel_loop3A_754 = arith.constant 64 : index
        %parallel_loop3A_755 = tpu.vector_load %arg16[%parallel_loop3A_752, %parallel_loop3A_753, %parallel_loop3A_754] {strides = array<i32>} : memref<32x4x128xf32, #tpu.memory_space<vmem>>, vector<16xf32>,
        %parallel_loop3A_756 = arith.constant 1 : i32
        %parallel_loop3A_757 = arith.index_cast %parallel_loop3A_195 : i32 to index
        %parallel_loop3A_758 = arith.index_cast %parallel_loop3A_756 : i32 to index
        %parallel_loop3A_759 = arith.constant 64 : index
        %parallel_loop3A_760 = tpu.vector_load %arg16[%parallel_loop3A_757, %parallel_loop3A_758, %parallel_loop3A_759] {strides = array<i32>} : memref<32x4x128xf32, #tpu.memory_space<vmem>>, vector<16xf32>,
        %parallel_loop3A_761 = arith.constant 2 : i32
        %parallel_loop3A_762 = arith.index_cast %parallel_loop3A_195 : i32 to index
        %parallel_loop3A_763 = arith.index_cast %parallel_loop3A_761 : i32 to index
        %parallel_loop3A_764 = arith.constant 64 : index
        %parallel_loop3A_765 = tpu.vector_load %arg16[%parallel_loop3A_762, %parallel_loop3A_763, %parallel_loop3A_764] {strides = array<i32>} : memref<32x4x128xf32, #tpu.memory_space<vmem>>, vector<16xf32>,
        %parallel_loop3A_766 = arith.constant 3 : i32
        %parallel_loop3A_767 = arith.index_cast %parallel_loop3A_195 : i32 to index
        %parallel_loop3A_768 = arith.index_cast %parallel_loop3A_766 : i32 to index
        %parallel_loop3A_769 = arith.constant 64 : index
        %parallel_loop3A_770 = tpu.vector_load %arg16[%parallel_loop3A_767, %parallel_loop3A_768, %parallel_loop3A_769] {strides = array<i32>} : memref<32x4x128xf32, #tpu.memory_space<vmem>>, vector<16xf32>,
        %parallel_loop3A_771 = arith.constant 0 : i32
        %parallel_loop3A_772 = tpu.memref_slice %arg15[%parallel_loop3A_771] : memref<96xf32, #tpu.memory_space<vmem>> -> memref<8xf32, #tpu.memory_space<vmem>>
        %parallel_loop3A_773 = tpu.vector_load_idx %parallel_loop3A_772[%parallel_loop3A_750] : memref<8xf32, #tpu.memory_space<vmem>>[vector<16xi32>], vector<16xf32>,
        %parallel_loop3A_774 = arith.constant 8 : i32
        %parallel_loop3A_775 = tpu.memref_slice %arg15[%parallel_loop3A_774] : memref<96xf32, #tpu.memory_space<vmem>> -> memref<8xf32, #tpu.memory_space<vmem>>
        %parallel_loop3A_776 = tpu.vector_load_idx %parallel_loop3A_775[%parallel_loop3A_750] : memref<8xf32, #tpu.memory_space<vmem>>[vector<16xi32>], vector<16xf32>,
        %parallel_loop3A_777 = arith.constant 16 : i32
        %parallel_loop3A_778 = tpu.memref_slice %arg15[%parallel_loop3A_777] : memref<96xf32, #tpu.memory_space<vmem>> -> memref<8xf32, #tpu.memory_space<vmem>>
        %parallel_loop3A_779 = tpu.vector_load_idx %parallel_loop3A_778[%parallel_loop3A_750] : memref<8xf32, #tpu.memory_space<vmem>>[vector<16xi32>], vector<16xf32>,
        %parallel_loop3A_780 = arith.constant 24 : i32
        %parallel_loop3A_781 = tpu.memref_slice %arg15[%parallel_loop3A_780] : memref<96xf32, #tpu.memory_space<vmem>> -> memref<8xf32, #tpu.memory_space<vmem>>
        %parallel_loop3A_782 = tpu.vector_load_idx %parallel_loop3A_781[%parallel_loop3A_750] : memref<8xf32, #tpu.memory_space<vmem>>[vector<16xi32>], vector<16xf32>,
        %parallel_loop3A_783 = arith.constant 32 : i32
        %parallel_loop3A_784 = tpu.memref_slice %arg15[%parallel_loop3A_783] : memref<96xf32, #tpu.memory_space<vmem>> -> memref<8xf32, #tpu.memory_space<vmem>>
        %parallel_loop3A_785 = tpu.vector_load_idx %parallel_loop3A_784[%parallel_loop3A_750] : memref<8xf32, #tpu.memory_space<vmem>>[vector<16xi32>], vector<16xf32>,
        %parallel_loop3A_786 = arith.constant 40 : i32
        %parallel_loop3A_787 = tpu.memref_slice %arg15[%parallel_loop3A_786] : memref<96xf32, #tpu.memory_space<vmem>> -> memref<8xf32, #tpu.memory_space<vmem>>
        %parallel_loop3A_788 = tpu.vector_load_idx %parallel_loop3A_787[%parallel_loop3A_750] : memref<8xf32, #tpu.memory_space<vmem>>[vector<16xi32>], vector<16xf32>,
        %parallel_loop3A_789 = arith.constant 48 : i32
        %parallel_loop3A_790 = tpu.memref_slice %arg15[%parallel_loop3A_789] : memref<96xf32, #tpu.memory_space<vmem>> -> memref<8xf32, #tpu.memory_space<vmem>>
        %parallel_loop3A_791 = tpu.vector_load_idx %parallel_loop3A_790[%parallel_loop3A_750] : memref<8xf32, #tpu.memory_space<vmem>>[vector<16xi32>], vector<16xf32>,
        %parallel_loop3A_792 = arith.constant 56 : i32
        %parallel_loop3A_793 = tpu.memref_slice %arg15[%parallel_loop3A_792] : memref<96xf32, #tpu.memory_space<vmem>> -> memref<8xf32, #tpu.memory_space<vmem>>
        %parallel_loop3A_794 = tpu.vector_load_idx %parallel_loop3A_793[%parallel_loop3A_750] : memref<8xf32, #tpu.memory_space<vmem>>[vector<16xi32>], vector<16xf32>,
        %parallel_loop3A_795 = arith.constant 64 : i32
        %parallel_loop3A_796 = tpu.memref_slice %arg15[%parallel_loop3A_795] : memref<96xf32, #tpu.memory_space<vmem>> -> memref<8xf32, #tpu.memory_space<vmem>>
        %parallel_loop3A_797 = tpu.vector_load_idx %parallel_loop3A_796[%parallel_loop3A_750] : memref<8xf32, #tpu.memory_space<vmem>>[vector<16xi32>], vector<16xf32>,
        %parallel_loop3A_798 = arith.constant 72 : i32
        %parallel_loop3A_799 = tpu.memref_slice %arg15[%parallel_loop3A_798] : memref<96xf32, #tpu.memory_space<vmem>> -> memref<8xf32, #tpu.memory_space<vmem>>
        %parallel_loop3A_800 = tpu.vector_load_idx %parallel_loop3A_799[%parallel_loop3A_750] : memref<8xf32, #tpu.memory_space<vmem>>[vector<16xi32>], vector<16xf32>,
        %parallel_loop3A_801 = arith.constant 80 : i32
        %parallel_loop3A_802 = tpu.memref_slice %arg15[%parallel_loop3A_801] : memref<96xf32, #tpu.memory_space<vmem>> -> memref<8xf32, #tpu.memory_space<vmem>>
        %parallel_loop3A_803 = tpu.vector_load_idx %parallel_loop3A_802[%parallel_loop3A_750] : memref<8xf32, #tpu.memory_space<vmem>>[vector<16xi32>], vector<16xf32>,
        %parallel_loop3A_804 = arith.constant 88 : i32
        %parallel_loop3A_805 = tpu.memref_slice %arg15[%parallel_loop3A_804] : memref<96xf32, #tpu.memory_space<vmem>> -> memref<8xf32, #tpu.memory_space<vmem>>
        %parallel_loop3A_806 = tpu.vector_load_idx %parallel_loop3A_805[%parallel_loop3A_750] : memref<8xf32, #tpu.memory_space<vmem>>[vector<16xi32>], vector<16xf32>,
        %parallel_loop3A_807 = arith.constant 1.000000e+00 : f32
        %parallel_loop3A_808 = vector.broadcast %parallel_loop3A_807 : f32 to vector<16xf32>
        %parallel_loop3A_809 = arith.subf %parallel_loop3A_770, %parallel_loop3A_808 : vector<16xf32>
        %parallel_loop3A_810 = arith.mulf %parallel_loop3A_773, %parallel_loop3A_755 : vector<16xf32>
        %parallel_loop3A_811 = arith.mulf %parallel_loop3A_776, %parallel_loop3A_760 : vector<16xf32>
        %parallel_loop3A_812 = arith.addf %parallel_loop3A_810, %parallel_loop3A_811 : vector<16xf32>
        %parallel_loop3A_813 = arith.mulf %parallel_loop3A_779, %parallel_loop3A_765 : vector<16xf32>
        %parallel_loop3A_814 = arith.addf %parallel_loop3A_812, %parallel_loop3A_813 : vector<16xf32>
        %parallel_loop3A_815 = arith.mulf %parallel_loop3A_809, %parallel_loop3A_782 : vector<16xf32>
        %parallel_loop3A_816 = arith.addf %parallel_loop3A_814, %parallel_loop3A_815 : vector<16xf32>
        %parallel_loop3A_817 = arith.mulf %parallel_loop3A_785, %parallel_loop3A_755 : vector<16xf32>
        %parallel_loop3A_818 = arith.mulf %parallel_loop3A_788, %parallel_loop3A_760 : vector<16xf32>
        %parallel_loop3A_819 = arith.addf %parallel_loop3A_817, %parallel_loop3A_818 : vector<16xf32>
        %parallel_loop3A_820 = arith.mulf %parallel_loop3A_791, %parallel_loop3A_765 : vector<16xf32>
        %parallel_loop3A_821 = arith.addf %parallel_loop3A_819, %parallel_loop3A_820 : vector<16xf32>
        %parallel_loop3A_822 = arith.mulf %parallel_loop3A_809, %parallel_loop3A_794 : vector<16xf32>
        %parallel_loop3A_823 = arith.addf %parallel_loop3A_821, %parallel_loop3A_822 : vector<16xf32>
        %parallel_loop3A_824 = arith.mulf %parallel_loop3A_797, %parallel_loop3A_755 : vector<16xf32>
        %parallel_loop3A_825 = arith.mulf %parallel_loop3A_800, %parallel_loop3A_760 : vector<16xf32>
        %parallel_loop3A_826 = arith.addf %parallel_loop3A_824, %parallel_loop3A_825 : vector<16xf32>
        %parallel_loop3A_827 = arith.mulf %parallel_loop3A_803, %parallel_loop3A_765 : vector<16xf32>
        %parallel_loop3A_828 = arith.addf %parallel_loop3A_826, %parallel_loop3A_827 : vector<16xf32>
        %parallel_loop3A_829 = arith.mulf %parallel_loop3A_809, %parallel_loop3A_806 : vector<16xf32>
        %parallel_loop3A_830 = arith.addf %parallel_loop3A_828, %parallel_loop3A_829 : vector<16xf32>
        %parallel_loop3A_831 = arith.mulf %parallel_loop3A_816, %parallel_loop3A_816 : vector<16xf32>
        %parallel_loop3A_832 = arith.mulf %parallel_loop3A_823, %parallel_loop3A_823 : vector<16xf32>
        %parallel_loop3A_833 = arith.addf %parallel_loop3A_831, %parallel_loop3A_832 : vector<16xf32>
        %parallel_loop3A_834 = arith.mulf %parallel_loop3A_830, %parallel_loop3A_830 : vector<16xf32>
        %parallel_loop3A_835 = arith.addf %parallel_loop3A_833, %parallel_loop3A_834 : vector<16xf32>
        %parallel_loop3A_836 = arith.constant 5.000000e-01 : f32
        %parallel_loop3A_837 = vector.broadcast %parallel_loop3A_836 : f32 to vector<16xf32>
        %parallel_loop3A_838 = arith.mulf %parallel_loop3A_835, %parallel_loop3A_837 : vector<16xf32>
        %parallel_loop3A_839 = vector.bitcast %parallel_loop3A_835 : vector<16xf32> to vector<16xi32>
        %parallel_loop3A_840 = arith.constant 1 : i32
        %parallel_loop3A_841 = vector.broadcast %parallel_loop3A_840 : i32 to vector<16xi32>
        %parallel_loop3A_842 = arith.shrsi %parallel_loop3A_839, %parallel_loop3A_841 : vector<16xi32>
        %parallel_loop3A_843 = arith.constant 1597463007 : i32
        %parallel_loop3A_844 = vector.broadcast %parallel_loop3A_843 : i32 to vector<16xi32>
        %parallel_loop3A_845 = arith.subi %parallel_loop3A_844, %parallel_loop3A_842 : vector<16xi32>
        %parallel_loop3A_846 = vector.bitcast %parallel_loop3A_845 : vector<16xi32> to vector<16xf32>
        %parallel_loop3A_847 = arith.mulf %parallel_loop3A_838, %parallel_loop3A_846 : vector<16xf32>
        %parallel_loop3A_848 = arith.mulf %parallel_loop3A_847, %parallel_loop3A_846 : vector<16xf32>
        %parallel_loop3A_849 = arith.constant 1.500000e+00 : f32
        %parallel_loop3A_850 = vector.broadcast %parallel_loop3A_849 : f32 to vector<16xf32>
        %parallel_loop3A_851 = arith.subf %parallel_loop3A_850, %parallel_loop3A_848 : vector<16xf32>
        %parallel_loop3A_852 = arith.mulf %parallel_loop3A_846, %parallel_loop3A_851 : vector<16xf32>
        %parallel_loop3A_853 = arith.constant 0 : i32
        %parallel_loop3A_854 = arith.index_cast %parallel_loop3A_195 : i32 to index
        %parallel_loop3A_855 = arith.index_cast %parallel_loop3A_853 : i32 to index
        %parallel_loop3A_856 = arith.constant 64 : index
        %parallel_loop3A_857 = tpu.vector_load %arg12[%parallel_loop3A_854, %parallel_loop3A_855, %parallel_loop3A_856] {strides = array<i32>} : memref<32x4x128xf32, #tpu.memory_space<vmem>>, vector<16xf32>,
        tpu.vector_store %arg12[%parallel_loop3A_854, %parallel_loop3A_855, %parallel_loop3A_856], %parallel_loop3A_782 {strides = array<i32>} : memref<32x4x128xf32, #tpu.memory_space<vmem>>, vector<16xf32>,
        %parallel_loop3A_858 = arith.constant 1 : i32
        %parallel_loop3A_859 = arith.index_cast %parallel_loop3A_195 : i32 to index
        %parallel_loop3A_860 = arith.index_cast %parallel_loop3A_858 : i32 to index
        %parallel_loop3A_861 = arith.constant 64 : index
        %parallel_loop3A_862 = tpu.vector_load %arg12[%parallel_loop3A_859, %parallel_loop3A_860, %parallel_loop3A_861] {strides = array<i32>} : memref<32x4x128xf32, #tpu.memory_space<vmem>>, vector<16xf32>,
        tpu.vector_store %arg12[%parallel_loop3A_859, %parallel_loop3A_860, %parallel_loop3A_861], %parallel_loop3A_794 {strides = array<i32>} : memref<32x4x128xf32, #tpu.memory_space<vmem>>, vector<16xf32>,
        %parallel_loop3A_863 = arith.constant 2 : i32
        %parallel_loop3A_864 = arith.index_cast %parallel_loop3A_195 : i32 to index
        %parallel_loop3A_865 = arith.index_cast %parallel_loop3A_863 : i32 to index
        %parallel_loop3A_866 = arith.constant 64 : index
        %parallel_loop3A_867 = tpu.vector_load %arg12[%parallel_loop3A_864, %parallel_loop3A_865, %parallel_loop3A_866] {strides = array<i32>} : memref<32x4x128xf32, #tpu.memory_space<vmem>>, vector<16xf32>,
        tpu.vector_store %arg12[%parallel_loop3A_864, %parallel_loop3A_865, %parallel_loop3A_866], %parallel_loop3A_806 {strides = array<i32>} : memref<32x4x128xf32, #tpu.memory_space<vmem>>, vector<16xf32>,
        %parallel_loop3A_868 = arith.mulf %parallel_loop3A_816, %parallel_loop3A_852 : vector<16xf32>
        %parallel_loop3A_869 = arith.constant 0 : i32
        %parallel_loop3A_870 = arith.index_cast %parallel_loop3A_195 : i32 to index
        %parallel_loop3A_871 = arith.index_cast %parallel_loop3A_869 : i32 to index
        %parallel_loop3A_872 = arith.constant 64 : index
        %parallel_loop3A_873 = tpu.vector_load %arg7[%parallel_loop3A_870, %parallel_loop3A_871, %parallel_loop3A_872] {strides = array<i32>} : memref<32x4x128xf32, #tpu.memory_space<vmem>>, vector<16xf32>,
        tpu.vector_store %arg7[%parallel_loop3A_870, %parallel_loop3A_871, %parallel_loop3A_872], %parallel_loop3A_868 {strides = array<i32>} : memref<32x4x128xf32, #tpu.memory_space<vmem>>, vector<16xf32>,
        %parallel_loop3A_874 = arith.mulf %parallel_loop3A_823, %parallel_loop3A_852 : vector<16xf32>
        %parallel_loop3A_875 = arith.constant 1 : i32
        %parallel_loop3A_876 = arith.index_cast %parallel_loop3A_195 : i32 to index
        %parallel_loop3A_877 = arith.index_cast %parallel_loop3A_875 : i32 to index
        %parallel_loop3A_878 = arith.constant 64 : index
        %parallel_loop3A_879 = tpu.vector_load %arg7[%parallel_loop3A_876, %parallel_loop3A_877, %parallel_loop3A_878] {strides = array<i32>} : memref<32x4x128xf32, #tpu.memory_space<vmem>>, vector<16xf32>,
        tpu.vector_store %arg7[%parallel_loop3A_876, %parallel_loop3A_877, %parallel_loop3A_878], %parallel_loop3A_874 {strides = array<i32>} : memref<32x4x128xf32, #tpu.memory_space<vmem>>, vector<16xf32>,
        %parallel_loop3A_880 = arith.mulf %parallel_loop3A_830, %parallel_loop3A_852 : vector<16xf32>
        %parallel_loop3A_881 = arith.constant 2 : i32
        %parallel_loop3A_882 = arith.index_cast %parallel_loop3A_195 : i32 to index
        %parallel_loop3A_883 = arith.index_cast %parallel_loop3A_881 : i32 to index
        %parallel_loop3A_884 = arith.constant 64 : index
        %parallel_loop3A_885 = tpu.vector_load %arg7[%parallel_loop3A_882, %parallel_loop3A_883, %parallel_loop3A_884] {strides = array<i32>} : memref<32x4x128xf32, #tpu.memory_space<vmem>>, vector<16xf32>,
        tpu.vector_store %arg7[%parallel_loop3A_882, %parallel_loop3A_883, %parallel_loop3A_884], %parallel_loop3A_880 {strides = array<i32>} : memref<32x4x128xf32, #tpu.memory_space<vmem>>, vector<16xf32>,
        %parallel_loop3A_886 = arith.index_cast %parallel_loop3A_195 : i32 to index
        %parallel_loop3A_887 = arith.constant 80 : index
        %parallel_loop3A_888 = tpu.vector_load %arg9[%parallel_loop3A_886, %parallel_loop3A_887] {strides = array<i32>} : memref<32x128xi32, #tpu.memory_space<vmem>>, vector<16xi32>,
        %parallel_loop3A_889 = arith.constant 0 : i32
        %parallel_loop3A_890 = arith.index_cast %parallel_loop3A_195 : i32 to index
        %parallel_loop3A_891 = arith.index_cast %parallel_loop3A_889 : i32 to index
        %parallel_loop3A_892 = arith.constant 80 : index
        %parallel_loop3A_893 = tpu.vector_load %arg16[%parallel_loop3A_890, %parallel_loop3A_891, %parallel_loop3A_892] {strides = array<i32>} : memref<32x4x128xf32, #tpu.memory_space<vmem>>, vector<16xf32>,
        %parallel_loop3A_894 = arith.constant 1 : i32
        %parallel_loop3A_895 = arith.index_cast %parallel_loop3A_195 : i32 to index
        %parallel_loop3A_896 = arith.index_cast %parallel_loop3A_894 : i32 to index
        %parallel_loop3A_897 = arith.constant 80 : index
        %parallel_loop3A_898 = tpu.vector_load %arg16[%parallel_loop3A_895, %parallel_loop3A_896, %parallel_loop3A_897] {strides = array<i32>} : memref<32x4x128xf32, #tpu.memory_space<vmem>>, vector<16xf32>,
        %parallel_loop3A_899 = arith.constant 2 : i32
        %parallel_loop3A_900 = arith.index_cast %parallel_loop3A_195 : i32 to index
        %parallel_loop3A_901 = arith.index_cast %parallel_loop3A_899 : i32 to index
        %parallel_loop3A_902 = arith.constant 80 : index
        %parallel_loop3A_903 = tpu.vector_load %arg16[%parallel_loop3A_900, %parallel_loop3A_901, %parallel_loop3A_902] {strides = array<i32>} : memref<32x4x128xf32, #tpu.memory_space<vmem>>, vector<16xf32>,
        %parallel_loop3A_904 = arith.constant 3 : i32
        %parallel_loop3A_905 = arith.index_cast %parallel_loop3A_195 : i32 to index
        %parallel_loop3A_906 = arith.index_cast %parallel_loop3A_904 : i32 to index
        %parallel_loop3A_907 = arith.constant 80 : index
        %parallel_loop3A_908 = tpu.vector_load %arg16[%parallel_loop3A_905, %parallel_loop3A_906, %parallel_loop3A_907] {strides = array<i32>} : memref<32x4x128xf32, #tpu.memory_space<vmem>>, vector<16xf32>,
        %parallel_loop3A_909 = arith.constant 0 : i32
        %parallel_loop3A_910 = tpu.memref_slice %arg15[%parallel_loop3A_909] : memref<96xf32, #tpu.memory_space<vmem>> -> memref<8xf32, #tpu.memory_space<vmem>>
        %parallel_loop3A_911 = tpu.vector_load_idx %parallel_loop3A_910[%parallel_loop3A_888] : memref<8xf32, #tpu.memory_space<vmem>>[vector<16xi32>], vector<16xf32>,
        %parallel_loop3A_912 = arith.constant 8 : i32
        %parallel_loop3A_913 = tpu.memref_slice %arg15[%parallel_loop3A_912] : memref<96xf32, #tpu.memory_space<vmem>> -> memref<8xf32, #tpu.memory_space<vmem>>
        %parallel_loop3A_914 = tpu.vector_load_idx %parallel_loop3A_913[%parallel_loop3A_888] : memref<8xf32, #tpu.memory_space<vmem>>[vector<16xi32>], vector<16xf32>,
        %parallel_loop3A_915 = arith.constant 16 : i32
        %parallel_loop3A_916 = tpu.memref_slice %arg15[%parallel_loop3A_915] : memref<96xf32, #tpu.memory_space<vmem>> -> memref<8xf32, #tpu.memory_space<vmem>>
        %parallel_loop3A_917 = tpu.vector_load_idx %parallel_loop3A_916[%parallel_loop3A_888] : memref<8xf32, #tpu.memory_space<vmem>>[vector<16xi32>], vector<16xf32>,
        %parallel_loop3A_918 = arith.constant 24 : i32
        %parallel_loop3A_919 = tpu.memref_slice %arg15[%parallel_loop3A_918] : memref<96xf32, #tpu.memory_space<vmem>> -> memref<8xf32, #tpu.memory_space<vmem>>
        %parallel_loop3A_920 = tpu.vector_load_idx %parallel_loop3A_919[%parallel_loop3A_888] : memref<8xf32, #tpu.memory_space<vmem>>[vector<16xi32>], vector<16xf32>,
        %parallel_loop3A_921 = arith.constant 32 : i32
        %parallel_loop3A_922 = tpu.memref_slice %arg15[%parallel_loop3A_921] : memref<96xf32, #tpu.memory_space<vmem>> -> memref<8xf32, #tpu.memory_space<vmem>>
        %parallel_loop3A_923 = tpu.vector_load_idx %parallel_loop3A_922[%parallel_loop3A_888] : memref<8xf32, #tpu.memory_space<vmem>>[vector<16xi32>], vector<16xf32>,
        %parallel_loop3A_924 = arith.constant 40 : i32
        %parallel_loop3A_925 = tpu.memref_slice %arg15[%parallel_loop3A_924] : memref<96xf32, #tpu.memory_space<vmem>> -> memref<8xf32, #tpu.memory_space<vmem>>
        %parallel_loop3A_926 = tpu.vector_load_idx %parallel_loop3A_925[%parallel_loop3A_888] : memref<8xf32, #tpu.memory_space<vmem>>[vector<16xi32>], vector<16xf32>,
        %parallel_loop3A_927 = arith.constant 48 : i32
        %parallel_loop3A_928 = tpu.memref_slice %arg15[%parallel_loop3A_927] : memref<96xf32, #tpu.memory_space<vmem>> -> memref<8xf32, #tpu.memory_space<vmem>>
        %parallel_loop3A_929 = tpu.vector_load_idx %parallel_loop3A_928[%parallel_loop3A_888] : memref<8xf32, #tpu.memory_space<vmem>>[vector<16xi32>], vector<16xf32>,
        %parallel_loop3A_930 = arith.constant 56 : i32
        %parallel_loop3A_931 = tpu.memref_slice %arg15[%parallel_loop3A_930] : memref<96xf32, #tpu.memory_space<vmem>> -> memref<8xf32, #tpu.memory_space<vmem>>
        %parallel_loop3A_932 = tpu.vector_load_idx %parallel_loop3A_931[%parallel_loop3A_888] : memref<8xf32, #tpu.memory_space<vmem>>[vector<16xi32>], vector<16xf32>,
        %parallel_loop3A_933 = arith.constant 64 : i32
        %parallel_loop3A_934 = tpu.memref_slice %arg15[%parallel_loop3A_933] : memref<96xf32, #tpu.memory_space<vmem>> -> memref<8xf32, #tpu.memory_space<vmem>>
        %parallel_loop3A_935 = tpu.vector_load_idx %parallel_loop3A_934[%parallel_loop3A_888] : memref<8xf32, #tpu.memory_space<vmem>>[vector<16xi32>], vector<16xf32>,
        %parallel_loop3A_936 = arith.constant 72 : i32
        %parallel_loop3A_937 = tpu.memref_slice %arg15[%parallel_loop3A_936] : memref<96xf32, #tpu.memory_space<vmem>> -> memref<8xf32, #tpu.memory_space<vmem>>
        %parallel_loop3A_938 = tpu.vector_load_idx %parallel_loop3A_937[%parallel_loop3A_888] : memref<8xf32, #tpu.memory_space<vmem>>[vector<16xi32>], vector<16xf32>,
        %parallel_loop3A_939 = arith.constant 80 : i32
        %parallel_loop3A_940 = tpu.memref_slice %arg15[%parallel_loop3A_939] : memref<96xf32, #tpu.memory_space<vmem>> -> memref<8xf32, #tpu.memory_space<vmem>>
        %parallel_loop3A_941 = tpu.vector_load_idx %parallel_loop3A_940[%parallel_loop3A_888] : memref<8xf32, #tpu.memory_space<vmem>>[vector<16xi32>], vector<16xf32>,
        %parallel_loop3A_942 = arith.constant 88 : i32
        %parallel_loop3A_943 = tpu.memref_slice %arg15[%parallel_loop3A_942] : memref<96xf32, #tpu.memory_space<vmem>> -> memref<8xf32, #tpu.memory_space<vmem>>
        %parallel_loop3A_944 = tpu.vector_load_idx %parallel_loop3A_943[%parallel_loop3A_888] : memref<8xf32, #tpu.memory_space<vmem>>[vector<16xi32>], vector<16xf32>,
        %parallel_loop3A_945 = arith.constant 1.000000e+00 : f32
        %parallel_loop3A_946 = vector.broadcast %parallel_loop3A_945 : f32 to vector<16xf32>
        %parallel_loop3A_947 = arith.subf %parallel_loop3A_908, %parallel_loop3A_946 : vector<16xf32>
        %parallel_loop3A_948 = arith.mulf %parallel_loop3A_911, %parallel_loop3A_893 : vector<16xf32>
        %parallel_loop3A_949 = arith.mulf %parallel_loop3A_914, %parallel_loop3A_898 : vector<16xf32>
        %parallel_loop3A_950 = arith.addf %parallel_loop3A_948, %parallel_loop3A_949 : vector<16xf32>
        %parallel_loop3A_951 = arith.mulf %parallel_loop3A_917, %parallel_loop3A_903 : vector<16xf32>
        %parallel_loop3A_952 = arith.addf %parallel_loop3A_950, %parallel_loop3A_951 : vector<16xf32>
        %parallel_loop3A_953 = arith.mulf %parallel_loop3A_947, %parallel_loop3A_920 : vector<16xf32>
        %parallel_loop3A_954 = arith.addf %parallel_loop3A_952, %parallel_loop3A_953 : vector<16xf32>
        %parallel_loop3A_955 = arith.mulf %parallel_loop3A_923, %parallel_loop3A_893 : vector<16xf32>
        %parallel_loop3A_956 = arith.mulf %parallel_loop3A_926, %parallel_loop3A_898 : vector<16xf32>
        %parallel_loop3A_957 = arith.addf %parallel_loop3A_955, %parallel_loop3A_956 : vector<16xf32>
        %parallel_loop3A_958 = arith.mulf %parallel_loop3A_929, %parallel_loop3A_903 : vector<16xf32>
        %parallel_loop3A_959 = arith.addf %parallel_loop3A_957, %parallel_loop3A_958 : vector<16xf32>
        %parallel_loop3A_960 = arith.mulf %parallel_loop3A_947, %parallel_loop3A_932 : vector<16xf32>
        %parallel_loop3A_961 = arith.addf %parallel_loop3A_959, %parallel_loop3A_960 : vector<16xf32>
        %parallel_loop3A_962 = arith.mulf %parallel_loop3A_935, %parallel_loop3A_893 : vector<16xf32>
        %parallel_loop3A_963 = arith.mulf %parallel_loop3A_938, %parallel_loop3A_898 : vector<16xf32>
        %parallel_loop3A_964 = arith.addf %parallel_loop3A_962, %parallel_loop3A_963 : vector<16xf32>
        %parallel_loop3A_965 = arith.mulf %parallel_loop3A_941, %parallel_loop3A_903 : vector<16xf32>
        %parallel_loop3A_966 = arith.addf %parallel_loop3A_964, %parallel_loop3A_965 : vector<16xf32>
        %parallel_loop3A_967 = arith.mulf %parallel_loop3A_947, %parallel_loop3A_944 : vector<16xf32>
        %parallel_loop3A_968 = arith.addf %parallel_loop3A_966, %parallel_loop3A_967 : vector<16xf32>
        %parallel_loop3A_969 = arith.mulf %parallel_loop3A_954, %parallel_loop3A_954 : vector<16xf32>
        %parallel_loop3A_970 = arith.mulf %parallel_loop3A_961, %parallel_loop3A_961 : vector<16xf32>
        %parallel_loop3A_971 = arith.addf %parallel_loop3A_969, %parallel_loop3A_970 : vector<16xf32>
        %parallel_loop3A_972 = arith.mulf %parallel_loop3A_968, %parallel_loop3A_968 : vector<16xf32>
        %parallel_loop3A_973 = arith.addf %parallel_loop3A_971, %parallel_loop3A_972 : vector<16xf32>
        %parallel_loop3A_974 = arith.constant 5.000000e-01 : f32
        %parallel_loop3A_975 = vector.broadcast %parallel_loop3A_974 : f32 to vector<16xf32>
        %parallel_loop3A_976 = arith.mulf %parallel_loop3A_973, %parallel_loop3A_975 : vector<16xf32>
        %parallel_loop3A_977 = vector.bitcast %parallel_loop3A_973 : vector<16xf32> to vector<16xi32>
        %parallel_loop3A_978 = arith.constant 1 : i32
        %parallel_loop3A_979 = vector.broadcast %parallel_loop3A_978 : i32 to vector<16xi32>
        %parallel_loop3A_980 = arith.shrsi %parallel_loop3A_977, %parallel_loop3A_979 : vector<16xi32>
        %parallel_loop3A_981 = arith.constant 1597463007 : i32
        %parallel_loop3A_982 = vector.broadcast %parallel_loop3A_981 : i32 to vector<16xi32>
        %parallel_loop3A_983 = arith.subi %parallel_loop3A_982, %parallel_loop3A_980 : vector<16xi32>
        %parallel_loop3A_984 = vector.bitcast %parallel_loop3A_983 : vector<16xi32> to vector<16xf32>
        %parallel_loop3A_985 = arith.mulf %parallel_loop3A_976, %parallel_loop3A_984 : vector<16xf32>
        %parallel_loop3A_986 = arith.mulf %parallel_loop3A_985, %parallel_loop3A_984 : vector<16xf32>
        %parallel_loop3A_987 = arith.constant 1.500000e+00 : f32
        %parallel_loop3A_988 = vector.broadcast %parallel_loop3A_987 : f32 to vector<16xf32>
        %parallel_loop3A_989 = arith.subf %parallel_loop3A_988, %parallel_loop3A_986 : vector<16xf32>
        %parallel_loop3A_990 = arith.mulf %parallel_loop3A_984, %parallel_loop3A_989 : vector<16xf32>
        %parallel_loop3A_991 = arith.constant 0 : i32
        %parallel_loop3A_992 = arith.index_cast %parallel_loop3A_195 : i32 to index
        %parallel_loop3A_993 = arith.index_cast %parallel_loop3A_991 : i32 to index
        %parallel_loop3A_994 = arith.constant 80 : index
        %parallel_loop3A_995 = tpu.vector_load %arg12[%parallel_loop3A_992, %parallel_loop3A_993, %parallel_loop3A_994] {strides = array<i32>} : memref<32x4x128xf32, #tpu.memory_space<vmem>>, vector<16xf32>,
        tpu.vector_store %arg12[%parallel_loop3A_992, %parallel_loop3A_993, %parallel_loop3A_994], %parallel_loop3A_920 {strides = array<i32>} : memref<32x4x128xf32, #tpu.memory_space<vmem>>, vector<16xf32>,
        %parallel_loop3A_996 = arith.constant 1 : i32
        %parallel_loop3A_997 = arith.index_cast %parallel_loop3A_195 : i32 to index
        %parallel_loop3A_998 = arith.index_cast %parallel_loop3A_996 : i32 to index
        %parallel_loop3A_999 = arith.constant 80 : index
        %parallel_loop3A_1000 = tpu.vector_load %arg12[%parallel_loop3A_997, %parallel_loop3A_998, %parallel_loop3A_999] {strides = array<i32>} : memref<32x4x128xf32, #tpu.memory_space<vmem>>, vector<16xf32>,
        tpu.vector_store %arg12[%parallel_loop3A_997, %parallel_loop3A_998, %parallel_loop3A_999], %parallel_loop3A_932 {strides = array<i32>} : memref<32x4x128xf32, #tpu.memory_space<vmem>>, vector<16xf32>,
        %parallel_loop3A_1001 = arith.constant 2 : i32
        %parallel_loop3A_1002 = arith.index_cast %parallel_loop3A_195 : i32 to index
        %parallel_loop3A_1003 = arith.index_cast %parallel_loop3A_1001 : i32 to index
        %parallel_loop3A_1004 = arith.constant 80 : index
        %parallel_loop3A_1005 = tpu.vector_load %arg12[%parallel_loop3A_1002, %parallel_loop3A_1003, %parallel_loop3A_1004] {strides = array<i32>} : memref<32x4x128xf32, #tpu.memory_space<vmem>>, vector<16xf32>,
        tpu.vector_store %arg12[%parallel_loop3A_1002, %parallel_loop3A_1003, %parallel_loop3A_1004], %parallel_loop3A_944 {strides = array<i32>} : memref<32x4x128xf32, #tpu.memory_space<vmem>>, vector<16xf32>,
        %parallel_loop3A_1006 = arith.mulf %parallel_loop3A_954, %parallel_loop3A_990 : vector<16xf32>
        %parallel_loop3A_1007 = arith.constant 0 : i32
        %parallel_loop3A_1008 = arith.index_cast %parallel_loop3A_195 : i32 to index
        %parallel_loop3A_1009 = arith.index_cast %parallel_loop3A_1007 : i32 to index
        %parallel_loop3A_1010 = arith.constant 80 : index
        %parallel_loop3A_1011 = tpu.vector_load %arg7[%parallel_loop3A_1008, %parallel_loop3A_1009, %parallel_loop3A_1010] {strides = array<i32>} : memref<32x4x128xf32, #tpu.memory_space<vmem>>, vector<16xf32>,
        tpu.vector_store %arg7[%parallel_loop3A_1008, %parallel_loop3A_1009, %parallel_loop3A_1010], %parallel_loop3A_1006 {strides = array<i32>} : memref<32x4x128xf32, #tpu.memory_space<vmem>>, vector<16xf32>,
        %parallel_loop3A_1012 = arith.mulf %parallel_loop3A_961, %parallel_loop3A_990 : vector<16xf32>
        %parallel_loop3A_1013 = arith.constant 1 : i32
        %parallel_loop3A_1014 = arith.index_cast %parallel_loop3A_195 : i32 to index
        %parallel_loop3A_1015 = arith.index_cast %parallel_loop3A_1013 : i32 to index
        %parallel_loop3A_1016 = arith.constant 80 : index
        %parallel_loop3A_1017 = tpu.vector_load %arg7[%parallel_loop3A_1014, %parallel_loop3A_1015, %parallel_loop3A_1016] {strides = array<i32>} : memref<32x4x128xf32, #tpu.memory_space<vmem>>, vector<16xf32>,
        tpu.vector_store %arg7[%parallel_loop3A_1014, %parallel_loop3A_1015, %parallel_loop3A_1016], %parallel_loop3A_1012 {strides = array<i32>} : memref<32x4x128xf32, #tpu.memory_space<vmem>>, vector<16xf32>,
        %parallel_loop3A_1018 = arith.mulf %parallel_loop3A_968, %parallel_loop3A_990 : vector<16xf32>
        %parallel_loop3A_1019 = arith.constant 2 : i32
        %parallel_loop3A_1020 = arith.index_cast %parallel_loop3A_195 : i32 to index
        %parallel_loop3A_1021 = arith.index_cast %parallel_loop3A_1019 : i32 to index
        %parallel_loop3A_1022 = arith.constant 80 : index
        %parallel_loop3A_1023 = tpu.vector_load %arg7[%parallel_loop3A_1020, %parallel_loop3A_1021, %parallel_loop3A_1022] {strides = array<i32>} : memref<32x4x128xf32, #tpu.memory_space<vmem>>, vector<16xf32>,
        tpu.vector_store %arg7[%parallel_loop3A_1020, %parallel_loop3A_1021, %parallel_loop3A_1022], %parallel_loop3A_1018 {strides = array<i32>} : memref<32x4x128xf32, #tpu.memory_space<vmem>>, vector<16xf32>,
        %parallel_loop3A_1024 = arith.index_cast %parallel_loop3A_195 : i32 to index
        %parallel_loop3A_1025 = arith.constant 96 : index
        %parallel_loop3A_1026 = tpu.vector_load %arg9[%parallel_loop3A_1024, %parallel_loop3A_1025] {strides = array<i32>} : memref<32x128xi32, #tpu.memory_space<vmem>>, vector<16xi32>,
        %parallel_loop3A_1027 = arith.constant 0 : i32
        %parallel_loop3A_1028 = arith.index_cast %parallel_loop3A_195 : i32 to index
        %parallel_loop3A_1029 = arith.index_cast %parallel_loop3A_1027 : i32 to index
        %parallel_loop3A_1030 = arith.constant 96 : index
        %parallel_loop3A_1031 = tpu.vector_load %arg16[%parallel_loop3A_1028, %parallel_loop3A_1029, %parallel_loop3A_1030] {strides = array<i32>} : memref<32x4x128xf32, #tpu.memory_space<vmem>>, vector<16xf32>,
        %parallel_loop3A_1032 = arith.constant 1 : i32
        %parallel_loop3A_1033 = arith.index_cast %parallel_loop3A_195 : i32 to index
        %parallel_loop3A_1034 = arith.index_cast %parallel_loop3A_1032 : i32 to index
        %parallel_loop3A_1035 = arith.constant 96 : index
        %parallel_loop3A_1036 = tpu.vector_load %arg16[%parallel_loop3A_1033, %parallel_loop3A_1034, %parallel_loop3A_1035] {strides = array<i32>} : memref<32x4x128xf32, #tpu.memory_space<vmem>>, vector<16xf32>,
        %parallel_loop3A_1037 = arith.constant 2 : i32
        %parallel_loop3A_1038 = arith.index_cast %parallel_loop3A_195 : i32 to index
        %parallel_loop3A_1039 = arith.index_cast %parallel_loop3A_1037 : i32 to index
        %parallel_loop3A_1040 = arith.constant 96 : index
        %parallel_loop3A_1041 = tpu.vector_load %arg16[%parallel_loop3A_1038, %parallel_loop3A_1039, %parallel_loop3A_1040] {strides = array<i32>} : memref<32x4x128xf32, #tpu.memory_space<vmem>>, vector<16xf32>,
        %parallel_loop3A_1042 = arith.constant 3 : i32
        %parallel_loop3A_1043 = arith.index_cast %parallel_loop3A_195 : i32 to index
        %parallel_loop3A_1044 = arith.index_cast %parallel_loop3A_1042 : i32 to index
        %parallel_loop3A_1045 = arith.constant 96 : index
        %parallel_loop3A_1046 = tpu.vector_load %arg16[%parallel_loop3A_1043, %parallel_loop3A_1044, %parallel_loop3A_1045] {strides = array<i32>} : memref<32x4x128xf32, #tpu.memory_space<vmem>>, vector<16xf32>,
        %parallel_loop3A_1047 = arith.constant 0 : i32
        %parallel_loop3A_1048 = tpu.memref_slice %arg15[%parallel_loop3A_1047] : memref<96xf32, #tpu.memory_space<vmem>> -> memref<8xf32, #tpu.memory_space<vmem>>
        %parallel_loop3A_1049 = tpu.vector_load_idx %parallel_loop3A_1048[%parallel_loop3A_1026] : memref<8xf32, #tpu.memory_space<vmem>>[vector<16xi32>], vector<16xf32>,
        %parallel_loop3A_1050 = arith.constant 8 : i32
        %parallel_loop3A_1051 = tpu.memref_slice %arg15[%parallel_loop3A_1050] : memref<96xf32, #tpu.memory_space<vmem>> -> memref<8xf32, #tpu.memory_space<vmem>>
        %parallel_loop3A_1052 = tpu.vector_load_idx %parallel_loop3A_1051[%parallel_loop3A_1026] : memref<8xf32, #tpu.memory_space<vmem>>[vector<16xi32>], vector<16xf32>,
        %parallel_loop3A_1053 = arith.constant 16 : i32
        %parallel_loop3A_1054 = tpu.memref_slice %arg15[%parallel_loop3A_1053] : memref<96xf32, #tpu.memory_space<vmem>> -> memref<8xf32, #tpu.memory_space<vmem>>
        %parallel_loop3A_1055 = tpu.vector_load_idx %parallel_loop3A_1054[%parallel_loop3A_1026] : memref<8xf32, #tpu.memory_space<vmem>>[vector<16xi32>], vector<16xf32>,
        %parallel_loop3A_1056 = arith.constant 24 : i32
        %parallel_loop3A_1057 = tpu.memref_slice %arg15[%parallel_loop3A_1056] : memref<96xf32, #tpu.memory_space<vmem>> -> memref<8xf32, #tpu.memory_space<vmem>>
        %parallel_loop3A_1058 = tpu.vector_load_idx %parallel_loop3A_1057[%parallel_loop3A_1026] : memref<8xf32, #tpu.memory_space<vmem>>[vector<16xi32>], vector<16xf32>,
        %parallel_loop3A_1059 = arith.constant 32 : i32
        %parallel_loop3A_1060 = tpu.memref_slice %arg15[%parallel_loop3A_1059] : memref<96xf32, #tpu.memory_space<vmem>> -> memref<8xf32, #tpu.memory_space<vmem>>
        %parallel_loop3A_1061 = tpu.vector_load_idx %parallel_loop3A_1060[%parallel_loop3A_1026] : memref<8xf32, #tpu.memory_space<vmem>>[vector<16xi32>], vector<16xf32>,
        %parallel_loop3A_1062 = arith.constant 40 : i32
        %parallel_loop3A_1063 = tpu.memref_slice %arg15[%parallel_loop3A_1062] : memref<96xf32, #tpu.memory_space<vmem>> -> memref<8xf32, #tpu.memory_space<vmem>>
        %parallel_loop3A_1064 = tpu.vector_load_idx %parallel_loop3A_1063[%parallel_loop3A_1026] : memref<8xf32, #tpu.memory_space<vmem>>[vector<16xi32>], vector<16xf32>,
        %parallel_loop3A_1065 = arith.constant 48 : i32
        %parallel_loop3A_1066 = tpu.memref_slice %arg15[%parallel_loop3A_1065] : memref<96xf32, #tpu.memory_space<vmem>> -> memref<8xf32, #tpu.memory_space<vmem>>
        %parallel_loop3A_1067 = tpu.vector_load_idx %parallel_loop3A_1066[%parallel_loop3A_1026] : memref<8xf32, #tpu.memory_space<vmem>>[vector<16xi32>], vector<16xf32>,
        %parallel_loop3A_1068 = arith.constant 56 : i32
        %parallel_loop3A_1069 = tpu.memref_slice %arg15[%parallel_loop3A_1068] : memref<96xf32, #tpu.memory_space<vmem>> -> memref<8xf32, #tpu.memory_space<vmem>>
        %parallel_loop3A_1070 = tpu.vector_load_idx %parallel_loop3A_1069[%parallel_loop3A_1026] : memref<8xf32, #tpu.memory_space<vmem>>[vector<16xi32>], vector<16xf32>,
        %parallel_loop3A_1071 = arith.constant 64 : i32
        %parallel_loop3A_1072 = tpu.memref_slice %arg15[%parallel_loop3A_1071] : memref<96xf32, #tpu.memory_space<vmem>> -> memref<8xf32, #tpu.memory_space<vmem>>
        %parallel_loop3A_1073 = tpu.vector_load_idx %parallel_loop3A_1072[%parallel_loop3A_1026] : memref<8xf32, #tpu.memory_space<vmem>>[vector<16xi32>], vector<16xf32>,
        %parallel_loop3A_1074 = arith.constant 72 : i32
        %parallel_loop3A_1075 = tpu.memref_slice %arg15[%parallel_loop3A_1074] : memref<96xf32, #tpu.memory_space<vmem>> -> memref<8xf32, #tpu.memory_space<vmem>>
        %parallel_loop3A_1076 = tpu.vector_load_idx %parallel_loop3A_1075[%parallel_loop3A_1026] : memref<8xf32, #tpu.memory_space<vmem>>[vector<16xi32>], vector<16xf32>,
        %parallel_loop3A_1077 = arith.constant 80 : i32
        %parallel_loop3A_1078 = tpu.memref_slice %arg15[%parallel_loop3A_1077] : memref<96xf32, #tpu.memory_space<vmem>> -> memref<8xf32, #tpu.memory_space<vmem>>
        %parallel_loop3A_1079 = tpu.vector_load_idx %parallel_loop3A_1078[%parallel_loop3A_1026] : memref<8xf32, #tpu.memory_space<vmem>>[vector<16xi32>], vector<16xf32>,
        %parallel_loop3A_1080 = arith.constant 88 : i32
        %parallel_loop3A_1081 = tpu.memref_slice %arg15[%parallel_loop3A_1080] : memref<96xf32, #tpu.memory_space<vmem>> -> memref<8xf32, #tpu.memory_space<vmem>>
        %parallel_loop3A_1082 = tpu.vector_load_idx %parallel_loop3A_1081[%parallel_loop3A_1026] : memref<8xf32, #tpu.memory_space<vmem>>[vector<16xi32>], vector<16xf32>,
        %parallel_loop3A_1083 = arith.constant 1.000000e+00 : f32
        %parallel_loop3A_1084 = vector.broadcast %parallel_loop3A_1083 : f32 to vector<16xf32>
        %parallel_loop3A_1085 = arith.subf %parallel_loop3A_1046, %parallel_loop3A_1084 : vector<16xf32>
        %parallel_loop3A_1086 = arith.mulf %parallel_loop3A_1049, %parallel_loop3A_1031 : vector<16xf32>
        %parallel_loop3A_1087 = arith.mulf %parallel_loop3A_1052, %parallel_loop3A_1036 : vector<16xf32>
        %parallel_loop3A_1088 = arith.addf %parallel_loop3A_1086, %parallel_loop3A_1087 : vector<16xf32>
        %parallel_loop3A_1089 = arith.mulf %parallel_loop3A_1055, %parallel_loop3A_1041 : vector<16xf32>
        %parallel_loop3A_1090 = arith.addf %parallel_loop3A_1088, %parallel_loop3A_1089 : vector<16xf32>
        %parallel_loop3A_1091 = arith.mulf %parallel_loop3A_1085, %parallel_loop3A_1058 : vector<16xf32>
        %parallel_loop3A_1092 = arith.addf %parallel_loop3A_1090, %parallel_loop3A_1091 : vector<16xf32>
        %parallel_loop3A_1093 = arith.mulf %parallel_loop3A_1061, %parallel_loop3A_1031 : vector<16xf32>
        %parallel_loop3A_1094 = arith.mulf %parallel_loop3A_1064, %parallel_loop3A_1036 : vector<16xf32>
        %parallel_loop3A_1095 = arith.addf %parallel_loop3A_1093, %parallel_loop3A_1094 : vector<16xf32>
        %parallel_loop3A_1096 = arith.mulf %parallel_loop3A_1067, %parallel_loop3A_1041 : vector<16xf32>
        %parallel_loop3A_1097 = arith.addf %parallel_loop3A_1095, %parallel_loop3A_1096 : vector<16xf32>
        %parallel_loop3A_1098 = arith.mulf %parallel_loop3A_1085, %parallel_loop3A_1070 : vector<16xf32>
        %parallel_loop3A_1099 = arith.addf %parallel_loop3A_1097, %parallel_loop3A_1098 : vector<16xf32>
        %parallel_loop3A_1100 = arith.mulf %parallel_loop3A_1073, %parallel_loop3A_1031 : vector<16xf32>
        %parallel_loop3A_1101 = arith.mulf %parallel_loop3A_1076, %parallel_loop3A_1036 : vector<16xf32>
        %parallel_loop3A_1102 = arith.addf %parallel_loop3A_1100, %parallel_loop3A_1101 : vector<16xf32>
        %parallel_loop3A_1103 = arith.mulf %parallel_loop3A_1079, %parallel_loop3A_1041 : vector<16xf32>
        %parallel_loop3A_1104 = arith.addf %parallel_loop3A_1102, %parallel_loop3A_1103 : vector<16xf32>
        %parallel_loop3A_1105 = arith.mulf %parallel_loop3A_1085, %parallel_loop3A_1082 : vector<16xf32>
        %parallel_loop3A_1106 = arith.addf %parallel_loop3A_1104, %parallel_loop3A_1105 : vector<16xf32>
        %parallel_loop3A_1107 = arith.mulf %parallel_loop3A_1092, %parallel_loop3A_1092 : vector<16xf32>
        %parallel_loop3A_1108 = arith.mulf %parallel_loop3A_1099, %parallel_loop3A_1099 : vector<16xf32>
        %parallel_loop3A_1109 = arith.addf %parallel_loop3A_1107, %parallel_loop3A_1108 : vector<16xf32>
        %parallel_loop3A_1110 = arith.mulf %parallel_loop3A_1106, %parallel_loop3A_1106 : vector<16xf32>
        %parallel_loop3A_1111 = arith.addf %parallel_loop3A_1109, %parallel_loop3A_1110 : vector<16xf32>
        %parallel_loop3A_1112 = arith.constant 5.000000e-01 : f32
        %parallel_loop3A_1113 = vector.broadcast %parallel_loop3A_1112 : f32 to vector<16xf32>
        %parallel_loop3A_1114 = arith.mulf %parallel_loop3A_1111, %parallel_loop3A_1113 : vector<16xf32>
        %parallel_loop3A_1115 = vector.bitcast %parallel_loop3A_1111 : vector<16xf32> to vector<16xi32>
        %parallel_loop3A_1116 = arith.constant 1 : i32
        %parallel_loop3A_1117 = vector.broadcast %parallel_loop3A_1116 : i32 to vector<16xi32>
        %parallel_loop3A_1118 = arith.shrsi %parallel_loop3A_1115, %parallel_loop3A_1117 : vector<16xi32>
        %parallel_loop3A_1119 = arith.constant 1597463007 : i32
        %parallel_loop3A_1120 = vector.broadcast %parallel_loop3A_1119 : i32 to vector<16xi32>
        %parallel_loop3A_1121 = arith.subi %parallel_loop3A_1120, %parallel_loop3A_1118 : vector<16xi32>
        %parallel_loop3A_1122 = vector.bitcast %parallel_loop3A_1121 : vector<16xi32> to vector<16xf32>
        %parallel_loop3A_1123 = arith.mulf %parallel_loop3A_1114, %parallel_loop3A_1122 : vector<16xf32>
        %parallel_loop3A_1124 = arith.mulf %parallel_loop3A_1123, %parallel_loop3A_1122 : vector<16xf32>
        %parallel_loop3A_1125 = arith.constant 1.500000e+00 : f32
        %parallel_loop3A_1126 = vector.broadcast %parallel_loop3A_1125 : f32 to vector<16xf32>
        %parallel_loop3A_1127 = arith.subf %parallel_loop3A_1126, %parallel_loop3A_1124 : vector<16xf32>
        %parallel_loop3A_1128 = arith.mulf %parallel_loop3A_1122, %parallel_loop3A_1127 : vector<16xf32>
        %parallel_loop3A_1129 = arith.constant 0 : i32
        %parallel_loop3A_1130 = arith.index_cast %parallel_loop3A_195 : i32 to index
        %parallel_loop3A_1131 = arith.index_cast %parallel_loop3A_1129 : i32 to index
        %parallel_loop3A_1132 = arith.constant 96 : index
        %parallel_loop3A_1133 = tpu.vector_load %arg12[%parallel_loop3A_1130, %parallel_loop3A_1131, %parallel_loop3A_1132] {strides = array<i32>} : memref<32x4x128xf32, #tpu.memory_space<vmem>>, vector<16xf32>,
        tpu.vector_store %arg12[%parallel_loop3A_1130, %parallel_loop3A_1131, %parallel_loop3A_1132], %parallel_loop3A_1058 {strides = array<i32>} : memref<32x4x128xf32, #tpu.memory_space<vmem>>, vector<16xf32>,
        %parallel_loop3A_1134 = arith.constant 1 : i32
        %parallel_loop3A_1135 = arith.index_cast %parallel_loop3A_195 : i32 to index
        %parallel_loop3A_1136 = arith.index_cast %parallel_loop3A_1134 : i32 to index
        %parallel_loop3A_1137 = arith.constant 96 : index
        %parallel_loop3A_1138 = tpu.vector_load %arg12[%parallel_loop3A_1135, %parallel_loop3A_1136, %parallel_loop3A_1137] {strides = array<i32>} : memref<32x4x128xf32, #tpu.memory_space<vmem>>, vector<16xf32>,
        tpu.vector_store %arg12[%parallel_loop3A_1135, %parallel_loop3A_1136, %parallel_loop3A_1137], %parallel_loop3A_1070 {strides = array<i32>} : memref<32x4x128xf32, #tpu.memory_space<vmem>>, vector<16xf32>,
        %parallel_loop3A_1139 = arith.constant 2 : i32
        %parallel_loop3A_1140 = arith.index_cast %parallel_loop3A_195 : i32 to index
        %parallel_loop3A_1141 = arith.index_cast %parallel_loop3A_1139 : i32 to index
        %parallel_loop3A_1142 = arith.constant 96 : index
        %parallel_loop3A_1143 = tpu.vector_load %arg12[%parallel_loop3A_1140, %parallel_loop3A_1141, %parallel_loop3A_1142] {strides = array<i32>} : memref<32x4x128xf32, #tpu.memory_space<vmem>>, vector<16xf32>,
        tpu.vector_store %arg12[%parallel_loop3A_1140, %parallel_loop3A_1141, %parallel_loop3A_1142], %parallel_loop3A_1082 {strides = array<i32>} : memref<32x4x128xf32, #tpu.memory_space<vmem>>, vector<16xf32>,
        %parallel_loop3A_1144 = arith.mulf %parallel_loop3A_1092, %parallel_loop3A_1128 : vector<16xf32>
        %parallel_loop3A_1145 = arith.constant 0 : i32
        %parallel_loop3A_1146 = arith.index_cast %parallel_loop3A_195 : i32 to index
        %parallel_loop3A_1147 = arith.index_cast %parallel_loop3A_1145 : i32 to index
        %parallel_loop3A_1148 = arith.constant 96 : index
        %parallel_loop3A_1149 = tpu.vector_load %arg7[%parallel_loop3A_1146, %parallel_loop3A_1147, %parallel_loop3A_1148] {strides = array<i32>} : memref<32x4x128xf32, #tpu.memory_space<vmem>>, vector<16xf32>,
        tpu.vector_store %arg7[%parallel_loop3A_1146, %parallel_loop3A_1147, %parallel_loop3A_1148], %parallel_loop3A_1144 {strides = array<i32>} : memref<32x4x128xf32, #tpu.memory_space<vmem>>, vector<16xf32>,
        %parallel_loop3A_1150 = arith.mulf %parallel_loop3A_1099, %parallel_loop3A_1128 : vector<16xf32>
        %parallel_loop3A_1151 = arith.constant 1 : i32
        %parallel_loop3A_1152 = arith.index_cast %parallel_loop3A_195 : i32 to index
        %parallel_loop3A_1153 = arith.index_cast %parallel_loop3A_1151 : i32 to index
        %parallel_loop3A_1154 = arith.constant 96 : index
        %parallel_loop3A_1155 = tpu.vector_load %arg7[%parallel_loop3A_1152, %parallel_loop3A_1153, %parallel_loop3A_1154] {strides = array<i32>} : memref<32x4x128xf32, #tpu.memory_space<vmem>>, vector<16xf32>,
        tpu.vector_store %arg7[%parallel_loop3A_1152, %parallel_loop3A_1153, %parallel_loop3A_1154], %parallel_loop3A_1150 {strides = array<i32>} : memref<32x4x128xf32, #tpu.memory_space<vmem>>, vector<16xf32>,
        %parallel_loop3A_1156 = arith.mulf %parallel_loop3A_1106, %parallel_loop3A_1128 : vector<16xf32>
        %parallel_loop3A_1157 = arith.constant 2 : i32
        %parallel_loop3A_1158 = arith.index_cast %parallel_loop3A_195 : i32 to index
        %parallel_loop3A_1159 = arith.index_cast %parallel_loop3A_1157 : i32 to index
        %parallel_loop3A_1160 = arith.constant 96 : index
        %parallel_loop3A_1161 = tpu.vector_load %arg7[%parallel_loop3A_1158, %parallel_loop3A_1159, %parallel_loop3A_1160] {strides = array<i32>} : memref<32x4x128xf32, #tpu.memory_space<vmem>>, vector<16xf32>,
        tpu.vector_store %arg7[%parallel_loop3A_1158, %parallel_loop3A_1159, %parallel_loop3A_1160], %parallel_loop3A_1156 {strides = array<i32>} : memref<32x4x128xf32, #tpu.memory_space<vmem>>, vector<16xf32>,
        %parallel_loop3A_1162 = arith.index_cast %parallel_loop3A_195 : i32 to index
        %parallel_loop3A_1163 = arith.constant 112 : index
        %parallel_loop3A_1164 = tpu.vector_load %arg9[%parallel_loop3A_1162, %parallel_loop3A_1163] {strides = array<i32>} : memref<32x128xi32, #tpu.memory_space<vmem>>, vector<16xi32>,
        %parallel_loop3A_1165 = arith.constant 0 : i32
        %parallel_loop3A_1166 = arith.index_cast %parallel_loop3A_195 : i32 to index
        %parallel_loop3A_1167 = arith.index_cast %parallel_loop3A_1165 : i32 to index
        %parallel_loop3A_1168 = arith.constant 112 : index
        %parallel_loop3A_1169 = tpu.vector_load %arg16[%parallel_loop3A_1166, %parallel_loop3A_1167, %parallel_loop3A_1168] {strides = array<i32>} : memref<32x4x128xf32, #tpu.memory_space<vmem>>, vector<16xf32>,
        %parallel_loop3A_1170 = arith.constant 1 : i32
        %parallel_loop3A_1171 = arith.index_cast %parallel_loop3A_195 : i32 to index
        %parallel_loop3A_1172 = arith.index_cast %parallel_loop3A_1170 : i32 to index
        %parallel_loop3A_1173 = arith.constant 112 : index
        %parallel_loop3A_1174 = tpu.vector_load %arg16[%parallel_loop3A_1171, %parallel_loop3A_1172, %parallel_loop3A_1173] {strides = array<i32>} : memref<32x4x128xf32, #tpu.memory_space<vmem>>, vector<16xf32>,
        %parallel_loop3A_1175 = arith.constant 2 : i32
        %parallel_loop3A_1176 = arith.index_cast %parallel_loop3A_195 : i32 to index
        %parallel_loop3A_1177 = arith.index_cast %parallel_loop3A_1175 : i32 to index
        %parallel_loop3A_1178 = arith.constant 112 : index
        %parallel_loop3A_1179 = tpu.vector_load %arg16[%parallel_loop3A_1176, %parallel_loop3A_1177, %parallel_loop3A_1178] {strides = array<i32>} : memref<32x4x128xf32, #tpu.memory_space<vmem>>, vector<16xf32>,
        %parallel_loop3A_1180 = arith.constant 3 : i32
        %parallel_loop3A_1181 = arith.index_cast %parallel_loop3A_195 : i32 to index
        %parallel_loop3A_1182 = arith.index_cast %parallel_loop3A_1180 : i32 to index
        %parallel_loop3A_1183 = arith.constant 112 : index
        %parallel_loop3A_1184 = tpu.vector_load %arg16[%parallel_loop3A_1181, %parallel_loop3A_1182, %parallel_loop3A_1183] {strides = array<i32>} : memref<32x4x128xf32, #tpu.memory_space<vmem>>, vector<16xf32>,
        %parallel_loop3A_1185 = arith.constant 0 : i32
        %parallel_loop3A_1186 = tpu.memref_slice %arg15[%parallel_loop3A_1185] : memref<96xf32, #tpu.memory_space<vmem>> -> memref<8xf32, #tpu.memory_space<vmem>>
        %parallel_loop3A_1187 = tpu.vector_load_idx %parallel_loop3A_1186[%parallel_loop3A_1164] : memref<8xf32, #tpu.memory_space<vmem>>[vector<16xi32>], vector<16xf32>,
        %parallel_loop3A_1188 = arith.constant 8 : i32
        %parallel_loop3A_1189 = tpu.memref_slice %arg15[%parallel_loop3A_1188] : memref<96xf32, #tpu.memory_space<vmem>> -> memref<8xf32, #tpu.memory_space<vmem>>
        %parallel_loop3A_1190 = tpu.vector_load_idx %parallel_loop3A_1189[%parallel_loop3A_1164] : memref<8xf32, #tpu.memory_space<vmem>>[vector<16xi32>], vector<16xf32>,
        %parallel_loop3A_1191 = arith.constant 16 : i32
        %parallel_loop3A_1192 = tpu.memref_slice %arg15[%parallel_loop3A_1191] : memref<96xf32, #tpu.memory_space<vmem>> -> memref<8xf32, #tpu.memory_space<vmem>>
        %parallel_loop3A_1193 = tpu.vector_load_idx %parallel_loop3A_1192[%parallel_loop3A_1164] : memref<8xf32, #tpu.memory_space<vmem>>[vector<16xi32>], vector<16xf32>,
        %parallel_loop3A_1194 = arith.constant 24 : i32
        %parallel_loop3A_1195 = tpu.memref_slice %arg15[%parallel_loop3A_1194] : memref<96xf32, #tpu.memory_space<vmem>> -> memref<8xf32, #tpu.memory_space<vmem>>
        %parallel_loop3A_1196 = tpu.vector_load_idx %parallel_loop3A_1195[%parallel_loop3A_1164] : memref<8xf32, #tpu.memory_space<vmem>>[vector<16xi32>], vector<16xf32>,
        %parallel_loop3A_1197 = arith.constant 32 : i32
        %parallel_loop3A_1198 = tpu.memref_slice %arg15[%parallel_loop3A_1197] : memref<96xf32, #tpu.memory_space<vmem>> -> memref<8xf32, #tpu.memory_space<vmem>>
        %parallel_loop3A_1199 = tpu.vector_load_idx %parallel_loop3A_1198[%parallel_loop3A_1164] : memref<8xf32, #tpu.memory_space<vmem>>[vector<16xi32>], vector<16xf32>,
        %parallel_loop3A_1200 = arith.constant 40 : i32
        %parallel_loop3A_1201 = tpu.memref_slice %arg15[%parallel_loop3A_1200] : memref<96xf32, #tpu.memory_space<vmem>> -> memref<8xf32, #tpu.memory_space<vmem>>
        %parallel_loop3A_1202 = tpu.vector_load_idx %parallel_loop3A_1201[%parallel_loop3A_1164] : memref<8xf32, #tpu.memory_space<vmem>>[vector<16xi32>], vector<16xf32>,
        %parallel_loop3A_1203 = arith.constant 48 : i32
        %parallel_loop3A_1204 = tpu.memref_slice %arg15[%parallel_loop3A_1203] : memref<96xf32, #tpu.memory_space<vmem>> -> memref<8xf32, #tpu.memory_space<vmem>>
        %parallel_loop3A_1205 = tpu.vector_load_idx %parallel_loop3A_1204[%parallel_loop3A_1164] : memref<8xf32, #tpu.memory_space<vmem>>[vector<16xi32>], vector<16xf32>,
        %parallel_loop3A_1206 = arith.constant 56 : i32
        %parallel_loop3A_1207 = tpu.memref_slice %arg15[%parallel_loop3A_1206] : memref<96xf32, #tpu.memory_space<vmem>> -> memref<8xf32, #tpu.memory_space<vmem>>
        %parallel_loop3A_1208 = tpu.vector_load_idx %parallel_loop3A_1207[%parallel_loop3A_1164] : memref<8xf32, #tpu.memory_space<vmem>>[vector<16xi32>], vector<16xf32>,
        %parallel_loop3A_1209 = arith.constant 64 : i32
        %parallel_loop3A_1210 = tpu.memref_slice %arg15[%parallel_loop3A_1209] : memref<96xf32, #tpu.memory_space<vmem>> -> memref<8xf32, #tpu.memory_space<vmem>>
        %parallel_loop3A_1211 = tpu.vector_load_idx %parallel_loop3A_1210[%parallel_loop3A_1164] : memref<8xf32, #tpu.memory_space<vmem>>[vector<16xi32>], vector<16xf32>,
        %parallel_loop3A_1212 = arith.constant 72 : i32
        %parallel_loop3A_1213 = tpu.memref_slice %arg15[%parallel_loop3A_1212] : memref<96xf32, #tpu.memory_space<vmem>> -> memref<8xf32, #tpu.memory_space<vmem>>
        %parallel_loop3A_1214 = tpu.vector_load_idx %parallel_loop3A_1213[%parallel_loop3A_1164] : memref<8xf32, #tpu.memory_space<vmem>>[vector<16xi32>], vector<16xf32>,
        %parallel_loop3A_1215 = arith.constant 80 : i32
        %parallel_loop3A_1216 = tpu.memref_slice %arg15[%parallel_loop3A_1215] : memref<96xf32, #tpu.memory_space<vmem>> -> memref<8xf32, #tpu.memory_space<vmem>>
        %parallel_loop3A_1217 = tpu.vector_load_idx %parallel_loop3A_1216[%parallel_loop3A_1164] : memref<8xf32, #tpu.memory_space<vmem>>[vector<16xi32>], vector<16xf32>,
        %parallel_loop3A_1218 = arith.constant 88 : i32
        %parallel_loop3A_1219 = tpu.memref_slice %arg15[%parallel_loop3A_1218] : memref<96xf32, #tpu.memory_space<vmem>> -> memref<8xf32, #tpu.memory_space<vmem>>
        %parallel_loop3A_1220 = tpu.vector_load_idx %parallel_loop3A_1219[%parallel_loop3A_1164] : memref<8xf32, #tpu.memory_space<vmem>>[vector<16xi32>], vector<16xf32>,
        %parallel_loop3A_1221 = arith.constant 1.000000e+00 : f32
        %parallel_loop3A_1222 = vector.broadcast %parallel_loop3A_1221 : f32 to vector<16xf32>
        %parallel_loop3A_1223 = arith.subf %parallel_loop3A_1184, %parallel_loop3A_1222 : vector<16xf32>
        %parallel_loop3A_1224 = arith.mulf %parallel_loop3A_1187, %parallel_loop3A_1169 : vector<16xf32>
        %parallel_loop3A_1225 = arith.mulf %parallel_loop3A_1190, %parallel_loop3A_1174 : vector<16xf32>
        %parallel_loop3A_1226 = arith.addf %parallel_loop3A_1224, %parallel_loop3A_1225 : vector<16xf32>
        %parallel_loop3A_1227 = arith.mulf %parallel_loop3A_1193, %parallel_loop3A_1179 : vector<16xf32>
        %parallel_loop3A_1228 = arith.addf %parallel_loop3A_1226, %parallel_loop3A_1227 : vector<16xf32>
        %parallel_loop3A_1229 = arith.mulf %parallel_loop3A_1223, %parallel_loop3A_1196 : vector<16xf32>
        %parallel_loop3A_1230 = arith.addf %parallel_loop3A_1228, %parallel_loop3A_1229 : vector<16xf32>
        %parallel_loop3A_1231 = arith.mulf %parallel_loop3A_1199, %parallel_loop3A_1169 : vector<16xf32>
        %parallel_loop3A_1232 = arith.mulf %parallel_loop3A_1202, %parallel_loop3A_1174 : vector<16xf32>
        %parallel_loop3A_1233 = arith.addf %parallel_loop3A_1231, %parallel_loop3A_1232 : vector<16xf32>
        %parallel_loop3A_1234 = arith.mulf %parallel_loop3A_1205, %parallel_loop3A_1179 : vector<16xf32>
        %parallel_loop3A_1235 = arith.addf %parallel_loop3A_1233, %parallel_loop3A_1234 : vector<16xf32>
        %parallel_loop3A_1236 = arith.mulf %parallel_loop3A_1223, %parallel_loop3A_1208 : vector<16xf32>
        %parallel_loop3A_1237 = arith.addf %parallel_loop3A_1235, %parallel_loop3A_1236 : vector<16xf32>
        %parallel_loop3A_1238 = arith.mulf %parallel_loop3A_1211, %parallel_loop3A_1169 : vector<16xf32>
        %parallel_loop3A_1239 = arith.mulf %parallel_loop3A_1214, %parallel_loop3A_1174 : vector<16xf32>
        %parallel_loop3A_1240 = arith.addf %parallel_loop3A_1238, %parallel_loop3A_1239 : vector<16xf32>
        %parallel_loop3A_1241 = arith.mulf %parallel_loop3A_1217, %parallel_loop3A_1179 : vector<16xf32>
        %parallel_loop3A_1242 = arith.addf %parallel_loop3A_1240, %parallel_loop3A_1241 : vector<16xf32>
        %parallel_loop3A_1243 = arith.mulf %parallel_loop3A_1223, %parallel_loop3A_1220 : vector<16xf32>
        %parallel_loop3A_1244 = arith.addf %parallel_loop3A_1242, %parallel_loop3A_1243 : vector<16xf32>
        %parallel_loop3A_1245 = arith.mulf %parallel_loop3A_1230, %parallel_loop3A_1230 : vector<16xf32>
        %parallel_loop3A_1246 = arith.mulf %parallel_loop3A_1237, %parallel_loop3A_1237 : vector<16xf32>
        %parallel_loop3A_1247 = arith.addf %parallel_loop3A_1245, %parallel_loop3A_1246 : vector<16xf32>
        %parallel_loop3A_1248 = arith.mulf %parallel_loop3A_1244, %parallel_loop3A_1244 : vector<16xf32>
        %parallel_loop3A_1249 = arith.addf %parallel_loop3A_1247, %parallel_loop3A_1248 : vector<16xf32>
        %parallel_loop3A_1250 = arith.constant 5.000000e-01 : f32
        %parallel_loop3A_1251 = vector.broadcast %parallel_loop3A_1250 : f32 to vector<16xf32>
        %parallel_loop3A_1252 = arith.mulf %parallel_loop3A_1249, %parallel_loop3A_1251 : vector<16xf32>
        %parallel_loop3A_1253 = vector.bitcast %parallel_loop3A_1249 : vector<16xf32> to vector<16xi32>
        %parallel_loop3A_1254 = arith.constant 1 : i32
        %parallel_loop3A_1255 = vector.broadcast %parallel_loop3A_1254 : i32 to vector<16xi32>
        %parallel_loop3A_1256 = arith.shrsi %parallel_loop3A_1253, %parallel_loop3A_1255 : vector<16xi32>
        %parallel_loop3A_1257 = arith.constant 1597463007 : i32
        %parallel_loop3A_1258 = vector.broadcast %parallel_loop3A_1257 : i32 to vector<16xi32>
        %parallel_loop3A_1259 = arith.subi %parallel_loop3A_1258, %parallel_loop3A_1256 : vector<16xi32>
        %parallel_loop3A_1260 = vector.bitcast %parallel_loop3A_1259 : vector<16xi32> to vector<16xf32>
        %parallel_loop3A_1261 = arith.mulf %parallel_loop3A_1252, %parallel_loop3A_1260 : vector<16xf32>
        %parallel_loop3A_1262 = arith.mulf %parallel_loop3A_1261, %parallel_loop3A_1260 : vector<16xf32>
        %parallel_loop3A_1263 = arith.constant 1.500000e+00 : f32
        %parallel_loop3A_1264 = vector.broadcast %parallel_loop3A_1263 : f32 to vector<16xf32>
        %parallel_loop3A_1265 = arith.subf %parallel_loop3A_1264, %parallel_loop3A_1262 : vector<16xf32>
        %parallel_loop3A_1266 = arith.mulf %parallel_loop3A_1260, %parallel_loop3A_1265 : vector<16xf32>
        %parallel_loop3A_1267 = arith.constant 0 : i32
        %parallel_loop3A_1268 = arith.index_cast %parallel_loop3A_195 : i32 to index
        %parallel_loop3A_1269 = arith.index_cast %parallel_loop3A_1267 : i32 to index
        %parallel_loop3A_1270 = arith.constant 112 : index
        %parallel_loop3A_1271 = tpu.vector_load %arg12[%parallel_loop3A_1268, %parallel_loop3A_1269, %parallel_loop3A_1270] {strides = array<i32>} : memref<32x4x128xf32, #tpu.memory_space<vmem>>, vector<16xf32>,
        tpu.vector_store %arg12[%parallel_loop3A_1268, %parallel_loop3A_1269, %parallel_loop3A_1270], %parallel_loop3A_1196 {strides = array<i32>} : memref<32x4x128xf32, #tpu.memory_space<vmem>>, vector<16xf32>,
        %parallel_loop3A_1272 = arith.constant 1 : i32
        %parallel_loop3A_1273 = arith.index_cast %parallel_loop3A_195 : i32 to index
        %parallel_loop3A_1274 = arith.index_cast %parallel_loop3A_1272 : i32 to index
        %parallel_loop3A_1275 = arith.constant 112 : index
        %parallel_loop3A_1276 = tpu.vector_load %arg12[%parallel_loop3A_1273, %parallel_loop3A_1274, %parallel_loop3A_1275] {strides = array<i32>} : memref<32x4x128xf32, #tpu.memory_space<vmem>>, vector<16xf32>,
        tpu.vector_store %arg12[%parallel_loop3A_1273, %parallel_loop3A_1274, %parallel_loop3A_1275], %parallel_loop3A_1208 {strides = array<i32>} : memref<32x4x128xf32, #tpu.memory_space<vmem>>, vector<16xf32>,
        %parallel_loop3A_1277 = arith.constant 2 : i32
        %parallel_loop3A_1278 = arith.index_cast %parallel_loop3A_195 : i32 to index
        %parallel_loop3A_1279 = arith.index_cast %parallel_loop3A_1277 : i32 to index
        %parallel_loop3A_1280 = arith.constant 112 : index
        %parallel_loop3A_1281 = tpu.vector_load %arg12[%parallel_loop3A_1278, %parallel_loop3A_1279, %parallel_loop3A_1280] {strides = array<i32>} : memref<32x4x128xf32, #tpu.memory_space<vmem>>, vector<16xf32>,
        tpu.vector_store %arg12[%parallel_loop3A_1278, %parallel_loop3A_1279, %parallel_loop3A_1280], %parallel_loop3A_1220 {strides = array<i32>} : memref<32x4x128xf32, #tpu.memory_space<vmem>>, vector<16xf32>,
        %parallel_loop3A_1282 = arith.mulf %parallel_loop3A_1230, %parallel_loop3A_1266 : vector<16xf32>
        %parallel_loop3A_1283 = arith.constant 0 : i32
        %parallel_loop3A_1284 = arith.index_cast %parallel_loop3A_195 : i32 to index
        %parallel_loop3A_1285 = arith.index_cast %parallel_loop3A_1283 : i32 to index
        %parallel_loop3A_1286 = arith.constant 112 : index
        %parallel_loop3A_1287 = tpu.vector_load %arg7[%parallel_loop3A_1284, %parallel_loop3A_1285, %parallel_loop3A_1286] {strides = array<i32>} : memref<32x4x128xf32, #tpu.memory_space<vmem>>, vector<16xf32>,
        tpu.vector_store %arg7[%parallel_loop3A_1284, %parallel_loop3A_1285, %parallel_loop3A_1286], %parallel_loop3A_1282 {strides = array<i32>} : memref<32x4x128xf32, #tpu.memory_space<vmem>>, vector<16xf32>,
        %parallel_loop3A_1288 = arith.mulf %parallel_loop3A_1237, %parallel_loop3A_1266 : vector<16xf32>
        %parallel_loop3A_1289 = arith.constant 1 : i32
        %parallel_loop3A_1290 = arith.index_cast %parallel_loop3A_195 : i32 to index
        %parallel_loop3A_1291 = arith.index_cast %parallel_loop3A_1289 : i32 to index
        %parallel_loop3A_1292 = arith.constant 112 : index
        %parallel_loop3A_1293 = tpu.vector_load %arg7[%parallel_loop3A_1290, %parallel_loop3A_1291, %parallel_loop3A_1292] {strides = array<i32>} : memref<32x4x128xf32, #tpu.memory_space<vmem>>, vector<16xf32>,
        tpu.vector_store %arg7[%parallel_loop3A_1290, %parallel_loop3A_1291, %parallel_loop3A_1292], %parallel_loop3A_1288 {strides = array<i32>} : memref<32x4x128xf32, #tpu.memory_space<vmem>>, vector<16xf32>,
        %parallel_loop3A_1294 = arith.mulf %parallel_loop3A_1244, %parallel_loop3A_1266 : vector<16xf32>
        %parallel_loop3A_1295 = arith.constant 2 : i32
        %parallel_loop3A_1296 = arith.index_cast %parallel_loop3A_195 : i32 to index
        %parallel_loop3A_1297 = arith.index_cast %parallel_loop3A_1295 : i32 to index
        %parallel_loop3A_1298 = arith.constant 112 : index
        %parallel_loop3A_1299 = tpu.vector_load %arg7[%parallel_loop3A_1296, %parallel_loop3A_1297, %parallel_loop3A_1298] {strides = array<i32>} : memref<32x4x128xf32, #tpu.memory_space<vmem>>, vector<16xf32>,
        tpu.vector_store %arg7[%parallel_loop3A_1296, %parallel_loop3A_1297, %parallel_loop3A_1298], %parallel_loop3A_1294 {strides = array<i32>} : memref<32x4x128xf32, #tpu.memory_space<vmem>>, vector<16xf32>,
      } {sc.loop_unroll_factor = 1 : i64, sc.parallel_access}
      %mul3A_108 = arith.constant 32 : i32
      %mul3A_109 = arith.muli %add3A_76, %mul3A_108 : i32
      %add3A_110 = arith.addi %mul3A_2, %mul3A_109 : i32
      %dma_start3A_111 = arith.constant 0 : i32
      %dma_start3A_112 = arith.constant 0 : i32
      %dma_start3A_113 = arith.constant 0 : i32
      %dma_start3A_114 = arith.constant 0 : i32
      %dma_start3A_115 = tpu.memref_slice %arg5[%add3A_110, %dma_start3A_113, %dma_start3A_114] : memref<16384x4x128xf32, #tpu.memory_space<hbm>> -> memref<32x4x128xf32, #tpu.memory_space<hbm>>
      %dma_start3A_116 = tpu.memref_slice %arg14[%dma_start3A_111, %dma_start3A_112] : memref<2x2x!tpu.dma_semaphore, #tpu.memory_space<semaphore_mem>> -> memref<1x1x!tpu.dma_semaphore, #tpu.memory_space<semaphore_mem>>
      %dma_start3A_117 = tpu.memref_squeeze %dma_start3A_116 : memref<1x1x!tpu.dma_semaphore, #tpu.memory_space<semaphore_mem>> -> memref<!tpu.dma_semaphore, #tpu.memory_space<semaphore_mem>>
      %dma_start3A_118 = arith.constant 0 : i32
      %dma_start3A_119 = arith.constant 0 : i32
      %dma_start3A_120 = tpu.memref_slice %arg5[%add3A_110, %dma_start3A_118, %dma_start3A_119] : memref<16384x4x128xf32, #tpu.memory_space<hbm>> -> memref<32x4x128xf32, #tpu.memory_space<hbm>>
      tpu.enqueue_dma source(%arg12 : memref<32x4x128xf32, #tpu.memory_space<vmem>>) target(%dma_start3A_120 : memref<32x4x128xf32, #tpu.memory_space<hbm>>) target_semaphore(%dma_start3A_117 : memref<!tpu.dma_semaphore, #tpu.memory_space<semaphore_mem>>)
      %dma_start3A_121 = arith.constant 0 : i32
      %dma_start3A_122 = arith.constant 1 : i32
      %dma_start3A_123 = arith.constant 0 : i32
      %dma_start3A_124 = arith.constant 0 : i32
      %dma_start3A_125 = tpu.memref_slice %arg6[%add3A_110, %dma_start3A_123, %dma_start3A_124] : memref<16384x4x128xf32, #tpu.memory_space<hbm>> -> memref<32x4x128xf32, #tpu.memory_space<hbm>>
      %dma_start3A_126 = tpu.memref_slice %arg14[%dma_start3A_121, %dma_start3A_122] : memref<2x2x!tpu.dma_semaphore, #tpu.memory_space<semaphore_mem>> -> memref<1x1x!tpu.dma_semaphore, #tpu.memory_space<semaphore_mem>>
      %dma_start3A_127 = tpu.memref_squeeze %dma_start3A_126 : memref<1x1x!tpu.dma_semaphore, #tpu.memory_space<semaphore_mem>> -> memref<!tpu.dma_semaphore, #tpu.memory_space<semaphore_mem>>
      %dma_start3A_128 = arith.constant 0 : i32
      %dma_start3A_129 = arith.constant 0 : i32
      %dma_start3A_130 = tpu.memref_slice %arg6[%add3A_110, %dma_start3A_128, %dma_start3A_129] : memref<16384x4x128xf32, #tpu.memory_space<hbm>> -> memref<32x4x128xf32, #tpu.memory_space<hbm>>
      tpu.enqueue_dma source(%arg7 : memref<32x4x128xf32, #tpu.memory_space<vmem>>) target(%dma_start3A_130 : memref<32x4x128xf32, #tpu.memory_space<hbm>>) target_semaphore(%dma_start3A_127 : memref<!tpu.dma_semaphore, #tpu.memory_space<semaphore_mem>>)
      %mul3A_131 = arith.constant 2 : i32
      %mul3A_132 = arith.muli %scan3A_71, %mul3A_131 : i32
      %add3A_133 = arith.constant 1 : i32
      %add3A_134 = arith.addi %mul3A_132, %add3A_133 : i32
      %add3A_135 = arith.constant 1 : i32
      %add3A_136 = arith.addi %add3A_134, %add3A_135 : i32
      %lt3A_137 = arith.constant 16 : i32
      %lt3A_138 = arith.cmpi slt, %add3A_136, %lt3A_137 : i32
      %convert_element_type3A_139 = arith.extui %lt3A_138 : i1 to i32
      %cond3A_140 = arith.constant 0 : i32
      %cond3A_141 = arith.cmpi ne, %convert_element_type3A_139, %cond3A_140 : i32
      scf.if %cond3A_141 {
        %add3A_195 = arith.constant 1 : i32
        %add3A_196 = arith.addi %add3A_134, %add3A_195 : i32
        %mul3A_197 = arith.constant 32 : i32
        %mul3A_198 = arith.muli %add3A_196, %mul3A_197 : i32
        %add3A_199 = arith.addi %mul3A_2, %mul3A_198 : i32
        %dma_start3A_200 = arith.constant 0 : i32
        %dma_start3A_201 = arith.constant 0 : i32
        %dma_start3A_202 = arith.constant 0 : i32
        %dma_start3A_203 = arith.constant 0 : i32
        %dma_start3A_204 = tpu.memref_slice %arg2[%add3A_199, %dma_start3A_202, %dma_start3A_203] : memref<16384x4x128xf32, #tpu.memory_space<hbm>> -> memref<32x4x128xf32, #tpu.memory_space<hbm>>
        %dma_start3A_205 = tpu.memref_slice %arg11[%dma_start3A_200, %dma_start3A_201] : memref<2x2x!tpu.dma_semaphore, #tpu.memory_space<semaphore_mem>> -> memref<1x1x!tpu.dma_semaphore, #tpu.memory_space<semaphore_mem>>
        %dma_start3A_206 = tpu.memref_squeeze %dma_start3A_205 : memref<1x1x!tpu.dma_semaphore, #tpu.memory_space<semaphore_mem>> -> memref<!tpu.dma_semaphore, #tpu.memory_space<semaphore_mem>>
        %dma_start3A_207 = arith.constant 0 : i32
        %dma_start3A_208 = arith.constant 0 : i32
        %dma_start3A_209 = tpu.memref_slice %arg2[%add3A_199, %dma_start3A_207, %dma_start3A_208] : memref<16384x4x128xf32, #tpu.memory_space<hbm>> -> memref<32x4x128xf32, #tpu.memory_space<hbm>>
        tpu.enqueue_dma source(%dma_start3A_209 : memref<32x4x128xf32, #tpu.memory_space<hbm>>) target(%arg16 : memref<32x4x128xf32, #tpu.memory_space<vmem>>) target_semaphore(%dma_start3A_206 : memref<!tpu.dma_semaphore, #tpu.memory_space<semaphore_mem>>)
        %dma_start3A_210 = arith.constant 0 : i32
        %dma_start3A_211 = arith.constant 1 : i32
        %dma_start3A_212 = arith.constant 0 : i32
        %dma_start3A_213 = tpu.memref_slice %arg3[%add3A_199, %dma_start3A_212] : memref<16384x128xi32, #tpu.memory_space<hbm>> -> memref<32x128xi32, #tpu.memory_space<hbm>>
        %dma_start3A_214 = tpu.memref_slice %arg11[%dma_start3A_210, %dma_start3A_211] : memref<2x2x!tpu.dma_semaphore, #tpu.memory_space<semaphore_mem>> -> memref<1x1x!tpu.dma_semaphore, #tpu.memory_space<semaphore_mem>>
        %dma_start3A_215 = tpu.memref_squeeze %dma_start3A_214 : memref<1x1x!tpu.dma_semaphore, #tpu.memory_space<semaphore_mem>> -> memref<!tpu.dma_semaphore, #tpu.memory_space<semaphore_mem>>
        %dma_start3A_216 = arith.constant 0 : i32
        %dma_start3A_217 = tpu.memref_slice %arg3[%add3A_199, %dma_start3A_216] : memref<16384x128xi32, #tpu.memory_space<hbm>> -> memref<32x128xi32, #tpu.memory_space<hbm>>
        tpu.enqueue_dma source(%dma_start3A_217 : memref<32x128xi32, #tpu.memory_space<hbm>>) target(%arg9 : memref<32x128xi32, #tpu.memory_space<vmem>>) target_semaphore(%dma_start3A_215 : memref<!tpu.dma_semaphore, #tpu.memory_space<semaphore_mem>>)
      } else {
      }
      %mul3A_142 = arith.constant 32 : i32
      %mul3A_143 = arith.muli %add3A_134, %mul3A_142 : i32
      %add3A_144 = arith.addi %mul3A_2, %mul3A_143 : i32
      %dma_wait3A_145 = arith.constant 1 : i32
      %dma_wait3A_146 = arith.constant 0 : i32
      %dma_wait3A_147 = arith.constant 0 : i32
      %dma_wait3A_148 = arith.constant 0 : i32
      %dma_wait3A_149 = tpu.memref_slice %arg2[%add3A_144, %dma_wait3A_147, %dma_wait3A_148] : memref<16384x4x128xf32, #tpu.memory_space<hbm>> -> memref<32x4x128xf32, #tpu.memory_space<hbm>>
      %dma_wait3A_150 = tpu.memref_slice %arg11[%dma_wait3A_145, %dma_wait3A_146] : memref<2x2x!tpu.dma_semaphore, #tpu.memory_space<semaphore_mem>> -> memref<1x1x!tpu.dma_semaphore, #tpu.memory_space<semaphore_mem>>
      %dma_wait3A_151 = tpu.memref_squeeze %dma_wait3A_150 : memref<1x1x!tpu.dma_semaphore, #tpu.memory_space<semaphore_mem>> -> memref<!tpu.dma_semaphore, #tpu.memory_space<semaphore_mem>>
      %dma_wait3A_152 = arith.constant 0 : i32
      %dma_wait3A_153 = arith.constant 0 : i32
      %dma_wait3A_154 = tpu.memref_slice %arg2[%add3A_144, %dma_wait3A_152, %dma_wait3A_153] : memref<16384x4x128xf32, #tpu.memory_space<hbm>> -> memref<32x4x128xf32, #tpu.memory_space<hbm>>
      tpu.wait_dma2 semaphore(%dma_wait3A_151 : memref<!tpu.dma_semaphore, #tpu.memory_space<semaphore_mem>>) src(%dma_wait3A_154 : memref<32x4x128xf32, #tpu.memory_space<hbm>>) dst(%arg17 : memref<32x4x128xf32, #tpu.memory_space<vmem>>)
      %dma_wait3A_155 = arith.constant 1 : i32
      %dma_wait3A_156 = arith.constant 1 : i32
      %dma_wait3A_157 = arith.constant 0 : i32
      %dma_wait3A_158 = tpu.memref_slice %arg3[%add3A_144, %dma_wait3A_157] : memref<16384x128xi32, #tpu.memory_space<hbm>> -> memref<32x128xi32, #tpu.memory_space<hbm>>
      %dma_wait3A_159 = tpu.memref_slice %arg11[%dma_wait3A_155, %dma_wait3A_156] : memref<2x2x!tpu.dma_semaphore, #tpu.memory_space<semaphore_mem>> -> memref<1x1x!tpu.dma_semaphore, #tpu.memory_space<semaphore_mem>>
      %dma_wait3A_160 = tpu.memref_squeeze %dma_wait3A_159 : memref<1x1x!tpu.dma_semaphore, #tpu.memory_space<semaphore_mem>> -> memref<!tpu.dma_semaphore, #tpu.memory_space<semaphore_mem>>
      %dma_wait3A_161 = arith.constant 0 : i32
      %dma_wait3A_162 = tpu.memref_slice %arg3[%add3A_144, %dma_wait3A_161] : memref<16384x128xi32, #tpu.memory_space<hbm>> -> memref<32x128xi32, #tpu.memory_space<hbm>>
      tpu.wait_dma2 semaphore(%dma_wait3A_160 : memref<!tpu.dma_semaphore, #tpu.memory_space<semaphore_mem>>) src(%dma_wait3A_162 : memref<32x128xi32, #tpu.memory_space<hbm>>) dst(%arg10 : memref<32x128xi32, #tpu.memory_space<vmem>>)
      %ge3A_163 = arith.constant 2 : i32
      %ge3A_164 = arith.cmpi sge, %add3A_134, %ge3A_163 : i32
      %convert_element_type3A_165 = arith.extui %ge3A_164 : i1 to i32
      %cond3A_166 = arith.constant 0 : i32
      %cond3A_167 = arith.cmpi ne, %convert_element_type3A_165, %cond3A_166 : i32
      scf.if %cond3A_167 {
        %sub3A = arith.constant 2 : i32
        %sub3A_195 = arith.subi %add3A_134, %sub3A : i32
        %mul3A_196 = arith.constant 32 : i32
        %mul3A_197 = arith.muli %sub3A_195, %mul3A_196 : i32
        %add3A_198 = arith.addi %mul3A_2, %mul3A_197 : i32
        %dma_wait3A_199 = arith.constant 1 : i32
        %dma_wait3A_200 = arith.constant 0 : i32
        %dma_wait3A_201 = arith.constant 0 : i32
        %dma_wait3A_202 = arith.constant 0 : i32
        %dma_wait3A_203 = tpu.memref_slice %arg5[%add3A_198, %dma_wait3A_201, %dma_wait3A_202] : memref<16384x4x128xf32, #tpu.memory_space<hbm>> -> memref<32x4x128xf32, #tpu.memory_space<hbm>>
        %dma_wait3A_204 = tpu.memref_slice %arg14[%dma_wait3A_199, %dma_wait3A_200] : memref<2x2x!tpu.dma_semaphore, #tpu.memory_space<semaphore_mem>> -> memref<1x1x!tpu.dma_semaphore, #tpu.memory_space<semaphore_mem>>
        %dma_wait3A_205 = tpu.memref_squeeze %dma_wait3A_204 : memref<1x1x!tpu.dma_semaphore, #tpu.memory_space<semaphore_mem>> -> memref<!tpu.dma_semaphore, #tpu.memory_space<semaphore_mem>>
        %dma_wait3A_206 = arith.constant 0 : i32
        %dma_wait3A_207 = arith.constant 0 : i32
        %dma_wait3A_208 = tpu.memref_slice %arg5[%add3A_198, %dma_wait3A_206, %dma_wait3A_207] : memref<16384x4x128xf32, #tpu.memory_space<hbm>> -> memref<32x4x128xf32, #tpu.memory_space<hbm>>
        tpu.wait_dma2 semaphore(%dma_wait3A_205 : memref<!tpu.dma_semaphore, #tpu.memory_space<semaphore_mem>>) src(%arg13 : memref<32x4x128xf32, #tpu.memory_space<vmem>>) dst(%dma_wait3A_208 : memref<32x4x128xf32, #tpu.memory_space<hbm>>)
        %dma_wait3A_209 = arith.constant 1 : i32
        %dma_wait3A_210 = arith.constant 1 : i32
        %dma_wait3A_211 = arith.constant 0 : i32
        %dma_wait3A_212 = arith.constant 0 : i32
        %dma_wait3A_213 = tpu.memref_slice %arg6[%add3A_198, %dma_wait3A_211, %dma_wait3A_212] : memref<16384x4x128xf32, #tpu.memory_space<hbm>> -> memref<32x4x128xf32, #tpu.memory_space<hbm>>
        %dma_wait3A_214 = tpu.memref_slice %arg14[%dma_wait3A_209, %dma_wait3A_210] : memref<2x2x!tpu.dma_semaphore, #tpu.memory_space<semaphore_mem>> -> memref<1x1x!tpu.dma_semaphore, #tpu.memory_space<semaphore_mem>>
        %dma_wait3A_215 = tpu.memref_squeeze %dma_wait3A_214 : memref<1x1x!tpu.dma_semaphore, #tpu.memory_space<semaphore_mem>> -> memref<!tpu.dma_semaphore, #tpu.memory_space<semaphore_mem>>
        %dma_wait3A_216 = arith.constant 0 : i32
        %dma_wait3A_217 = arith.constant 0 : i32
        %dma_wait3A_218 = tpu.memref_slice %arg6[%add3A_198, %dma_wait3A_216, %dma_wait3A_217] : memref<16384x4x128xf32, #tpu.memory_space<hbm>> -> memref<32x4x128xf32, #tpu.memory_space<hbm>>
        tpu.wait_dma2 semaphore(%dma_wait3A_215 : memref<!tpu.dma_semaphore, #tpu.memory_space<semaphore_mem>>) src(%arg8 : memref<32x4x128xf32, #tpu.memory_space<vmem>>) dst(%dma_wait3A_218 : memref<32x4x128xf32, #tpu.memory_space<hbm>>)
      } else {
      }
      %parallel_loop3A_168 = arith.constant 0 : i32
      %parallel_loop3A_169 = arith.constant 32 : i32
      %parallel_loop3A_170 = arith.constant 1 : i32
      scf.for %parallel_loop3A_195 = %parallel_loop3A_168 to %parallel_loop3A_169 step %parallel_loop3A_170  : i32 {
        %parallel_loop3A_196 = arith.index_cast %parallel_loop3A_195 : i32 to index
        %parallel_loop3A_197 = arith.constant 0 : index
        %parallel_loop3A_198 = tpu.vector_load %arg10[%parallel_loop3A_196, %parallel_loop3A_197] {strides = array<i32>} : memref<32x128xi32, #tpu.memory_space<vmem>>, vector<16xi32>,
        %parallel_loop3A_199 = arith.constant 0 : i32
        %parallel_loop3A_200 = arith.index_cast %parallel_loop3A_195 : i32 to index
        %parallel_loop3A_201 = arith.index_cast %parallel_loop3A_199 : i32 to index
        %parallel_loop3A_202 = arith.constant 0 : index
        %parallel_loop3A_203 = tpu.vector_load %arg17[%parallel_loop3A_200, %parallel_loop3A_201, %parallel_loop3A_202] {strides = array<i32>} : memref<32x4x128xf32, #tpu.memory_space<vmem>>, vector<16xf32>,
        %parallel_loop3A_204 = arith.constant 1 : i32
        %parallel_loop3A_205 = arith.index_cast %parallel_loop3A_195 : i32 to index
        %parallel_loop3A_206 = arith.index_cast %parallel_loop3A_204 : i32 to index
        %parallel_loop3A_207 = arith.constant 0 : index
        %parallel_loop3A_208 = tpu.vector_load %arg17[%parallel_loop3A_205, %parallel_loop3A_206, %parallel_loop3A_207] {strides = array<i32>} : memref<32x4x128xf32, #tpu.memory_space<vmem>>, vector<16xf32>,
        %parallel_loop3A_209 = arith.constant 2 : i32
        %parallel_loop3A_210 = arith.index_cast %parallel_loop3A_195 : i32 to index
        %parallel_loop3A_211 = arith.index_cast %parallel_loop3A_209 : i32 to index
        %parallel_loop3A_212 = arith.constant 0 : index
        %parallel_loop3A_213 = tpu.vector_load %arg17[%parallel_loop3A_210, %parallel_loop3A_211, %parallel_loop3A_212] {strides = array<i32>} : memref<32x4x128xf32, #tpu.memory_space<vmem>>, vector<16xf32>,
        %parallel_loop3A_214 = arith.constant 3 : i32
        %parallel_loop3A_215 = arith.index_cast %parallel_loop3A_195 : i32 to index
        %parallel_loop3A_216 = arith.index_cast %parallel_loop3A_214 : i32 to index
        %parallel_loop3A_217 = arith.constant 0 : index
        %parallel_loop3A_218 = tpu.vector_load %arg17[%parallel_loop3A_215, %parallel_loop3A_216, %parallel_loop3A_217] {strides = array<i32>} : memref<32x4x128xf32, #tpu.memory_space<vmem>>, vector<16xf32>,
        %parallel_loop3A_219 = arith.constant 0 : i32
        %parallel_loop3A_220 = tpu.memref_slice %arg15[%parallel_loop3A_219] : memref<96xf32, #tpu.memory_space<vmem>> -> memref<8xf32, #tpu.memory_space<vmem>>
        %parallel_loop3A_221 = tpu.vector_load_idx %parallel_loop3A_220[%parallel_loop3A_198] : memref<8xf32, #tpu.memory_space<vmem>>[vector<16xi32>], vector<16xf32>,
        %parallel_loop3A_222 = arith.constant 8 : i32
        %parallel_loop3A_223 = tpu.memref_slice %arg15[%parallel_loop3A_222] : memref<96xf32, #tpu.memory_space<vmem>> -> memref<8xf32, #tpu.memory_space<vmem>>
        %parallel_loop3A_224 = tpu.vector_load_idx %parallel_loop3A_223[%parallel_loop3A_198] : memref<8xf32, #tpu.memory_space<vmem>>[vector<16xi32>], vector<16xf32>,
        %parallel_loop3A_225 = arith.constant 16 : i32
        %parallel_loop3A_226 = tpu.memref_slice %arg15[%parallel_loop3A_225] : memref<96xf32, #tpu.memory_space<vmem>> -> memref<8xf32, #tpu.memory_space<vmem>>
        %parallel_loop3A_227 = tpu.vector_load_idx %parallel_loop3A_226[%parallel_loop3A_198] : memref<8xf32, #tpu.memory_space<vmem>>[vector<16xi32>], vector<16xf32>,
        %parallel_loop3A_228 = arith.constant 24 : i32
        %parallel_loop3A_229 = tpu.memref_slice %arg15[%parallel_loop3A_228] : memref<96xf32, #tpu.memory_space<vmem>> -> memref<8xf32, #tpu.memory_space<vmem>>
        %parallel_loop3A_230 = tpu.vector_load_idx %parallel_loop3A_229[%parallel_loop3A_198] : memref<8xf32, #tpu.memory_space<vmem>>[vector<16xi32>], vector<16xf32>,
        %parallel_loop3A_231 = arith.constant 32 : i32
        %parallel_loop3A_232 = tpu.memref_slice %arg15[%parallel_loop3A_231] : memref<96xf32, #tpu.memory_space<vmem>> -> memref<8xf32, #tpu.memory_space<vmem>>
        %parallel_loop3A_233 = tpu.vector_load_idx %parallel_loop3A_232[%parallel_loop3A_198] : memref<8xf32, #tpu.memory_space<vmem>>[vector<16xi32>], vector<16xf32>,
        %parallel_loop3A_234 = arith.constant 40 : i32
        %parallel_loop3A_235 = tpu.memref_slice %arg15[%parallel_loop3A_234] : memref<96xf32, #tpu.memory_space<vmem>> -> memref<8xf32, #tpu.memory_space<vmem>>
        %parallel_loop3A_236 = tpu.vector_load_idx %parallel_loop3A_235[%parallel_loop3A_198] : memref<8xf32, #tpu.memory_space<vmem>>[vector<16xi32>], vector<16xf32>,
        %parallel_loop3A_237 = arith.constant 48 : i32
        %parallel_loop3A_238 = tpu.memref_slice %arg15[%parallel_loop3A_237] : memref<96xf32, #tpu.memory_space<vmem>> -> memref<8xf32, #tpu.memory_space<vmem>>
        %parallel_loop3A_239 = tpu.vector_load_idx %parallel_loop3A_238[%parallel_loop3A_198] : memref<8xf32, #tpu.memory_space<vmem>>[vector<16xi32>], vector<16xf32>,
        %parallel_loop3A_240 = arith.constant 56 : i32
        %parallel_loop3A_241 = tpu.memref_slice %arg15[%parallel_loop3A_240] : memref<96xf32, #tpu.memory_space<vmem>> -> memref<8xf32, #tpu.memory_space<vmem>>
        %parallel_loop3A_242 = tpu.vector_load_idx %parallel_loop3A_241[%parallel_loop3A_198] : memref<8xf32, #tpu.memory_space<vmem>>[vector<16xi32>], vector<16xf32>,
        %parallel_loop3A_243 = arith.constant 64 : i32
        %parallel_loop3A_244 = tpu.memref_slice %arg15[%parallel_loop3A_243] : memref<96xf32, #tpu.memory_space<vmem>> -> memref<8xf32, #tpu.memory_space<vmem>>
        %parallel_loop3A_245 = tpu.vector_load_idx %parallel_loop3A_244[%parallel_loop3A_198] : memref<8xf32, #tpu.memory_space<vmem>>[vector<16xi32>], vector<16xf32>,
        %parallel_loop3A_246 = arith.constant 72 : i32
        %parallel_loop3A_247 = tpu.memref_slice %arg15[%parallel_loop3A_246] : memref<96xf32, #tpu.memory_space<vmem>> -> memref<8xf32, #tpu.memory_space<vmem>>
        %parallel_loop3A_248 = tpu.vector_load_idx %parallel_loop3A_247[%parallel_loop3A_198] : memref<8xf32, #tpu.memory_space<vmem>>[vector<16xi32>], vector<16xf32>,
        %parallel_loop3A_249 = arith.constant 80 : i32
        %parallel_loop3A_250 = tpu.memref_slice %arg15[%parallel_loop3A_249] : memref<96xf32, #tpu.memory_space<vmem>> -> memref<8xf32, #tpu.memory_space<vmem>>
        %parallel_loop3A_251 = tpu.vector_load_idx %parallel_loop3A_250[%parallel_loop3A_198] : memref<8xf32, #tpu.memory_space<vmem>>[vector<16xi32>], vector<16xf32>,
        %parallel_loop3A_252 = arith.constant 88 : i32
        %parallel_loop3A_253 = tpu.memref_slice %arg15[%parallel_loop3A_252] : memref<96xf32, #tpu.memory_space<vmem>> -> memref<8xf32, #tpu.memory_space<vmem>>
        %parallel_loop3A_254 = tpu.vector_load_idx %parallel_loop3A_253[%parallel_loop3A_198] : memref<8xf32, #tpu.memory_space<vmem>>[vector<16xi32>], vector<16xf32>,
        %parallel_loop3A_255 = arith.constant 1.000000e+00 : f32
        %parallel_loop3A_256 = vector.broadcast %parallel_loop3A_255 : f32 to vector<16xf32>
        %parallel_loop3A_257 = arith.subf %parallel_loop3A_218, %parallel_loop3A_256 : vector<16xf32>
        %parallel_loop3A_258 = arith.mulf %parallel_loop3A_221, %parallel_loop3A_203 : vector<16xf32>
        %parallel_loop3A_259 = arith.mulf %parallel_loop3A_224, %parallel_loop3A_208 : vector<16xf32>
        %parallel_loop3A_260 = arith.addf %parallel_loop3A_258, %parallel_loop3A_259 : vector<16xf32>
        %parallel_loop3A_261 = arith.mulf %parallel_loop3A_227, %parallel_loop3A_213 : vector<16xf32>
        %parallel_loop3A_262 = arith.addf %parallel_loop3A_260, %parallel_loop3A_261 : vector<16xf32>
        %parallel_loop3A_263 = arith.mulf %parallel_loop3A_257, %parallel_loop3A_230 : vector<16xf32>
        %parallel_loop3A_264 = arith.addf %parallel_loop3A_262, %parallel_loop3A_263 : vector<16xf32>
        %parallel_loop3A_265 = arith.mulf %parallel_loop3A_233, %parallel_loop3A_203 : vector<16xf32>
        %parallel_loop3A_266 = arith.mulf %parallel_loop3A_236, %parallel_loop3A_208 : vector<16xf32>
        %parallel_loop3A_267 = arith.addf %parallel_loop3A_265, %parallel_loop3A_266 : vector<16xf32>
        %parallel_loop3A_268 = arith.mulf %parallel_loop3A_239, %parallel_loop3A_213 : vector<16xf32>
        %parallel_loop3A_269 = arith.addf %parallel_loop3A_267, %parallel_loop3A_268 : vector<16xf32>
        %parallel_loop3A_270 = arith.mulf %parallel_loop3A_257, %parallel_loop3A_242 : vector<16xf32>
        %parallel_loop3A_271 = arith.addf %parallel_loop3A_269, %parallel_loop3A_270 : vector<16xf32>
        %parallel_loop3A_272 = arith.mulf %parallel_loop3A_245, %parallel_loop3A_203 : vector<16xf32>
        %parallel_loop3A_273 = arith.mulf %parallel_loop3A_248, %parallel_loop3A_208 : vector<16xf32>
        %parallel_loop3A_274 = arith.addf %parallel_loop3A_272, %parallel_loop3A_273 : vector<16xf32>
        %parallel_loop3A_275 = arith.mulf %parallel_loop3A_251, %parallel_loop3A_213 : vector<16xf32>
        %parallel_loop3A_276 = arith.addf %parallel_loop3A_274, %parallel_loop3A_275 : vector<16xf32>
        %parallel_loop3A_277 = arith.mulf %parallel_loop3A_257, %parallel_loop3A_254 : vector<16xf32>
        %parallel_loop3A_278 = arith.addf %parallel_loop3A_276, %parallel_loop3A_277 : vector<16xf32>
        %parallel_loop3A_279 = arith.mulf %parallel_loop3A_264, %parallel_loop3A_264 : vector<16xf32>
        %parallel_loop3A_280 = arith.mulf %parallel_loop3A_271, %parallel_loop3A_271 : vector<16xf32>
        %parallel_loop3A_281 = arith.addf %parallel_loop3A_279, %parallel_loop3A_280 : vector<16xf32>
        %parallel_loop3A_282 = arith.mulf %parallel_loop3A_278, %parallel_loop3A_278 : vector<16xf32>
        %parallel_loop3A_283 = arith.addf %parallel_loop3A_281, %parallel_loop3A_282 : vector<16xf32>
        %parallel_loop3A_284 = arith.constant 5.000000e-01 : f32
        %parallel_loop3A_285 = vector.broadcast %parallel_loop3A_284 : f32 to vector<16xf32>
        %parallel_loop3A_286 = arith.mulf %parallel_loop3A_283, %parallel_loop3A_285 : vector<16xf32>
        %parallel_loop3A_287 = vector.bitcast %parallel_loop3A_283 : vector<16xf32> to vector<16xi32>
        %parallel_loop3A_288 = arith.constant 1 : i32
        %parallel_loop3A_289 = vector.broadcast %parallel_loop3A_288 : i32 to vector<16xi32>
        %parallel_loop3A_290 = arith.shrsi %parallel_loop3A_287, %parallel_loop3A_289 : vector<16xi32>
        %parallel_loop3A_291 = arith.constant 1597463007 : i32
        %parallel_loop3A_292 = vector.broadcast %parallel_loop3A_291 : i32 to vector<16xi32>
        %parallel_loop3A_293 = arith.subi %parallel_loop3A_292, %parallel_loop3A_290 : vector<16xi32>
        %parallel_loop3A_294 = vector.bitcast %parallel_loop3A_293 : vector<16xi32> to vector<16xf32>
        %parallel_loop3A_295 = arith.mulf %parallel_loop3A_286, %parallel_loop3A_294 : vector<16xf32>
        %parallel_loop3A_296 = arith.mulf %parallel_loop3A_295, %parallel_loop3A_294 : vector<16xf32>
        %parallel_loop3A_297 = arith.constant 1.500000e+00 : f32
        %parallel_loop3A_298 = vector.broadcast %parallel_loop3A_297 : f32 to vector<16xf32>
        %parallel_loop3A_299 = arith.subf %parallel_loop3A_298, %parallel_loop3A_296 : vector<16xf32>
        %parallel_loop3A_300 = arith.mulf %parallel_loop3A_294, %parallel_loop3A_299 : vector<16xf32>
        %parallel_loop3A_301 = arith.constant 0 : i32
        %parallel_loop3A_302 = arith.index_cast %parallel_loop3A_195 : i32 to index
        %parallel_loop3A_303 = arith.index_cast %parallel_loop3A_301 : i32 to index
        %parallel_loop3A_304 = arith.constant 0 : index
        %parallel_loop3A_305 = tpu.vector_load %arg13[%parallel_loop3A_302, %parallel_loop3A_303, %parallel_loop3A_304] {strides = array<i32>} : memref<32x4x128xf32, #tpu.memory_space<vmem>>, vector<16xf32>,
        tpu.vector_store %arg13[%parallel_loop3A_302, %parallel_loop3A_303, %parallel_loop3A_304], %parallel_loop3A_230 {strides = array<i32>} : memref<32x4x128xf32, #tpu.memory_space<vmem>>, vector<16xf32>,
        %parallel_loop3A_306 = arith.constant 1 : i32
        %parallel_loop3A_307 = arith.index_cast %parallel_loop3A_195 : i32 to index
        %parallel_loop3A_308 = arith.index_cast %parallel_loop3A_306 : i32 to index
        %parallel_loop3A_309 = arith.constant 0 : index
        %parallel_loop3A_310 = tpu.vector_load %arg13[%parallel_loop3A_307, %parallel_loop3A_308, %parallel_loop3A_309] {strides = array<i32>} : memref<32x4x128xf32, #tpu.memory_space<vmem>>, vector<16xf32>,
        tpu.vector_store %arg13[%parallel_loop3A_307, %parallel_loop3A_308, %parallel_loop3A_309], %parallel_loop3A_242 {strides = array<i32>} : memref<32x4x128xf32, #tpu.memory_space<vmem>>, vector<16xf32>,
        %parallel_loop3A_311 = arith.constant 2 : i32
        %parallel_loop3A_312 = arith.index_cast %parallel_loop3A_195 : i32 to index
        %parallel_loop3A_313 = arith.index_cast %parallel_loop3A_311 : i32 to index
        %parallel_loop3A_314 = arith.constant 0 : index
        %parallel_loop3A_315 = tpu.vector_load %arg13[%parallel_loop3A_312, %parallel_loop3A_313, %parallel_loop3A_314] {strides = array<i32>} : memref<32x4x128xf32, #tpu.memory_space<vmem>>, vector<16xf32>,
        tpu.vector_store %arg13[%parallel_loop3A_312, %parallel_loop3A_313, %parallel_loop3A_314], %parallel_loop3A_254 {strides = array<i32>} : memref<32x4x128xf32, #tpu.memory_space<vmem>>, vector<16xf32>,
        %parallel_loop3A_316 = arith.mulf %parallel_loop3A_264, %parallel_loop3A_300 : vector<16xf32>
        %parallel_loop3A_317 = arith.constant 0 : i32
        %parallel_loop3A_318 = arith.index_cast %parallel_loop3A_195 : i32 to index
        %parallel_loop3A_319 = arith.index_cast %parallel_loop3A_317 : i32 to index
        %parallel_loop3A_320 = arith.constant 0 : index
        %parallel_loop3A_321 = tpu.vector_load %arg8[%parallel_loop3A_318, %parallel_loop3A_319, %parallel_loop3A_320] {strides = array<i32>} : memref<32x4x128xf32, #tpu.memory_space<vmem>>, vector<16xf32>,
        tpu.vector_store %arg8[%parallel_loop3A_318, %parallel_loop3A_319, %parallel_loop3A_320], %parallel_loop3A_316 {strides = array<i32>} : memref<32x4x128xf32, #tpu.memory_space<vmem>>, vector<16xf32>,
        %parallel_loop3A_322 = arith.mulf %parallel_loop3A_271, %parallel_loop3A_300 : vector<16xf32>
        %parallel_loop3A_323 = arith.constant 1 : i32
        %parallel_loop3A_324 = arith.index_cast %parallel_loop3A_195 : i32 to index
        %parallel_loop3A_325 = arith.index_cast %parallel_loop3A_323 : i32 to index
        %parallel_loop3A_326 = arith.constant 0 : index
        %parallel_loop3A_327 = tpu.vector_load %arg8[%parallel_loop3A_324, %parallel_loop3A_325, %parallel_loop3A_326] {strides = array<i32>} : memref<32x4x128xf32, #tpu.memory_space<vmem>>, vector<16xf32>,
        tpu.vector_store %arg8[%parallel_loop3A_324, %parallel_loop3A_325, %parallel_loop3A_326], %parallel_loop3A_322 {strides = array<i32>} : memref<32x4x128xf32, #tpu.memory_space<vmem>>, vector<16xf32>,
        %parallel_loop3A_328 = arith.mulf %parallel_loop3A_278, %parallel_loop3A_300 : vector<16xf32>
        %parallel_loop3A_329 = arith.constant 2 : i32
        %parallel_loop3A_330 = arith.index_cast %parallel_loop3A_195 : i32 to index
        %parallel_loop3A_331 = arith.index_cast %parallel_loop3A_329 : i32 to index
        %parallel_loop3A_332 = arith.constant 0 : index
        %parallel_loop3A_333 = tpu.vector_load %arg8[%parallel_loop3A_330, %parallel_loop3A_331, %parallel_loop3A_332] {strides = array<i32>} : memref<32x4x128xf32, #tpu.memory_space<vmem>>, vector<16xf32>,
        tpu.vector_store %arg8[%parallel_loop3A_330, %parallel_loop3A_331, %parallel_loop3A_332], %parallel_loop3A_328 {strides = array<i32>} : memref<32x4x128xf32, #tpu.memory_space<vmem>>, vector<16xf32>,
        %parallel_loop3A_334 = arith.index_cast %parallel_loop3A_195 : i32 to index
        %parallel_loop3A_335 = arith.constant 16 : index
        %parallel_loop3A_336 = tpu.vector_load %arg10[%parallel_loop3A_334, %parallel_loop3A_335] {strides = array<i32>} : memref<32x128xi32, #tpu.memory_space<vmem>>, vector<16xi32>,
        %parallel_loop3A_337 = arith.constant 0 : i32
        %parallel_loop3A_338 = arith.index_cast %parallel_loop3A_195 : i32 to index
        %parallel_loop3A_339 = arith.index_cast %parallel_loop3A_337 : i32 to index
        %parallel_loop3A_340 = arith.constant 16 : index
        %parallel_loop3A_341 = tpu.vector_load %arg17[%parallel_loop3A_338, %parallel_loop3A_339, %parallel_loop3A_340] {strides = array<i32>} : memref<32x4x128xf32, #tpu.memory_space<vmem>>, vector<16xf32>,
        %parallel_loop3A_342 = arith.constant 1 : i32
        %parallel_loop3A_343 = arith.index_cast %parallel_loop3A_195 : i32 to index
        %parallel_loop3A_344 = arith.index_cast %parallel_loop3A_342 : i32 to index
        %parallel_loop3A_345 = arith.constant 16 : index
        %parallel_loop3A_346 = tpu.vector_load %arg17[%parallel_loop3A_343, %parallel_loop3A_344, %parallel_loop3A_345] {strides = array<i32>} : memref<32x4x128xf32, #tpu.memory_space<vmem>>, vector<16xf32>,
        %parallel_loop3A_347 = arith.constant 2 : i32
        %parallel_loop3A_348 = arith.index_cast %parallel_loop3A_195 : i32 to index
        %parallel_loop3A_349 = arith.index_cast %parallel_loop3A_347 : i32 to index
        %parallel_loop3A_350 = arith.constant 16 : index
        %parallel_loop3A_351 = tpu.vector_load %arg17[%parallel_loop3A_348, %parallel_loop3A_349, %parallel_loop3A_350] {strides = array<i32>} : memref<32x4x128xf32, #tpu.memory_space<vmem>>, vector<16xf32>,
        %parallel_loop3A_352 = arith.constant 3 : i32
        %parallel_loop3A_353 = arith.index_cast %parallel_loop3A_195 : i32 to index
        %parallel_loop3A_354 = arith.index_cast %parallel_loop3A_352 : i32 to index
        %parallel_loop3A_355 = arith.constant 16 : index
        %parallel_loop3A_356 = tpu.vector_load %arg17[%parallel_loop3A_353, %parallel_loop3A_354, %parallel_loop3A_355] {strides = array<i32>} : memref<32x4x128xf32, #tpu.memory_space<vmem>>, vector<16xf32>,
        %parallel_loop3A_357 = arith.constant 0 : i32
        %parallel_loop3A_358 = tpu.memref_slice %arg15[%parallel_loop3A_357] : memref<96xf32, #tpu.memory_space<vmem>> -> memref<8xf32, #tpu.memory_space<vmem>>
        %parallel_loop3A_359 = tpu.vector_load_idx %parallel_loop3A_358[%parallel_loop3A_336] : memref<8xf32, #tpu.memory_space<vmem>>[vector<16xi32>], vector<16xf32>,
        %parallel_loop3A_360 = arith.constant 8 : i32
        %parallel_loop3A_361 = tpu.memref_slice %arg15[%parallel_loop3A_360] : memref<96xf32, #tpu.memory_space<vmem>> -> memref<8xf32, #tpu.memory_space<vmem>>
        %parallel_loop3A_362 = tpu.vector_load_idx %parallel_loop3A_361[%parallel_loop3A_336] : memref<8xf32, #tpu.memory_space<vmem>>[vector<16xi32>], vector<16xf32>,
        %parallel_loop3A_363 = arith.constant 16 : i32
        %parallel_loop3A_364 = tpu.memref_slice %arg15[%parallel_loop3A_363] : memref<96xf32, #tpu.memory_space<vmem>> -> memref<8xf32, #tpu.memory_space<vmem>>
        %parallel_loop3A_365 = tpu.vector_load_idx %parallel_loop3A_364[%parallel_loop3A_336] : memref<8xf32, #tpu.memory_space<vmem>>[vector<16xi32>], vector<16xf32>,
        %parallel_loop3A_366 = arith.constant 24 : i32
        %parallel_loop3A_367 = tpu.memref_slice %arg15[%parallel_loop3A_366] : memref<96xf32, #tpu.memory_space<vmem>> -> memref<8xf32, #tpu.memory_space<vmem>>
        %parallel_loop3A_368 = tpu.vector_load_idx %parallel_loop3A_367[%parallel_loop3A_336] : memref<8xf32, #tpu.memory_space<vmem>>[vector<16xi32>], vector<16xf32>,
        %parallel_loop3A_369 = arith.constant 32 : i32
        %parallel_loop3A_370 = tpu.memref_slice %arg15[%parallel_loop3A_369] : memref<96xf32, #tpu.memory_space<vmem>> -> memref<8xf32, #tpu.memory_space<vmem>>
        %parallel_loop3A_371 = tpu.vector_load_idx %parallel_loop3A_370[%parallel_loop3A_336] : memref<8xf32, #tpu.memory_space<vmem>>[vector<16xi32>], vector<16xf32>,
        %parallel_loop3A_372 = arith.constant 40 : i32
        %parallel_loop3A_373 = tpu.memref_slice %arg15[%parallel_loop3A_372] : memref<96xf32, #tpu.memory_space<vmem>> -> memref<8xf32, #tpu.memory_space<vmem>>
        %parallel_loop3A_374 = tpu.vector_load_idx %parallel_loop3A_373[%parallel_loop3A_336] : memref<8xf32, #tpu.memory_space<vmem>>[vector<16xi32>], vector<16xf32>,
        %parallel_loop3A_375 = arith.constant 48 : i32
        %parallel_loop3A_376 = tpu.memref_slice %arg15[%parallel_loop3A_375] : memref<96xf32, #tpu.memory_space<vmem>> -> memref<8xf32, #tpu.memory_space<vmem>>
        %parallel_loop3A_377 = tpu.vector_load_idx %parallel_loop3A_376[%parallel_loop3A_336] : memref<8xf32, #tpu.memory_space<vmem>>[vector<16xi32>], vector<16xf32>,
        %parallel_loop3A_378 = arith.constant 56 : i32
        %parallel_loop3A_379 = tpu.memref_slice %arg15[%parallel_loop3A_378] : memref<96xf32, #tpu.memory_space<vmem>> -> memref<8xf32, #tpu.memory_space<vmem>>
        %parallel_loop3A_380 = tpu.vector_load_idx %parallel_loop3A_379[%parallel_loop3A_336] : memref<8xf32, #tpu.memory_space<vmem>>[vector<16xi32>], vector<16xf32>,
        %parallel_loop3A_381 = arith.constant 64 : i32
        %parallel_loop3A_382 = tpu.memref_slice %arg15[%parallel_loop3A_381] : memref<96xf32, #tpu.memory_space<vmem>> -> memref<8xf32, #tpu.memory_space<vmem>>
        %parallel_loop3A_383 = tpu.vector_load_idx %parallel_loop3A_382[%parallel_loop3A_336] : memref<8xf32, #tpu.memory_space<vmem>>[vector<16xi32>], vector<16xf32>,
        %parallel_loop3A_384 = arith.constant 72 : i32
        %parallel_loop3A_385 = tpu.memref_slice %arg15[%parallel_loop3A_384] : memref<96xf32, #tpu.memory_space<vmem>> -> memref<8xf32, #tpu.memory_space<vmem>>
        %parallel_loop3A_386 = tpu.vector_load_idx %parallel_loop3A_385[%parallel_loop3A_336] : memref<8xf32, #tpu.memory_space<vmem>>[vector<16xi32>], vector<16xf32>,
        %parallel_loop3A_387 = arith.constant 80 : i32
        %parallel_loop3A_388 = tpu.memref_slice %arg15[%parallel_loop3A_387] : memref<96xf32, #tpu.memory_space<vmem>> -> memref<8xf32, #tpu.memory_space<vmem>>
        %parallel_loop3A_389 = tpu.vector_load_idx %parallel_loop3A_388[%parallel_loop3A_336] : memref<8xf32, #tpu.memory_space<vmem>>[vector<16xi32>], vector<16xf32>,
        %parallel_loop3A_390 = arith.constant 88 : i32
        %parallel_loop3A_391 = tpu.memref_slice %arg15[%parallel_loop3A_390] : memref<96xf32, #tpu.memory_space<vmem>> -> memref<8xf32, #tpu.memory_space<vmem>>
        %parallel_loop3A_392 = tpu.vector_load_idx %parallel_loop3A_391[%parallel_loop3A_336] : memref<8xf32, #tpu.memory_space<vmem>>[vector<16xi32>], vector<16xf32>,
        %parallel_loop3A_393 = arith.constant 1.000000e+00 : f32
        %parallel_loop3A_394 = vector.broadcast %parallel_loop3A_393 : f32 to vector<16xf32>
        %parallel_loop3A_395 = arith.subf %parallel_loop3A_356, %parallel_loop3A_394 : vector<16xf32>
        %parallel_loop3A_396 = arith.mulf %parallel_loop3A_359, %parallel_loop3A_341 : vector<16xf32>
        %parallel_loop3A_397 = arith.mulf %parallel_loop3A_362, %parallel_loop3A_346 : vector<16xf32>
        %parallel_loop3A_398 = arith.addf %parallel_loop3A_396, %parallel_loop3A_397 : vector<16xf32>
        %parallel_loop3A_399 = arith.mulf %parallel_loop3A_365, %parallel_loop3A_351 : vector<16xf32>
        %parallel_loop3A_400 = arith.addf %parallel_loop3A_398, %parallel_loop3A_399 : vector<16xf32>
        %parallel_loop3A_401 = arith.mulf %parallel_loop3A_395, %parallel_loop3A_368 : vector<16xf32>
        %parallel_loop3A_402 = arith.addf %parallel_loop3A_400, %parallel_loop3A_401 : vector<16xf32>
        %parallel_loop3A_403 = arith.mulf %parallel_loop3A_371, %parallel_loop3A_341 : vector<16xf32>
        %parallel_loop3A_404 = arith.mulf %parallel_loop3A_374, %parallel_loop3A_346 : vector<16xf32>
        %parallel_loop3A_405 = arith.addf %parallel_loop3A_403, %parallel_loop3A_404 : vector<16xf32>
        %parallel_loop3A_406 = arith.mulf %parallel_loop3A_377, %parallel_loop3A_351 : vector<16xf32>
        %parallel_loop3A_407 = arith.addf %parallel_loop3A_405, %parallel_loop3A_406 : vector<16xf32>
        %parallel_loop3A_408 = arith.mulf %parallel_loop3A_395, %parallel_loop3A_380 : vector<16xf32>
        %parallel_loop3A_409 = arith.addf %parallel_loop3A_407, %parallel_loop3A_408 : vector<16xf32>
        %parallel_loop3A_410 = arith.mulf %parallel_loop3A_383, %parallel_loop3A_341 : vector<16xf32>
        %parallel_loop3A_411 = arith.mulf %parallel_loop3A_386, %parallel_loop3A_346 : vector<16xf32>
        %parallel_loop3A_412 = arith.addf %parallel_loop3A_410, %parallel_loop3A_411 : vector<16xf32>
        %parallel_loop3A_413 = arith.mulf %parallel_loop3A_389, %parallel_loop3A_351 : vector<16xf32>
        %parallel_loop3A_414 = arith.addf %parallel_loop3A_412, %parallel_loop3A_413 : vector<16xf32>
        %parallel_loop3A_415 = arith.mulf %parallel_loop3A_395, %parallel_loop3A_392 : vector<16xf32>
        %parallel_loop3A_416 = arith.addf %parallel_loop3A_414, %parallel_loop3A_415 : vector<16xf32>
        %parallel_loop3A_417 = arith.mulf %parallel_loop3A_402, %parallel_loop3A_402 : vector<16xf32>
        %parallel_loop3A_418 = arith.mulf %parallel_loop3A_409, %parallel_loop3A_409 : vector<16xf32>
        %parallel_loop3A_419 = arith.addf %parallel_loop3A_417, %parallel_loop3A_418 : vector<16xf32>
        %parallel_loop3A_420 = arith.mulf %parallel_loop3A_416, %parallel_loop3A_416 : vector<16xf32>
        %parallel_loop3A_421 = arith.addf %parallel_loop3A_419, %parallel_loop3A_420 : vector<16xf32>
        %parallel_loop3A_422 = arith.constant 5.000000e-01 : f32
        %parallel_loop3A_423 = vector.broadcast %parallel_loop3A_422 : f32 to vector<16xf32>
        %parallel_loop3A_424 = arith.mulf %parallel_loop3A_421, %parallel_loop3A_423 : vector<16xf32>
        %parallel_loop3A_425 = vector.bitcast %parallel_loop3A_421 : vector<16xf32> to vector<16xi32>
        %parallel_loop3A_426 = arith.constant 1 : i32
        %parallel_loop3A_427 = vector.broadcast %parallel_loop3A_426 : i32 to vector<16xi32>
        %parallel_loop3A_428 = arith.shrsi %parallel_loop3A_425, %parallel_loop3A_427 : vector<16xi32>
        %parallel_loop3A_429 = arith.constant 1597463007 : i32
        %parallel_loop3A_430 = vector.broadcast %parallel_loop3A_429 : i32 to vector<16xi32>
        %parallel_loop3A_431 = arith.subi %parallel_loop3A_430, %parallel_loop3A_428 : vector<16xi32>
        %parallel_loop3A_432 = vector.bitcast %parallel_loop3A_431 : vector<16xi32> to vector<16xf32>
        %parallel_loop3A_433 = arith.mulf %parallel_loop3A_424, %parallel_loop3A_432 : vector<16xf32>
        %parallel_loop3A_434 = arith.mulf %parallel_loop3A_433, %parallel_loop3A_432 : vector<16xf32>
        %parallel_loop3A_435 = arith.constant 1.500000e+00 : f32
        %parallel_loop3A_436 = vector.broadcast %parallel_loop3A_435 : f32 to vector<16xf32>
        %parallel_loop3A_437 = arith.subf %parallel_loop3A_436, %parallel_loop3A_434 : vector<16xf32>
        %parallel_loop3A_438 = arith.mulf %parallel_loop3A_432, %parallel_loop3A_437 : vector<16xf32>
        %parallel_loop3A_439 = arith.constant 0 : i32
        %parallel_loop3A_440 = arith.index_cast %parallel_loop3A_195 : i32 to index
        %parallel_loop3A_441 = arith.index_cast %parallel_loop3A_439 : i32 to index
        %parallel_loop3A_442 = arith.constant 16 : index
        %parallel_loop3A_443 = tpu.vector_load %arg13[%parallel_loop3A_440, %parallel_loop3A_441, %parallel_loop3A_442] {strides = array<i32>} : memref<32x4x128xf32, #tpu.memory_space<vmem>>, vector<16xf32>,
        tpu.vector_store %arg13[%parallel_loop3A_440, %parallel_loop3A_441, %parallel_loop3A_442], %parallel_loop3A_368 {strides = array<i32>} : memref<32x4x128xf32, #tpu.memory_space<vmem>>, vector<16xf32>,
        %parallel_loop3A_444 = arith.constant 1 : i32
        %parallel_loop3A_445 = arith.index_cast %parallel_loop3A_195 : i32 to index
        %parallel_loop3A_446 = arith.index_cast %parallel_loop3A_444 : i32 to index
        %parallel_loop3A_447 = arith.constant 16 : index
        %parallel_loop3A_448 = tpu.vector_load %arg13[%parallel_loop3A_445, %parallel_loop3A_446, %parallel_loop3A_447] {strides = array<i32>} : memref<32x4x128xf32, #tpu.memory_space<vmem>>, vector<16xf32>,
        tpu.vector_store %arg13[%parallel_loop3A_445, %parallel_loop3A_446, %parallel_loop3A_447], %parallel_loop3A_380 {strides = array<i32>} : memref<32x4x128xf32, #tpu.memory_space<vmem>>, vector<16xf32>,
        %parallel_loop3A_449 = arith.constant 2 : i32
        %parallel_loop3A_450 = arith.index_cast %parallel_loop3A_195 : i32 to index
        %parallel_loop3A_451 = arith.index_cast %parallel_loop3A_449 : i32 to index
        %parallel_loop3A_452 = arith.constant 16 : index
        %parallel_loop3A_453 = tpu.vector_load %arg13[%parallel_loop3A_450, %parallel_loop3A_451, %parallel_loop3A_452] {strides = array<i32>} : memref<32x4x128xf32, #tpu.memory_space<vmem>>, vector<16xf32>,
        tpu.vector_store %arg13[%parallel_loop3A_450, %parallel_loop3A_451, %parallel_loop3A_452], %parallel_loop3A_392 {strides = array<i32>} : memref<32x4x128xf32, #tpu.memory_space<vmem>>, vector<16xf32>,
        %parallel_loop3A_454 = arith.mulf %parallel_loop3A_402, %parallel_loop3A_438 : vector<16xf32>
        %parallel_loop3A_455 = arith.constant 0 : i32
        %parallel_loop3A_456 = arith.index_cast %parallel_loop3A_195 : i32 to index
        %parallel_loop3A_457 = arith.index_cast %parallel_loop3A_455 : i32 to index
        %parallel_loop3A_458 = arith.constant 16 : index
        %parallel_loop3A_459 = tpu.vector_load %arg8[%parallel_loop3A_456, %parallel_loop3A_457, %parallel_loop3A_458] {strides = array<i32>} : memref<32x4x128xf32, #tpu.memory_space<vmem>>, vector<16xf32>,
        tpu.vector_store %arg8[%parallel_loop3A_456, %parallel_loop3A_457, %parallel_loop3A_458], %parallel_loop3A_454 {strides = array<i32>} : memref<32x4x128xf32, #tpu.memory_space<vmem>>, vector<16xf32>,
        %parallel_loop3A_460 = arith.mulf %parallel_loop3A_409, %parallel_loop3A_438 : vector<16xf32>
        %parallel_loop3A_461 = arith.constant 1 : i32
        %parallel_loop3A_462 = arith.index_cast %parallel_loop3A_195 : i32 to index
        %parallel_loop3A_463 = arith.index_cast %parallel_loop3A_461 : i32 to index
        %parallel_loop3A_464 = arith.constant 16 : index
        %parallel_loop3A_465 = tpu.vector_load %arg8[%parallel_loop3A_462, %parallel_loop3A_463, %parallel_loop3A_464] {strides = array<i32>} : memref<32x4x128xf32, #tpu.memory_space<vmem>>, vector<16xf32>,
        tpu.vector_store %arg8[%parallel_loop3A_462, %parallel_loop3A_463, %parallel_loop3A_464], %parallel_loop3A_460 {strides = array<i32>} : memref<32x4x128xf32, #tpu.memory_space<vmem>>, vector<16xf32>,
        %parallel_loop3A_466 = arith.mulf %parallel_loop3A_416, %parallel_loop3A_438 : vector<16xf32>
        %parallel_loop3A_467 = arith.constant 2 : i32
        %parallel_loop3A_468 = arith.index_cast %parallel_loop3A_195 : i32 to index
        %parallel_loop3A_469 = arith.index_cast %parallel_loop3A_467 : i32 to index
        %parallel_loop3A_470 = arith.constant 16 : index
        %parallel_loop3A_471 = tpu.vector_load %arg8[%parallel_loop3A_468, %parallel_loop3A_469, %parallel_loop3A_470] {strides = array<i32>} : memref<32x4x128xf32, #tpu.memory_space<vmem>>, vector<16xf32>,
        tpu.vector_store %arg8[%parallel_loop3A_468, %parallel_loop3A_469, %parallel_loop3A_470], %parallel_loop3A_466 {strides = array<i32>} : memref<32x4x128xf32, #tpu.memory_space<vmem>>, vector<16xf32>,
        %parallel_loop3A_472 = arith.index_cast %parallel_loop3A_195 : i32 to index
        %parallel_loop3A_473 = arith.constant 32 : index
        %parallel_loop3A_474 = tpu.vector_load %arg10[%parallel_loop3A_472, %parallel_loop3A_473] {strides = array<i32>} : memref<32x128xi32, #tpu.memory_space<vmem>>, vector<16xi32>,
        %parallel_loop3A_475 = arith.constant 0 : i32
        %parallel_loop3A_476 = arith.index_cast %parallel_loop3A_195 : i32 to index
        %parallel_loop3A_477 = arith.index_cast %parallel_loop3A_475 : i32 to index
        %parallel_loop3A_478 = arith.constant 32 : index
        %parallel_loop3A_479 = tpu.vector_load %arg17[%parallel_loop3A_476, %parallel_loop3A_477, %parallel_loop3A_478] {strides = array<i32>} : memref<32x4x128xf32, #tpu.memory_space<vmem>>, vector<16xf32>,
        %parallel_loop3A_480 = arith.constant 1 : i32
        %parallel_loop3A_481 = arith.index_cast %parallel_loop3A_195 : i32 to index
        %parallel_loop3A_482 = arith.index_cast %parallel_loop3A_480 : i32 to index
        %parallel_loop3A_483 = arith.constant 32 : index
        %parallel_loop3A_484 = tpu.vector_load %arg17[%parallel_loop3A_481, %parallel_loop3A_482, %parallel_loop3A_483] {strides = array<i32>} : memref<32x4x128xf32, #tpu.memory_space<vmem>>, vector<16xf32>,
        %parallel_loop3A_485 = arith.constant 2 : i32
        %parallel_loop3A_486 = arith.index_cast %parallel_loop3A_195 : i32 to index
        %parallel_loop3A_487 = arith.index_cast %parallel_loop3A_485 : i32 to index
        %parallel_loop3A_488 = arith.constant 32 : index
        %parallel_loop3A_489 = tpu.vector_load %arg17[%parallel_loop3A_486, %parallel_loop3A_487, %parallel_loop3A_488] {strides = array<i32>} : memref<32x4x128xf32, #tpu.memory_space<vmem>>, vector<16xf32>,
        %parallel_loop3A_490 = arith.constant 3 : i32
        %parallel_loop3A_491 = arith.index_cast %parallel_loop3A_195 : i32 to index
        %parallel_loop3A_492 = arith.index_cast %parallel_loop3A_490 : i32 to index
        %parallel_loop3A_493 = arith.constant 32 : index
        %parallel_loop3A_494 = tpu.vector_load %arg17[%parallel_loop3A_491, %parallel_loop3A_492, %parallel_loop3A_493] {strides = array<i32>} : memref<32x4x128xf32, #tpu.memory_space<vmem>>, vector<16xf32>,
        %parallel_loop3A_495 = arith.constant 0 : i32
        %parallel_loop3A_496 = tpu.memref_slice %arg15[%parallel_loop3A_495] : memref<96xf32, #tpu.memory_space<vmem>> -> memref<8xf32, #tpu.memory_space<vmem>>
        %parallel_loop3A_497 = tpu.vector_load_idx %parallel_loop3A_496[%parallel_loop3A_474] : memref<8xf32, #tpu.memory_space<vmem>>[vector<16xi32>], vector<16xf32>,
        %parallel_loop3A_498 = arith.constant 8 : i32
        %parallel_loop3A_499 = tpu.memref_slice %arg15[%parallel_loop3A_498] : memref<96xf32, #tpu.memory_space<vmem>> -> memref<8xf32, #tpu.memory_space<vmem>>
        %parallel_loop3A_500 = tpu.vector_load_idx %parallel_loop3A_499[%parallel_loop3A_474] : memref<8xf32, #tpu.memory_space<vmem>>[vector<16xi32>], vector<16xf32>,
        %parallel_loop3A_501 = arith.constant 16 : i32
        %parallel_loop3A_502 = tpu.memref_slice %arg15[%parallel_loop3A_501] : memref<96xf32, #tpu.memory_space<vmem>> -> memref<8xf32, #tpu.memory_space<vmem>>
        %parallel_loop3A_503 = tpu.vector_load_idx %parallel_loop3A_502[%parallel_loop3A_474] : memref<8xf32, #tpu.memory_space<vmem>>[vector<16xi32>], vector<16xf32>,
        %parallel_loop3A_504 = arith.constant 24 : i32
        %parallel_loop3A_505 = tpu.memref_slice %arg15[%parallel_loop3A_504] : memref<96xf32, #tpu.memory_space<vmem>> -> memref<8xf32, #tpu.memory_space<vmem>>
        %parallel_loop3A_506 = tpu.vector_load_idx %parallel_loop3A_505[%parallel_loop3A_474] : memref<8xf32, #tpu.memory_space<vmem>>[vector<16xi32>], vector<16xf32>,
        %parallel_loop3A_507 = arith.constant 32 : i32
        %parallel_loop3A_508 = tpu.memref_slice %arg15[%parallel_loop3A_507] : memref<96xf32, #tpu.memory_space<vmem>> -> memref<8xf32, #tpu.memory_space<vmem>>
        %parallel_loop3A_509 = tpu.vector_load_idx %parallel_loop3A_508[%parallel_loop3A_474] : memref<8xf32, #tpu.memory_space<vmem>>[vector<16xi32>], vector<16xf32>,
        %parallel_loop3A_510 = arith.constant 40 : i32
        %parallel_loop3A_511 = tpu.memref_slice %arg15[%parallel_loop3A_510] : memref<96xf32, #tpu.memory_space<vmem>> -> memref<8xf32, #tpu.memory_space<vmem>>
        %parallel_loop3A_512 = tpu.vector_load_idx %parallel_loop3A_511[%parallel_loop3A_474] : memref<8xf32, #tpu.memory_space<vmem>>[vector<16xi32>], vector<16xf32>,
        %parallel_loop3A_513 = arith.constant 48 : i32
        %parallel_loop3A_514 = tpu.memref_slice %arg15[%parallel_loop3A_513] : memref<96xf32, #tpu.memory_space<vmem>> -> memref<8xf32, #tpu.memory_space<vmem>>
        %parallel_loop3A_515 = tpu.vector_load_idx %parallel_loop3A_514[%parallel_loop3A_474] : memref<8xf32, #tpu.memory_space<vmem>>[vector<16xi32>], vector<16xf32>,
        %parallel_loop3A_516 = arith.constant 56 : i32
        %parallel_loop3A_517 = tpu.memref_slice %arg15[%parallel_loop3A_516] : memref<96xf32, #tpu.memory_space<vmem>> -> memref<8xf32, #tpu.memory_space<vmem>>
        %parallel_loop3A_518 = tpu.vector_load_idx %parallel_loop3A_517[%parallel_loop3A_474] : memref<8xf32, #tpu.memory_space<vmem>>[vector<16xi32>], vector<16xf32>,
        %parallel_loop3A_519 = arith.constant 64 : i32
        %parallel_loop3A_520 = tpu.memref_slice %arg15[%parallel_loop3A_519] : memref<96xf32, #tpu.memory_space<vmem>> -> memref<8xf32, #tpu.memory_space<vmem>>
        %parallel_loop3A_521 = tpu.vector_load_idx %parallel_loop3A_520[%parallel_loop3A_474] : memref<8xf32, #tpu.memory_space<vmem>>[vector<16xi32>], vector<16xf32>,
        %parallel_loop3A_522 = arith.constant 72 : i32
        %parallel_loop3A_523 = tpu.memref_slice %arg15[%parallel_loop3A_522] : memref<96xf32, #tpu.memory_space<vmem>> -> memref<8xf32, #tpu.memory_space<vmem>>
        %parallel_loop3A_524 = tpu.vector_load_idx %parallel_loop3A_523[%parallel_loop3A_474] : memref<8xf32, #tpu.memory_space<vmem>>[vector<16xi32>], vector<16xf32>,
        %parallel_loop3A_525 = arith.constant 80 : i32
        %parallel_loop3A_526 = tpu.memref_slice %arg15[%parallel_loop3A_525] : memref<96xf32, #tpu.memory_space<vmem>> -> memref<8xf32, #tpu.memory_space<vmem>>
        %parallel_loop3A_527 = tpu.vector_load_idx %parallel_loop3A_526[%parallel_loop3A_474] : memref<8xf32, #tpu.memory_space<vmem>>[vector<16xi32>], vector<16xf32>,
        %parallel_loop3A_528 = arith.constant 88 : i32
        %parallel_loop3A_529 = tpu.memref_slice %arg15[%parallel_loop3A_528] : memref<96xf32, #tpu.memory_space<vmem>> -> memref<8xf32, #tpu.memory_space<vmem>>
        %parallel_loop3A_530 = tpu.vector_load_idx %parallel_loop3A_529[%parallel_loop3A_474] : memref<8xf32, #tpu.memory_space<vmem>>[vector<16xi32>], vector<16xf32>,
        %parallel_loop3A_531 = arith.constant 1.000000e+00 : f32
        %parallel_loop3A_532 = vector.broadcast %parallel_loop3A_531 : f32 to vector<16xf32>
        %parallel_loop3A_533 = arith.subf %parallel_loop3A_494, %parallel_loop3A_532 : vector<16xf32>
        %parallel_loop3A_534 = arith.mulf %parallel_loop3A_497, %parallel_loop3A_479 : vector<16xf32>
        %parallel_loop3A_535 = arith.mulf %parallel_loop3A_500, %parallel_loop3A_484 : vector<16xf32>
        %parallel_loop3A_536 = arith.addf %parallel_loop3A_534, %parallel_loop3A_535 : vector<16xf32>
        %parallel_loop3A_537 = arith.mulf %parallel_loop3A_503, %parallel_loop3A_489 : vector<16xf32>
        %parallel_loop3A_538 = arith.addf %parallel_loop3A_536, %parallel_loop3A_537 : vector<16xf32>
        %parallel_loop3A_539 = arith.mulf %parallel_loop3A_533, %parallel_loop3A_506 : vector<16xf32>
        %parallel_loop3A_540 = arith.addf %parallel_loop3A_538, %parallel_loop3A_539 : vector<16xf32>
        %parallel_loop3A_541 = arith.mulf %parallel_loop3A_509, %parallel_loop3A_479 : vector<16xf32>
        %parallel_loop3A_542 = arith.mulf %parallel_loop3A_512, %parallel_loop3A_484 : vector<16xf32>
        %parallel_loop3A_543 = arith.addf %parallel_loop3A_541, %parallel_loop3A_542 : vector<16xf32>
        %parallel_loop3A_544 = arith.mulf %parallel_loop3A_515, %parallel_loop3A_489 : vector<16xf32>
        %parallel_loop3A_545 = arith.addf %parallel_loop3A_543, %parallel_loop3A_544 : vector<16xf32>
        %parallel_loop3A_546 = arith.mulf %parallel_loop3A_533, %parallel_loop3A_518 : vector<16xf32>
        %parallel_loop3A_547 = arith.addf %parallel_loop3A_545, %parallel_loop3A_546 : vector<16xf32>
        %parallel_loop3A_548 = arith.mulf %parallel_loop3A_521, %parallel_loop3A_479 : vector<16xf32>
        %parallel_loop3A_549 = arith.mulf %parallel_loop3A_524, %parallel_loop3A_484 : vector<16xf32>
        %parallel_loop3A_550 = arith.addf %parallel_loop3A_548, %parallel_loop3A_549 : vector<16xf32>
        %parallel_loop3A_551 = arith.mulf %parallel_loop3A_527, %parallel_loop3A_489 : vector<16xf32>
        %parallel_loop3A_552 = arith.addf %parallel_loop3A_550, %parallel_loop3A_551 : vector<16xf32>
        %parallel_loop3A_553 = arith.mulf %parallel_loop3A_533, %parallel_loop3A_530 : vector<16xf32>
        %parallel_loop3A_554 = arith.addf %parallel_loop3A_552, %parallel_loop3A_553 : vector<16xf32>
        %parallel_loop3A_555 = arith.mulf %parallel_loop3A_540, %parallel_loop3A_540 : vector<16xf32>
        %parallel_loop3A_556 = arith.mulf %parallel_loop3A_547, %parallel_loop3A_547 : vector<16xf32>
        %parallel_loop3A_557 = arith.addf %parallel_loop3A_555, %parallel_loop3A_556 : vector<16xf32>
        %parallel_loop3A_558 = arith.mulf %parallel_loop3A_554, %parallel_loop3A_554 : vector<16xf32>
        %parallel_loop3A_559 = arith.addf %parallel_loop3A_557, %parallel_loop3A_558 : vector<16xf32>
        %parallel_loop3A_560 = arith.constant 5.000000e-01 : f32
        %parallel_loop3A_561 = vector.broadcast %parallel_loop3A_560 : f32 to vector<16xf32>
        %parallel_loop3A_562 = arith.mulf %parallel_loop3A_559, %parallel_loop3A_561 : vector<16xf32>
        %parallel_loop3A_563 = vector.bitcast %parallel_loop3A_559 : vector<16xf32> to vector<16xi32>
        %parallel_loop3A_564 = arith.constant 1 : i32
        %parallel_loop3A_565 = vector.broadcast %parallel_loop3A_564 : i32 to vector<16xi32>
        %parallel_loop3A_566 = arith.shrsi %parallel_loop3A_563, %parallel_loop3A_565 : vector<16xi32>
        %parallel_loop3A_567 = arith.constant 1597463007 : i32
        %parallel_loop3A_568 = vector.broadcast %parallel_loop3A_567 : i32 to vector<16xi32>
        %parallel_loop3A_569 = arith.subi %parallel_loop3A_568, %parallel_loop3A_566 : vector<16xi32>
        %parallel_loop3A_570 = vector.bitcast %parallel_loop3A_569 : vector<16xi32> to vector<16xf32>
        %parallel_loop3A_571 = arith.mulf %parallel_loop3A_562, %parallel_loop3A_570 : vector<16xf32>
        %parallel_loop3A_572 = arith.mulf %parallel_loop3A_571, %parallel_loop3A_570 : vector<16xf32>
        %parallel_loop3A_573 = arith.constant 1.500000e+00 : f32
        %parallel_loop3A_574 = vector.broadcast %parallel_loop3A_573 : f32 to vector<16xf32>
        %parallel_loop3A_575 = arith.subf %parallel_loop3A_574, %parallel_loop3A_572 : vector<16xf32>
        %parallel_loop3A_576 = arith.mulf %parallel_loop3A_570, %parallel_loop3A_575 : vector<16xf32>
        %parallel_loop3A_577 = arith.constant 0 : i32
        %parallel_loop3A_578 = arith.index_cast %parallel_loop3A_195 : i32 to index
        %parallel_loop3A_579 = arith.index_cast %parallel_loop3A_577 : i32 to index
        %parallel_loop3A_580 = arith.constant 32 : index
        %parallel_loop3A_581 = tpu.vector_load %arg13[%parallel_loop3A_578, %parallel_loop3A_579, %parallel_loop3A_580] {strides = array<i32>} : memref<32x4x128xf32, #tpu.memory_space<vmem>>, vector<16xf32>,
        tpu.vector_store %arg13[%parallel_loop3A_578, %parallel_loop3A_579, %parallel_loop3A_580], %parallel_loop3A_506 {strides = array<i32>} : memref<32x4x128xf32, #tpu.memory_space<vmem>>, vector<16xf32>,
        %parallel_loop3A_582 = arith.constant 1 : i32
        %parallel_loop3A_583 = arith.index_cast %parallel_loop3A_195 : i32 to index
        %parallel_loop3A_584 = arith.index_cast %parallel_loop3A_582 : i32 to index
        %parallel_loop3A_585 = arith.constant 32 : index
        %parallel_loop3A_586 = tpu.vector_load %arg13[%parallel_loop3A_583, %parallel_loop3A_584, %parallel_loop3A_585] {strides = array<i32>} : memref<32x4x128xf32, #tpu.memory_space<vmem>>, vector<16xf32>,
        tpu.vector_store %arg13[%parallel_loop3A_583, %parallel_loop3A_584, %parallel_loop3A_585], %parallel_loop3A_518 {strides = array<i32>} : memref<32x4x128xf32, #tpu.memory_space<vmem>>, vector<16xf32>,
        %parallel_loop3A_587 = arith.constant 2 : i32
        %parallel_loop3A_588 = arith.index_cast %parallel_loop3A_195 : i32 to index
        %parallel_loop3A_589 = arith.index_cast %parallel_loop3A_587 : i32 to index
        %parallel_loop3A_590 = arith.constant 32 : index
        %parallel_loop3A_591 = tpu.vector_load %arg13[%parallel_loop3A_588, %parallel_loop3A_589, %parallel_loop3A_590] {strides = array<i32>} : memref<32x4x128xf32, #tpu.memory_space<vmem>>, vector<16xf32>,
        tpu.vector_store %arg13[%parallel_loop3A_588, %parallel_loop3A_589, %parallel_loop3A_590], %parallel_loop3A_530 {strides = array<i32>} : memref<32x4x128xf32, #tpu.memory_space<vmem>>, vector<16xf32>,
        %parallel_loop3A_592 = arith.mulf %parallel_loop3A_540, %parallel_loop3A_576 : vector<16xf32>
        %parallel_loop3A_593 = arith.constant 0 : i32
        %parallel_loop3A_594 = arith.index_cast %parallel_loop3A_195 : i32 to index
        %parallel_loop3A_595 = arith.index_cast %parallel_loop3A_593 : i32 to index
        %parallel_loop3A_596 = arith.constant 32 : index
        %parallel_loop3A_597 = tpu.vector_load %arg8[%parallel_loop3A_594, %parallel_loop3A_595, %parallel_loop3A_596] {strides = array<i32>} : memref<32x4x128xf32, #tpu.memory_space<vmem>>, vector<16xf32>,
        tpu.vector_store %arg8[%parallel_loop3A_594, %parallel_loop3A_595, %parallel_loop3A_596], %parallel_loop3A_592 {strides = array<i32>} : memref<32x4x128xf32, #tpu.memory_space<vmem>>, vector<16xf32>,
        %parallel_loop3A_598 = arith.mulf %parallel_loop3A_547, %parallel_loop3A_576 : vector<16xf32>
        %parallel_loop3A_599 = arith.constant 1 : i32
        %parallel_loop3A_600 = arith.index_cast %parallel_loop3A_195 : i32 to index
        %parallel_loop3A_601 = arith.index_cast %parallel_loop3A_599 : i32 to index
        %parallel_loop3A_602 = arith.constant 32 : index
        %parallel_loop3A_603 = tpu.vector_load %arg8[%parallel_loop3A_600, %parallel_loop3A_601, %parallel_loop3A_602] {strides = array<i32>} : memref<32x4x128xf32, #tpu.memory_space<vmem>>, vector<16xf32>,
        tpu.vector_store %arg8[%parallel_loop3A_600, %parallel_loop3A_601, %parallel_loop3A_602], %parallel_loop3A_598 {strides = array<i32>} : memref<32x4x128xf32, #tpu.memory_space<vmem>>, vector<16xf32>,
        %parallel_loop3A_604 = arith.mulf %parallel_loop3A_554, %parallel_loop3A_576 : vector<16xf32>
        %parallel_loop3A_605 = arith.constant 2 : i32
        %parallel_loop3A_606 = arith.index_cast %parallel_loop3A_195 : i32 to index
        %parallel_loop3A_607 = arith.index_cast %parallel_loop3A_605 : i32 to index
        %parallel_loop3A_608 = arith.constant 32 : index
        %parallel_loop3A_609 = tpu.vector_load %arg8[%parallel_loop3A_606, %parallel_loop3A_607, %parallel_loop3A_608] {strides = array<i32>} : memref<32x4x128xf32, #tpu.memory_space<vmem>>, vector<16xf32>,
        tpu.vector_store %arg8[%parallel_loop3A_606, %parallel_loop3A_607, %parallel_loop3A_608], %parallel_loop3A_604 {strides = array<i32>} : memref<32x4x128xf32, #tpu.memory_space<vmem>>, vector<16xf32>,
        %parallel_loop3A_610 = arith.index_cast %parallel_loop3A_195 : i32 to index
        %parallel_loop3A_611 = arith.constant 48 : index
        %parallel_loop3A_612 = tpu.vector_load %arg10[%parallel_loop3A_610, %parallel_loop3A_611] {strides = array<i32>} : memref<32x128xi32, #tpu.memory_space<vmem>>, vector<16xi32>,
        %parallel_loop3A_613 = arith.constant 0 : i32
        %parallel_loop3A_614 = arith.index_cast %parallel_loop3A_195 : i32 to index
        %parallel_loop3A_615 = arith.index_cast %parallel_loop3A_613 : i32 to index
        %parallel_loop3A_616 = arith.constant 48 : index
        %parallel_loop3A_617 = tpu.vector_load %arg17[%parallel_loop3A_614, %parallel_loop3A_615, %parallel_loop3A_616] {strides = array<i32>} : memref<32x4x128xf32, #tpu.memory_space<vmem>>, vector<16xf32>,
        %parallel_loop3A_618 = arith.constant 1 : i32
        %parallel_loop3A_619 = arith.index_cast %parallel_loop3A_195 : i32 to index
        %parallel_loop3A_620 = arith.index_cast %parallel_loop3A_618 : i32 to index
        %parallel_loop3A_621 = arith.constant 48 : index
        %parallel_loop3A_622 = tpu.vector_load %arg17[%parallel_loop3A_619, %parallel_loop3A_620, %parallel_loop3A_621] {strides = array<i32>} : memref<32x4x128xf32, #tpu.memory_space<vmem>>, vector<16xf32>,
        %parallel_loop3A_623 = arith.constant 2 : i32
        %parallel_loop3A_624 = arith.index_cast %parallel_loop3A_195 : i32 to index
        %parallel_loop3A_625 = arith.index_cast %parallel_loop3A_623 : i32 to index
        %parallel_loop3A_626 = arith.constant 48 : index
        %parallel_loop3A_627 = tpu.vector_load %arg17[%parallel_loop3A_624, %parallel_loop3A_625, %parallel_loop3A_626] {strides = array<i32>} : memref<32x4x128xf32, #tpu.memory_space<vmem>>, vector<16xf32>,
        %parallel_loop3A_628 = arith.constant 3 : i32
        %parallel_loop3A_629 = arith.index_cast %parallel_loop3A_195 : i32 to index
        %parallel_loop3A_630 = arith.index_cast %parallel_loop3A_628 : i32 to index
        %parallel_loop3A_631 = arith.constant 48 : index
        %parallel_loop3A_632 = tpu.vector_load %arg17[%parallel_loop3A_629, %parallel_loop3A_630, %parallel_loop3A_631] {strides = array<i32>} : memref<32x4x128xf32, #tpu.memory_space<vmem>>, vector<16xf32>,
        %parallel_loop3A_633 = arith.constant 0 : i32
        %parallel_loop3A_634 = tpu.memref_slice %arg15[%parallel_loop3A_633] : memref<96xf32, #tpu.memory_space<vmem>> -> memref<8xf32, #tpu.memory_space<vmem>>
        %parallel_loop3A_635 = tpu.vector_load_idx %parallel_loop3A_634[%parallel_loop3A_612] : memref<8xf32, #tpu.memory_space<vmem>>[vector<16xi32>], vector<16xf32>,
        %parallel_loop3A_636 = arith.constant 8 : i32
        %parallel_loop3A_637 = tpu.memref_slice %arg15[%parallel_loop3A_636] : memref<96xf32, #tpu.memory_space<vmem>> -> memref<8xf32, #tpu.memory_space<vmem>>
        %parallel_loop3A_638 = tpu.vector_load_idx %parallel_loop3A_637[%parallel_loop3A_612] : memref<8xf32, #tpu.memory_space<vmem>>[vector<16xi32>], vector<16xf32>,
        %parallel_loop3A_639 = arith.constant 16 : i32
        %parallel_loop3A_640 = tpu.memref_slice %arg15[%parallel_loop3A_639] : memref<96xf32, #tpu.memory_space<vmem>> -> memref<8xf32, #tpu.memory_space<vmem>>
        %parallel_loop3A_641 = tpu.vector_load_idx %parallel_loop3A_640[%parallel_loop3A_612] : memref<8xf32, #tpu.memory_space<vmem>>[vector<16xi32>], vector<16xf32>,
        %parallel_loop3A_642 = arith.constant 24 : i32
        %parallel_loop3A_643 = tpu.memref_slice %arg15[%parallel_loop3A_642] : memref<96xf32, #tpu.memory_space<vmem>> -> memref<8xf32, #tpu.memory_space<vmem>>
        %parallel_loop3A_644 = tpu.vector_load_idx %parallel_loop3A_643[%parallel_loop3A_612] : memref<8xf32, #tpu.memory_space<vmem>>[vector<16xi32>], vector<16xf32>,
        %parallel_loop3A_645 = arith.constant 32 : i32
        %parallel_loop3A_646 = tpu.memref_slice %arg15[%parallel_loop3A_645] : memref<96xf32, #tpu.memory_space<vmem>> -> memref<8xf32, #tpu.memory_space<vmem>>
        %parallel_loop3A_647 = tpu.vector_load_idx %parallel_loop3A_646[%parallel_loop3A_612] : memref<8xf32, #tpu.memory_space<vmem>>[vector<16xi32>], vector<16xf32>,
        %parallel_loop3A_648 = arith.constant 40 : i32
        %parallel_loop3A_649 = tpu.memref_slice %arg15[%parallel_loop3A_648] : memref<96xf32, #tpu.memory_space<vmem>> -> memref<8xf32, #tpu.memory_space<vmem>>
        %parallel_loop3A_650 = tpu.vector_load_idx %parallel_loop3A_649[%parallel_loop3A_612] : memref<8xf32, #tpu.memory_space<vmem>>[vector<16xi32>], vector<16xf32>,
        %parallel_loop3A_651 = arith.constant 48 : i32
        %parallel_loop3A_652 = tpu.memref_slice %arg15[%parallel_loop3A_651] : memref<96xf32, #tpu.memory_space<vmem>> -> memref<8xf32, #tpu.memory_space<vmem>>
        %parallel_loop3A_653 = tpu.vector_load_idx %parallel_loop3A_652[%parallel_loop3A_612] : memref<8xf32, #tpu.memory_space<vmem>>[vector<16xi32>], vector<16xf32>,
        %parallel_loop3A_654 = arith.constant 56 : i32
        %parallel_loop3A_655 = tpu.memref_slice %arg15[%parallel_loop3A_654] : memref<96xf32, #tpu.memory_space<vmem>> -> memref<8xf32, #tpu.memory_space<vmem>>
        %parallel_loop3A_656 = tpu.vector_load_idx %parallel_loop3A_655[%parallel_loop3A_612] : memref<8xf32, #tpu.memory_space<vmem>>[vector<16xi32>], vector<16xf32>,
        %parallel_loop3A_657 = arith.constant 64 : i32
        %parallel_loop3A_658 = tpu.memref_slice %arg15[%parallel_loop3A_657] : memref<96xf32, #tpu.memory_space<vmem>> -> memref<8xf32, #tpu.memory_space<vmem>>
        %parallel_loop3A_659 = tpu.vector_load_idx %parallel_loop3A_658[%parallel_loop3A_612] : memref<8xf32, #tpu.memory_space<vmem>>[vector<16xi32>], vector<16xf32>,
        %parallel_loop3A_660 = arith.constant 72 : i32
        %parallel_loop3A_661 = tpu.memref_slice %arg15[%parallel_loop3A_660] : memref<96xf32, #tpu.memory_space<vmem>> -> memref<8xf32, #tpu.memory_space<vmem>>
        %parallel_loop3A_662 = tpu.vector_load_idx %parallel_loop3A_661[%parallel_loop3A_612] : memref<8xf32, #tpu.memory_space<vmem>>[vector<16xi32>], vector<16xf32>,
        %parallel_loop3A_663 = arith.constant 80 : i32
        %parallel_loop3A_664 = tpu.memref_slice %arg15[%parallel_loop3A_663] : memref<96xf32, #tpu.memory_space<vmem>> -> memref<8xf32, #tpu.memory_space<vmem>>
        %parallel_loop3A_665 = tpu.vector_load_idx %parallel_loop3A_664[%parallel_loop3A_612] : memref<8xf32, #tpu.memory_space<vmem>>[vector<16xi32>], vector<16xf32>,
        %parallel_loop3A_666 = arith.constant 88 : i32
        %parallel_loop3A_667 = tpu.memref_slice %arg15[%parallel_loop3A_666] : memref<96xf32, #tpu.memory_space<vmem>> -> memref<8xf32, #tpu.memory_space<vmem>>
        %parallel_loop3A_668 = tpu.vector_load_idx %parallel_loop3A_667[%parallel_loop3A_612] : memref<8xf32, #tpu.memory_space<vmem>>[vector<16xi32>], vector<16xf32>,
        %parallel_loop3A_669 = arith.constant 1.000000e+00 : f32
        %parallel_loop3A_670 = vector.broadcast %parallel_loop3A_669 : f32 to vector<16xf32>
        %parallel_loop3A_671 = arith.subf %parallel_loop3A_632, %parallel_loop3A_670 : vector<16xf32>
        %parallel_loop3A_672 = arith.mulf %parallel_loop3A_635, %parallel_loop3A_617 : vector<16xf32>
        %parallel_loop3A_673 = arith.mulf %parallel_loop3A_638, %parallel_loop3A_622 : vector<16xf32>
        %parallel_loop3A_674 = arith.addf %parallel_loop3A_672, %parallel_loop3A_673 : vector<16xf32>
        %parallel_loop3A_675 = arith.mulf %parallel_loop3A_641, %parallel_loop3A_627 : vector<16xf32>
        %parallel_loop3A_676 = arith.addf %parallel_loop3A_674, %parallel_loop3A_675 : vector<16xf32>
        %parallel_loop3A_677 = arith.mulf %parallel_loop3A_671, %parallel_loop3A_644 : vector<16xf32>
        %parallel_loop3A_678 = arith.addf %parallel_loop3A_676, %parallel_loop3A_677 : vector<16xf32>
        %parallel_loop3A_679 = arith.mulf %parallel_loop3A_647, %parallel_loop3A_617 : vector<16xf32>
        %parallel_loop3A_680 = arith.mulf %parallel_loop3A_650, %parallel_loop3A_622 : vector<16xf32>
        %parallel_loop3A_681 = arith.addf %parallel_loop3A_679, %parallel_loop3A_680 : vector<16xf32>
        %parallel_loop3A_682 = arith.mulf %parallel_loop3A_653, %parallel_loop3A_627 : vector<16xf32>
        %parallel_loop3A_683 = arith.addf %parallel_loop3A_681, %parallel_loop3A_682 : vector<16xf32>
        %parallel_loop3A_684 = arith.mulf %parallel_loop3A_671, %parallel_loop3A_656 : vector<16xf32>
        %parallel_loop3A_685 = arith.addf %parallel_loop3A_683, %parallel_loop3A_684 : vector<16xf32>
        %parallel_loop3A_686 = arith.mulf %parallel_loop3A_659, %parallel_loop3A_617 : vector<16xf32>
        %parallel_loop3A_687 = arith.mulf %parallel_loop3A_662, %parallel_loop3A_622 : vector<16xf32>
        %parallel_loop3A_688 = arith.addf %parallel_loop3A_686, %parallel_loop3A_687 : vector<16xf32>
        %parallel_loop3A_689 = arith.mulf %parallel_loop3A_665, %parallel_loop3A_627 : vector<16xf32>
        %parallel_loop3A_690 = arith.addf %parallel_loop3A_688, %parallel_loop3A_689 : vector<16xf32>
        %parallel_loop3A_691 = arith.mulf %parallel_loop3A_671, %parallel_loop3A_668 : vector<16xf32>
        %parallel_loop3A_692 = arith.addf %parallel_loop3A_690, %parallel_loop3A_691 : vector<16xf32>
        %parallel_loop3A_693 = arith.mulf %parallel_loop3A_678, %parallel_loop3A_678 : vector<16xf32>
        %parallel_loop3A_694 = arith.mulf %parallel_loop3A_685, %parallel_loop3A_685 : vector<16xf32>
        %parallel_loop3A_695 = arith.addf %parallel_loop3A_693, %parallel_loop3A_694 : vector<16xf32>
        %parallel_loop3A_696 = arith.mulf %parallel_loop3A_692, %parallel_loop3A_692 : vector<16xf32>
        %parallel_loop3A_697 = arith.addf %parallel_loop3A_695, %parallel_loop3A_696 : vector<16xf32>
        %parallel_loop3A_698 = arith.constant 5.000000e-01 : f32
        %parallel_loop3A_699 = vector.broadcast %parallel_loop3A_698 : f32 to vector<16xf32>
        %parallel_loop3A_700 = arith.mulf %parallel_loop3A_697, %parallel_loop3A_699 : vector<16xf32>
        %parallel_loop3A_701 = vector.bitcast %parallel_loop3A_697 : vector<16xf32> to vector<16xi32>
        %parallel_loop3A_702 = arith.constant 1 : i32
        %parallel_loop3A_703 = vector.broadcast %parallel_loop3A_702 : i32 to vector<16xi32>
        %parallel_loop3A_704 = arith.shrsi %parallel_loop3A_701, %parallel_loop3A_703 : vector<16xi32>
        %parallel_loop3A_705 = arith.constant 1597463007 : i32
        %parallel_loop3A_706 = vector.broadcast %parallel_loop3A_705 : i32 to vector<16xi32>
        %parallel_loop3A_707 = arith.subi %parallel_loop3A_706, %parallel_loop3A_704 : vector<16xi32>
        %parallel_loop3A_708 = vector.bitcast %parallel_loop3A_707 : vector<16xi32> to vector<16xf32>
        %parallel_loop3A_709 = arith.mulf %parallel_loop3A_700, %parallel_loop3A_708 : vector<16xf32>
        %parallel_loop3A_710 = arith.mulf %parallel_loop3A_709, %parallel_loop3A_708 : vector<16xf32>
        %parallel_loop3A_711 = arith.constant 1.500000e+00 : f32
        %parallel_loop3A_712 = vector.broadcast %parallel_loop3A_711 : f32 to vector<16xf32>
        %parallel_loop3A_713 = arith.subf %parallel_loop3A_712, %parallel_loop3A_710 : vector<16xf32>
        %parallel_loop3A_714 = arith.mulf %parallel_loop3A_708, %parallel_loop3A_713 : vector<16xf32>
        %parallel_loop3A_715 = arith.constant 0 : i32
        %parallel_loop3A_716 = arith.index_cast %parallel_loop3A_195 : i32 to index
        %parallel_loop3A_717 = arith.index_cast %parallel_loop3A_715 : i32 to index
        %parallel_loop3A_718 = arith.constant 48 : index
        %parallel_loop3A_719 = tpu.vector_load %arg13[%parallel_loop3A_716, %parallel_loop3A_717, %parallel_loop3A_718] {strides = array<i32>} : memref<32x4x128xf32, #tpu.memory_space<vmem>>, vector<16xf32>,
        tpu.vector_store %arg13[%parallel_loop3A_716, %parallel_loop3A_717, %parallel_loop3A_718], %parallel_loop3A_644 {strides = array<i32>} : memref<32x4x128xf32, #tpu.memory_space<vmem>>, vector<16xf32>,
        %parallel_loop3A_720 = arith.constant 1 : i32
        %parallel_loop3A_721 = arith.index_cast %parallel_loop3A_195 : i32 to index
        %parallel_loop3A_722 = arith.index_cast %parallel_loop3A_720 : i32 to index
        %parallel_loop3A_723 = arith.constant 48 : index
        %parallel_loop3A_724 = tpu.vector_load %arg13[%parallel_loop3A_721, %parallel_loop3A_722, %parallel_loop3A_723] {strides = array<i32>} : memref<32x4x128xf32, #tpu.memory_space<vmem>>, vector<16xf32>,
        tpu.vector_store %arg13[%parallel_loop3A_721, %parallel_loop3A_722, %parallel_loop3A_723], %parallel_loop3A_656 {strides = array<i32>} : memref<32x4x128xf32, #tpu.memory_space<vmem>>, vector<16xf32>,
        %parallel_loop3A_725 = arith.constant 2 : i32
        %parallel_loop3A_726 = arith.index_cast %parallel_loop3A_195 : i32 to index
        %parallel_loop3A_727 = arith.index_cast %parallel_loop3A_725 : i32 to index
        %parallel_loop3A_728 = arith.constant 48 : index
        %parallel_loop3A_729 = tpu.vector_load %arg13[%parallel_loop3A_726, %parallel_loop3A_727, %parallel_loop3A_728] {strides = array<i32>} : memref<32x4x128xf32, #tpu.memory_space<vmem>>, vector<16xf32>,
        tpu.vector_store %arg13[%parallel_loop3A_726, %parallel_loop3A_727, %parallel_loop3A_728], %parallel_loop3A_668 {strides = array<i32>} : memref<32x4x128xf32, #tpu.memory_space<vmem>>, vector<16xf32>,
        %parallel_loop3A_730 = arith.mulf %parallel_loop3A_678, %parallel_loop3A_714 : vector<16xf32>
        %parallel_loop3A_731 = arith.constant 0 : i32
        %parallel_loop3A_732 = arith.index_cast %parallel_loop3A_195 : i32 to index
        %parallel_loop3A_733 = arith.index_cast %parallel_loop3A_731 : i32 to index
        %parallel_loop3A_734 = arith.constant 48 : index
        %parallel_loop3A_735 = tpu.vector_load %arg8[%parallel_loop3A_732, %parallel_loop3A_733, %parallel_loop3A_734] {strides = array<i32>} : memref<32x4x128xf32, #tpu.memory_space<vmem>>, vector<16xf32>,
        tpu.vector_store %arg8[%parallel_loop3A_732, %parallel_loop3A_733, %parallel_loop3A_734], %parallel_loop3A_730 {strides = array<i32>} : memref<32x4x128xf32, #tpu.memory_space<vmem>>, vector<16xf32>,
        %parallel_loop3A_736 = arith.mulf %parallel_loop3A_685, %parallel_loop3A_714 : vector<16xf32>
        %parallel_loop3A_737 = arith.constant 1 : i32
        %parallel_loop3A_738 = arith.index_cast %parallel_loop3A_195 : i32 to index
        %parallel_loop3A_739 = arith.index_cast %parallel_loop3A_737 : i32 to index
        %parallel_loop3A_740 = arith.constant 48 : index
        %parallel_loop3A_741 = tpu.vector_load %arg8[%parallel_loop3A_738, %parallel_loop3A_739, %parallel_loop3A_740] {strides = array<i32>} : memref<32x4x128xf32, #tpu.memory_space<vmem>>, vector<16xf32>,
        tpu.vector_store %arg8[%parallel_loop3A_738, %parallel_loop3A_739, %parallel_loop3A_740], %parallel_loop3A_736 {strides = array<i32>} : memref<32x4x128xf32, #tpu.memory_space<vmem>>, vector<16xf32>,
        %parallel_loop3A_742 = arith.mulf %parallel_loop3A_692, %parallel_loop3A_714 : vector<16xf32>
        %parallel_loop3A_743 = arith.constant 2 : i32
        %parallel_loop3A_744 = arith.index_cast %parallel_loop3A_195 : i32 to index
        %parallel_loop3A_745 = arith.index_cast %parallel_loop3A_743 : i32 to index
        %parallel_loop3A_746 = arith.constant 48 : index
        %parallel_loop3A_747 = tpu.vector_load %arg8[%parallel_loop3A_744, %parallel_loop3A_745, %parallel_loop3A_746] {strides = array<i32>} : memref<32x4x128xf32, #tpu.memory_space<vmem>>, vector<16xf32>,
        tpu.vector_store %arg8[%parallel_loop3A_744, %parallel_loop3A_745, %parallel_loop3A_746], %parallel_loop3A_742 {strides = array<i32>} : memref<32x4x128xf32, #tpu.memory_space<vmem>>, vector<16xf32>,
        %parallel_loop3A_748 = arith.index_cast %parallel_loop3A_195 : i32 to index
        %parallel_loop3A_749 = arith.constant 64 : index
        %parallel_loop3A_750 = tpu.vector_load %arg10[%parallel_loop3A_748, %parallel_loop3A_749] {strides = array<i32>} : memref<32x128xi32, #tpu.memory_space<vmem>>, vector<16xi32>,
        %parallel_loop3A_751 = arith.constant 0 : i32
        %parallel_loop3A_752 = arith.index_cast %parallel_loop3A_195 : i32 to index
        %parallel_loop3A_753 = arith.index_cast %parallel_loop3A_751 : i32 to index
        %parallel_loop3A_754 = arith.constant 64 : index
        %parallel_loop3A_755 = tpu.vector_load %arg17[%parallel_loop3A_752, %parallel_loop3A_753, %parallel_loop3A_754] {strides = array<i32>} : memref<32x4x128xf32, #tpu.memory_space<vmem>>, vector<16xf32>,
        %parallel_loop3A_756 = arith.constant 1 : i32
        %parallel_loop3A_757 = arith.index_cast %parallel_loop3A_195 : i32 to index
        %parallel_loop3A_758 = arith.index_cast %parallel_loop3A_756 : i32 to index
        %parallel_loop3A_759 = arith.constant 64 : index
        %parallel_loop3A_760 = tpu.vector_load %arg17[%parallel_loop3A_757, %parallel_loop3A_758, %parallel_loop3A_759] {strides = array<i32>} : memref<32x4x128xf32, #tpu.memory_space<vmem>>, vector<16xf32>,
        %parallel_loop3A_761 = arith.constant 2 : i32
        %parallel_loop3A_762 = arith.index_cast %parallel_loop3A_195 : i32 to index
        %parallel_loop3A_763 = arith.index_cast %parallel_loop3A_761 : i32 to index
        %parallel_loop3A_764 = arith.constant 64 : index
        %parallel_loop3A_765 = tpu.vector_load %arg17[%parallel_loop3A_762, %parallel_loop3A_763, %parallel_loop3A_764] {strides = array<i32>} : memref<32x4x128xf32, #tpu.memory_space<vmem>>, vector<16xf32>,
        %parallel_loop3A_766 = arith.constant 3 : i32
        %parallel_loop3A_767 = arith.index_cast %parallel_loop3A_195 : i32 to index
        %parallel_loop3A_768 = arith.index_cast %parallel_loop3A_766 : i32 to index
        %parallel_loop3A_769 = arith.constant 64 : index
        %parallel_loop3A_770 = tpu.vector_load %arg17[%parallel_loop3A_767, %parallel_loop3A_768, %parallel_loop3A_769] {strides = array<i32>} : memref<32x4x128xf32, #tpu.memory_space<vmem>>, vector<16xf32>,
        %parallel_loop3A_771 = arith.constant 0 : i32
        %parallel_loop3A_772 = tpu.memref_slice %arg15[%parallel_loop3A_771] : memref<96xf32, #tpu.memory_space<vmem>> -> memref<8xf32, #tpu.memory_space<vmem>>
        %parallel_loop3A_773 = tpu.vector_load_idx %parallel_loop3A_772[%parallel_loop3A_750] : memref<8xf32, #tpu.memory_space<vmem>>[vector<16xi32>], vector<16xf32>,
        %parallel_loop3A_774 = arith.constant 8 : i32
        %parallel_loop3A_775 = tpu.memref_slice %arg15[%parallel_loop3A_774] : memref<96xf32, #tpu.memory_space<vmem>> -> memref<8xf32, #tpu.memory_space<vmem>>
        %parallel_loop3A_776 = tpu.vector_load_idx %parallel_loop3A_775[%parallel_loop3A_750] : memref<8xf32, #tpu.memory_space<vmem>>[vector<16xi32>], vector<16xf32>,
        %parallel_loop3A_777 = arith.constant 16 : i32
        %parallel_loop3A_778 = tpu.memref_slice %arg15[%parallel_loop3A_777] : memref<96xf32, #tpu.memory_space<vmem>> -> memref<8xf32, #tpu.memory_space<vmem>>
        %parallel_loop3A_779 = tpu.vector_load_idx %parallel_loop3A_778[%parallel_loop3A_750] : memref<8xf32, #tpu.memory_space<vmem>>[vector<16xi32>], vector<16xf32>,
        %parallel_loop3A_780 = arith.constant 24 : i32
        %parallel_loop3A_781 = tpu.memref_slice %arg15[%parallel_loop3A_780] : memref<96xf32, #tpu.memory_space<vmem>> -> memref<8xf32, #tpu.memory_space<vmem>>
        %parallel_loop3A_782 = tpu.vector_load_idx %parallel_loop3A_781[%parallel_loop3A_750] : memref<8xf32, #tpu.memory_space<vmem>>[vector<16xi32>], vector<16xf32>,
        %parallel_loop3A_783 = arith.constant 32 : i32
        %parallel_loop3A_784 = tpu.memref_slice %arg15[%parallel_loop3A_783] : memref<96xf32, #tpu.memory_space<vmem>> -> memref<8xf32, #tpu.memory_space<vmem>>
        %parallel_loop3A_785 = tpu.vector_load_idx %parallel_loop3A_784[%parallel_loop3A_750] : memref<8xf32, #tpu.memory_space<vmem>>[vector<16xi32>], vector<16xf32>,
        %parallel_loop3A_786 = arith.constant 40 : i32
        %parallel_loop3A_787 = tpu.memref_slice %arg15[%parallel_loop3A_786] : memref<96xf32, #tpu.memory_space<vmem>> -> memref<8xf32, #tpu.memory_space<vmem>>
        %parallel_loop3A_788 = tpu.vector_load_idx %parallel_loop3A_787[%parallel_loop3A_750] : memref<8xf32, #tpu.memory_space<vmem>>[vector<16xi32>], vector<16xf32>,
        %parallel_loop3A_789 = arith.constant 48 : i32
        %parallel_loop3A_790 = tpu.memref_slice %arg15[%parallel_loop3A_789] : memref<96xf32, #tpu.memory_space<vmem>> -> memref<8xf32, #tpu.memory_space<vmem>>
        %parallel_loop3A_791 = tpu.vector_load_idx %parallel_loop3A_790[%parallel_loop3A_750] : memref<8xf32, #tpu.memory_space<vmem>>[vector<16xi32>], vector<16xf32>,
        %parallel_loop3A_792 = arith.constant 56 : i32
        %parallel_loop3A_793 = tpu.memref_slice %arg15[%parallel_loop3A_792] : memref<96xf32, #tpu.memory_space<vmem>> -> memref<8xf32, #tpu.memory_space<vmem>>
        %parallel_loop3A_794 = tpu.vector_load_idx %parallel_loop3A_793[%parallel_loop3A_750] : memref<8xf32, #tpu.memory_space<vmem>>[vector<16xi32>], vector<16xf32>,
        %parallel_loop3A_795 = arith.constant 64 : i32
        %parallel_loop3A_796 = tpu.memref_slice %arg15[%parallel_loop3A_795] : memref<96xf32, #tpu.memory_space<vmem>> -> memref<8xf32, #tpu.memory_space<vmem>>
        %parallel_loop3A_797 = tpu.vector_load_idx %parallel_loop3A_796[%parallel_loop3A_750] : memref<8xf32, #tpu.memory_space<vmem>>[vector<16xi32>], vector<16xf32>,
        %parallel_loop3A_798 = arith.constant 72 : i32
        %parallel_loop3A_799 = tpu.memref_slice %arg15[%parallel_loop3A_798] : memref<96xf32, #tpu.memory_space<vmem>> -> memref<8xf32, #tpu.memory_space<vmem>>
        %parallel_loop3A_800 = tpu.vector_load_idx %parallel_loop3A_799[%parallel_loop3A_750] : memref<8xf32, #tpu.memory_space<vmem>>[vector<16xi32>], vector<16xf32>,
        %parallel_loop3A_801 = arith.constant 80 : i32
        %parallel_loop3A_802 = tpu.memref_slice %arg15[%parallel_loop3A_801] : memref<96xf32, #tpu.memory_space<vmem>> -> memref<8xf32, #tpu.memory_space<vmem>>
        %parallel_loop3A_803 = tpu.vector_load_idx %parallel_loop3A_802[%parallel_loop3A_750] : memref<8xf32, #tpu.memory_space<vmem>>[vector<16xi32>], vector<16xf32>,
        %parallel_loop3A_804 = arith.constant 88 : i32
        %parallel_loop3A_805 = tpu.memref_slice %arg15[%parallel_loop3A_804] : memref<96xf32, #tpu.memory_space<vmem>> -> memref<8xf32, #tpu.memory_space<vmem>>
        %parallel_loop3A_806 = tpu.vector_load_idx %parallel_loop3A_805[%parallel_loop3A_750] : memref<8xf32, #tpu.memory_space<vmem>>[vector<16xi32>], vector<16xf32>,
        %parallel_loop3A_807 = arith.constant 1.000000e+00 : f32
        %parallel_loop3A_808 = vector.broadcast %parallel_loop3A_807 : f32 to vector<16xf32>
        %parallel_loop3A_809 = arith.subf %parallel_loop3A_770, %parallel_loop3A_808 : vector<16xf32>
        %parallel_loop3A_810 = arith.mulf %parallel_loop3A_773, %parallel_loop3A_755 : vector<16xf32>
        %parallel_loop3A_811 = arith.mulf %parallel_loop3A_776, %parallel_loop3A_760 : vector<16xf32>
        %parallel_loop3A_812 = arith.addf %parallel_loop3A_810, %parallel_loop3A_811 : vector<16xf32>
        %parallel_loop3A_813 = arith.mulf %parallel_loop3A_779, %parallel_loop3A_765 : vector<16xf32>
        %parallel_loop3A_814 = arith.addf %parallel_loop3A_812, %parallel_loop3A_813 : vector<16xf32>
        %parallel_loop3A_815 = arith.mulf %parallel_loop3A_809, %parallel_loop3A_782 : vector<16xf32>
        %parallel_loop3A_816 = arith.addf %parallel_loop3A_814, %parallel_loop3A_815 : vector<16xf32>
        %parallel_loop3A_817 = arith.mulf %parallel_loop3A_785, %parallel_loop3A_755 : vector<16xf32>
        %parallel_loop3A_818 = arith.mulf %parallel_loop3A_788, %parallel_loop3A_760 : vector<16xf32>
        %parallel_loop3A_819 = arith.addf %parallel_loop3A_817, %parallel_loop3A_818 : vector<16xf32>
        %parallel_loop3A_820 = arith.mulf %parallel_loop3A_791, %parallel_loop3A_765 : vector<16xf32>
        %parallel_loop3A_821 = arith.addf %parallel_loop3A_819, %parallel_loop3A_820 : vector<16xf32>
        %parallel_loop3A_822 = arith.mulf %parallel_loop3A_809, %parallel_loop3A_794 : vector<16xf32>
        %parallel_loop3A_823 = arith.addf %parallel_loop3A_821, %parallel_loop3A_822 : vector<16xf32>
        %parallel_loop3A_824 = arith.mulf %parallel_loop3A_797, %parallel_loop3A_755 : vector<16xf32>
        %parallel_loop3A_825 = arith.mulf %parallel_loop3A_800, %parallel_loop3A_760 : vector<16xf32>
        %parallel_loop3A_826 = arith.addf %parallel_loop3A_824, %parallel_loop3A_825 : vector<16xf32>
        %parallel_loop3A_827 = arith.mulf %parallel_loop3A_803, %parallel_loop3A_765 : vector<16xf32>
        %parallel_loop3A_828 = arith.addf %parallel_loop3A_826, %parallel_loop3A_827 : vector<16xf32>
        %parallel_loop3A_829 = arith.mulf %parallel_loop3A_809, %parallel_loop3A_806 : vector<16xf32>
        %parallel_loop3A_830 = arith.addf %parallel_loop3A_828, %parallel_loop3A_829 : vector<16xf32>
        %parallel_loop3A_831 = arith.mulf %parallel_loop3A_816, %parallel_loop3A_816 : vector<16xf32>
        %parallel_loop3A_832 = arith.mulf %parallel_loop3A_823, %parallel_loop3A_823 : vector<16xf32>
        %parallel_loop3A_833 = arith.addf %parallel_loop3A_831, %parallel_loop3A_832 : vector<16xf32>
        %parallel_loop3A_834 = arith.mulf %parallel_loop3A_830, %parallel_loop3A_830 : vector<16xf32>
        %parallel_loop3A_835 = arith.addf %parallel_loop3A_833, %parallel_loop3A_834 : vector<16xf32>
        %parallel_loop3A_836 = arith.constant 5.000000e-01 : f32
        %parallel_loop3A_837 = vector.broadcast %parallel_loop3A_836 : f32 to vector<16xf32>
        %parallel_loop3A_838 = arith.mulf %parallel_loop3A_835, %parallel_loop3A_837 : vector<16xf32>
        %parallel_loop3A_839 = vector.bitcast %parallel_loop3A_835 : vector<16xf32> to vector<16xi32>
        %parallel_loop3A_840 = arith.constant 1 : i32
        %parallel_loop3A_841 = vector.broadcast %parallel_loop3A_840 : i32 to vector<16xi32>
        %parallel_loop3A_842 = arith.shrsi %parallel_loop3A_839, %parallel_loop3A_841 : vector<16xi32>
        %parallel_loop3A_843 = arith.constant 1597463007 : i32
        %parallel_loop3A_844 = vector.broadcast %parallel_loop3A_843 : i32 to vector<16xi32>
        %parallel_loop3A_845 = arith.subi %parallel_loop3A_844, %parallel_loop3A_842 : vector<16xi32>
        %parallel_loop3A_846 = vector.bitcast %parallel_loop3A_845 : vector<16xi32> to vector<16xf32>
        %parallel_loop3A_847 = arith.mulf %parallel_loop3A_838, %parallel_loop3A_846 : vector<16xf32>
        %parallel_loop3A_848 = arith.mulf %parallel_loop3A_847, %parallel_loop3A_846 : vector<16xf32>
        %parallel_loop3A_849 = arith.constant 1.500000e+00 : f32
        %parallel_loop3A_850 = vector.broadcast %parallel_loop3A_849 : f32 to vector<16xf32>
        %parallel_loop3A_851 = arith.subf %parallel_loop3A_850, %parallel_loop3A_848 : vector<16xf32>
        %parallel_loop3A_852 = arith.mulf %parallel_loop3A_846, %parallel_loop3A_851 : vector<16xf32>
        %parallel_loop3A_853 = arith.constant 0 : i32
        %parallel_loop3A_854 = arith.index_cast %parallel_loop3A_195 : i32 to index
        %parallel_loop3A_855 = arith.index_cast %parallel_loop3A_853 : i32 to index
        %parallel_loop3A_856 = arith.constant 64 : index
        %parallel_loop3A_857 = tpu.vector_load %arg13[%parallel_loop3A_854, %parallel_loop3A_855, %parallel_loop3A_856] {strides = array<i32>} : memref<32x4x128xf32, #tpu.memory_space<vmem>>, vector<16xf32>,
        tpu.vector_store %arg13[%parallel_loop3A_854, %parallel_loop3A_855, %parallel_loop3A_856], %parallel_loop3A_782 {strides = array<i32>} : memref<32x4x128xf32, #tpu.memory_space<vmem>>, vector<16xf32>,
        %parallel_loop3A_858 = arith.constant 1 : i32
        %parallel_loop3A_859 = arith.index_cast %parallel_loop3A_195 : i32 to index
        %parallel_loop3A_860 = arith.index_cast %parallel_loop3A_858 : i32 to index
        %parallel_loop3A_861 = arith.constant 64 : index
        %parallel_loop3A_862 = tpu.vector_load %arg13[%parallel_loop3A_859, %parallel_loop3A_860, %parallel_loop3A_861] {strides = array<i32>} : memref<32x4x128xf32, #tpu.memory_space<vmem>>, vector<16xf32>,
        tpu.vector_store %arg13[%parallel_loop3A_859, %parallel_loop3A_860, %parallel_loop3A_861], %parallel_loop3A_794 {strides = array<i32>} : memref<32x4x128xf32, #tpu.memory_space<vmem>>, vector<16xf32>,
        %parallel_loop3A_863 = arith.constant 2 : i32
        %parallel_loop3A_864 = arith.index_cast %parallel_loop3A_195 : i32 to index
        %parallel_loop3A_865 = arith.index_cast %parallel_loop3A_863 : i32 to index
        %parallel_loop3A_866 = arith.constant 64 : index
        %parallel_loop3A_867 = tpu.vector_load %arg13[%parallel_loop3A_864, %parallel_loop3A_865, %parallel_loop3A_866] {strides = array<i32>} : memref<32x4x128xf32, #tpu.memory_space<vmem>>, vector<16xf32>,
        tpu.vector_store %arg13[%parallel_loop3A_864, %parallel_loop3A_865, %parallel_loop3A_866], %parallel_loop3A_806 {strides = array<i32>} : memref<32x4x128xf32, #tpu.memory_space<vmem>>, vector<16xf32>,
        %parallel_loop3A_868 = arith.mulf %parallel_loop3A_816, %parallel_loop3A_852 : vector<16xf32>
        %parallel_loop3A_869 = arith.constant 0 : i32
        %parallel_loop3A_870 = arith.index_cast %parallel_loop3A_195 : i32 to index
        %parallel_loop3A_871 = arith.index_cast %parallel_loop3A_869 : i32 to index
        %parallel_loop3A_872 = arith.constant 64 : index
        %parallel_loop3A_873 = tpu.vector_load %arg8[%parallel_loop3A_870, %parallel_loop3A_871, %parallel_loop3A_872] {strides = array<i32>} : memref<32x4x128xf32, #tpu.memory_space<vmem>>, vector<16xf32>,
        tpu.vector_store %arg8[%parallel_loop3A_870, %parallel_loop3A_871, %parallel_loop3A_872], %parallel_loop3A_868 {strides = array<i32>} : memref<32x4x128xf32, #tpu.memory_space<vmem>>, vector<16xf32>,
        %parallel_loop3A_874 = arith.mulf %parallel_loop3A_823, %parallel_loop3A_852 : vector<16xf32>
        %parallel_loop3A_875 = arith.constant 1 : i32
        %parallel_loop3A_876 = arith.index_cast %parallel_loop3A_195 : i32 to index
        %parallel_loop3A_877 = arith.index_cast %parallel_loop3A_875 : i32 to index
        %parallel_loop3A_878 = arith.constant 64 : index
        %parallel_loop3A_879 = tpu.vector_load %arg8[%parallel_loop3A_876, %parallel_loop3A_877, %parallel_loop3A_878] {strides = array<i32>} : memref<32x4x128xf32, #tpu.memory_space<vmem>>, vector<16xf32>,
        tpu.vector_store %arg8[%parallel_loop3A_876, %parallel_loop3A_877, %parallel_loop3A_878], %parallel_loop3A_874 {strides = array<i32>} : memref<32x4x128xf32, #tpu.memory_space<vmem>>, vector<16xf32>,
        %parallel_loop3A_880 = arith.mulf %parallel_loop3A_830, %parallel_loop3A_852 : vector<16xf32>
        %parallel_loop3A_881 = arith.constant 2 : i32
        %parallel_loop3A_882 = arith.index_cast %parallel_loop3A_195 : i32 to index
        %parallel_loop3A_883 = arith.index_cast %parallel_loop3A_881 : i32 to index
        %parallel_loop3A_884 = arith.constant 64 : index
        %parallel_loop3A_885 = tpu.vector_load %arg8[%parallel_loop3A_882, %parallel_loop3A_883, %parallel_loop3A_884] {strides = array<i32>} : memref<32x4x128xf32, #tpu.memory_space<vmem>>, vector<16xf32>,
        tpu.vector_store %arg8[%parallel_loop3A_882, %parallel_loop3A_883, %parallel_loop3A_884], %parallel_loop3A_880 {strides = array<i32>} : memref<32x4x128xf32, #tpu.memory_space<vmem>>, vector<16xf32>,
        %parallel_loop3A_886 = arith.index_cast %parallel_loop3A_195 : i32 to index
        %parallel_loop3A_887 = arith.constant 80 : index
        %parallel_loop3A_888 = tpu.vector_load %arg10[%parallel_loop3A_886, %parallel_loop3A_887] {strides = array<i32>} : memref<32x128xi32, #tpu.memory_space<vmem>>, vector<16xi32>,
        %parallel_loop3A_889 = arith.constant 0 : i32
        %parallel_loop3A_890 = arith.index_cast %parallel_loop3A_195 : i32 to index
        %parallel_loop3A_891 = arith.index_cast %parallel_loop3A_889 : i32 to index
        %parallel_loop3A_892 = arith.constant 80 : index
        %parallel_loop3A_893 = tpu.vector_load %arg17[%parallel_loop3A_890, %parallel_loop3A_891, %parallel_loop3A_892] {strides = array<i32>} : memref<32x4x128xf32, #tpu.memory_space<vmem>>, vector<16xf32>,
        %parallel_loop3A_894 = arith.constant 1 : i32
        %parallel_loop3A_895 = arith.index_cast %parallel_loop3A_195 : i32 to index
        %parallel_loop3A_896 = arith.index_cast %parallel_loop3A_894 : i32 to index
        %parallel_loop3A_897 = arith.constant 80 : index
        %parallel_loop3A_898 = tpu.vector_load %arg17[%parallel_loop3A_895, %parallel_loop3A_896, %parallel_loop3A_897] {strides = array<i32>} : memref<32x4x128xf32, #tpu.memory_space<vmem>>, vector<16xf32>,
        %parallel_loop3A_899 = arith.constant 2 : i32
        %parallel_loop3A_900 = arith.index_cast %parallel_loop3A_195 : i32 to index
        %parallel_loop3A_901 = arith.index_cast %parallel_loop3A_899 : i32 to index
        %parallel_loop3A_902 = arith.constant 80 : index
        %parallel_loop3A_903 = tpu.vector_load %arg17[%parallel_loop3A_900, %parallel_loop3A_901, %parallel_loop3A_902] {strides = array<i32>} : memref<32x4x128xf32, #tpu.memory_space<vmem>>, vector<16xf32>,
        %parallel_loop3A_904 = arith.constant 3 : i32
        %parallel_loop3A_905 = arith.index_cast %parallel_loop3A_195 : i32 to index
        %parallel_loop3A_906 = arith.index_cast %parallel_loop3A_904 : i32 to index
        %parallel_loop3A_907 = arith.constant 80 : index
        %parallel_loop3A_908 = tpu.vector_load %arg17[%parallel_loop3A_905, %parallel_loop3A_906, %parallel_loop3A_907] {strides = array<i32>} : memref<32x4x128xf32, #tpu.memory_space<vmem>>, vector<16xf32>,
        %parallel_loop3A_909 = arith.constant 0 : i32
        %parallel_loop3A_910 = tpu.memref_slice %arg15[%parallel_loop3A_909] : memref<96xf32, #tpu.memory_space<vmem>> -> memref<8xf32, #tpu.memory_space<vmem>>
        %parallel_loop3A_911 = tpu.vector_load_idx %parallel_loop3A_910[%parallel_loop3A_888] : memref<8xf32, #tpu.memory_space<vmem>>[vector<16xi32>], vector<16xf32>,
        %parallel_loop3A_912 = arith.constant 8 : i32
        %parallel_loop3A_913 = tpu.memref_slice %arg15[%parallel_loop3A_912] : memref<96xf32, #tpu.memory_space<vmem>> -> memref<8xf32, #tpu.memory_space<vmem>>
        %parallel_loop3A_914 = tpu.vector_load_idx %parallel_loop3A_913[%parallel_loop3A_888] : memref<8xf32, #tpu.memory_space<vmem>>[vector<16xi32>], vector<16xf32>,
        %parallel_loop3A_915 = arith.constant 16 : i32
        %parallel_loop3A_916 = tpu.memref_slice %arg15[%parallel_loop3A_915] : memref<96xf32, #tpu.memory_space<vmem>> -> memref<8xf32, #tpu.memory_space<vmem>>
        %parallel_loop3A_917 = tpu.vector_load_idx %parallel_loop3A_916[%parallel_loop3A_888] : memref<8xf32, #tpu.memory_space<vmem>>[vector<16xi32>], vector<16xf32>,
        %parallel_loop3A_918 = arith.constant 24 : i32
        %parallel_loop3A_919 = tpu.memref_slice %arg15[%parallel_loop3A_918] : memref<96xf32, #tpu.memory_space<vmem>> -> memref<8xf32, #tpu.memory_space<vmem>>
        %parallel_loop3A_920 = tpu.vector_load_idx %parallel_loop3A_919[%parallel_loop3A_888] : memref<8xf32, #tpu.memory_space<vmem>>[vector<16xi32>], vector<16xf32>,
        %parallel_loop3A_921 = arith.constant 32 : i32
        %parallel_loop3A_922 = tpu.memref_slice %arg15[%parallel_loop3A_921] : memref<96xf32, #tpu.memory_space<vmem>> -> memref<8xf32, #tpu.memory_space<vmem>>
        %parallel_loop3A_923 = tpu.vector_load_idx %parallel_loop3A_922[%parallel_loop3A_888] : memref<8xf32, #tpu.memory_space<vmem>>[vector<16xi32>], vector<16xf32>,
        %parallel_loop3A_924 = arith.constant 40 : i32
        %parallel_loop3A_925 = tpu.memref_slice %arg15[%parallel_loop3A_924] : memref<96xf32, #tpu.memory_space<vmem>> -> memref<8xf32, #tpu.memory_space<vmem>>
        %parallel_loop3A_926 = tpu.vector_load_idx %parallel_loop3A_925[%parallel_loop3A_888] : memref<8xf32, #tpu.memory_space<vmem>>[vector<16xi32>], vector<16xf32>,
        %parallel_loop3A_927 = arith.constant 48 : i32
        %parallel_loop3A_928 = tpu.memref_slice %arg15[%parallel_loop3A_927] : memref<96xf32, #tpu.memory_space<vmem>> -> memref<8xf32, #tpu.memory_space<vmem>>
        %parallel_loop3A_929 = tpu.vector_load_idx %parallel_loop3A_928[%parallel_loop3A_888] : memref<8xf32, #tpu.memory_space<vmem>>[vector<16xi32>], vector<16xf32>,
        %parallel_loop3A_930 = arith.constant 56 : i32
        %parallel_loop3A_931 = tpu.memref_slice %arg15[%parallel_loop3A_930] : memref<96xf32, #tpu.memory_space<vmem>> -> memref<8xf32, #tpu.memory_space<vmem>>
        %parallel_loop3A_932 = tpu.vector_load_idx %parallel_loop3A_931[%parallel_loop3A_888] : memref<8xf32, #tpu.memory_space<vmem>>[vector<16xi32>], vector<16xf32>,
        %parallel_loop3A_933 = arith.constant 64 : i32
        %parallel_loop3A_934 = tpu.memref_slice %arg15[%parallel_loop3A_933] : memref<96xf32, #tpu.memory_space<vmem>> -> memref<8xf32, #tpu.memory_space<vmem>>
        %parallel_loop3A_935 = tpu.vector_load_idx %parallel_loop3A_934[%parallel_loop3A_888] : memref<8xf32, #tpu.memory_space<vmem>>[vector<16xi32>], vector<16xf32>,
        %parallel_loop3A_936 = arith.constant 72 : i32
        %parallel_loop3A_937 = tpu.memref_slice %arg15[%parallel_loop3A_936] : memref<96xf32, #tpu.memory_space<vmem>> -> memref<8xf32, #tpu.memory_space<vmem>>
        %parallel_loop3A_938 = tpu.vector_load_idx %parallel_loop3A_937[%parallel_loop3A_888] : memref<8xf32, #tpu.memory_space<vmem>>[vector<16xi32>], vector<16xf32>,
        %parallel_loop3A_939 = arith.constant 80 : i32
        %parallel_loop3A_940 = tpu.memref_slice %arg15[%parallel_loop3A_939] : memref<96xf32, #tpu.memory_space<vmem>> -> memref<8xf32, #tpu.memory_space<vmem>>
        %parallel_loop3A_941 = tpu.vector_load_idx %parallel_loop3A_940[%parallel_loop3A_888] : memref<8xf32, #tpu.memory_space<vmem>>[vector<16xi32>], vector<16xf32>,
        %parallel_loop3A_942 = arith.constant 88 : i32
        %parallel_loop3A_943 = tpu.memref_slice %arg15[%parallel_loop3A_942] : memref<96xf32, #tpu.memory_space<vmem>> -> memref<8xf32, #tpu.memory_space<vmem>>
        %parallel_loop3A_944 = tpu.vector_load_idx %parallel_loop3A_943[%parallel_loop3A_888] : memref<8xf32, #tpu.memory_space<vmem>>[vector<16xi32>], vector<16xf32>,
        %parallel_loop3A_945 = arith.constant 1.000000e+00 : f32
        %parallel_loop3A_946 = vector.broadcast %parallel_loop3A_945 : f32 to vector<16xf32>
        %parallel_loop3A_947 = arith.subf %parallel_loop3A_908, %parallel_loop3A_946 : vector<16xf32>
        %parallel_loop3A_948 = arith.mulf %parallel_loop3A_911, %parallel_loop3A_893 : vector<16xf32>
        %parallel_loop3A_949 = arith.mulf %parallel_loop3A_914, %parallel_loop3A_898 : vector<16xf32>
        %parallel_loop3A_950 = arith.addf %parallel_loop3A_948, %parallel_loop3A_949 : vector<16xf32>
        %parallel_loop3A_951 = arith.mulf %parallel_loop3A_917, %parallel_loop3A_903 : vector<16xf32>
        %parallel_loop3A_952 = arith.addf %parallel_loop3A_950, %parallel_loop3A_951 : vector<16xf32>
        %parallel_loop3A_953 = arith.mulf %parallel_loop3A_947, %parallel_loop3A_920 : vector<16xf32>
        %parallel_loop3A_954 = arith.addf %parallel_loop3A_952, %parallel_loop3A_953 : vector<16xf32>
        %parallel_loop3A_955 = arith.mulf %parallel_loop3A_923, %parallel_loop3A_893 : vector<16xf32>
        %parallel_loop3A_956 = arith.mulf %parallel_loop3A_926, %parallel_loop3A_898 : vector<16xf32>
        %parallel_loop3A_957 = arith.addf %parallel_loop3A_955, %parallel_loop3A_956 : vector<16xf32>
        %parallel_loop3A_958 = arith.mulf %parallel_loop3A_929, %parallel_loop3A_903 : vector<16xf32>
        %parallel_loop3A_959 = arith.addf %parallel_loop3A_957, %parallel_loop3A_958 : vector<16xf32>
        %parallel_loop3A_960 = arith.mulf %parallel_loop3A_947, %parallel_loop3A_932 : vector<16xf32>
        %parallel_loop3A_961 = arith.addf %parallel_loop3A_959, %parallel_loop3A_960 : vector<16xf32>
        %parallel_loop3A_962 = arith.mulf %parallel_loop3A_935, %parallel_loop3A_893 : vector<16xf32>
        %parallel_loop3A_963 = arith.mulf %parallel_loop3A_938, %parallel_loop3A_898 : vector<16xf32>
        %parallel_loop3A_964 = arith.addf %parallel_loop3A_962, %parallel_loop3A_963 : vector<16xf32>
        %parallel_loop3A_965 = arith.mulf %parallel_loop3A_941, %parallel_loop3A_903 : vector<16xf32>
        %parallel_loop3A_966 = arith.addf %parallel_loop3A_964, %parallel_loop3A_965 : vector<16xf32>
        %parallel_loop3A_967 = arith.mulf %parallel_loop3A_947, %parallel_loop3A_944 : vector<16xf32>
        %parallel_loop3A_968 = arith.addf %parallel_loop3A_966, %parallel_loop3A_967 : vector<16xf32>
        %parallel_loop3A_969 = arith.mulf %parallel_loop3A_954, %parallel_loop3A_954 : vector<16xf32>
        %parallel_loop3A_970 = arith.mulf %parallel_loop3A_961, %parallel_loop3A_961 : vector<16xf32>
        %parallel_loop3A_971 = arith.addf %parallel_loop3A_969, %parallel_loop3A_970 : vector<16xf32>
        %parallel_loop3A_972 = arith.mulf %parallel_loop3A_968, %parallel_loop3A_968 : vector<16xf32>
        %parallel_loop3A_973 = arith.addf %parallel_loop3A_971, %parallel_loop3A_972 : vector<16xf32>
        %parallel_loop3A_974 = arith.constant 5.000000e-01 : f32
        %parallel_loop3A_975 = vector.broadcast %parallel_loop3A_974 : f32 to vector<16xf32>
        %parallel_loop3A_976 = arith.mulf %parallel_loop3A_973, %parallel_loop3A_975 : vector<16xf32>
        %parallel_loop3A_977 = vector.bitcast %parallel_loop3A_973 : vector<16xf32> to vector<16xi32>
        %parallel_loop3A_978 = arith.constant 1 : i32
        %parallel_loop3A_979 = vector.broadcast %parallel_loop3A_978 : i32 to vector<16xi32>
        %parallel_loop3A_980 = arith.shrsi %parallel_loop3A_977, %parallel_loop3A_979 : vector<16xi32>
        %parallel_loop3A_981 = arith.constant 1597463007 : i32
        %parallel_loop3A_982 = vector.broadcast %parallel_loop3A_981 : i32 to vector<16xi32>
        %parallel_loop3A_983 = arith.subi %parallel_loop3A_982, %parallel_loop3A_980 : vector<16xi32>
        %parallel_loop3A_984 = vector.bitcast %parallel_loop3A_983 : vector<16xi32> to vector<16xf32>
        %parallel_loop3A_985 = arith.mulf %parallel_loop3A_976, %parallel_loop3A_984 : vector<16xf32>
        %parallel_loop3A_986 = arith.mulf %parallel_loop3A_985, %parallel_loop3A_984 : vector<16xf32>
        %parallel_loop3A_987 = arith.constant 1.500000e+00 : f32
        %parallel_loop3A_988 = vector.broadcast %parallel_loop3A_987 : f32 to vector<16xf32>
        %parallel_loop3A_989 = arith.subf %parallel_loop3A_988, %parallel_loop3A_986 : vector<16xf32>
        %parallel_loop3A_990 = arith.mulf %parallel_loop3A_984, %parallel_loop3A_989 : vector<16xf32>
        %parallel_loop3A_991 = arith.constant 0 : i32
        %parallel_loop3A_992 = arith.index_cast %parallel_loop3A_195 : i32 to index
        %parallel_loop3A_993 = arith.index_cast %parallel_loop3A_991 : i32 to index
        %parallel_loop3A_994 = arith.constant 80 : index
        %parallel_loop3A_995 = tpu.vector_load %arg13[%parallel_loop3A_992, %parallel_loop3A_993, %parallel_loop3A_994] {strides = array<i32>} : memref<32x4x128xf32, #tpu.memory_space<vmem>>, vector<16xf32>,
        tpu.vector_store %arg13[%parallel_loop3A_992, %parallel_loop3A_993, %parallel_loop3A_994], %parallel_loop3A_920 {strides = array<i32>} : memref<32x4x128xf32, #tpu.memory_space<vmem>>, vector<16xf32>,
        %parallel_loop3A_996 = arith.constant 1 : i32
        %parallel_loop3A_997 = arith.index_cast %parallel_loop3A_195 : i32 to index
        %parallel_loop3A_998 = arith.index_cast %parallel_loop3A_996 : i32 to index
        %parallel_loop3A_999 = arith.constant 80 : index
        %parallel_loop3A_1000 = tpu.vector_load %arg13[%parallel_loop3A_997, %parallel_loop3A_998, %parallel_loop3A_999] {strides = array<i32>} : memref<32x4x128xf32, #tpu.memory_space<vmem>>, vector<16xf32>,
        tpu.vector_store %arg13[%parallel_loop3A_997, %parallel_loop3A_998, %parallel_loop3A_999], %parallel_loop3A_932 {strides = array<i32>} : memref<32x4x128xf32, #tpu.memory_space<vmem>>, vector<16xf32>,
        %parallel_loop3A_1001 = arith.constant 2 : i32
        %parallel_loop3A_1002 = arith.index_cast %parallel_loop3A_195 : i32 to index
        %parallel_loop3A_1003 = arith.index_cast %parallel_loop3A_1001 : i32 to index
        %parallel_loop3A_1004 = arith.constant 80 : index
        %parallel_loop3A_1005 = tpu.vector_load %arg13[%parallel_loop3A_1002, %parallel_loop3A_1003, %parallel_loop3A_1004] {strides = array<i32>} : memref<32x4x128xf32, #tpu.memory_space<vmem>>, vector<16xf32>,
        tpu.vector_store %arg13[%parallel_loop3A_1002, %parallel_loop3A_1003, %parallel_loop3A_1004], %parallel_loop3A_944 {strides = array<i32>} : memref<32x4x128xf32, #tpu.memory_space<vmem>>, vector<16xf32>,
        %parallel_loop3A_1006 = arith.mulf %parallel_loop3A_954, %parallel_loop3A_990 : vector<16xf32>
        %parallel_loop3A_1007 = arith.constant 0 : i32
        %parallel_loop3A_1008 = arith.index_cast %parallel_loop3A_195 : i32 to index
        %parallel_loop3A_1009 = arith.index_cast %parallel_loop3A_1007 : i32 to index
        %parallel_loop3A_1010 = arith.constant 80 : index
        %parallel_loop3A_1011 = tpu.vector_load %arg8[%parallel_loop3A_1008, %parallel_loop3A_1009, %parallel_loop3A_1010] {strides = array<i32>} : memref<32x4x128xf32, #tpu.memory_space<vmem>>, vector<16xf32>,
        tpu.vector_store %arg8[%parallel_loop3A_1008, %parallel_loop3A_1009, %parallel_loop3A_1010], %parallel_loop3A_1006 {strides = array<i32>} : memref<32x4x128xf32, #tpu.memory_space<vmem>>, vector<16xf32>,
        %parallel_loop3A_1012 = arith.mulf %parallel_loop3A_961, %parallel_loop3A_990 : vector<16xf32>
        %parallel_loop3A_1013 = arith.constant 1 : i32
        %parallel_loop3A_1014 = arith.index_cast %parallel_loop3A_195 : i32 to index
        %parallel_loop3A_1015 = arith.index_cast %parallel_loop3A_1013 : i32 to index
        %parallel_loop3A_1016 = arith.constant 80 : index
        %parallel_loop3A_1017 = tpu.vector_load %arg8[%parallel_loop3A_1014, %parallel_loop3A_1015, %parallel_loop3A_1016] {strides = array<i32>} : memref<32x4x128xf32, #tpu.memory_space<vmem>>, vector<16xf32>,
        tpu.vector_store %arg8[%parallel_loop3A_1014, %parallel_loop3A_1015, %parallel_loop3A_1016], %parallel_loop3A_1012 {strides = array<i32>} : memref<32x4x128xf32, #tpu.memory_space<vmem>>, vector<16xf32>,
        %parallel_loop3A_1018 = arith.mulf %parallel_loop3A_968, %parallel_loop3A_990 : vector<16xf32>
        %parallel_loop3A_1019 = arith.constant 2 : i32
        %parallel_loop3A_1020 = arith.index_cast %parallel_loop3A_195 : i32 to index
        %parallel_loop3A_1021 = arith.index_cast %parallel_loop3A_1019 : i32 to index
        %parallel_loop3A_1022 = arith.constant 80 : index
        %parallel_loop3A_1023 = tpu.vector_load %arg8[%parallel_loop3A_1020, %parallel_loop3A_1021, %parallel_loop3A_1022] {strides = array<i32>} : memref<32x4x128xf32, #tpu.memory_space<vmem>>, vector<16xf32>,
        tpu.vector_store %arg8[%parallel_loop3A_1020, %parallel_loop3A_1021, %parallel_loop3A_1022], %parallel_loop3A_1018 {strides = array<i32>} : memref<32x4x128xf32, #tpu.memory_space<vmem>>, vector<16xf32>,
        %parallel_loop3A_1024 = arith.index_cast %parallel_loop3A_195 : i32 to index
        %parallel_loop3A_1025 = arith.constant 96 : index
        %parallel_loop3A_1026 = tpu.vector_load %arg10[%parallel_loop3A_1024, %parallel_loop3A_1025] {strides = array<i32>} : memref<32x128xi32, #tpu.memory_space<vmem>>, vector<16xi32>,
        %parallel_loop3A_1027 = arith.constant 0 : i32
        %parallel_loop3A_1028 = arith.index_cast %parallel_loop3A_195 : i32 to index
        %parallel_loop3A_1029 = arith.index_cast %parallel_loop3A_1027 : i32 to index
        %parallel_loop3A_1030 = arith.constant 96 : index
        %parallel_loop3A_1031 = tpu.vector_load %arg17[%parallel_loop3A_1028, %parallel_loop3A_1029, %parallel_loop3A_1030] {strides = array<i32>} : memref<32x4x128xf32, #tpu.memory_space<vmem>>, vector<16xf32>,
        %parallel_loop3A_1032 = arith.constant 1 : i32
        %parallel_loop3A_1033 = arith.index_cast %parallel_loop3A_195 : i32 to index
        %parallel_loop3A_1034 = arith.index_cast %parallel_loop3A_1032 : i32 to index
        %parallel_loop3A_1035 = arith.constant 96 : index
        %parallel_loop3A_1036 = tpu.vector_load %arg17[%parallel_loop3A_1033, %parallel_loop3A_1034, %parallel_loop3A_1035] {strides = array<i32>} : memref<32x4x128xf32, #tpu.memory_space<vmem>>, vector<16xf32>,
        %parallel_loop3A_1037 = arith.constant 2 : i32
        %parallel_loop3A_1038 = arith.index_cast %parallel_loop3A_195 : i32 to index
        %parallel_loop3A_1039 = arith.index_cast %parallel_loop3A_1037 : i32 to index
        %parallel_loop3A_1040 = arith.constant 96 : index
        %parallel_loop3A_1041 = tpu.vector_load %arg17[%parallel_loop3A_1038, %parallel_loop3A_1039, %parallel_loop3A_1040] {strides = array<i32>} : memref<32x4x128xf32, #tpu.memory_space<vmem>>, vector<16xf32>,
        %parallel_loop3A_1042 = arith.constant 3 : i32
        %parallel_loop3A_1043 = arith.index_cast %parallel_loop3A_195 : i32 to index
        %parallel_loop3A_1044 = arith.index_cast %parallel_loop3A_1042 : i32 to index
        %parallel_loop3A_1045 = arith.constant 96 : index
        %parallel_loop3A_1046 = tpu.vector_load %arg17[%parallel_loop3A_1043, %parallel_loop3A_1044, %parallel_loop3A_1045] {strides = array<i32>} : memref<32x4x128xf32, #tpu.memory_space<vmem>>, vector<16xf32>,
        %parallel_loop3A_1047 = arith.constant 0 : i32
        %parallel_loop3A_1048 = tpu.memref_slice %arg15[%parallel_loop3A_1047] : memref<96xf32, #tpu.memory_space<vmem>> -> memref<8xf32, #tpu.memory_space<vmem>>
        %parallel_loop3A_1049 = tpu.vector_load_idx %parallel_loop3A_1048[%parallel_loop3A_1026] : memref<8xf32, #tpu.memory_space<vmem>>[vector<16xi32>], vector<16xf32>,
        %parallel_loop3A_1050 = arith.constant 8 : i32
        %parallel_loop3A_1051 = tpu.memref_slice %arg15[%parallel_loop3A_1050] : memref<96xf32, #tpu.memory_space<vmem>> -> memref<8xf32, #tpu.memory_space<vmem>>
        %parallel_loop3A_1052 = tpu.vector_load_idx %parallel_loop3A_1051[%parallel_loop3A_1026] : memref<8xf32, #tpu.memory_space<vmem>>[vector<16xi32>], vector<16xf32>,
        %parallel_loop3A_1053 = arith.constant 16 : i32
        %parallel_loop3A_1054 = tpu.memref_slice %arg15[%parallel_loop3A_1053] : memref<96xf32, #tpu.memory_space<vmem>> -> memref<8xf32, #tpu.memory_space<vmem>>
        %parallel_loop3A_1055 = tpu.vector_load_idx %parallel_loop3A_1054[%parallel_loop3A_1026] : memref<8xf32, #tpu.memory_space<vmem>>[vector<16xi32>], vector<16xf32>,
        %parallel_loop3A_1056 = arith.constant 24 : i32
        %parallel_loop3A_1057 = tpu.memref_slice %arg15[%parallel_loop3A_1056] : memref<96xf32, #tpu.memory_space<vmem>> -> memref<8xf32, #tpu.memory_space<vmem>>
        %parallel_loop3A_1058 = tpu.vector_load_idx %parallel_loop3A_1057[%parallel_loop3A_1026] : memref<8xf32, #tpu.memory_space<vmem>>[vector<16xi32>], vector<16xf32>,
        %parallel_loop3A_1059 = arith.constant 32 : i32
        %parallel_loop3A_1060 = tpu.memref_slice %arg15[%parallel_loop3A_1059] : memref<96xf32, #tpu.memory_space<vmem>> -> memref<8xf32, #tpu.memory_space<vmem>>
        %parallel_loop3A_1061 = tpu.vector_load_idx %parallel_loop3A_1060[%parallel_loop3A_1026] : memref<8xf32, #tpu.memory_space<vmem>>[vector<16xi32>], vector<16xf32>,
        %parallel_loop3A_1062 = arith.constant 40 : i32
        %parallel_loop3A_1063 = tpu.memref_slice %arg15[%parallel_loop3A_1062] : memref<96xf32, #tpu.memory_space<vmem>> -> memref<8xf32, #tpu.memory_space<vmem>>
        %parallel_loop3A_1064 = tpu.vector_load_idx %parallel_loop3A_1063[%parallel_loop3A_1026] : memref<8xf32, #tpu.memory_space<vmem>>[vector<16xi32>], vector<16xf32>,
        %parallel_loop3A_1065 = arith.constant 48 : i32
        %parallel_loop3A_1066 = tpu.memref_slice %arg15[%parallel_loop3A_1065] : memref<96xf32, #tpu.memory_space<vmem>> -> memref<8xf32, #tpu.memory_space<vmem>>
        %parallel_loop3A_1067 = tpu.vector_load_idx %parallel_loop3A_1066[%parallel_loop3A_1026] : memref<8xf32, #tpu.memory_space<vmem>>[vector<16xi32>], vector<16xf32>,
        %parallel_loop3A_1068 = arith.constant 56 : i32
        %parallel_loop3A_1069 = tpu.memref_slice %arg15[%parallel_loop3A_1068] : memref<96xf32, #tpu.memory_space<vmem>> -> memref<8xf32, #tpu.memory_space<vmem>>
        %parallel_loop3A_1070 = tpu.vector_load_idx %parallel_loop3A_1069[%parallel_loop3A_1026] : memref<8xf32, #tpu.memory_space<vmem>>[vector<16xi32>], vector<16xf32>,
        %parallel_loop3A_1071 = arith.constant 64 : i32
        %parallel_loop3A_1072 = tpu.memref_slice %arg15[%parallel_loop3A_1071] : memref<96xf32, #tpu.memory_space<vmem>> -> memref<8xf32, #tpu.memory_space<vmem>>
        %parallel_loop3A_1073 = tpu.vector_load_idx %parallel_loop3A_1072[%parallel_loop3A_1026] : memref<8xf32, #tpu.memory_space<vmem>>[vector<16xi32>], vector<16xf32>,
        %parallel_loop3A_1074 = arith.constant 72 : i32
        %parallel_loop3A_1075 = tpu.memref_slice %arg15[%parallel_loop3A_1074] : memref<96xf32, #tpu.memory_space<vmem>> -> memref<8xf32, #tpu.memory_space<vmem>>
        %parallel_loop3A_1076 = tpu.vector_load_idx %parallel_loop3A_1075[%parallel_loop3A_1026] : memref<8xf32, #tpu.memory_space<vmem>>[vector<16xi32>], vector<16xf32>,
        %parallel_loop3A_1077 = arith.constant 80 : i32
        %parallel_loop3A_1078 = tpu.memref_slice %arg15[%parallel_loop3A_1077] : memref<96xf32, #tpu.memory_space<vmem>> -> memref<8xf32, #tpu.memory_space<vmem>>
        %parallel_loop3A_1079 = tpu.vector_load_idx %parallel_loop3A_1078[%parallel_loop3A_1026] : memref<8xf32, #tpu.memory_space<vmem>>[vector<16xi32>], vector<16xf32>,
        %parallel_loop3A_1080 = arith.constant 88 : i32
        %parallel_loop3A_1081 = tpu.memref_slice %arg15[%parallel_loop3A_1080] : memref<96xf32, #tpu.memory_space<vmem>> -> memref<8xf32, #tpu.memory_space<vmem>>
        %parallel_loop3A_1082 = tpu.vector_load_idx %parallel_loop3A_1081[%parallel_loop3A_1026] : memref<8xf32, #tpu.memory_space<vmem>>[vector<16xi32>], vector<16xf32>,
        %parallel_loop3A_1083 = arith.constant 1.000000e+00 : f32
        %parallel_loop3A_1084 = vector.broadcast %parallel_loop3A_1083 : f32 to vector<16xf32>
        %parallel_loop3A_1085 = arith.subf %parallel_loop3A_1046, %parallel_loop3A_1084 : vector<16xf32>
        %parallel_loop3A_1086 = arith.mulf %parallel_loop3A_1049, %parallel_loop3A_1031 : vector<16xf32>
        %parallel_loop3A_1087 = arith.mulf %parallel_loop3A_1052, %parallel_loop3A_1036 : vector<16xf32>
        %parallel_loop3A_1088 = arith.addf %parallel_loop3A_1086, %parallel_loop3A_1087 : vector<16xf32>
        %parallel_loop3A_1089 = arith.mulf %parallel_loop3A_1055, %parallel_loop3A_1041 : vector<16xf32>
        %parallel_loop3A_1090 = arith.addf %parallel_loop3A_1088, %parallel_loop3A_1089 : vector<16xf32>
        %parallel_loop3A_1091 = arith.mulf %parallel_loop3A_1085, %parallel_loop3A_1058 : vector<16xf32>
        %parallel_loop3A_1092 = arith.addf %parallel_loop3A_1090, %parallel_loop3A_1091 : vector<16xf32>
        %parallel_loop3A_1093 = arith.mulf %parallel_loop3A_1061, %parallel_loop3A_1031 : vector<16xf32>
        %parallel_loop3A_1094 = arith.mulf %parallel_loop3A_1064, %parallel_loop3A_1036 : vector<16xf32>
        %parallel_loop3A_1095 = arith.addf %parallel_loop3A_1093, %parallel_loop3A_1094 : vector<16xf32>
        %parallel_loop3A_1096 = arith.mulf %parallel_loop3A_1067, %parallel_loop3A_1041 : vector<16xf32>
        %parallel_loop3A_1097 = arith.addf %parallel_loop3A_1095, %parallel_loop3A_1096 : vector<16xf32>
        %parallel_loop3A_1098 = arith.mulf %parallel_loop3A_1085, %parallel_loop3A_1070 : vector<16xf32>
        %parallel_loop3A_1099 = arith.addf %parallel_loop3A_1097, %parallel_loop3A_1098 : vector<16xf32>
        %parallel_loop3A_1100 = arith.mulf %parallel_loop3A_1073, %parallel_loop3A_1031 : vector<16xf32>
        %parallel_loop3A_1101 = arith.mulf %parallel_loop3A_1076, %parallel_loop3A_1036 : vector<16xf32>
        %parallel_loop3A_1102 = arith.addf %parallel_loop3A_1100, %parallel_loop3A_1101 : vector<16xf32>
        %parallel_loop3A_1103 = arith.mulf %parallel_loop3A_1079, %parallel_loop3A_1041 : vector<16xf32>
        %parallel_loop3A_1104 = arith.addf %parallel_loop3A_1102, %parallel_loop3A_1103 : vector<16xf32>
        %parallel_loop3A_1105 = arith.mulf %parallel_loop3A_1085, %parallel_loop3A_1082 : vector<16xf32>
        %parallel_loop3A_1106 = arith.addf %parallel_loop3A_1104, %parallel_loop3A_1105 : vector<16xf32>
        %parallel_loop3A_1107 = arith.mulf %parallel_loop3A_1092, %parallel_loop3A_1092 : vector<16xf32>
        %parallel_loop3A_1108 = arith.mulf %parallel_loop3A_1099, %parallel_loop3A_1099 : vector<16xf32>
        %parallel_loop3A_1109 = arith.addf %parallel_loop3A_1107, %parallel_loop3A_1108 : vector<16xf32>
        %parallel_loop3A_1110 = arith.mulf %parallel_loop3A_1106, %parallel_loop3A_1106 : vector<16xf32>
        %parallel_loop3A_1111 = arith.addf %parallel_loop3A_1109, %parallel_loop3A_1110 : vector<16xf32>
        %parallel_loop3A_1112 = arith.constant 5.000000e-01 : f32
        %parallel_loop3A_1113 = vector.broadcast %parallel_loop3A_1112 : f32 to vector<16xf32>
        %parallel_loop3A_1114 = arith.mulf %parallel_loop3A_1111, %parallel_loop3A_1113 : vector<16xf32>
        %parallel_loop3A_1115 = vector.bitcast %parallel_loop3A_1111 : vector<16xf32> to vector<16xi32>
        %parallel_loop3A_1116 = arith.constant 1 : i32
        %parallel_loop3A_1117 = vector.broadcast %parallel_loop3A_1116 : i32 to vector<16xi32>
        %parallel_loop3A_1118 = arith.shrsi %parallel_loop3A_1115, %parallel_loop3A_1117 : vector<16xi32>
        %parallel_loop3A_1119 = arith.constant 1597463007 : i32
        %parallel_loop3A_1120 = vector.broadcast %parallel_loop3A_1119 : i32 to vector<16xi32>
        %parallel_loop3A_1121 = arith.subi %parallel_loop3A_1120, %parallel_loop3A_1118 : vector<16xi32>
        %parallel_loop3A_1122 = vector.bitcast %parallel_loop3A_1121 : vector<16xi32> to vector<16xf32>
        %parallel_loop3A_1123 = arith.mulf %parallel_loop3A_1114, %parallel_loop3A_1122 : vector<16xf32>
        %parallel_loop3A_1124 = arith.mulf %parallel_loop3A_1123, %parallel_loop3A_1122 : vector<16xf32>
        %parallel_loop3A_1125 = arith.constant 1.500000e+00 : f32
        %parallel_loop3A_1126 = vector.broadcast %parallel_loop3A_1125 : f32 to vector<16xf32>
        %parallel_loop3A_1127 = arith.subf %parallel_loop3A_1126, %parallel_loop3A_1124 : vector<16xf32>
        %parallel_loop3A_1128 = arith.mulf %parallel_loop3A_1122, %parallel_loop3A_1127 : vector<16xf32>
        %parallel_loop3A_1129 = arith.constant 0 : i32
        %parallel_loop3A_1130 = arith.index_cast %parallel_loop3A_195 : i32 to index
        %parallel_loop3A_1131 = arith.index_cast %parallel_loop3A_1129 : i32 to index
        %parallel_loop3A_1132 = arith.constant 96 : index
        %parallel_loop3A_1133 = tpu.vector_load %arg13[%parallel_loop3A_1130, %parallel_loop3A_1131, %parallel_loop3A_1132] {strides = array<i32>} : memref<32x4x128xf32, #tpu.memory_space<vmem>>, vector<16xf32>,
        tpu.vector_store %arg13[%parallel_loop3A_1130, %parallel_loop3A_1131, %parallel_loop3A_1132], %parallel_loop3A_1058 {strides = array<i32>} : memref<32x4x128xf32, #tpu.memory_space<vmem>>, vector<16xf32>,
        %parallel_loop3A_1134 = arith.constant 1 : i32
        %parallel_loop3A_1135 = arith.index_cast %parallel_loop3A_195 : i32 to index
        %parallel_loop3A_1136 = arith.index_cast %parallel_loop3A_1134 : i32 to index
        %parallel_loop3A_1137 = arith.constant 96 : index
        %parallel_loop3A_1138 = tpu.vector_load %arg13[%parallel_loop3A_1135, %parallel_loop3A_1136, %parallel_loop3A_1137] {strides = array<i32>} : memref<32x4x128xf32, #tpu.memory_space<vmem>>, vector<16xf32>,
        tpu.vector_store %arg13[%parallel_loop3A_1135, %parallel_loop3A_1136, %parallel_loop3A_1137], %parallel_loop3A_1070 {strides = array<i32>} : memref<32x4x128xf32, #tpu.memory_space<vmem>>, vector<16xf32>,
        %parallel_loop3A_1139 = arith.constant 2 : i32
        %parallel_loop3A_1140 = arith.index_cast %parallel_loop3A_195 : i32 to index
        %parallel_loop3A_1141 = arith.index_cast %parallel_loop3A_1139 : i32 to index
        %parallel_loop3A_1142 = arith.constant 96 : index
        %parallel_loop3A_1143 = tpu.vector_load %arg13[%parallel_loop3A_1140, %parallel_loop3A_1141, %parallel_loop3A_1142] {strides = array<i32>} : memref<32x4x128xf32, #tpu.memory_space<vmem>>, vector<16xf32>,
        tpu.vector_store %arg13[%parallel_loop3A_1140, %parallel_loop3A_1141, %parallel_loop3A_1142], %parallel_loop3A_1082 {strides = array<i32>} : memref<32x4x128xf32, #tpu.memory_space<vmem>>, vector<16xf32>,
        %parallel_loop3A_1144 = arith.mulf %parallel_loop3A_1092, %parallel_loop3A_1128 : vector<16xf32>
        %parallel_loop3A_1145 = arith.constant 0 : i32
        %parallel_loop3A_1146 = arith.index_cast %parallel_loop3A_195 : i32 to index
        %parallel_loop3A_1147 = arith.index_cast %parallel_loop3A_1145 : i32 to index
        %parallel_loop3A_1148 = arith.constant 96 : index
        %parallel_loop3A_1149 = tpu.vector_load %arg8[%parallel_loop3A_1146, %parallel_loop3A_1147, %parallel_loop3A_1148] {strides = array<i32>} : memref<32x4x128xf32, #tpu.memory_space<vmem>>, vector<16xf32>,
        tpu.vector_store %arg8[%parallel_loop3A_1146, %parallel_loop3A_1147, %parallel_loop3A_1148], %parallel_loop3A_1144 {strides = array<i32>} : memref<32x4x128xf32, #tpu.memory_space<vmem>>, vector<16xf32>,
        %parallel_loop3A_1150 = arith.mulf %parallel_loop3A_1099, %parallel_loop3A_1128 : vector<16xf32>
        %parallel_loop3A_1151 = arith.constant 1 : i32
        %parallel_loop3A_1152 = arith.index_cast %parallel_loop3A_195 : i32 to index
        %parallel_loop3A_1153 = arith.index_cast %parallel_loop3A_1151 : i32 to index
        %parallel_loop3A_1154 = arith.constant 96 : index
        %parallel_loop3A_1155 = tpu.vector_load %arg8[%parallel_loop3A_1152, %parallel_loop3A_1153, %parallel_loop3A_1154] {strides = array<i32>} : memref<32x4x128xf32, #tpu.memory_space<vmem>>, vector<16xf32>,
        tpu.vector_store %arg8[%parallel_loop3A_1152, %parallel_loop3A_1153, %parallel_loop3A_1154], %parallel_loop3A_1150 {strides = array<i32>} : memref<32x4x128xf32, #tpu.memory_space<vmem>>, vector<16xf32>,
        %parallel_loop3A_1156 = arith.mulf %parallel_loop3A_1106, %parallel_loop3A_1128 : vector<16xf32>
        %parallel_loop3A_1157 = arith.constant 2 : i32
        %parallel_loop3A_1158 = arith.index_cast %parallel_loop3A_195 : i32 to index
        %parallel_loop3A_1159 = arith.index_cast %parallel_loop3A_1157 : i32 to index
        %parallel_loop3A_1160 = arith.constant 96 : index
        %parallel_loop3A_1161 = tpu.vector_load %arg8[%parallel_loop3A_1158, %parallel_loop3A_1159, %parallel_loop3A_1160] {strides = array<i32>} : memref<32x4x128xf32, #tpu.memory_space<vmem>>, vector<16xf32>,
        tpu.vector_store %arg8[%parallel_loop3A_1158, %parallel_loop3A_1159, %parallel_loop3A_1160], %parallel_loop3A_1156 {strides = array<i32>} : memref<32x4x128xf32, #tpu.memory_space<vmem>>, vector<16xf32>,
        %parallel_loop3A_1162 = arith.index_cast %parallel_loop3A_195 : i32 to index
        %parallel_loop3A_1163 = arith.constant 112 : index
        %parallel_loop3A_1164 = tpu.vector_load %arg10[%parallel_loop3A_1162, %parallel_loop3A_1163] {strides = array<i32>} : memref<32x128xi32, #tpu.memory_space<vmem>>, vector<16xi32>,
        %parallel_loop3A_1165 = arith.constant 0 : i32
        %parallel_loop3A_1166 = arith.index_cast %parallel_loop3A_195 : i32 to index
        %parallel_loop3A_1167 = arith.index_cast %parallel_loop3A_1165 : i32 to index
        %parallel_loop3A_1168 = arith.constant 112 : index
        %parallel_loop3A_1169 = tpu.vector_load %arg17[%parallel_loop3A_1166, %parallel_loop3A_1167, %parallel_loop3A_1168] {strides = array<i32>} : memref<32x4x128xf32, #tpu.memory_space<vmem>>, vector<16xf32>,
        %parallel_loop3A_1170 = arith.constant 1 : i32
        %parallel_loop3A_1171 = arith.index_cast %parallel_loop3A_195 : i32 to index
        %parallel_loop3A_1172 = arith.index_cast %parallel_loop3A_1170 : i32 to index
        %parallel_loop3A_1173 = arith.constant 112 : index
        %parallel_loop3A_1174 = tpu.vector_load %arg17[%parallel_loop3A_1171, %parallel_loop3A_1172, %parallel_loop3A_1173] {strides = array<i32>} : memref<32x4x128xf32, #tpu.memory_space<vmem>>, vector<16xf32>,
        %parallel_loop3A_1175 = arith.constant 2 : i32
        %parallel_loop3A_1176 = arith.index_cast %parallel_loop3A_195 : i32 to index
        %parallel_loop3A_1177 = arith.index_cast %parallel_loop3A_1175 : i32 to index
        %parallel_loop3A_1178 = arith.constant 112 : index
        %parallel_loop3A_1179 = tpu.vector_load %arg17[%parallel_loop3A_1176, %parallel_loop3A_1177, %parallel_loop3A_1178] {strides = array<i32>} : memref<32x4x128xf32, #tpu.memory_space<vmem>>, vector<16xf32>,
        %parallel_loop3A_1180 = arith.constant 3 : i32
        %parallel_loop3A_1181 = arith.index_cast %parallel_loop3A_195 : i32 to index
        %parallel_loop3A_1182 = arith.index_cast %parallel_loop3A_1180 : i32 to index
        %parallel_loop3A_1183 = arith.constant 112 : index
        %parallel_loop3A_1184 = tpu.vector_load %arg17[%parallel_loop3A_1181, %parallel_loop3A_1182, %parallel_loop3A_1183] {strides = array<i32>} : memref<32x4x128xf32, #tpu.memory_space<vmem>>, vector<16xf32>,
        %parallel_loop3A_1185 = arith.constant 0 : i32
        %parallel_loop3A_1186 = tpu.memref_slice %arg15[%parallel_loop3A_1185] : memref<96xf32, #tpu.memory_space<vmem>> -> memref<8xf32, #tpu.memory_space<vmem>>
        %parallel_loop3A_1187 = tpu.vector_load_idx %parallel_loop3A_1186[%parallel_loop3A_1164] : memref<8xf32, #tpu.memory_space<vmem>>[vector<16xi32>], vector<16xf32>,
        %parallel_loop3A_1188 = arith.constant 8 : i32
        %parallel_loop3A_1189 = tpu.memref_slice %arg15[%parallel_loop3A_1188] : memref<96xf32, #tpu.memory_space<vmem>> -> memref<8xf32, #tpu.memory_space<vmem>>
        %parallel_loop3A_1190 = tpu.vector_load_idx %parallel_loop3A_1189[%parallel_loop3A_1164] : memref<8xf32, #tpu.memory_space<vmem>>[vector<16xi32>], vector<16xf32>,
        %parallel_loop3A_1191 = arith.constant 16 : i32
        %parallel_loop3A_1192 = tpu.memref_slice %arg15[%parallel_loop3A_1191] : memref<96xf32, #tpu.memory_space<vmem>> -> memref<8xf32, #tpu.memory_space<vmem>>
        %parallel_loop3A_1193 = tpu.vector_load_idx %parallel_loop3A_1192[%parallel_loop3A_1164] : memref<8xf32, #tpu.memory_space<vmem>>[vector<16xi32>], vector<16xf32>,
        %parallel_loop3A_1194 = arith.constant 24 : i32
        %parallel_loop3A_1195 = tpu.memref_slice %arg15[%parallel_loop3A_1194] : memref<96xf32, #tpu.memory_space<vmem>> -> memref<8xf32, #tpu.memory_space<vmem>>
        %parallel_loop3A_1196 = tpu.vector_load_idx %parallel_loop3A_1195[%parallel_loop3A_1164] : memref<8xf32, #tpu.memory_space<vmem>>[vector<16xi32>], vector<16xf32>,
        %parallel_loop3A_1197 = arith.constant 32 : i32
        %parallel_loop3A_1198 = tpu.memref_slice %arg15[%parallel_loop3A_1197] : memref<96xf32, #tpu.memory_space<vmem>> -> memref<8xf32, #tpu.memory_space<vmem>>
        %parallel_loop3A_1199 = tpu.vector_load_idx %parallel_loop3A_1198[%parallel_loop3A_1164] : memref<8xf32, #tpu.memory_space<vmem>>[vector<16xi32>], vector<16xf32>,
        %parallel_loop3A_1200 = arith.constant 40 : i32
        %parallel_loop3A_1201 = tpu.memref_slice %arg15[%parallel_loop3A_1200] : memref<96xf32, #tpu.memory_space<vmem>> -> memref<8xf32, #tpu.memory_space<vmem>>
        %parallel_loop3A_1202 = tpu.vector_load_idx %parallel_loop3A_1201[%parallel_loop3A_1164] : memref<8xf32, #tpu.memory_space<vmem>>[vector<16xi32>], vector<16xf32>,
        %parallel_loop3A_1203 = arith.constant 48 : i32
        %parallel_loop3A_1204 = tpu.memref_slice %arg15[%parallel_loop3A_1203] : memref<96xf32, #tpu.memory_space<vmem>> -> memref<8xf32, #tpu.memory_space<vmem>>
        %parallel_loop3A_1205 = tpu.vector_load_idx %parallel_loop3A_1204[%parallel_loop3A_1164] : memref<8xf32, #tpu.memory_space<vmem>>[vector<16xi32>], vector<16xf32>,
        %parallel_loop3A_1206 = arith.constant 56 : i32
        %parallel_loop3A_1207 = tpu.memref_slice %arg15[%parallel_loop3A_1206] : memref<96xf32, #tpu.memory_space<vmem>> -> memref<8xf32, #tpu.memory_space<vmem>>
        %parallel_loop3A_1208 = tpu.vector_load_idx %parallel_loop3A_1207[%parallel_loop3A_1164] : memref<8xf32, #tpu.memory_space<vmem>>[vector<16xi32>], vector<16xf32>,
        %parallel_loop3A_1209 = arith.constant 64 : i32
        %parallel_loop3A_1210 = tpu.memref_slice %arg15[%parallel_loop3A_1209] : memref<96xf32, #tpu.memory_space<vmem>> -> memref<8xf32, #tpu.memory_space<vmem>>
        %parallel_loop3A_1211 = tpu.vector_load_idx %parallel_loop3A_1210[%parallel_loop3A_1164] : memref<8xf32, #tpu.memory_space<vmem>>[vector<16xi32>], vector<16xf32>,
        %parallel_loop3A_1212 = arith.constant 72 : i32
        %parallel_loop3A_1213 = tpu.memref_slice %arg15[%parallel_loop3A_1212] : memref<96xf32, #tpu.memory_space<vmem>> -> memref<8xf32, #tpu.memory_space<vmem>>
        %parallel_loop3A_1214 = tpu.vector_load_idx %parallel_loop3A_1213[%parallel_loop3A_1164] : memref<8xf32, #tpu.memory_space<vmem>>[vector<16xi32>], vector<16xf32>,
        %parallel_loop3A_1215 = arith.constant 80 : i32
        %parallel_loop3A_1216 = tpu.memref_slice %arg15[%parallel_loop3A_1215] : memref<96xf32, #tpu.memory_space<vmem>> -> memref<8xf32, #tpu.memory_space<vmem>>
        %parallel_loop3A_1217 = tpu.vector_load_idx %parallel_loop3A_1216[%parallel_loop3A_1164] : memref<8xf32, #tpu.memory_space<vmem>>[vector<16xi32>], vector<16xf32>,
        %parallel_loop3A_1218 = arith.constant 88 : i32
        %parallel_loop3A_1219 = tpu.memref_slice %arg15[%parallel_loop3A_1218] : memref<96xf32, #tpu.memory_space<vmem>> -> memref<8xf32, #tpu.memory_space<vmem>>
        %parallel_loop3A_1220 = tpu.vector_load_idx %parallel_loop3A_1219[%parallel_loop3A_1164] : memref<8xf32, #tpu.memory_space<vmem>>[vector<16xi32>], vector<16xf32>,
        %parallel_loop3A_1221 = arith.constant 1.000000e+00 : f32
        %parallel_loop3A_1222 = vector.broadcast %parallel_loop3A_1221 : f32 to vector<16xf32>
        %parallel_loop3A_1223 = arith.subf %parallel_loop3A_1184, %parallel_loop3A_1222 : vector<16xf32>
        %parallel_loop3A_1224 = arith.mulf %parallel_loop3A_1187, %parallel_loop3A_1169 : vector<16xf32>
        %parallel_loop3A_1225 = arith.mulf %parallel_loop3A_1190, %parallel_loop3A_1174 : vector<16xf32>
        %parallel_loop3A_1226 = arith.addf %parallel_loop3A_1224, %parallel_loop3A_1225 : vector<16xf32>
        %parallel_loop3A_1227 = arith.mulf %parallel_loop3A_1193, %parallel_loop3A_1179 : vector<16xf32>
        %parallel_loop3A_1228 = arith.addf %parallel_loop3A_1226, %parallel_loop3A_1227 : vector<16xf32>
        %parallel_loop3A_1229 = arith.mulf %parallel_loop3A_1223, %parallel_loop3A_1196 : vector<16xf32>
        %parallel_loop3A_1230 = arith.addf %parallel_loop3A_1228, %parallel_loop3A_1229 : vector<16xf32>
        %parallel_loop3A_1231 = arith.mulf %parallel_loop3A_1199, %parallel_loop3A_1169 : vector<16xf32>
        %parallel_loop3A_1232 = arith.mulf %parallel_loop3A_1202, %parallel_loop3A_1174 : vector<16xf32>
        %parallel_loop3A_1233 = arith.addf %parallel_loop3A_1231, %parallel_loop3A_1232 : vector<16xf32>
        %parallel_loop3A_1234 = arith.mulf %parallel_loop3A_1205, %parallel_loop3A_1179 : vector<16xf32>
        %parallel_loop3A_1235 = arith.addf %parallel_loop3A_1233, %parallel_loop3A_1234 : vector<16xf32>
        %parallel_loop3A_1236 = arith.mulf %parallel_loop3A_1223, %parallel_loop3A_1208 : vector<16xf32>
        %parallel_loop3A_1237 = arith.addf %parallel_loop3A_1235, %parallel_loop3A_1236 : vector<16xf32>
        %parallel_loop3A_1238 = arith.mulf %parallel_loop3A_1211, %parallel_loop3A_1169 : vector<16xf32>
        %parallel_loop3A_1239 = arith.mulf %parallel_loop3A_1214, %parallel_loop3A_1174 : vector<16xf32>
        %parallel_loop3A_1240 = arith.addf %parallel_loop3A_1238, %parallel_loop3A_1239 : vector<16xf32>
        %parallel_loop3A_1241 = arith.mulf %parallel_loop3A_1217, %parallel_loop3A_1179 : vector<16xf32>
        %parallel_loop3A_1242 = arith.addf %parallel_loop3A_1240, %parallel_loop3A_1241 : vector<16xf32>
        %parallel_loop3A_1243 = arith.mulf %parallel_loop3A_1223, %parallel_loop3A_1220 : vector<16xf32>
        %parallel_loop3A_1244 = arith.addf %parallel_loop3A_1242, %parallel_loop3A_1243 : vector<16xf32>
        %parallel_loop3A_1245 = arith.mulf %parallel_loop3A_1230, %parallel_loop3A_1230 : vector<16xf32>
        %parallel_loop3A_1246 = arith.mulf %parallel_loop3A_1237, %parallel_loop3A_1237 : vector<16xf32>
        %parallel_loop3A_1247 = arith.addf %parallel_loop3A_1245, %parallel_loop3A_1246 : vector<16xf32>
        %parallel_loop3A_1248 = arith.mulf %parallel_loop3A_1244, %parallel_loop3A_1244 : vector<16xf32>
        %parallel_loop3A_1249 = arith.addf %parallel_loop3A_1247, %parallel_loop3A_1248 : vector<16xf32>
        %parallel_loop3A_1250 = arith.constant 5.000000e-01 : f32
        %parallel_loop3A_1251 = vector.broadcast %parallel_loop3A_1250 : f32 to vector<16xf32>
        %parallel_loop3A_1252 = arith.mulf %parallel_loop3A_1249, %parallel_loop3A_1251 : vector<16xf32>
        %parallel_loop3A_1253 = vector.bitcast %parallel_loop3A_1249 : vector<16xf32> to vector<16xi32>
        %parallel_loop3A_1254 = arith.constant 1 : i32
        %parallel_loop3A_1255 = vector.broadcast %parallel_loop3A_1254 : i32 to vector<16xi32>
        %parallel_loop3A_1256 = arith.shrsi %parallel_loop3A_1253, %parallel_loop3A_1255 : vector<16xi32>
        %parallel_loop3A_1257 = arith.constant 1597463007 : i32
        %parallel_loop3A_1258 = vector.broadcast %parallel_loop3A_1257 : i32 to vector<16xi32>
        %parallel_loop3A_1259 = arith.subi %parallel_loop3A_1258, %parallel_loop3A_1256 : vector<16xi32>
        %parallel_loop3A_1260 = vector.bitcast %parallel_loop3A_1259 : vector<16xi32> to vector<16xf32>
        %parallel_loop3A_1261 = arith.mulf %parallel_loop3A_1252, %parallel_loop3A_1260 : vector<16xf32>
        %parallel_loop3A_1262 = arith.mulf %parallel_loop3A_1261, %parallel_loop3A_1260 : vector<16xf32>
        %parallel_loop3A_1263 = arith.constant 1.500000e+00 : f32
        %parallel_loop3A_1264 = vector.broadcast %parallel_loop3A_1263 : f32 to vector<16xf32>
        %parallel_loop3A_1265 = arith.subf %parallel_loop3A_1264, %parallel_loop3A_1262 : vector<16xf32>
        %parallel_loop3A_1266 = arith.mulf %parallel_loop3A_1260, %parallel_loop3A_1265 : vector<16xf32>
        %parallel_loop3A_1267 = arith.constant 0 : i32
        %parallel_loop3A_1268 = arith.index_cast %parallel_loop3A_195 : i32 to index
        %parallel_loop3A_1269 = arith.index_cast %parallel_loop3A_1267 : i32 to index
        %parallel_loop3A_1270 = arith.constant 112 : index
        %parallel_loop3A_1271 = tpu.vector_load %arg13[%parallel_loop3A_1268, %parallel_loop3A_1269, %parallel_loop3A_1270] {strides = array<i32>} : memref<32x4x128xf32, #tpu.memory_space<vmem>>, vector<16xf32>,
        tpu.vector_store %arg13[%parallel_loop3A_1268, %parallel_loop3A_1269, %parallel_loop3A_1270], %parallel_loop3A_1196 {strides = array<i32>} : memref<32x4x128xf32, #tpu.memory_space<vmem>>, vector<16xf32>,
        %parallel_loop3A_1272 = arith.constant 1 : i32
        %parallel_loop3A_1273 = arith.index_cast %parallel_loop3A_195 : i32 to index
        %parallel_loop3A_1274 = arith.index_cast %parallel_loop3A_1272 : i32 to index
        %parallel_loop3A_1275 = arith.constant 112 : index
        %parallel_loop3A_1276 = tpu.vector_load %arg13[%parallel_loop3A_1273, %parallel_loop3A_1274, %parallel_loop3A_1275] {strides = array<i32>} : memref<32x4x128xf32, #tpu.memory_space<vmem>>, vector<16xf32>,
        tpu.vector_store %arg13[%parallel_loop3A_1273, %parallel_loop3A_1274, %parallel_loop3A_1275], %parallel_loop3A_1208 {strides = array<i32>} : memref<32x4x128xf32, #tpu.memory_space<vmem>>, vector<16xf32>,
        %parallel_loop3A_1277 = arith.constant 2 : i32
        %parallel_loop3A_1278 = arith.index_cast %parallel_loop3A_195 : i32 to index
        %parallel_loop3A_1279 = arith.index_cast %parallel_loop3A_1277 : i32 to index
        %parallel_loop3A_1280 = arith.constant 112 : index
        %parallel_loop3A_1281 = tpu.vector_load %arg13[%parallel_loop3A_1278, %parallel_loop3A_1279, %parallel_loop3A_1280] {strides = array<i32>} : memref<32x4x128xf32, #tpu.memory_space<vmem>>, vector<16xf32>,
        tpu.vector_store %arg13[%parallel_loop3A_1278, %parallel_loop3A_1279, %parallel_loop3A_1280], %parallel_loop3A_1220 {strides = array<i32>} : memref<32x4x128xf32, #tpu.memory_space<vmem>>, vector<16xf32>,
        %parallel_loop3A_1282 = arith.mulf %parallel_loop3A_1230, %parallel_loop3A_1266 : vector<16xf32>
        %parallel_loop3A_1283 = arith.constant 0 : i32
        %parallel_loop3A_1284 = arith.index_cast %parallel_loop3A_195 : i32 to index
        %parallel_loop3A_1285 = arith.index_cast %parallel_loop3A_1283 : i32 to index
        %parallel_loop3A_1286 = arith.constant 112 : index
        %parallel_loop3A_1287 = tpu.vector_load %arg8[%parallel_loop3A_1284, %parallel_loop3A_1285, %parallel_loop3A_1286] {strides = array<i32>} : memref<32x4x128xf32, #tpu.memory_space<vmem>>, vector<16xf32>,
        tpu.vector_store %arg8[%parallel_loop3A_1284, %parallel_loop3A_1285, %parallel_loop3A_1286], %parallel_loop3A_1282 {strides = array<i32>} : memref<32x4x128xf32, #tpu.memory_space<vmem>>, vector<16xf32>,
        %parallel_loop3A_1288 = arith.mulf %parallel_loop3A_1237, %parallel_loop3A_1266 : vector<16xf32>
        %parallel_loop3A_1289 = arith.constant 1 : i32
        %parallel_loop3A_1290 = arith.index_cast %parallel_loop3A_195 : i32 to index
        %parallel_loop3A_1291 = arith.index_cast %parallel_loop3A_1289 : i32 to index
        %parallel_loop3A_1292 = arith.constant 112 : index
        %parallel_loop3A_1293 = tpu.vector_load %arg8[%parallel_loop3A_1290, %parallel_loop3A_1291, %parallel_loop3A_1292] {strides = array<i32>} : memref<32x4x128xf32, #tpu.memory_space<vmem>>, vector<16xf32>,
        tpu.vector_store %arg8[%parallel_loop3A_1290, %parallel_loop3A_1291, %parallel_loop3A_1292], %parallel_loop3A_1288 {strides = array<i32>} : memref<32x4x128xf32, #tpu.memory_space<vmem>>, vector<16xf32>,
        %parallel_loop3A_1294 = arith.mulf %parallel_loop3A_1244, %parallel_loop3A_1266 : vector<16xf32>
        %parallel_loop3A_1295 = arith.constant 2 : i32
        %parallel_loop3A_1296 = arith.index_cast %parallel_loop3A_195 : i32 to index
        %parallel_loop3A_1297 = arith.index_cast %parallel_loop3A_1295 : i32 to index
        %parallel_loop3A_1298 = arith.constant 112 : index
        %parallel_loop3A_1299 = tpu.vector_load %arg8[%parallel_loop3A_1296, %parallel_loop3A_1297, %parallel_loop3A_1298] {strides = array<i32>} : memref<32x4x128xf32, #tpu.memory_space<vmem>>, vector<16xf32>,
        tpu.vector_store %arg8[%parallel_loop3A_1296, %parallel_loop3A_1297, %parallel_loop3A_1298], %parallel_loop3A_1294 {strides = array<i32>} : memref<32x4x128xf32, #tpu.memory_space<vmem>>, vector<16xf32>,
      } {sc.loop_unroll_factor = 1 : i64, sc.parallel_access}
      %mul3A_171 = arith.constant 32 : i32
      %mul3A_172 = arith.muli %add3A_134, %mul3A_171 : i32
      %add3A_173 = arith.addi %mul3A_2, %mul3A_172 : i32
      %dma_start3A_174 = arith.constant 1 : i32
      %dma_start3A_175 = arith.constant 0 : i32
      %dma_start3A_176 = arith.constant 0 : i32
      %dma_start3A_177 = arith.constant 0 : i32
      %dma_start3A_178 = tpu.memref_slice %arg5[%add3A_173, %dma_start3A_176, %dma_start3A_177] : memref<16384x4x128xf32, #tpu.memory_space<hbm>> -> memref<32x4x128xf32, #tpu.memory_space<hbm>>
      %dma_start3A_179 = tpu.memref_slice %arg14[%dma_start3A_174, %dma_start3A_175] : memref<2x2x!tpu.dma_semaphore, #tpu.memory_space<semaphore_mem>> -> memref<1x1x!tpu.dma_semaphore, #tpu.memory_space<semaphore_mem>>
      %dma_start3A_180 = tpu.memref_squeeze %dma_start3A_179 : memref<1x1x!tpu.dma_semaphore, #tpu.memory_space<semaphore_mem>> -> memref<!tpu.dma_semaphore, #tpu.memory_space<semaphore_mem>>
      %dma_start3A_181 = arith.constant 0 : i32
      %dma_start3A_182 = arith.constant 0 : i32
      %dma_start3A_183 = tpu.memref_slice %arg5[%add3A_173, %dma_start3A_181, %dma_start3A_182] : memref<16384x4x128xf32, #tpu.memory_space<hbm>> -> memref<32x4x128xf32, #tpu.memory_space<hbm>>
      tpu.enqueue_dma source(%arg13 : memref<32x4x128xf32, #tpu.memory_space<vmem>>) target(%dma_start3A_183 : memref<32x4x128xf32, #tpu.memory_space<hbm>>) target_semaphore(%dma_start3A_180 : memref<!tpu.dma_semaphore, #tpu.memory_space<semaphore_mem>>)
      %dma_start3A_184 = arith.constant 1 : i32
      %dma_start3A_185 = arith.constant 1 : i32
      %dma_start3A_186 = arith.constant 0 : i32
      %dma_start3A_187 = arith.constant 0 : i32
      %dma_start3A_188 = tpu.memref_slice %arg6[%add3A_173, %dma_start3A_186, %dma_start3A_187] : memref<16384x4x128xf32, #tpu.memory_space<hbm>> -> memref<32x4x128xf32, #tpu.memory_space<hbm>>
      %dma_start3A_189 = tpu.memref_slice %arg14[%dma_start3A_184, %dma_start3A_185] : memref<2x2x!tpu.dma_semaphore, #tpu.memory_space<semaphore_mem>> -> memref<1x1x!tpu.dma_semaphore, #tpu.memory_space<semaphore_mem>>
      %dma_start3A_190 = tpu.memref_squeeze %dma_start3A_189 : memref<1x1x!tpu.dma_semaphore, #tpu.memory_space<semaphore_mem>> -> memref<!tpu.dma_semaphore, #tpu.memory_space<semaphore_mem>>
      %dma_start3A_191 = arith.constant 0 : i32
      %dma_start3A_192 = arith.constant 0 : i32
      %dma_start3A_193 = tpu.memref_slice %arg6[%add3A_173, %dma_start3A_191, %dma_start3A_192] : memref<16384x4x128xf32, #tpu.memory_space<hbm>> -> memref<32x4x128xf32, #tpu.memory_space<hbm>>
      tpu.enqueue_dma source(%arg8 : memref<32x4x128xf32, #tpu.memory_space<vmem>>) target(%dma_start3A_193 : memref<32x4x128xf32, #tpu.memory_space<hbm>>) target_semaphore(%dma_start3A_190 : memref<!tpu.dma_semaphore, #tpu.memory_space<semaphore_mem>>)
      %scan3A_194 = arith.constant 0 : i32
      scf.yield %scan3A_194 : i32
    }
    %scan3A_27 = arith.constant 8 : i32
    %add3A_28 = arith.constant 448 : i32
    %add3A_29 = arith.addi %mul3A_2, %add3A_28 : i32
    %dma_wait3A = arith.constant 0 : i32
    %dma_wait3A_30 = arith.constant 0 : i32
    %dma_wait3A_31 = arith.constant 0 : i32
    %dma_wait3A_32 = arith.constant 0 : i32
    %dma_wait3A_33 = tpu.memref_slice %arg5[%add3A_29, %dma_wait3A_31, %dma_wait3A_32] : memref<16384x4x128xf32, #tpu.memory_space<hbm>> -> memref<32x4x128xf32, #tpu.memory_space<hbm>>
    %dma_wait3A_34 = tpu.memref_slice %arg14[%dma_wait3A, %dma_wait3A_30] : memref<2x2x!tpu.dma_semaphore, #tpu.memory_space<semaphore_mem>> -> memref<1x1x!tpu.dma_semaphore, #tpu.memory_space<semaphore_mem>>
    %dma_wait3A_35 = tpu.memref_squeeze %dma_wait3A_34 : memref<1x1x!tpu.dma_semaphore, #tpu.memory_space<semaphore_mem>> -> memref<!tpu.dma_semaphore, #tpu.memory_space<semaphore_mem>>
    %dma_wait3A_36 = arith.constant 0 : i32
    %dma_wait3A_37 = arith.constant 0 : i32
    %dma_wait3A_38 = tpu.memref_slice %arg5[%add3A_29, %dma_wait3A_36, %dma_wait3A_37] : memref<16384x4x128xf32, #tpu.memory_space<hbm>> -> memref<32x4x128xf32, #tpu.memory_space<hbm>>
    tpu.wait_dma2 semaphore(%dma_wait3A_35 : memref<!tpu.dma_semaphore, #tpu.memory_space<semaphore_mem>>) src(%arg12 : memref<32x4x128xf32, #tpu.memory_space<vmem>>) dst(%dma_wait3A_38 : memref<32x4x128xf32, #tpu.memory_space<hbm>>)
    %dma_wait3A_39 = arith.constant 0 : i32
    %dma_wait3A_40 = arith.constant 1 : i32
    %dma_wait3A_41 = arith.constant 0 : i32
    %dma_wait3A_42 = arith.constant 0 : i32
    %dma_wait3A_43 = tpu.memref_slice %arg6[%add3A_29, %dma_wait3A_41, %dma_wait3A_42] : memref<16384x4x128xf32, #tpu.memory_space<hbm>> -> memref<32x4x128xf32, #tpu.memory_space<hbm>>
    %dma_wait3A_44 = tpu.memref_slice %arg14[%dma_wait3A_39, %dma_wait3A_40] : memref<2x2x!tpu.dma_semaphore, #tpu.memory_space<semaphore_mem>> -> memref<1x1x!tpu.dma_semaphore, #tpu.memory_space<semaphore_mem>>
    %dma_wait3A_45 = tpu.memref_squeeze %dma_wait3A_44 : memref<1x1x!tpu.dma_semaphore, #tpu.memory_space<semaphore_mem>> -> memref<!tpu.dma_semaphore, #tpu.memory_space<semaphore_mem>>
    %dma_wait3A_46 = arith.constant 0 : i32
    %dma_wait3A_47 = arith.constant 0 : i32
    %dma_wait3A_48 = tpu.memref_slice %arg6[%add3A_29, %dma_wait3A_46, %dma_wait3A_47] : memref<16384x4x128xf32, #tpu.memory_space<hbm>> -> memref<32x4x128xf32, #tpu.memory_space<hbm>>
    tpu.wait_dma2 semaphore(%dma_wait3A_45 : memref<!tpu.dma_semaphore, #tpu.memory_space<semaphore_mem>>) src(%arg7 : memref<32x4x128xf32, #tpu.memory_space<vmem>>) dst(%dma_wait3A_48 : memref<32x4x128xf32, #tpu.memory_space<hbm>>)
    %add3A_49 = arith.constant 480 : i32
    %add3A_50 = arith.addi %mul3A_2, %add3A_49 : i32
    %dma_wait3A_51 = arith.constant 1 : i32
    %dma_wait3A_52 = arith.constant 0 : i32
    %dma_wait3A_53 = arith.constant 0 : i32
    %dma_wait3A_54 = arith.constant 0 : i32
    %dma_wait3A_55 = tpu.memref_slice %arg5[%add3A_50, %dma_wait3A_53, %dma_wait3A_54] : memref<16384x4x128xf32, #tpu.memory_space<hbm>> -> memref<32x4x128xf32, #tpu.memory_space<hbm>>
    %dma_wait3A_56 = tpu.memref_slice %arg14[%dma_wait3A_51, %dma_wait3A_52] : memref<2x2x!tpu.dma_semaphore, #tpu.memory_space<semaphore_mem>> -> memref<1x1x!tpu.dma_semaphore, #tpu.memory_space<semaphore_mem>>
    %dma_wait3A_57 = tpu.memref_squeeze %dma_wait3A_56 : memref<1x1x!tpu.dma_semaphore, #tpu.memory_space<semaphore_mem>> -> memref<!tpu.dma_semaphore, #tpu.memory_space<semaphore_mem>>
    %dma_wait3A_58 = arith.constant 0 : i32
    %dma_wait3A_59 = arith.constant 0 : i32
    %dma_wait3A_60 = tpu.memref_slice %arg5[%add3A_50, %dma_wait3A_58, %dma_wait3A_59] : memref<16384x4x128xf32, #tpu.memory_space<hbm>> -> memref<32x4x128xf32, #tpu.memory_space<hbm>>
    tpu.wait_dma2 semaphore(%dma_wait3A_57 : memref<!tpu.dma_semaphore, #tpu.memory_space<semaphore_mem>>) src(%arg13 : memref<32x4x128xf32, #tpu.memory_space<vmem>>) dst(%dma_wait3A_60 : memref<32x4x128xf32, #tpu.memory_space<hbm>>)
    %dma_wait3A_61 = arith.constant 1 : i32
    %dma_wait3A_62 = arith.constant 1 : i32
    %dma_wait3A_63 = arith.constant 0 : i32
    %dma_wait3A_64 = arith.constant 0 : i32
    %dma_wait3A_65 = tpu.memref_slice %arg6[%add3A_50, %dma_wait3A_63, %dma_wait3A_64] : memref<16384x4x128xf32, #tpu.memory_space<hbm>> -> memref<32x4x128xf32, #tpu.memory_space<hbm>>
    %dma_wait3A_66 = tpu.memref_slice %arg14[%dma_wait3A_61, %dma_wait3A_62] : memref<2x2x!tpu.dma_semaphore, #tpu.memory_space<semaphore_mem>> -> memref<1x1x!tpu.dma_semaphore, #tpu.memory_space<semaphore_mem>>
    %dma_wait3A_67 = tpu.memref_squeeze %dma_wait3A_66 : memref<1x1x!tpu.dma_semaphore, #tpu.memory_space<semaphore_mem>> -> memref<!tpu.dma_semaphore, #tpu.memory_space<semaphore_mem>>
    %dma_wait3A_68 = arith.constant 0 : i32
    %dma_wait3A_69 = arith.constant 0 : i32
    %dma_wait3A_70 = tpu.memref_slice %arg6[%add3A_50, %dma_wait3A_68, %dma_wait3A_69] : memref<16384x4x128xf32, #tpu.memory_space<hbm>> -> memref<32x4x128xf32, #tpu.memory_space<hbm>>
    tpu.wait_dma2 semaphore(%dma_wait3A_67 : memref<!tpu.dma_semaphore, #tpu.memory_space<semaphore_mem>>) src(%arg8 : memref<32x4x128xf32, #tpu.memory_space<vmem>>) dst(%dma_wait3A_70 : memref<32x4x128xf32, #tpu.memory_space<hbm>>)
    return
  }
}

</mosaic_0001>

<sc_bundles>
// kernel: kernel.3.cloned.1.call-start
scs
__scs_entry_jumppad:
0x0: {  	(pc) =	sbr.rel $0x88, $3  }
0x1: {  	(tag) =	ssettag $0x0;
	lr =	simm.s32 $0x1  }
0x2: {  	[smem:$0x3F9E] =	sst lr;
	_ =	strace $0xD0000000  }
0x3: {  	_ = 	snop  }
0x4: {  	_ = 	snop  }
0x5: {  	_ = 	snop  }
0x6: {  	_ = 	snop  }
0x7: {  	_ = 	snop  }
__scs_overlays_trampoline_lowered:
0x8: {  	[smem:$0x3FAD] =	sst s0  }
0x9: {  	[smem:$0x3FAE] =	sst s1  }
0xa: {  	[smem:$0x3FAF] =	sst s2  }
0xb: {  	[smem:$0x3FB0] =	sst s3  }
0xc: {  	[smem:$0x3FB1] =	sst s4  }
0xd: {  	[smem:$0x3FB2] =	sst s5  }
0xe: {  	[smem:$0x3FB3] =	sst s6  }
0xf: {  	[smem:$0x3FB4] =	sst s7  }
0x10: {  	[smem:$0x3FB5] =	sst s8  }
0x11: {  	[smem:$0x3FB6] =	sst s9;
	s0 =	simm.s32 @!p0 $0x0  }
0x12: {  	s1 =	sld [smem:$0x3F9C];
	s0 =	simm.s32 @p0 $0x1  }
0x13: {  	[smem:$0x3FB7] =	sst s0;
	s0 =	simm.s32 @!p1 $0x0  }
0x14: {  	s2 =	sld [smem:$0x3F9B];
	s0 =	simm.s32 @p1 $0x1  }
0x15: {  	[smem:$0x3FB8] =	sst s0;
	s0 =	simm.s32 @!p2 $0x0  }
0x16: {  	s3 =	sld [smem:$0x3FDB];
	s0 =	simm.s32 @p2 $0x1  }
0x17: {  	s4 =	simm.s32 $0x1BF5;
	[smem:$0x3FBA] =	sst s0  }
0x18: {  	s0 =	sld [smem:$0x3F9D];
	_ =	swait.ge [sflag:s4], $0x0  }
0x19: {  	s7 =	sld [smem:$0x3F9E]  }
0x1a: {  	s8 =	sadd.s32 $0xFFFFE003, lr  }
0x1b: {  	s9 =	sadd.s32 $0xFFFFFEF7, lr;
	s5 =	simm.s32 $0xFFFFFFFF;
	p2 =	slt.u32 s8, $0xFFFFF086  }
0x1c: {  	p1 =	slt.u32 s9, $0xF7A;
	s5 =	simm.s32 @!p2 $0x0  }
0x1d: {  	s5 =	simm.s32 @p1 $0x1;
	p0 =	seq.s32 s7, s2  }
0x1e: {  	s7 =	smul.u32 @!p0 $0xF7A, s2;
	p2 =	seq.s32 @!p0 s5, $0x0  }
0x1f: {  	s9 =	smul.u32 $0xF7A, s1;
	s8 =	simm.s32 @!p0 $0x1BF5;
	p2 =	por !p2, p0  }
0x20: {  	[sflag:s8] =	ssyncset.s32 @!p0 $0xFFFFF086;
	s6 =	sadd.s32 @!p0 s3, s7;
	s7 =	simm.s32 @!p0 $0x108  }
0x21: {  	s3 =	sadd.s32 s3, s9;
	s6 =	sadd.s32 @!p0 $0x88, s6;
	s7 =	simm.s32 @p2 $0x1082  }
0x22: {  	[simem:s7], [sflag:s8] =	dma.local @!p0 [hbm:s6], $0xF7A  }
0x23: {  	s9 =	sor.u32 $0xD0000000, s2;
	s6 =	simm.s32 $0x108;
	_ =	swait.ge @!p0 [sflag:s8], $0x0  }
0x24: {  	s3 =	sadd.s32 $0x88, s3;
	s6 =	simm.s32 @!p1 $0x1082;
	[sflag:s4] =	ssyncset.s32 $0xFFFFF086  }
0x25: {  	[simem:s6], [sflag:s4] =	dma.local [hbm:s3], $0xF7A  }
0x26: {  	[smem:$0x3F9E] =	sst s1;
	(tag) =	ssettag s2;
	_ =	strace s9  }
0x27: {  	s1 =	sld [smem:$0x3FAE]  }
0x28: {  	s2 =	sld [smem:$0x3FAF]  }
0x29: {  	s4 =	sld [smem:$0x3FB1]  }
0x2a: {  	p0 =	seq.s32 s5, $0x0;
	s5 =	sld [smem:$0x3FB2]  }
0x2b: {  	s6 =	sld [smem:$0x3FB3]  }
0x2c: {  	s7 =	sld [smem:$0x3FB4]  }
0x2d: {  	s3 =	simm.s32 $0x108;
	s8 =	sld [smem:$0x3FB5]  }
0x2e: {  	s3 =	simm.s32 @!p0 $0x1082;
	s9 =	sld [smem:$0x3FB6]  }
0x2f: {  	lr =	sadd.s32 s0, s3;
	s0 =	sld [smem:$0x3FAD]  }
0x30: {  	s3 =	sld [smem:$0x3FB0]  }
0x31: {  	[smem:$0x3FB9] =	sst s10  }
0x32: {  	s10 =	sld [smem:$0x3FB7];
	_ =	sdelay $0x3  }
0x33: {  	p0 =	seq.s32 s10, $0x1;
	s10 =	sld [smem:$0x3FB9];
	_ =	sdelay $0x3  }
0x34: {  	[smem:$0x3FB9] =	sst s10  }
0x35: {  	s10 =	sld [smem:$0x3FB8];
	_ =	sdelay $0x3  }
0x36: {  	p1 =	seq.s32 s10, $0x1;
	s10 =	sld [smem:$0x3FB9];
	_ =	sdelay $0x3  }
0x37: {  	[smem:$0x3FB9] =	sst s10  }
0x38: {  	s10 =	sld [smem:$0x3FBA]  }
0x39: {  	_ = 	snop;
	(pc) =	sbr.ind lr, $3  }
0x3a: {  	_ = 	snop  }
0x3b: {  	_ = 	snop  }
0x3c: {  	p2 =	seq.s32 s10, $0x1;
	s10 =	sld [smem:$0x3FB9]  }
0x3d: {  	_ =	shalt  }
0x3e: {  	_ =	shalt  }
0x3f: {  	_ =	shalt  }
0x40: {  	_ =	shalt  }
0x41: {  	_ =	shalt  }
0x42: {  	_ =	shalt  }
0x43: {  	_ =	shalt  }
0x44: {  	_ =	shalt  }
0x45: {  	_ =	shalt  }
0x46: {  	_ =	shalt  }
0x47: {  	_ =	shalt  }
0x48: {  	_ =	shalt  }
0x49: {  	_ =	shalt  }
0x4a: {  	_ =	shalt  }
0x4b: {  	_ =	shalt  }
0x4c: {  	_ =	shalt  }
0x4d: {  	_ =	shalt  }
0x4e: {  	_ =	shalt  }
0x4f: {  	_ =	shalt  }
0x50: {  	_ =	shalt  }
0x51: {  	_ =	shalt  }
0x52: {  	_ =	shalt  }
0x53: {  	_ =	shalt  }
0x54: {  	_ =	shalt  }
0x55: {  	_ =	shalt  }
0x56: {  	_ =	shalt  }
0x57: {  	_ =	shalt  }
0x58: {  	_ =	shalt  }
0x59: {  	_ =	shalt  }
0x5a: {  	_ =	shalt  }
0x5b: {  	_ =	shalt  }
0x5c: {  	_ =	shalt  }
0x5d: {  	_ =	shalt  }
0x5e: {  	_ =	shalt  }
0x5f: {  	_ =	shalt  }
0x60: {  	_ =	shalt  }
0x61: {  	_ =	shalt  }
0x62: {  	_ =	shalt  }
0x63: {  	_ =	shalt  }
0x64: {  	_ =	shalt  }
0x65: {  	_ =	shalt  }
0x66: {  	_ =	shalt  }
0x67: {  	_ =	shalt  }
0x68: {  	_ =	shalt  }
0x69: {  	_ =	shalt  }
0x6a: {  	_ =	shalt  }
0x6b: {  	_ =	shalt  }
0x6c: {  	_ =	shalt  }
0x6d: {  	_ =	shalt  }
0x6e: {  	_ =	shalt  }
0x6f: {  	_ =	shalt  }
0x70: {  	_ =	shalt  }
0x71: {  	_ =	shalt  }
0x72: {  	_ =	shalt  }
0x73: {  	_ =	shalt  }
0x74: {  	_ =	shalt  }
0x75: {  	_ =	shalt  }
0x76: {  	_ =	shalt  }
0x77: {  	_ =	shalt  }
0x78: {  	_ =	shalt  }
0x79: {  	_ =	shalt  }
0x7a: {  	_ =	shalt  }
0x7b: {  	_ =	shalt  }
0x7c: {  	_ =	shalt  }
0x7d: {  	_ =	shalt  }
0x7e: {  	_ =	shalt  }
0x7f: {  	_ =	shalt  }
0x80: {  	_ =	shalt  }
0x81: {  	_ =	shalt  }
0x82: {  	_ =	shalt  }
0x83: {  	_ =	shalt  }
0x84: {  	_ =	shalt  }
0x85: {  	_ =	shalt  }
0x86: {  	_ =	shalt  }
0x87: {  	_ =	shalt  }
.Lfunc_end0:
.L_simem_size_0:
called_computation_lowered:
.L_overlay_start_0:
0x88: {  	s2 =	sld [smem:$0x3FD9]  }
0x89: {  	s3 =	sld [smem:$0x3FFE];
	_ =	sdelay $0x1  }
0x8a: {  	s1 =	srdreg.scid  }
0x8b: {  	s0 =	sand.u32 $0x1, s1  }
0x8c: {  	s14 =	sshll.u32 s0, $0xA;
	s2 =	sadd.s32 s3, s2  }
0x8d: {  	s2 =	sadd.s32 s2, s14  }
0x8e: {  	[smem:$0x3FC5] =	sst s2  }
0x8f: {  	_ = 	snop  }
0x90: {  	s2 =	sld [smem:$0x3FD0];
	_ =	sdelay $0x1  }
0x91: {  	s15 =	sld [smem:$0x3FC9]  }
0x92: {  	s5 =	simm.s32 $0xA;
	s6 =	simm.s32 $0x10;
	s4 =	sld [smem:$0x3FC8]  }
0x93: {  	[smem:s6], [sflag:s5] =	dma.local [hbm:s2], $0x1  }
0x94: {  	_ =	swait.eq [sflag:s5], $0x1  }
0x95: {  	[sflag:s5] =	ssyncset.done $0x0  }
0x96: {  	s16 =	sld [smem:$0x10];
	[sflag:s5] =	ssyncadd.s32 $0xFFFFFFFF  }
0x97: {  	s17 =	sld [smem:$0x11];
	(tm) =	ssettm $0x1  }
0x98: {  	s18 =	sld [smem:$0x3FFB];
	_ =	sdelay $0x3  }
0x99: {  	_ =	strace s18  }
0x9a: {  	s6 =	sld [smem:$0x3FFC];
	_ =	sdelay $0x3  }
0x9b: {  	_ =	strace s6  }
0x9c: {  	s6 =	sld [smem:$0x3FFD];
	_ =	sdelay $0x3  }
0x9d: {  	_ =	strace s6  }
0x9e: {  	_ =	strace $0x8FFFFFFF  }
0x9f: {  	s19 =	sld [smem:$0x3FDB];
	_ =	sdelay $0x1  }
0xa0: {  	s7 =	simm.s32 $_scs_section_size  }
0xa1: {  	s8 =	simm.s32 $_size__tile_overlayer_lowered;
	s9 =	simm.s32 $_tile_overlayer_lowered  }
0xa2: {  	s22 =	simm.s32 $0x1BFF;
	s21 =	sshll.u32 s9, $0x1;
	s6 =	sadd.s32 s7, s19  }
0xa3: {  	s10 =	simm.s32 $0x0;
	s20 =	sshll.u32 s8, $0x1;
	s8 =	sadd.s32 s21, s6  }
0xa4: {  	[timem:s10], [sflag:s22] =	dma.local [hbm:s8], s20  }
0xa5: {  	_ =	swait.ge [sflag:s22], s20  }
0xa6: {  	s7 =	ssub.s32 $0x0, s20;
	[sflag:s22] =	ssyncset.done $0x0  }
0xa7: {  	[sflag:s22] =	ssyncadd.s32 s7;
	_ =	sdelay $0x1  }
0xa8: {  	s23 =	simm.s32 $0x1B8B  }
0xa9: {  	_ =	swait.ge [sflag:s23], $0x1  }
0xaa: {  	[sflag:s23] =	ssyncset.done $0x0  }
0xab: {  	s25 =	simm.s32 $0x1B8E;
	s24 =	sld [smem:$0x3FFE];
	[sflag:s23] =	ssyncadd.s32 $0xFFFFFFFF  }
0xac: {  	s26 =	simm.s32 $execute0_lowered;
	[smem:$0x3FD2] =	sst s25  }
0xad: {  	s8 =	sshll.u32 s26, $0x1;
	_ =	strace $0x80000046;
	[dreg:$0x1] =	wrdreg $0xFFFFFFFF  }
0xae: {  	s28 =	simm.s32 $_size_execute0_lowered;
	s6 =	sadd.s32 s6, s8;
	[dreg:$0x0] =	wrdreg $0x0  }
0xaf: {  	s8 =	sshll.u32 s28, $0x1;
	[dreg:$0x2] =	wrdreg s6  }
0xb0: {  	[dreg:$0x3] =	wrdreg s8  }
0xb1: {  	[dreg:$0x4] =	wrdreg $0xC0  }
0xb2: {  	_ =	task [dreg:s10], $0x5FFFF  }
0xb3: {  	[dreg:$0x1] =	wrdreg $0xFFFFFFFF  }
0xb4: {  	[dreg:$0x0] =	wrdreg $0x60  }
0xb5: {  	[dreg:$0x2] =	wrdreg s15  }
0xb6: {  	[dreg:$0x3] =	wrdreg s4  }
0xb7: {  	[dreg:$0x4] =	wrdreg s24  }
0xb8: {  	[dreg:$0x5] =	wrdreg s16  }
0xb9: {  	[dreg:$0x6] =	wrdreg s17  }
0xba: {  	[dreg:$0x7] =	wrdreg $0x9  }
0xbb: {  	_ =	task.clear_ibuf [dreg:s10], $0x8FFFF;
	_ =	strace $0x90000046  }
0xbc: {  	s29 =	simm.s32 $0x9;
	_ =	strace $0x80000048  }
0xbd: {  	_ =	swait.ge [sflag:s29], $0x1  }
0xbe: {  	[sflag:s29] =	ssyncadd.s32 $0xFFFFFFFF  }
0xbf: {  	_ =	strace $0x90000048  }
0xc0: {  	_ =	sfence  }
0xc1: {  	s30 =	sld [smem:$0x0];
	_ =	sdelay $0x2  }
0xc2: {  	s31 =	sshll.u32 s1, $0xD;
	s1 =	sshrl.u32 s1, $0x2  }
0xc3: {  	s3 =	sand.u32 $0x4000, s31;
	s1 =	sadd.s32 s1, s30  }
0xc4: {  	s0 =	sor.u32 s3, s0;
	s1 =	sshll.u32 s1, $0x11  }
0xc5: {  	s0 =	sor.u32 s1, s0  }
0xc6: {  	s0 =	sadd.s32 $0x8F2B, s0  }
0xc7: {  	[sflag:s0] =	ssyncadd.remote.s32 $0x1  }
0xc8: {  	_ =	sfence.sel $0xFFFF  }
0xc9: {  	[dreg:$0x0] =	wrdreg $0xFFFFFFFF;
	(pc) =	sbr.abs _section_cstart, $3  }
0xca: {  	[dreg:$0x1] =	wrdreg $0xFFFFFFFF  }
0xcb: {  	_ =	task.clear_ibuf [dreg:s10], $0x2FFFF;
	_ =	strace $0x9FFFFFFF  }
0xcc: {  	(tm) =	ssettm $0x7FFFFFFF  }
0xcd: {  	_ =	shalt  }
tec
execute0_lowered:
.L_overlay_start_1:
0x0: {  	(tag) =	ssettag $0x1  }
0x1: {  	s5 =	rddreg [dreg:$0x0]  }
0x2: {  	s7 =	rddreg [dreg:$0x1]  }
0x3: {  	s0 =	rddreg [dreg:$0x2];
	s6 =	simm.s32 $0x0  }
0x4: {  	s1 =	srdreg.scid;
	s3 =	stileid.u32;
	s14 =	simm.s32 $0x12000  }
0x5: {  	s20 =	simm.s32 $0x1;
	s21 =	simm.s32 $0x2;
	s22 =	simm.s32 $0x12008  }
0x6: {  	s23 =	simm.s32 $0x12010;
	s28 =	simm.s32 $0x12030;
	s29 =	simm.s32 $0x12038  }
0x7: {  	s30 =	simm.s32 $0x12040;
	s31 =	simm.s32 $0x12048;
	s17 =	simm.s32 $0x3  }
0x8: {  	[smem:$0x7FF] =	sst s6;
	s1 =	sand.u32 $0x1, s1;
	s3 =	sshll.u32 s3, $0xA  }
0x9: {  	s0 =	sadd.s32 $0x800, s0;
	s4 =	smov.u32 s5;
	s12 =	smov.u32 s7  }
0xa: {  	_ =	strace $0x80000047;
	s2 =	ssub.s32 $0x2, s1;
	s1 =	sshll.u32 s1, $0x9  }
0xb: {  	[dreg:$0x6] =	wrdreg s0;
	s24 =	sshrl.u32 s2, $0x1;
	s8 =	sor.u32 s1, s3  }
0xc: {  	s3 =	simm.s32 $0x0;
	s0 =	ssub.s32 s2, s24;
	s9 =	sshll.u32 s8, $0x6  }
0xd: {  	s1 =	sshll.u32 s8, $0x4;
	s26 =	sor.u32 $0x40, s8;
	s24 =	simm.s32 $0x12018  }
0xe: {  	s25 =	sadd.s32 s5, s9;
	s1 =	sadd.s32 s7, s1;
	[dreg:$0x9] =	wrdreg s26  }
0xf: {  	s0 =	smax.u32 s0, $0x1;
	s26 =	simm.s32 $0x12028;
	[dreg:$0x7] =	wrdreg s25  }
0x10: {  	s5 =	simm.s32 $0x12058;
	s7 =	simm.s32 $0x4;
	[dreg:$0x8] =	wrdreg s1  }
0x11: {  	[dreg:$0xa] =	wrdreg s0;
	s25 =	simm.s32 $0x12020;
	s0 =	simm.s32 $0x12050  }
.LBB2_1:
0x12: {  	[dreg:$0xb] =	wrdreg s3  }
0x13: {  	s1 =	rddreg [dreg:$0x6];
	s15 =	simm.s32 $0x9  }
0x14: {  	[tilespmem:s14], [sflag:$0x9] =	stream.linear.gather [hbm4b:s1+s6], $0x80, $0x38;
	[tilespmem:$0x1A080] =	vst v63  }
0x15: {  	_ =	swait.ge [sflag:s15], $0x80  }
0x16: {  	[sflag:s15] =	ssyncset.done $0x0  }
0x17: {  	s2 =	simm.s32 $0x12080;
	s16 =	rddreg [dreg:$0x7];
	[sflag:s15] =	ssyncadd.s32 $0xFFFFFF80  }
0x18: {  	[tilespmem:s2], [sflag:$0x1] =	stream.linear.gather [hbm4b:s16+s6], $0x4000, $0x38;
	[tilespmem:$0x1A080] =	vst v63  }
0x19: {  	s19 =	simm.s32 $0x8000;
	s18 =	rddreg [dreg:$0x8];
	s15 =	simm.s32 $0x0  }
0x1a: {  	[tilespmem:s19], [sflag:$0x2] =	stream.linear.gather [hbm4b:s18+s6], $0x1000, $0x38;
	[tilespmem:$0x1A080] =	vst v63  }
.LBB2_2:
0x1b: {  	s13 =	sshllo.u32 s15, $0x1  }
0x1c: {  	s1 =	sshll.u32 s13, $0x5  }
0x1d: {  	s1 =	sadd.s32 s8, s1  }
0x1e: {  	s2 =	sshll.u32 s1, $0x6  }
0x1f: {  	s2 =	sand.u32 $0x1FFFF800, s2  }
0x20: {  	s3 =	simm.s32 $0x16080;
	s1 =	sshll.u32 s1, $0x4;
	s2 =	sadd.s32 s4, s2  }
0x21: {  	[tilespmem:s3], [sflag:$0x3] =	stream.linear.gather [hbm4b:s2+s6], $0x4000, $0x38;
	[tilespmem:$0x1A080] =	vst v63  }
0x22: {  	s19 =	simm.s32 $0x9000;
	s1 =	sadd.s32 s12, s1  }
0x23: {  	[tilespmem:s19], [sflag:$0x4] =	stream.linear.gather [hbm4b:s1+s6], $0x1000, $0x38;
	[tilespmem:$0x1A080] =	vst v63  }
0x24: {  	_ =	swait.ge [sflag:s20], $0x4000  }
0x25: {  	[sflag:s20] =	ssyncset.done $0x0  }
0x26: {  	[sflag:s20] =	ssyncadd.s32 $0xFFFFC000  }
0x27: {  	_ =	swait.ge [sflag:s21], $0x1000  }
0x28: {  	p0 =	seq.s32 s15, $0x0;
	[sflag:s21] =	ssyncset.done $0x0  }
0x29: {  	s1 =	simm.s32 @!p0 $0x5;
	[sflag:s21] =	ssyncadd.s32 $0xFFFFF000  }
0x2a: {  	_ =	swait.ge @!p0 [sflag:s1], $0x4000  }
0x2b: {  	[sflag:s1] =	ssyncset.done @!p0 $0x0  }
0x2c: {  	[sflag:s1] =	ssyncadd.s32 @!p0 $0xFFFFC000;
	s1 =	simm.s32 @!p0 $0x6  }
0x2d: {  	_ =	swait.ge @!p0 [sflag:s1], $0x4000  }
0x2e: {  	[sflag:s1] =	ssyncset.done @!p0 $0x0  }
0x2f: {  	s11 =	simm.s32 $0x8040;
	[sflag:s1] =	ssyncadd.s32 @!p0 $0xFFFFC000  }
0x30: {  	v0 =	vld [tilespmem:s11+$0xFFFFFFC0];
	_ =	sdelay $0x2  }
0x31: {  	s10 =	simm.s32 $0x0  }
0x32: {  	v1 =	vld [tilespmem:s10+$0x12180]  }
0x33: {  	v2 =	vld [tilespmem:s10+$0x12200]  }
0x34: {  	v5 =	vld [tilespmem:s10+$0x12080]  }
0x35: {  	v6 =	vld [tilespmem:s10+$0x12100]  }
0x36: {  	v3 =	vld.idx.msk [tilespmem:v0+s24+$0x0], $0xffff  }
0x37: {  	v4 =	vld.idx.msk [tilespmem:v0+s23+$0x0], $0xffff  }
0x38: {  	v8 =	vld.idx.msk [tilespmem:v0+s14+$0x0], $0xffff  }
0x39: {  	v9 =	vld.idx.msk [tilespmem:v0+s22+$0x0], $0xffff  }
0x3a: {  	v10 =	vld.idx.msk [tilespmem:v0+s25+$0x0], $0xffff  }
0x3b: {  	v11 =	vld.idx.msk [tilespmem:v0+s26+$0x0], $0xffff  }
0x3c: {  	v12 =	vld.idx.msk [tilespmem:v0+s30+$0x0], $0xffff  }
0x3d: {  	v13 =	vld.idx.msk [tilespmem:v0+s31+$0x0], $0xffff  }
0x3e: {  	v7 =	vld.idx.msk [tilespmem:v0+s28+$0x0], $0xffff  }
0x3f: {  	v15 =	vld.idx.msk [tilespmem:v0+s0+$0x0], $0xffff;
	v8 =	vmul.f32 v8, v5  }
0x40: {  	v14 =	vld.idx.msk [tilespmem:v0+s29+$0x0], $0xffff;
	v9 =	vmul.f32 v9, v6;
	v10 =	vmul.f32 v10, v5  }
0x41: {  	v11 =	vmul.f32 v11, v6;
	v4 =	vmul.f32 v4, v1  }
0x42: {  	v2 =	vadd.f32 $-1.000000000e+00, v2;
	v0 =	vld.idx.msk [tilespmem:v0+s5+$0x0], $0xffff;
	v5 =	vmul.f32 v12, v5;
	v6 =	vmul.f32 v13, v6  }
0x43: {  	v7 =	vmul.f32 v7, v1;
	v8 =	vadd.f32 v9, v8;
	v9 =	vadd.f32 v11, v10  }
0x44: {  	v1 =	vmul.f32 v15, v1;
	v10 =	vmul.f32 v3, v2;
	v5 =	vadd.f32 v6, v5  }
0x45: {  	v11 =	vmul.f32 v14, v2;
	v4 =	vadd.f32 v4, v8;
	v6 =	vadd.f32 v7, v9  }
0x46: {  	v1 =	vadd.f32 v1, v5  }
0x47: {  	v2 =	vmul.f32 v0, v2;
	v4 =	vadd.f32 v10, v4;
	v5 =	vadd.f32 v11, v6;
	_ =	sdelay $0x1  }
0x48: {  	v1 =	vadd.f32 v2, v1;
	v2 =	vmul.f32 v4, v4;
	v6 =	vmul.f32 v5, v5;
	_ =	sdelay $0x1  }
0x49: {  	v7 =	vmul.f32 v1, v1;
	v2 =	vadd.f32 v6, v2;
	_ =	sdelay $0x1  }
0x4a: {  	v2 =	vadd.f32 v7, v2;
	_ =	sdelay $0x1  }
0x4b: {  	v6 =	vmul.f32 $5.000000000e-01, v2;
	v2 =	vshra.s32 v2, $0x1  }
0x4c: {  	v2 =	vsub.s32 $0x5F3759DF, v2  }
0x4d: {  	v6 =	vmul.f32 v2, v6;
	_ =	sdelay $0x1  }
0x4e: {  	v6 =	vmul.f32 v2, v6;
	_ =	sdelay $0x1  }
0x4f: {  	v6 =	vsub.f32 $1.500000000e+00, v6;
	_ =	sdelay $0x1  }
0x50: {  	v2 =	vmul.f32 v2, v6  }
0x51: {  	[tilespmem:s10+$0xA000] =	vst v3  }
0x52: {  	[tilespmem:s10+$0xA080] =	vst v14;
	v3 =	vmul.f32 v2, v4  }
0x53: {  	[tilespmem:s10+$0xA100] =	vst v0;
	v0 =	vmul.f32 v2, v5  }
0x54: {  	v1 =	vmul.f32 v2, v1;
	[tilespmem:s10+$0x0] =	vst v3  }
0x55: {  	[tilespmem:s10+$0x80] =	vst v0  }
0x56: {  	[tilespmem:s10+$0x100] =	vst v1  }
0x57: {  	v1 =	vld [tilespmem:s11+$0xFFFFFFD0];
	_ =	sdelay $0x3  }
0x58: {  	v2 =	vld [tilespmem:s10+$0x12090]  }
0x59: {  	v4 =	vld [tilespmem:s10+$0x12110]  }
0x5a: {  	v3 =	vld [tilespmem:s10+$0x12190]  }
0x5b: {  	v0 =	vld [tilespmem:s10+$0x12210]  }
0x5c: {  	v5 =	vld.idx.msk [tilespmem:v1+s24+$0x0], $0xffff  }
0x5d: {  	v6 =	vld.idx.msk [tilespmem:v1+s23+$0x0], $0xffff  }
0x5e: {  	v7 =	vld.idx.msk [tilespmem:v1+s30+$0x0], $0xffff  }
0x5f: {  	v8 =	vld.idx.msk [tilespmem:v1+s14+$0x0], $0xffff  }
0x60: {  	v9 =	vld.idx.msk [tilespmem:v1+s22+$0x0], $0xffff  }
0x61: {  	v10 =	vld.idx.msk [tilespmem:v1+s25+$0x0], $0xffff  }
0x62: {  	v11 =	vld.idx.msk [tilespmem:v1+s26+$0x0], $0xffff  }
0x63: {  	v12 =	vld.idx.msk [tilespmem:v1+s31+$0x0], $0xffff  }
0x64: {  	v13 =	vld.idx.msk [tilespmem:v1+s28+$0x0], $0xffff  }
0x65: {  	v14 =	vld.idx.msk [tilespmem:v1+s0+$0x0], $0xffff;
	v6 =	vmul.f32 v6, v3  }
0x66: {  	v15 =	vld.idx.msk [tilespmem:v1+s29+$0x0], $0xffff;
	v8 =	vmul.f32 v8, v2;
	v9 =	vmul.f32 v9, v4  }
0x67: {  	v10 =	vmul.f32 v10, v2;
	v11 =	vmul.f32 v11, v4  }
0x68: {  	v0 =	vadd.f32 $-1.000000000e+00, v0;
	v1 =	vld.idx.msk [tilespmem:v1+s5+$0x0], $0xffff;
	v2 =	vmul.f32 v7, v2;
	v4 =	vmul.f32 v12, v4  }
0x69: {  	v7 =	vadd.f32 v9, v8;
	v8 =	vadd.f32 v11, v10;
	v9 =	vmul.f32 v13, v3  }
0x6a: {  	v10 =	vmul.f32 v5, v0;
	v2 =	vadd.f32 v4, v2;
	v3 =	vmul.f32 v14, v3  }
0x6b: {  	v4 =	vadd.f32 v6, v7;
	v6 =	vadd.f32 v9, v8;
	v7 =	vmul.f32 v15, v0  }
0x6c: {  	v2 =	vadd.f32 v3, v2  }
0x6d: {  	v0 =	vmul.f32 v1, v0;
	v3 =	vadd.f32 v10, v4;
	v4 =	vadd.f32 v7, v6;
	_ =	sdelay $0x1  }
0x6e: {  	v0 =	vadd.f32 v0, v2;
	v2 =	vmul.f32 v3, v3;
	v6 =	vmul.f32 v4, v4;
	_ =	sdelay $0x1  }
0x6f: {  	v7 =	vmul.f32 v0, v0;
	v2 =	vadd.f32 v6, v2;
	_ =	sdelay $0x1  }
0x70: {  	v2 =	vadd.f32 v7, v2;
	_ =	sdelay $0x1  }
0x71: {  	v6 =	vmul.f32 $5.000000000e-01, v2;
	v2 =	vshra.s32 v2, $0x1  }
0x72: {  	v2 =	vsub.s32 $0x5F3759DF, v2  }
0x73: {  	v6 =	vmul.f32 v2, v6;
	_ =	sdelay $0x1  }
0x74: {  	v6 =	vmul.f32 v2, v6;
	_ =	sdelay $0x1  }
0x75: {  	v6 =	vsub.f32 $1.500000000e+00, v6;
	_ =	sdelay $0x1  }
0x76: {  	v2 =	vmul.f32 v2, v6  }
0x77: {  	[tilespmem:s10+$0xA010] =	vst v5  }
0x78: {  	[tilespmem:s10+$0xA090] =	vst v15;
	v3 =	vmul.f32 v2, v3  }
0x79: {  	[tilespmem:s10+$0xA110] =	vst v1;
	v4 =	vmul.f32 v2, v4  }
0x7a: {  	v0 =	vmul.f32 v2, v0;
	[tilespmem:s10+$0x10] =	vst v3  }
0x7b: {  	[tilespmem:s10+$0x90] =	vst v4  }
0x7c: {  	[tilespmem:s10+$0x110] =	vst v0  }
0x7d: {  	v0 =	vld [tilespmem:s11+$0xFFFFFFE0];
	_ =	sdelay $0x2  }
0x7e: {  	s19 =	simm.s32 $0x80C0;
	v5 =	vld [tilespmem:s10+$0x12120]  }
0x7f: {  	v1 =	vld [tilespmem:s19+$0xFFFFFFC0]  }
0x80: {  	v2 =	vld [tilespmem:s10+$0x121A0]  }
0x81: {  	v3 =	vld [tilespmem:s10+$0x12220]  }
0x82: {  	v4 =	vld [tilespmem:s10+$0x120A0]  }
0x83: {  	v6 =	vld.idx.msk [tilespmem:v0+s23+$0x0], $0xffff  }
0x84: {  	v7 =	vld.idx.msk [tilespmem:v0+s28+$0x0], $0xffff  }
0x85: {  	v8 =	vld.idx.msk [tilespmem:v0+s30+$0x0], $0xffff  }
0x86: {  	v9 =	vld.idx.msk [tilespmem:v0+s14+$0x0], $0xffff  }
0x87: {  	v10 =	vld.idx.msk [tilespmem:v0+s22+$0x0], $0xffff  }
0x88: {  	v11 =	vld.idx.msk [tilespmem:v0+s25+$0x0], $0xffff  }
0x89: {  	v12 =	vld.idx.msk [tilespmem:v0+s26+$0x0], $0xffff  }
0x8a: {  	v13 =	vld.idx.msk [tilespmem:v0+s31+$0x0], $0xffff  }
0x8b: {  	v14 =	vld.idx.msk [tilespmem:v0+s24+$0x0], $0xffff  }
0x8c: {  	v15 =	vld.idx.msk [tilespmem:v0+s0+$0x0], $0xffff;
	v6 =	vmul.f32 v6, v2  }
0x8d: {  	v16 =	vld.idx.msk [tilespmem:v0+s29+$0x0], $0xffff;
	v9 =	vmul.f32 v9, v4;
	v10 =	vmul.f32 v10, v5  }
0x8e: {  	v11 =	vmul.f32 v11, v4;
	v12 =	vmul.f32 v12, v5  }
0x8f: {  	v3 =	vadd.f32 $-1.000000000e+00, v3;
	v0 =	vld.idx.msk [tilespmem:v0+s5+$0x0], $0xffff;
	v4 =	vmul.f32 v8, v4;
	v5 =	vmul.f32 v13, v5  }
0x90: {  	v7 =	vmul.f32 v7, v2;
	v8 =	vadd.f32 v10, v9;
	v9 =	vadd.f32 v12, v11  }
0x91: {  	v2 =	vmul.f32 v15, v2;
	v10 =	vmul.f32 v14, v3;
	v4 =	vadd.f32 v5, v4  }
0x92: {  	v5 =	vadd.f32 v6, v8;
	v6 =	vadd.f32 v7, v9;
	v7 =	vmul.f32 v16, v3  }
0x93: {  	v17 =	vld.idx.msk [tilespmem:v1+s22+$0x0], $0xffff;
	v2 =	vadd.f32 v2, v4  }
0x94: {  	v19 =	vld.idx.msk [tilespmem:v1+s25+$0x0], $0xffff;
	v3 =	vmul.f32 v0, v3;
	v5 =	vadd.f32 v10, v5;
	v6 =	vadd.f32 v7, v6  }
0x95: {  	v20 =	vld.idx.msk [tilespmem:v1+s26+$0x0], $0xffff  }
0x96: {  	v22 =	vld.idx.msk [tilespmem:v1+s31+$0x0], $0xffff;
	v2 =	vadd.f32 v3, v2;
	v3 =	vmul.f32 v5, v5;
	v10 =	vmul.f32 v6, v6  }
0x97: {  	s18 =	simm.s32 $0x200;
	v24 =	vld.idx.msk [tilespmem:v1+s0+$0x0], $0xffff  }
0x98: {  	v13 =	vld [tilespmem:s18+$0x12100];
	v3 =	vadd.f32 v10, v3;
	v10 =	vmul.f32 v2, v2  }
0x99: {  	v15 =	vld.idx.msk [tilespmem:v1+s28+$0x0], $0xffff  }
0x9a: {  	v11 =	vld.idx.msk [tilespmem:v1+s23+$0x0], $0xffff;
	v3 =	vadd.f32 v10, v3  }
0x9b: {  	v12 =	vld [tilespmem:s18+$0x12080]  }
0x9c: {  	v8 =	vld [tilespmem:s18+$0x12180];
	v18 =	vmul.f32 $5.000000000e-01, v3;
	v3 =	vshra.s32 v3, $0x1  }
0x9d: {  	v10 =	vld.idx.msk [tilespmem:v1+s14+$0x0], $0xffff;
	v3 =	vsub.s32 $0x5F3759DF, v3  }
0x9e: {  	v4 =	vld [tilespmem:s18+$0x12200];
	v18 =	vmul.f32 v3, v18  }
0x9f: {  	v21 =	vld.idx.msk [tilespmem:v1+s30+$0x0], $0xffff;
	v17 =	vmul.f32 v17, v13  }
0xa0: {  	v20 =	vmul.f32 v20, v13;
	v7 =	vld.idx.msk [tilespmem:v1+s24+$0x0], $0xffff;
	v18 =	vmul.f32 v3, v18  }
0xa1: {  	v9 =	vld.idx.msk [tilespmem:v1+s29+$0x0], $0xffff;
	v13 =	vmul.f32 v22, v13;
	v19 =	vmul.f32 v19, v12  }
0xa2: {  	v11 =	vmul.f32 v11, v8;
	v10 =	vmul.f32 v10, v12;
	v18 =	vsub.f32 $1.500000000e+00, v18  }
0xa3: {  	v4 =	vadd.f32 $-1.000000000e+00, v4;
	v15 =	vmul.f32 v15, v8;
	v8 =	vmul.f32 v24, v8  }
0xa4: {  	v1 =	vld.idx.msk [tilespmem:v1+s5+$0x0], $0xffff;
	v10 =	vadd.f32 v17, v10;
	v17 =	vadd.f32 v20, v19;
	v3 =	vmul.f32 v3, v18  }
0xa5: {  	[tilespmem:s10+$0xA020] =	vst v14;
	v23 =	vmul.f32 v7, v4;
	v12 =	vmul.f32 v21, v12  }
0xa6: {  	[tilespmem:s10+$0xA120] =	vst v0;
	v25 =	vmul.f32 v9, v4;
	v0 =	vadd.f32 v15, v17;
	v5 =	vmul.f32 v3, v5  }
0xa7: {  	[tilespmem:s10+$0xA0A0] =	vst v16;
	v10 =	vadd.f32 v11, v10;
	v11 =	vadd.f32 v13, v12;
	v6 =	vmul.f32 v3, v6  }
0xa8: {  	v0 =	vadd.f32 v25, v0;
	v2 =	vmul.f32 v3, v2;
	[tilespmem:s10+$0x20] =	vst v5  }
0xa9: {  	v4 =	vmul.f32 v1, v4;
	v3 =	vadd.f32 v23, v10;
	[tilespmem:s10+$0xA0] =	vst v6;
	v5 =	vadd.f32 v8, v11  }
0xaa: {  	[tilespmem:s10+$0x120] =	vst v2  }
0xab: {  	v6 =	vmul.f32 v0, v0;
	v2 =	vld [tilespmem:s11+$0xFFFFFFF0];
	v4 =	vadd.f32 v4, v5;
	v5 =	vmul.f32 v3, v3;
	_ =	sdelay $0x1  }
0xac: {  	v8 =	vmul.f32 v4, v4;
	v5 =	vadd.f32 v6, v5;
	_ =	sdelay $0x1  }
0xad: {  	v12 =	vld [tilespmem:s10+$0x12130];
	v5 =	vadd.f32 v8, v5  }
0xae: {  	v10 =	vld [tilespmem:s10+$0x120B0]  }
0xaf: {  	v6 =	vld [tilespmem:s10+$0x121B0];
	v11 =	vmul.f32 $5.000000000e-01, v5;
	v5 =	vshra.s32 v5, $0x1  }
0xb0: {  	v8 =	vld [tilespmem:s10+$0x12230];
	v5 =	vsub.s32 $0x5F3759DF, v5  }
0xb1: {  	v13 =	vld.idx.msk [tilespmem:v2+s24+$0x0], $0xffff;
	v11 =	vmul.f32 v5, v11  }
0xb2: {  	v14 =	vld.idx.msk [tilespmem:v2+s23+$0x0], $0xffff  }
0xb3: {  	v15 =	vld.idx.msk [tilespmem:v2+s30+$0x0], $0xffff;
	v11 =	vmul.f32 v5, v11  }
0xb4: {  	v16 =	vld.idx.msk [tilespmem:v2+s14+$0x0], $0xffff  }
0xb5: {  	v17 =	vld.idx.msk [tilespmem:v2+s22+$0x0], $0xffff;
	v11 =	vsub.f32 $1.500000000e+00, v11  }
0xb6: {  	v18 =	vld.idx.msk [tilespmem:v2+s25+$0x0], $0xffff  }
0xb7: {  	v19 =	vld.idx.msk [tilespmem:v2+s26+$0x0], $0xffff;
	v5 =	vmul.f32 v5, v11  }
0xb8: {  	[tilespmem:s18+$0xA000] =	vst v7;
	v20 =	vld.idx.msk [tilespmem:v2+s28+$0x0], $0xffff  }
0xb9: {  	[tilespmem:s18+$0xA080] =	vst v9;
	v7 =	vmul.f32 v16, v10;
	v11 =	vld.idx.msk [tilespmem:v2+s31+$0x0], $0xffff;
	v3 =	vmul.f32 v5, v3  }
0xba: {  	[tilespmem:s18+$0xA100] =	vst v1;
	v21 =	vld.idx.msk [tilespmem:v2+s0+$0x0], $0xffff;
	v16 =	vmul.f32 v17, v12;
	v0 =	vmul.f32 v5, v0  }
0xbb: {  	v4 =	vmul.f32 v5, v4;
	v5 =	vmul.f32 v14, v6;
	v14 =	vld.idx.msk [tilespmem:v2+s29+$0x0], $0xffff;
	[tilespmem:s18+$0x0] =	vst v3  }
0xbc: {  	v9 =	vmul.f32 v18, v10;
	v17 =	vmul.f32 v19, v12;
	[tilespmem:s18+$0x80] =	vst v0  }
0xbd: {  	v1 =	vadd.f32 $-1.000000000e+00, v8;
	v8 =	vmul.f32 v15, v10;
	v2 =	vld.idx.msk [tilespmem:v2+s5+$0x0], $0xffff;
	v3 =	vadd.f32 v16, v7;
	[tilespmem:s18+$0x100] =	vst v4  }
0xbe: {  	v7 =	vadd.f32 v17, v9;
	v9 =	vmul.f32 v20, v6;
	v10 =	vmul.f32 v11, v12;
	v4 =	vld [tilespmem:s19+$0xFFFFFFD0]  }
0xbf: {  	v6 =	vmul.f32 v21, v6;
	v12 =	vmul.f32 v13, v1;
	v0 =	vadd.f32 v5, v3  }
0xc0: {  	v3 =	vadd.f32 v9, v7;
	v8 =	vadd.f32 v10, v8;
	v5 =	vmul.f32 v14, v1  }
0xc1: {  	v0 =	vadd.f32 v12, v0  }
0xc2: {  	v1 =	vmul.f32 v2, v1;
	v6 =	vadd.f32 v6, v8;
	v3 =	vadd.f32 v5, v3  }
0xc3: {  	v11 =	vld [tilespmem:s18+$0x12190]  }
0xc4: {  	v7 =	vld [tilespmem:s18+$0x12210];
	v5 =	vmul.f32 v0, v0;
	v1 =	vadd.f32 v1, v6;
	v6 =	vmul.f32 v3, v3  }
0xc5: {  	v9 =	vld [tilespmem:s18+$0x12110]  }
0xc6: {  	v5 =	vadd.f32 v6, v5;
	v6 =	vmul.f32 v1, v1;
	v12 =	vld.idx.msk [tilespmem:v4+s23+$0x0], $0xffff  }
0xc7: {  	v15 =	vld.idx.msk [tilespmem:v4+s30+$0x0], $0xffff  }
0xc8: {  	v16 =	vld.idx.msk [tilespmem:v4+s14+$0x0], $0xffff;
	v5 =	vadd.f32 v6, v5  }
0xc9: {  	v17 =	vld.idx.msk [tilespmem:v4+s22+$0x0], $0xffff  }
0xca: {  	v19 =	vld.idx.msk [tilespmem:v4+s26+$0x0], $0xffff;
	v8 =	vmul.f32 $5.000000000e-01, v5;
	v5 =	vshra.s32 v5, $0x1  }
0xcb: {  	v6 =	vld [tilespmem:s18+$0x12090];
	v5 =	vsub.s32 $0x5F3759DF, v5  }
0xcc: {  	v18 =	vld.idx.msk [tilespmem:v4+s25+$0x0], $0xffff;
	v8 =	vmul.f32 v5, v8  }
0xcd: {  	v20 =	vld.idx.msk [tilespmem:v4+s31+$0x0], $0xffff  }
0xce: {  	v21 =	vld.idx.msk [tilespmem:v4+s28+$0x0], $0xffff;
	v8 =	vmul.f32 v5, v8  }
0xcf: {  	v22 =	vld.idx.msk [tilespmem:v4+s0+$0x0], $0xffff;
	v12 =	vmul.f32 v12, v11;
	v17 =	vmul.f32 v17, v9  }
0xd0: {  	v10 =	vld.idx.msk [tilespmem:v4+s24+$0x0], $0xffff;
	v19 =	vmul.f32 v19, v9;
	v16 =	vmul.f32 v16, v6;
	v8 =	vsub.f32 $1.500000000e+00, v8  }
0xd1: {  	v23 =	vld.idx.msk [tilespmem:v4+s29+$0x0], $0xffff;
	v18 =	vmul.f32 v18, v6;
	v6 =	vmul.f32 v15, v6  }
0xd2: {  	v7 =	vadd.f32 $-1.000000000e+00, v7;
	v15 =	vld.idx.msk [tilespmem:v4+s5+$0x0], $0xffff;
	v4 =	vmul.f32 v20, v9;
	v5 =	vmul.f32 v5, v8  }
0xd3: {  	[tilespmem:s10+$0xA030] =	vst v13;
	v9 =	vadd.f32 v17, v16;
	v13 =	vadd.f32 v19, v18;
	v16 =	vmul.f32 v21, v11  }
0xd4: {  	[tilespmem:s10+$0xA0B0] =	vst v14;
	v4 =	vadd.f32 v4, v6;
	v6 =	vmul.f32 v22, v11;
	v0 =	vmul.f32 v5, v0  }
0xd5: {  	[tilespmem:s10+$0xA130] =	vst v2;
	v2 =	vadd.f32 v12, v9;
	v8 =	vmul.f32 v10, v7;
	v3 =	vmul.f32 v5, v3  }
0xd6: {  	v11 =	vmul.f32 v23, v7;
	v9 =	vadd.f32 v16, v13;
	[tilespmem:s10+$0x30] =	vst v0;
	v0 =	vmul.f32 v5, v1  }
0xd7: {  	v2 =	vadd.f32 v8, v2;
	[tilespmem:s10+$0xB0] =	vst v3  }
0xd8: {  	v1 =	vadd.f32 v6, v4;
	v3 =	vmul.f32 v15, v7;
	v4 =	vadd.f32 v11, v9;
	[tilespmem:s10+$0x130] =	vst v0  }
0xd9: {  	v0 =	vld [tilespmem:s11+$0x0]  }
0xda: {  	v5 =	vadd.f32 v3, v1;
	v3 =	vmul.f32 v2, v2;
	v6 =	vmul.f32 v4, v4;
	_ =	sdelay $0x1  }
0xdb: {  	v12 =	vld [tilespmem:s10+$0x12140];
	v7 =	vmul.f32 v5, v5;
	v6 =	vadd.f32 v6, v3  }
0xdc: {  	v8 =	vld [tilespmem:s10+$0x121C0]  }
0xdd: {  	v9 =	vld [tilespmem:s10+$0x120C0];
	v6 =	vadd.f32 v7, v6  }
0xde: {  	v1 =	vld [tilespmem:s10+$0x121D0]  }
0xdf: {  	v7 =	vld [tilespmem:s10+$0x12240];
	v11 =	vmul.f32 $5.000000000e-01, v6;
	v6 =	vshra.s32 v6, $0x1  }
0xe0: {  	v6 =	vsub.s32 $0x5F3759DF, v6;
	v13 =	vld.idx.msk [tilespmem:v0+s24+$0x0], $0xffff  }
0xe1: {  	v11 =	vmul.f32 v6, v11;
	v14 =	vld.idx.msk [tilespmem:v0+s23+$0x0], $0xffff  }
0xe2: {  	v17 =	vld.idx.msk [tilespmem:v0+s14+$0x0], $0xffff  }
0xe3: {  	v18 =	vld.idx.msk [tilespmem:v0+s22+$0x0], $0xffff;
	v11 =	vmul.f32 v6, v11  }
0xe4: {  	v20 =	vld.idx.msk [tilespmem:v0+s26+$0x0], $0xffff  }
0xe5: {  	v16 =	vld.idx.msk [tilespmem:v0+s30+$0x0], $0xffff;
	v11 =	vsub.f32 $1.500000000e+00, v11  }
0xe6: {  	v19 =	vld.idx.msk [tilespmem:v0+s25+$0x0], $0xffff  }
0xe7: {  	v6 =	vmul.f32 v6, v11;
	v11 =	vld.idx.msk [tilespmem:v0+s31+$0x0], $0xffff  }
0xe8: {  	v21 =	vld.idx.msk [tilespmem:v0+s28+$0x0], $0xffff;
	v17 =	vmul.f32 v17, v9;
	v18 =	vmul.f32 v18, v12  }
0xe9: {  	[tilespmem:s18+$0xA110] =	vst v15;
	v24 =	vld.idx.msk [tilespmem:v0+s0+$0x0], $0xffff;
	v15 =	vmul.f32 v20, v12;
	v2 =	vmul.f32 v6, v2  }
0xea: {  	[tilespmem:s18+$0xA010] =	vst v10;
	v10 =	vmul.f32 v6, v5;
	v5 =	vmul.f32 v16, v9;
	v16 =	vld.idx.msk [tilespmem:v0+s29+$0x0], $0xffff  }
0xeb: {  	v3 =	vld [tilespmem:s10+$0x12250];
	v22 =	vmul.f32 v6, v4;
	v9 =	vmul.f32 v19, v9  }
0xec: {  	v19 =	vld.idx.msk [tilespmem:v0+s5+$0x0], $0xffff;
	v0 =	vadd.f32 $-1.000000000e+00, v7;
	[tilespmem:s18+$0x10] =	vst v2;
	v2 =	vmul.f32 v14, v8;
	v7 =	vmul.f32 v11, v12  }
0xed: {  	[tilespmem:s18+$0xA090] =	vst v23;
	v4 =	vld [tilespmem:s10+$0x120D0];
	v9 =	vadd.f32 v15, v9;
	v11 =	vadd.f32 v18, v17;
	v12 =	vmul.f32 v21, v8  }
0xee: {  	s1 =	simm.s32 $0x8140;
	v6 =	vld [tilespmem:s10+$0x12150];
	[tilespmem:s18+$0x90] =	vst v22;
	v14 =	vmul.f32 v13, v0;
	v8 =	vmul.f32 v24, v8;
	v7 =	vadd.f32 v7, v5  }
0xef: {  	[tilespmem:s18+$0x110] =	vst v10;
	v5 =	vld [tilespmem:s1+$0xFFFFFFC0];
	v10 =	vmul.f32 v16, v0;
	v2 =	vadd.f32 v2, v11;
	v9 =	vadd.f32 v12, v9  }
0xf0: {  	v11 =	vld [tilespmem:s19+$0xFFFFFFE0];
	v7 =	vadd.f32 v8, v7  }
0xf1: {  	s16 =	simm.s32 $0x400;
	v15 =	vld [tilespmem:s18+$0x12120];
	v0 =	vmul.f32 v19, v0;
	v12 =	vadd.f32 v14, v2;
	v9 =	vadd.f32 v10, v9  }
0xf2: {  	v17 =	vld [tilespmem:s16+$0x12180]  }
0xf3: {  	v18 =	vld [tilespmem:s16+$0x12200];
	v7 =	vadd.f32 v0, v7;
	v0 =	vmul.f32 v12, v12;
	v2 =	vmul.f32 v9, v9  }
0xf4: {  	v8 =	vld [tilespmem:s18+$0x121A0]  }
0xf5: {  	v10 =	vld [tilespmem:s18+$0x12220];
	v2 =	vadd.f32 v2, v0;
	v20 =	vmul.f32 v7, v7  }
0xf6: {  	v14 =	vld [tilespmem:s18+$0x120A0]  }
0xf7: {  	v0 =	vld.idx.msk [tilespmem:v5+s24+$0x0], $0xffff;
	v2 =	vadd.f32 v20, v2  }
0xf8: {  	v21 =	vld.idx.msk [tilespmem:v11+s23+$0x0], $0xffff  }
0xf9: {  	v22 =	vld.idx.msk [tilespmem:v11+s30+$0x0], $0xffff;
	v23 =	vmul.f32 $5.000000000e-01, v2;
	v2 =	vshra.s32 v2, $0x1  }
0xfa: {  	v26 =	vld.idx.msk [tilespmem:v11+s22+$0x0], $0xffff;
	v25 =	vsub.s32 $0x5F3759DF, v2  }
0xfb: {  	v27 =	vld.idx.msk [tilespmem:v11+s26+$0x0], $0xffff;
	v2 =	vmul.f32 v25, v23  }
0xfc: {  	v29 =	vld.idx.msk [tilespmem:v11+s31+$0x0], $0xffff  }
0xfd: {  	v20 =	vld.idx.msk [tilespmem:v11+s28+$0x0], $0xffff;
	v28 =	vmul.f32 v25, v2  }
0xfe: {  	v24 =	vld.idx.msk [tilespmem:v11+s14+$0x0], $0xffff  }
0xff: {  	v30 =	vld.idx.msk [tilespmem:v11+s24+$0x0], $0xffff;
	v22 =	vmul.f32 v22, v14;
	v28 =	vsub.f32 $1.500000000e+00, v28  }
0x100: {  	[tilespmem:s10+$0xA0C0] =	vst v16;
	v23 =	vld.idx.msk [tilespmem:v11+s25+$0x0], $0xffff;
	v26 =	vmul.f32 v26, v15;
	v16 =	vmul.f32 v27, v15  }
0x101: {  	v31 =	vld.idx.msk [tilespmem:v11+s0+$0x0], $0xffff;
	v15 =	vmul.f32 v29, v15;
	v25 =	vmul.f32 v25, v28  }
0x102: {  	[tilespmem:s10+$0xA140] =	vst v19;
	v19 =	vld.idx.msk [tilespmem:v5+s23+$0x0], $0xffff  }
0x103: {  	v15 =	vadd.f32 v15, v22;
	v22 =	vld.idx.msk [tilespmem:v5+s28+$0x0], $0xffff;
	v12 =	vmul.f32 v25, v12  }
0x104: {  	[tilespmem:s10+$0xA040] =	vst v13;
	v24 =	vmul.f32 v24, v14;
	v28 =	vld.idx.msk [tilespmem:v11+s29+$0x0], $0xffff;
	v9 =	vmul.f32 v25, v9  }
0x105: {  	v13 =	vmul.f32 v23, v14;
	v14 =	vld.idx.msk [tilespmem:v5+s0+$0x0], $0xffff;
	v7 =	vmul.f32 v25, v7;
	[tilespmem:s10+$0x40] =	vst v12  }
0x106: {  	v21 =	vmul.f32 v21, v8;
	v23 =	vadd.f32 v26, v24;
	v11 =	vld.idx.msk [tilespmem:v11+s5+$0x0], $0xffff;
	[tilespmem:s10+$0xC0] =	vst v9  }
0x107: {  	v10 =	vadd.f32 $-1.000000000e+00, v10;
	v24 =	vld.idx.msk [tilespmem:v5+s22+$0x0], $0xffff;
	v13 =	vadd.f32 v16, v13;
	v12 =	vmul.f32 v20, v8;
	[tilespmem:s10+$0x140] =	vst v7  }
0x108: {  	v8 =	vmul.f32 v31, v8;
	v7 =	vadd.f32 v21, v23;
	v21 =	vld [tilespmem:s11+$0x10]  }
0x109: {  	v26 =	vld.idx.msk [tilespmem:v5+s26+$0x0], $0xffff;
	v16 =	vmul.f32 v30, v10;
	v12 =	vadd.f32 v12, v13;
	v13 =	vmul.f32 v28, v10  }
0x10a: {  	v25 =	vld.idx.msk [tilespmem:v5+s25+$0x0], $0xffff;
	v8 =	vadd.f32 v8, v15  }
0x10b: {  	v20 =	vld [tilespmem:s16+$0x12080];
	v7 =	vadd.f32 v16, v7;
	v10 =	vmul.f32 v11, v10;
	v12 =	vadd.f32 v13, v12  }
0x10c: {  	v9 =	vld [tilespmem:s16+$0x12100]  }
0x10d: {  	v15 =	vld.idx.msk [tilespmem:v5+s30+$0x0], $0xffff;
	v8 =	vadd.f32 v10, v8;
	v10 =	vmul.f32 v7, v7;
	v23 =	vmul.f32 v12, v12  }
0x10e: {  	v16 =	vld.idx.msk [tilespmem:v5+s14+$0x0], $0xffff  }
0x10f: {  	v13 =	vld.idx.msk [tilespmem:v5+s31+$0x0], $0xffff;
	v10 =	vadd.f32 v23, v10;
	v23 =	vmul.f32 v8, v8  }
0x110: {  	v27 =	vld.idx.msk [tilespmem:v21+s23+$0x0], $0xffff  }
0x111: {  	v18 =	vadd.f32 $-1.000000000e+00, v18;
	v31 =	vld.idx.msk [tilespmem:v21+s30+$0x0], $0xffff;
	v10 =	vadd.f32 v23, v10  }
0x112: {  	v33 =	vld.idx.msk [tilespmem:v21+s14+$0x0], $0xffff  }
0x113: {  	v32 =	vmul.f32 v0, v18;
	v35 =	vld.idx.msk [tilespmem:v21+s22+$0x0], $0xffff;
	v29 =	vmul.f32 $5.000000000e-01, v10;
	v10 =	vshra.s32 v10, $0x1  }
0x114: {  	v19 =	vmul.f32 v19, v17;
	v14 =	vmul.f32 v14, v17;
	v36 =	vld.idx.msk [tilespmem:v21+s25+$0x0], $0xffff;
	v10 =	vsub.s32 $0x5F3759DF, v10  }
0x115: {  	v17 =	vmul.f32 v22, v17;
	v37 =	vld.idx.msk [tilespmem:v21+s31+$0x0], $0xffff;
	v29 =	vmul.f32 v10, v29  }
0x116: {  	v24 =	vmul.f32 v24, v9;
	v15 =	vmul.f32 v15, v20;
	v38 =	vld.idx.msk [tilespmem:v21+s28+$0x0], $0xffff  }
0x117: {  	v16 =	vmul.f32 v16, v20;
	v22 =	vmul.f32 v10, v29;
	v29 =	vld.idx.msk [tilespmem:v21+s26+$0x0], $0xffff  }
0x118: {  	v20 =	vmul.f32 v25, v20;
	v13 =	vmul.f32 v13, v9;
	v25 =	vld.idx.msk [tilespmem:v21+s0+$0x0], $0xffff  }
0x119: {  	v9 =	vmul.f32 v26, v9;
	v23 =	vld.idx.msk [tilespmem:v21+s24+$0x0], $0xffff;
	v26 =	vmul.f32 v27, v1  }
0x11a: {  	v33 =	vmul.f32 v33, v4;
	v35 =	vmul.f32 v35, v6  }
0x11b: {  	v3 =	vadd.f32 $-1.000000000e+00, v3;
	v27 =	vld.idx.msk [tilespmem:v21+s29+$0x0], $0xffff;
	v36 =	vmul.f32 v36, v4;
	v4 =	vmul.f32 v31, v4  }
0x11c: {  	v16 =	vadd.f32 v24, v16;
	v60 =	vmul.f32 v38, v1;
	v29 =	vmul.f32 v29, v6  }
0x11d: {  	v1 =	vmul.f32 v25, v1;
	v21 =	vld.idx.msk [tilespmem:v21+s5+$0x0], $0xffff;
	v22 =	vsub.f32 $1.500000000e+00, v22;
	v6 =	vmul.f32 v37, v6  }
0x11e: {  	v2 =	vld.idx.msk [tilespmem:v5+s29+$0x0], $0xffff;
	v61 =	vmul.f32 v23, v3;
	v31 =	vadd.f32 v35, v33;
	v29 =	vadd.f32 v29, v36  }
0x11f: {  	v10 =	vmul.f32 v10, v22;
	v22 =	vld.idx.msk [tilespmem:v5+s5+$0x0], $0xffff;
	v5 =	vadd.f32 v9, v20;
	v4 =	vadd.f32 v6, v4  }
0x120: {  	v6 =	vadd.f32 v26, v31;
	v26 =	vmul.f32 v27, v3;
	v25 =	vadd.f32 v60, v29  }
0x121: {  	[tilespmem:s18+$0xA020] =	vst v30;
	v7 =	vmul.f32 v10, v7;
	v9 =	vmul.f32 v10, v12;
	v1 =	vadd.f32 v1, v4  }
0x122: {  	[tilespmem:s18+$0xA0A0] =	vst v28;
	v3 =	vmul.f32 v21, v3;
	v4 =	vadd.f32 v61, v6;
	v6 =	vadd.f32 v26, v25  }
0x123: {  	v12 =	vadd.f32 v13, v15;
	v13 =	vadd.f32 v19, v16;
	[tilespmem:s18+$0x20] =	vst v7;
	v7 =	vmul.f32 v10, v8  }
0x124: {  	[tilespmem:s18+$0xA120] =	vst v11;
	v3 =	vadd.f32 v3, v1;
	v1 =	vmul.f32 v4, v4;
	v11 =	vmul.f32 v6, v6  }
0x125: {  	v34 =	vmul.f32 v2, v18;
	v30 =	vld [tilespmem:s16+$0x12110];
	v5 =	vadd.f32 v17, v5;
	[tilespmem:s18+$0xA0] =	vst v9  }
0x126: {  	v16 =	vld [tilespmem:s10+$0x12260];
	v10 =	vadd.f32 v32, v13;
	[tilespmem:s18+$0x120] =	vst v7;
	v9 =	vmul.f32 v3, v3;
	v8 =	vadd.f32 v11, v1  }
0x127: {  	v7 =	vadd.f32 v34, v5;
	v13 =	vld [tilespmem:s19+$0xFFFFFFF0];
	v11 =	vadd.f32 v14, v12;
	v12 =	vmul.f32 v22, v18  }
0x128: {  	v19 =	vld [tilespmem:s18+$0x12130];
	v8 =	vadd.f32 v9, v8  }
0x129: {  	v5 =	vld [tilespmem:s10+$0x12270];
	v9 =	vadd.f32 v12, v11;
	v11 =	vmul.f32 v10, v10;
	v12 =	vmul.f32 v7, v7  }
0x12a: {  	v1 =	vld [tilespmem:s10+$0x121F0];
	v15 =	vmul.f32 $5.000000000e-01, v8;
	v8 =	vshra.s32 v8, $0x1  }
0x12b: {  	v14 =	vld [tilespmem:s10+$0x121E0];
	v17 =	vmul.f32 v9, v9;
	v11 =	vadd.f32 v12, v11;
	v8 =	vsub.s32 $0x5F3759DF, v8  }
0x12c: {  	v18 =	vld [tilespmem:s18+$0x12230];
	v15 =	vmul.f32 v8, v15  }
0x12d: {  	[tilespmem:s16+$0xA100] =	vst v22;
	v22 =	vld [tilespmem:s10+$0x120E0];
	v11 =	vadd.f32 v17, v11  }
0x12e: {  	v12 =	vld [tilespmem:s18+$0x121B0];
	v15 =	vmul.f32 v8, v15  }
0x12f: {  	v24 =	vld.idx.msk [tilespmem:v13+s24+$0x0], $0xffff;
	v20 =	vmul.f32 $5.000000000e-01, v11;
	v11 =	vshra.s32 v11, $0x1  }
0x130: {  	v26 =	vld.idx.msk [tilespmem:v13+s23+$0x0], $0xffff;
	v11 =	vsub.s32 $0x5F3759DF, v11;
	v15 =	vsub.f32 $1.500000000e+00, v15  }
0x131: {  	[tilespmem:s10+$0xA050] =	vst v23;
	v23 =	vld.idx.msk [tilespmem:v13+s14+$0x0], $0xffff;
	v20 =	vmul.f32 v11, v20  }
0x132: {  	[tilespmem:s10+$0xA0D0] =	vst v27;
	v27 =	vld.idx.msk [tilespmem:v13+s22+$0x0], $0xffff;
	v8 =	vmul.f32 v8, v15  }
0x133: {  	[tilespmem:s10+$0xA150] =	vst v21;
	v21 =	vld.idx.msk [tilespmem:v13+s25+$0x0], $0xffff;
	v20 =	vmul.f32 v11, v20  }
0x134: {  	v17 =	vld [tilespmem:s18+$0x120B0];
	v4 =	vmul.f32 v8, v4  }
0x135: {  	v15 =	vld.idx.msk [tilespmem:v13+s30+$0x0], $0xffff;
	v6 =	vmul.f32 v8, v6;
	v20 =	vsub.f32 $1.500000000e+00, v20  }
0x136: {  	v3 =	vmul.f32 v8, v3;
	v8 =	vld.idx.msk [tilespmem:v13+s31+$0x0], $0xffff;
	[tilespmem:s10+$0x50] =	vst v4  }
0x137: {  	v4 =	vld.idx.msk [tilespmem:v13+s26+$0x0], $0xffff;
	[tilespmem:s10+$0xD0] =	vst v6;
	v6 =	vmul.f32 v11, v20  }
0x138: {  	[tilespmem:s10+$0x150] =	vst v3;
	v3 =	vld.idx.msk [tilespmem:v13+s28+$0x0], $0xffff  }
0x139: {  	[tilespmem:s16+$0xA080] =	vst v2;
	v11 =	vmul.f32 v23, v17;
	v2 =	vmul.f32 v6, v9;
	v9 =	vld [tilespmem:s11+$0x20]  }
0x13a: {  	[tilespmem:s16+$0xA000] =	vst v0;
	v25 =	vld.idx.msk [tilespmem:v13+s29+$0x0], $0xffff;
	v20 =	vmul.f32 v27, v19;
	v0 =	vmul.f32 v6, v10  }
0x13b: {  	v15 =	vmul.f32 v15, v17;
	v7 =	vmul.f32 v6, v7;
	v10 =	vld.idx.msk [tilespmem:v13+s0+$0x0], $0xffff  }
0x13c: {  	v18 =	vadd.f32 $-1.000000000e+00, v18;
	v13 =	vld.idx.msk [tilespmem:v13+s5+$0x0], $0xffff;
	[tilespmem:s16+$0x0] =	vst v0;
	v0 =	vmul.f32 v21, v17;
	v4 =	vmul.f32 v4, v19  }
0x13d: {  	v6 =	vmul.f32 v26, v12;
	v8 =	vmul.f32 v8, v19;
	v21 =	vld [tilespmem:s16+$0x12190];
	[tilespmem:s16+$0x80] =	vst v7;
	v7 =	vadd.f32 v20, v11  }
0x13e: {  	v17 =	vld [tilespmem:s10+$0x12160];
	v3 =	vmul.f32 v3, v12;
	v0 =	vadd.f32 v4, v0  }
0x13f: {  	v11 =	vmul.f32 v24, v18;
	[tilespmem:s16+$0x100] =	vst v2;
	v2 =	vld [tilespmem:s16+$0x12090];
	v8 =	vadd.f32 v8, v15;
	v6 =	vadd.f32 v6, v7  }
0x140: {  	v7 =	vld [tilespmem:s1+$0xFFFFFFD0];
	v10 =	vmul.f32 v10, v12;
	v0 =	vadd.f32 v3, v0;
	v3 =	vmul.f32 v25, v18  }
0x141: {  	v6 =	vadd.f32 v11, v6;
	v15 =	vld.idx.msk [tilespmem:v9+s24+$0x0], $0xffff  }
0x142: {  	v8 =	vadd.f32 v10, v8;
	v10 =	vld.idx.msk [tilespmem:v9+s23+$0x0], $0xffff;
	v0 =	vadd.f32 v3, v0;
	v3 =	vmul.f32 v13, v18  }
0x143: {  	v12 =	vld.idx.msk [tilespmem:v9+s30+$0x0], $0xffff  }
0x144: {  	v19 =	vld.idx.msk [tilespmem:v9+s22+$0x0], $0xffff;
	v3 =	vadd.f32 v3, v8;
	v8 =	vmul.f32 v6, v6;
	v11 =	vmul.f32 v0, v0  }
0x145: {  	v20 =	vld.idx.msk [tilespmem:v9+s25+$0x0], $0xffff  }
0x146: {  	v23 =	vld.idx.msk [tilespmem:v9+s31+$0x0], $0xffff;
	v8 =	vadd.f32 v11, v8;
	v11 =	vmul.f32 v3, v3  }
0x147: {  	v18 =	vld.idx.msk [tilespmem:v9+s14+$0x0], $0xffff  }
0x148: {  	v8 =	vadd.f32 v11, v8;
	v11 =	vld.idx.msk [tilespmem:v9+s26+$0x0], $0xffff  }
0x149: {  	v27 =	vld.idx.msk [tilespmem:v9+s28+$0x0], $0xffff  }
0x14a: {  	v28 =	vld.idx.msk [tilespmem:v9+s0+$0x0], $0xffff;
	v10 =	vmul.f32 v10, v14  }
0x14b: {  	v29 =	vld.idx.msk [tilespmem:v9+s29+$0x0], $0xffff;
	v19 =	vmul.f32 v19, v17;
	v12 =	vmul.f32 v12, v22  }
0x14c: {  	v16 =	vadd.f32 $-1.000000000e+00, v16;
	v31 =	vld.idx.msk [tilespmem:v9+s5+$0x0], $0xffff;
	v18 =	vmul.f32 v18, v22;
	v9 =	vmul.f32 v20, v22  }
0x14d: {  	v4 =	vld [tilespmem:s16+$0x12210];
	v26 =	vmul.f32 $5.000000000e-01, v8;
	v8 =	vshra.s32 v8, $0x1;
	v20 =	vmul.f32 v11, v17  }
0x14e: {  	[tilespmem:s18+$0xA130] =	vst v13;
	v13 =	vld.idx.msk [tilespmem:v7+s29+$0x0], $0xffff;
	v22 =	vmul.f32 v15, v16;
	v18 =	vadd.f32 v19, v18;
	v8 =	vsub.s32 $0x5F3759DF, v8  }
0x14f: {  	v19 =	vld.idx.msk [tilespmem:v7+s0+$0x0], $0xffff;
	v17 =	vmul.f32 v23, v17;
	v9 =	vadd.f32 v20, v9;
	v20 =	vmul.f32 v27, v14  }
0x150: {  	v10 =	vadd.f32 v10, v18;
	v18 =	vmul.f32 v29, v16;
	v26 =	vmul.f32 v8, v26;
	v11 =	vld.idx.msk [tilespmem:v7+s24+$0x0], $0xffff  }
0x151: {  	v23 =	vld.idx.msk [tilespmem:v7+s23+$0x0], $0xffff;
	v12 =	vadd.f32 v17, v12;
	v14 =	vmul.f32 v28, v14;
	v9 =	vadd.f32 v20, v9  }
0x152: {  	v17 =	vld.idx.msk [tilespmem:v7+s30+$0x0], $0xffff;
	v27 =	vadd.f32 v22, v10;
	v20 =	vmul.f32 v8, v26  }
0x153: {  	v12 =	vadd.f32 v14, v12;
	v14 =	vld.idx.msk [tilespmem:v7+s14+$0x0], $0xffff;
	v28 =	vadd.f32 v18, v9;
	v9 =	vmul.f32 v31, v16  }
0x154: {  	v22 =	vld.idx.msk [tilespmem:v7+s26+$0x0], $0xffff;
	v10 =	vsub.f32 $1.500000000e+00, v20  }
0x155: {  	v26 =	vld.idx.msk [tilespmem:v7+s31+$0x0], $0xffff;
	v18 =	vmul.f32 v27, v27;
	v62 =	vadd.f32 v9, v12;
	v9 =	vmul.f32 v28, v28  }
0x156: {  	v16 =	vld.idx.msk [tilespmem:v7+s22+$0x0], $0xffff;
	v8 =	vmul.f32 v8, v10  }
0x157: {  	v19 =	vmul.f32 v19, v21;
	v20 =	vld.idx.msk [tilespmem:v7+s25+$0x0], $0xffff;
	v10 =	vadd.f32 v9, v18;
	v12 =	vmul.f32 v62, v62  }
0x158: {  	[tilespmem:s18+$0xA030] =	vst v24;
	v14 =	vmul.f32 v14, v2;
	v9 =	vld [tilespmem:s10+$0x120F0];
	v6 =	vmul.f32 v8, v6  }
0x159: {  	[tilespmem:s18+$0xA0B0] =	vst v25;
	v18 =	vadd.f32 $-1.000000000e+00, v4;
	v4 =	vld.idx.msk [tilespmem:v7+s28+$0x0], $0xffff;
	v3 =	vmul.f32 v8, v3;
	v24 =	vadd.f32 v12, v10  }
0x15a: {  	v0 =	vmul.f32 v8, v0;
	v8 =	vmul.f32 v23, v21;
	v10 =	vld [tilespmem:s10+$0x12170];
	[tilespmem:s18+$0x30] =	vst v6  }
0x15b: {  	v12 =	vld.idx.msk [tilespmem:v7+s5+$0x0], $0xffff;
	[tilespmem:s18+$0x130] =	vst v3;
	v3 =	vmul.f32 v16, v30;
	v7 =	vmul.f32 $5.000000000e-01, v24;
	v23 =	vshra.s32 v24, $0x1  }
0x15c: {  	v22 =	vmul.f32 v22, v30;
	[tilespmem:s18+$0xB0] =	vst v0;
	v16 =	vmul.f32 v20, v2;
	v0 =	vld [tilespmem:s18+$0x121D0];
	v20 =	vsub.s32 $0x5F3759DF, v23  }
0x15d: {  	v17 =	vmul.f32 v17, v2;
	v63 =	vld [tilespmem:s19+$0x0];
	v14 =	vadd.f32 v3, v14;
	v7 =	vmul.f32 v20, v7  }
0x15e: {  	v2 =	vld [tilespmem:s18+$0x120D0];
	v16 =	vadd.f32 v22, v16;
	v23 =	vmul.f32 v26, v30;
	v22 =	vmul.f32 v4, v21  }
0x15f: {  	v6 =	vmul.f32 v11, v18;
	v3 =	vld [tilespmem:s18+$0x12250];
	v8 =	vadd.f32 v8, v14;
	v7 =	vmul.f32 v20, v7  }
0x160: {  	v4 =	vld [tilespmem:s18+$0x12150];
	v17 =	vadd.f32 v23, v17;
	v16 =	vadd.f32 v22, v16;
	v22 =	vmul.f32 v13, v18  }
0x161: {  	v14 =	vld [tilespmem:s18+$0x121C0];
	v21 =	vadd.f32 v6, v8;
	v7 =	vsub.f32 $1.500000000e+00, v7  }
0x162: {  	v18 =	vmul.f32 v12, v18;
	v24 =	vadd.f32 v19, v17;
	v19 =	vld [tilespmem:s18+$0x12240];
	v23 =	vadd.f32 v22, v16  }
0x163: {  	[tilespmem:s10+$0xA060] =	vst v15;
	v17 =	vld [tilespmem:s18+$0x120C0];
	v16 =	vmul.f32 v20, v7  }
0x164: {  	[tilespmem:s10+$0xA0E0] =	vst v29;
	v22 =	vadd.f32 v18, v24;
	v18 =	vld [tilespmem:s18+$0x12140];
	v15 =	vmul.f32 v23, v23;
	v7 =	vmul.f32 v21, v21  }
0x165: {  	[tilespmem:s10+$0xA160] =	vst v31;
	v6 =	vld.idx.msk [tilespmem:v63+s5+$0x0], $0xffff;
	v20 =	vmul.f32 v16, v27  }
0x166: {  	v8 =	vld.idx.msk [tilespmem:v63+s24+$0x0], $0xffff;
	v24 =	vmul.f32 v22, v22;
	v25 =	vmul.f32 v16, v28;
	v15 =	vadd.f32 v15, v7  }
0x167: {  	v29 =	vld.idx.msk [tilespmem:v63+s14+$0x0], $0xffff;
	v16 =	vmul.f32 v16, v62;
	[tilespmem:s10+$0x60] =	vst v20  }
0x168: {  	v30 =	vld.idx.msk [tilespmem:v63+s22+$0x0], $0xffff;
	[tilespmem:s10+$0xE0] =	vst v25;
	v25 =	vadd.f32 v24, v15  }
0x169: {  	v7 =	vld.idx.msk [tilespmem:v63+s29+$0x0], $0xffff;
	[tilespmem:s10+$0x160] =	vst v16  }
0x16a: {  	v15 =	vld [tilespmem:s11+$0x30];
	v26 =	vmul.f32 $5.000000000e-01, v25;
	v16 =	vshra.s32 v25, $0x1  }
0x16b: {  	v28 =	vld.idx.msk [tilespmem:v63+s30+$0x0], $0xffff;
	v16 =	vsub.s32 $0x5F3759DF, v16  }
0x16c: {  	v20 =	vld.idx.msk [tilespmem:v63+s0+$0x0], $0xffff;
	v27 =	vmul.f32 v16, v26  }
0x16d: {  	v24 =	vld.idx.msk [tilespmem:v63+s23+$0x0], $0xffff  }
0x16e: {  	v25 =	vld.idx.msk [tilespmem:v63+s28+$0x0], $0xffff;
	v31 =	vmul.f32 v16, v27  }
0x16f: {  	v26 =	vld.idx.msk [tilespmem:v63+s31+$0x0], $0xffff  }
0x170: {  	v27 =	vld.idx.msk [tilespmem:v63+s25+$0x0], $0xffff;
	v32 =	vsub.f32 $1.500000000e+00, v31  }
0x171: {  	s3 =	simm.s32 $0x1800;
	s11 =	simm.s32 $0x8140;
	v31 =	vld.idx.msk [tilespmem:v63+s26+$0x0], $0xffff  }
.LBB2_3:
0x172: {  	p1 =	sne.s32 s3, $0xF800;
	v16 =	vmul.f32 v16, v32;
	v32 =	vld.idx.msk [tilespmem:v15+s24+$0x0], $0xffff  }
0x173: {  	v19 =	vadd.f32 $-1.000000000e+00, v19;
	v33 =	vld.idx.msk [tilespmem:v15+s23+$0x0], $0xffff  }
0x174: {  	[tilespmem:s16+$0xA010] =	vst v11;
	v11 =	vmul.f32 v16, v21;
	v21 =	vmul.f32 v16, v23;
	v23 =	vld.idx.msk [tilespmem:v15+s30+$0x0], $0xffff  }
0x175: {  	[tilespmem:s16+$0xA090] =	vst v13;
	v13 =	vmul.f32 v16, v22;
	v16 =	vmul.f32 v6, v19;
	v22 =	vld.idx.msk [tilespmem:v15+s14+$0x0], $0xffff  }
0x176: {  	v26 =	vmul.f32 v26, v18;
	[tilespmem:s16+$0xA110] =	vst v12;
	v12 =	vmul.f32 v28, v17;
	v28 =	vld.idx.msk [tilespmem:v15+s22+$0x0], $0xffff  }
0x177: {  	[tilespmem:s16+$0x10] =	vst v11;
	v11 =	vmul.f32 v29, v17;
	v29 =	vmul.f32 v30, v18;
	v30 =	vld.idx.msk [tilespmem:v15+s25+$0x0], $0xffff  }
0x178: {  	v17 =	vmul.f32 v27, v17;
	v18 =	vmul.f32 v31, v18;
	v27 =	vadd.f32 $-1.000000000e+00, v5;
	[tilespmem:s16+$0x90] =	vst v21;
	v21 =	vld.idx.msk [tilespmem:v15+s26+$0x0], $0xffff  }
0x179: {  	v20 =	vmul.f32 v20, v14;
	v5 =	vmul.f32 v24, v14;
	v12 =	vadd.f32 v26, v12;
	v24 =	vld.idx.msk [tilespmem:v15+s31+$0x0], $0xffff  }
0x17a: {  	v14 =	vmul.f32 v25, v14;
	v11 =	vadd.f32 v29, v11;
	v17 =	vadd.f32 v18, v17;
	v18 =	vld.idx.msk [tilespmem:v15+s28+$0x0], $0xffff  }
0x17b: {  	v25 =	vmul.f32 v8, v19;
	v19 =	vmul.f32 v7, v19;
	v12 =	vadd.f32 v20, v12;
	v20 =	vld.idx.msk [tilespmem:v15+s0+$0x0], $0xffff  }
0x17c: {  	s1 =	sadd.s32 $0x80, s1;
	v26 =	vmul.f32 v33, v1;
	v11 =	vadd.f32 v5, v11;
	v14 =	vadd.f32 v14, v17;
	v17 =	vld.idx.msk [tilespmem:v15+s29+$0x0], $0xffff  }
0x17d: {  	v5 =	vld [tilespmem:s1+$0xFFFFFFC0];
	[tilespmem:s16+$0x110] =	vst v13;
	v13 =	vadd.f32 v16, v12;
	v12 =	vmul.f32 v22, v9;
	v16 =	vmul.f32 v28, v10  }
0x17e: {  	v22 =	vadd.f32 v25, v11;
	v21 =	vmul.f32 v21, v10;
	v11 =	vld.idx.msk [tilespmem:v15+s5+$0x0], $0xffff;
	v15 =	vmul.f32 v30, v9  }
0x17f: {  	v14 =	vadd.f32 v19, v14;
	v9 =	vmul.f32 v23, v9;
	v10 =	vmul.f32 v24, v10;
	v25 =	vld [tilespmem:s11+$0xFFFFFFE0];
	[tilespmem:s10+$0xA070] =	vst v32  }
0x180: {  	v12 =	vadd.f32 v16, v12;
	v16 =	vmul.f32 v18, v1;
	v19 =	vld [tilespmem:s16+$0x121A0];
	v15 =	vadd.f32 v21, v15  }
0x181: {  	v21 =	vmul.f32 v32, v27;
	v9 =	vadd.f32 v10, v9;
	v1 =	vmul.f32 v20, v1;
	v18 =	vld [tilespmem:s16+$0x12220]  }
0x182: {  	v10 =	vadd.f32 v26, v12;
	v20 =	vld [tilespmem:s16+$0x120A0];
	v12 =	vadd.f32 v16, v15;
	v15 =	vmul.f32 v17, v27;
	[tilespmem:s10+$0xA0F0] =	vst v17  }
0x183: {  	s2 =	sshra.s32 s3, $0x2;
	v23 =	vmul.f32 v14, v14;
	v17 =	vmul.f32 v22, v22;
	v24 =	vadd.f32 v1, v9;
	v16 =	vld [tilespmem:s16+$0x12120]  }
0x184: {  	v21 =	vadd.f32 v21, v10;
	v10 =	vmul.f32 v11, v27;
	v1 =	vld [tilespmem:s2+$0x12180];
	v15 =	vadd.f32 v15, v12;
	[tilespmem:s10+$0xA170] =	vst v11  }
0x185: {  	v11 =	vadd.f32 v23, v17;
	v12 =	vmul.f32 v13, v13;
	v26 =	vld [tilespmem:s2+$0x12200]  }
0x186: {  	v17 =	vadd.f32 v10, v24;
	v10 =	vmul.f32 v21, v21;
	v9 =	vld.idx.msk [tilespmem:v5+s24+$0x0], $0xffff;
	v23 =	vmul.f32 v15, v15  }
0x187: {  	v11 =	vadd.f32 v12, v11;
	v24 =	vld.idx.msk [tilespmem:v25+s23+$0x0], $0xffff  }
0x188: {  	v12 =	vld.idx.msk [tilespmem:v25+s28+$0x0], $0xffff;
	v10 =	vadd.f32 v23, v10;
	v23 =	vmul.f32 v17, v17  }
0x189: {  	v28 =	vmul.f32 $5.000000000e-01, v11;
	v11 =	vshra.s32 v11, $0x1;
	v27 =	vld.idx.msk [tilespmem:v25+s30+$0x0], $0xffff  }
0x18a: {  	v30 =	vsub.s32 $0x5F3759DF, v11;
	v29 =	vld.idx.msk [tilespmem:v25+s14+$0x0], $0xffff;
	v10 =	vadd.f32 v23, v10  }
0x18b: {  	v11 =	vmul.f32 v30, v28;
	v23 =	vld.idx.msk [tilespmem:v25+s22+$0x0], $0xffff  }
0x18c: {  	v28 =	vld.idx.msk [tilespmem:v25+s25+$0x0], $0xffff;
	v31 =	vmul.f32 $5.000000000e-01, v10;
	v10 =	vshra.s32 v10, $0x1  }
0x18d: {  	v11 =	vmul.f32 v30, v11;
	v32 =	vld.idx.msk [tilespmem:v25+s26+$0x0], $0xffff;
	v33 =	vsub.s32 $0x5F3759DF, v10  }
0x18e: {  	v10 =	vld.idx.msk [tilespmem:v5+s29+$0x0], $0xffff;
	v31 =	vmul.f32 v33, v31  }
0x18f: {  	v24 =	vmul.f32 v24, v19;
	v35 =	vmul.f32 v12, v19;
	v12 =	vsub.f32 $1.500000000e+00, v11;
	v34 =	vld.idx.msk [tilespmem:v25+s31+$0x0], $0xffff  }
0x190: {  	v27 =	vmul.f32 v27, v20;
	v11 =	vld.idx.msk [tilespmem:v25+s24+$0x0], $0xffff;
	v31 =	vmul.f32 v33, v31  }
0x191: {  	v29 =	vmul.f32 v29, v20;
	v30 =	vmul.f32 v30, v12;
	v36 =	vld.idx.msk [tilespmem:v25+s0+$0x0], $0xffff  }
0x192: {  	v23 =	vmul.f32 v23, v16;
	v20 =	vmul.f32 v28, v20;
	v12 =	vld.idx.msk [tilespmem:v25+s29+$0x0], $0xffff;
	[tilespmem:s18+$0xA040] =	vst v8;
	v8 =	vsub.f32 $1.500000000e+00, v31  }
0x193: {  	v31 =	vmul.f32 v32, v16;
	v22 =	vmul.f32 v30, v22;
	v28 =	vld.idx.msk [tilespmem:v5+s0+$0x0], $0xffff;
	[tilespmem:s18+$0xA0C0] =	vst v7  }
0x194: {  	v7 =	vld.idx.msk [tilespmem:v25+s5+$0x0], $0xffff;
	[tilespmem:s18+$0xA140] =	vst v6;
	v6 =	vmul.f32 v30, v14;
	v8 =	vmul.f32 v33, v8  }
0x195: {  	v18 =	vadd.f32 $-1.000000000e+00, v18;
	v13 =	vmul.f32 v30, v13;
	v16 =	vmul.f32 v34, v16;
	v14 =	vld.idx.msk [tilespmem:v5+s23+$0x0], $0xffff;
	[tilespmem:s18+$0x40] =	vst v22  }
0x196: {  	v23 =	vadd.f32 v23, v29;
	v20 =	vadd.f32 v31, v20;
	v22 =	vld [tilespmem:s2+$0x12080];
	[tilespmem:s18+$0xC0] =	vst v6;
	v6 =	vmul.f32 v8, v17  }
0x197: {  	v25 =	vmul.f32 v11, v18;
	v16 =	vadd.f32 v16, v27;
	v19 =	vmul.f32 v36, v19;
	v17 =	vld [tilespmem:s2+$0x12100];
	[tilespmem:s18+$0x140] =	vst v13  }
0x198: {  	v20 =	vadd.f32 v35, v20;
	v13 =	vadd.f32 v24, v23;
	v23 =	vmul.f32 v12, v18;
	v24 =	vld [tilespmem:s19+$0x10];
	[tilespmem:s10+$0x170] =	vst v6  }
0x199: {  	v6 =	vadd.f32 v19, v16;
	v16 =	vmul.f32 v8, v21;
	v8 =	vmul.f32 v8, v15;
	v27 =	vld.idx.msk [tilespmem:v5+s28+$0x0], $0xffff  }
0x19a: {  	v13 =	vadd.f32 v25, v13;
	v19 =	vadd.f32 v23, v20;
	v18 =	vmul.f32 v7, v18;
	v15 =	vld.idx.msk [tilespmem:v5+s30+$0x0], $0xffff  }
0x19b: {  	v20 =	vld.idx.msk [tilespmem:v5+s31+$0x0], $0xffff;
	[tilespmem:s10+$0x70] =	vst v16  }
0x19c: {  	v18 =	vadd.f32 v18, v6;
	v6 =	vmul.f32 v13, v13;
	v21 =	vmul.f32 v19, v19;
	v16 =	vld.idx.msk [tilespmem:v5+s14+$0x0], $0xffff  }
0x19d: {  	v23 =	vld.idx.msk [tilespmem:v5+s22+$0x0], $0xffff;
	[tilespmem:s10+$0xF0] =	vst v8;
	s10 =	smov.u32 s18;
	s18 =	smov.u32 s16;
	s16 =	smov.u32 s2  }
0x19e: {  	v6 =	vadd.f32 v21, v6;
	v21 =	vmul.f32 v18, v18;
	v8 =	vld.idx.msk [tilespmem:v5+s25+$0x0], $0xffff  }
0x19f: {  	v25 =	vld.idx.msk [tilespmem:v5+s26+$0x0], $0xffff  }
0x1a0: {  	v21 =	vadd.f32 v21, v6;
	v6 =	vld.idx.msk [tilespmem:v24+s24+$0x0], $0xffff  }
0x1a1: {  	v26 =	vadd.f32 $-1.000000000e+00, v26;
	v29 =	vld.idx.msk [tilespmem:v24+s23+$0x0], $0xffff  }
0x1a2: {  	v30 =	vmul.f32 $5.000000000e-01, v21;
	v21 =	vshra.s32 v21, $0x1;
	v31 =	vld.idx.msk [tilespmem:v24+s30+$0x0], $0xffff  }
0x1a3: {  	v32 =	vmul.f32 v9, v26;
	v21 =	vsub.s32 $0x5F3759DF, v21;
	v33 =	vld.idx.msk [tilespmem:v24+s14+$0x0], $0xffff  }
0x1a4: {  	v34 =	vmul.f32 v10, v26;
	v30 =	vmul.f32 v21, v30;
	v35 =	vld.idx.msk [tilespmem:v24+s22+$0x0], $0xffff  }
0x1a5: {  	v28 =	vmul.f32 v28, v1;
	v14 =	vmul.f32 v14, v1;
	v36 =	vld.idx.msk [tilespmem:v24+s25+$0x0], $0xffff  }
0x1a6: {  	v1 =	vmul.f32 v27, v1;
	v27 =	vmul.f32 v21, v30;
	v30 =	vld.idx.msk [tilespmem:v24+s26+$0x0], $0xffff  }
0x1a7: {  	v15 =	vmul.f32 v15, v22;
	v20 =	vmul.f32 v20, v17;
	v37 =	vld.idx.msk [tilespmem:v24+s31+$0x0], $0xffff  }
0x1a8: {  	v16 =	vmul.f32 v16, v22;
	v23 =	vmul.f32 v23, v17;
	v27 =	vsub.f32 $1.500000000e+00, v27;
	v38 =	vld.idx.msk [tilespmem:v24+s28+$0x0], $0xffff  }
0x1a9: {  	v8 =	vmul.f32 v8, v22;
	v17 =	vmul.f32 v25, v17;
	v22 =	vld.idx.msk [tilespmem:v24+s0+$0x0], $0xffff  }
0x1aa: {  	v3 =	vadd.f32 $-1.000000000e+00, v3;
	v21 =	vmul.f32 v21, v27;
	v27 =	vmul.f32 v29, v0;
	v25 =	vld.idx.msk [tilespmem:v24+s29+$0x0], $0xffff  }
0x1ab: {  	v15 =	vadd.f32 v20, v15;
	v20 =	vmul.f32 v33, v2;
	v29 =	vmul.f32 v35, v4  }
0x1ac: {  	v16 =	vadd.f32 v23, v16;
	v30 =	vmul.f32 v30, v4;
	v23 =	vld.idx.msk [tilespmem:v24+s5+$0x0], $0xffff;
	v24 =	vmul.f32 v36, v2  }
0x1ad: {  	v8 =	vadd.f32 v17, v8;
	v2 =	vmul.f32 v31, v2;
	v4 =	vmul.f32 v37, v4  }
0x1ae: {  	v17 =	vadd.f32 v29, v20;
	v20 =	vadd.f32 v30, v24;
	v24 =	vmul.f32 v38, v0  }
0x1af: {  	v2 =	vadd.f32 v4, v2;
	v0 =	vmul.f32 v22, v0;
	v29 =	vld.idx.msk [tilespmem:v5+s5+$0x0], $0xffff;
	v5 =	vmul.f32 v6, v3  }
0x1b0: {  	v4 =	vadd.f32 v27, v17;
	v17 =	vmul.f32 v25, v3;
	[tilespmem:s18+$0xA020] =	vst v11;
	v11 =	vadd.f32 v24, v20  }
0x1b1: {  	v0 =	vadd.f32 v0, v2;
	[tilespmem:s18+$0xA0A0] =	vst v12;
	v12 =	vmul.f32 v21, v13;
	v13 =	vmul.f32 v21, v19  }
0x1b2: {  	v4 =	vadd.f32 v5, v4;
	v2 =	vmul.f32 v23, v3;
	[tilespmem:s18+$0xA120] =	vst v7;
	v11 =	vadd.f32 v17, v11  }
0x1b3: {  	v3 =	vadd.f32 v14, v16;
	v5 =	vadd.f32 v1, v8;
	v1 =	vmul.f32 v21, v18;
	[tilespmem:s18+$0x20] =	vst v12  }
0x1b4: {  	v8 =	vadd.f32 v2, v0;
	v0 =	vmul.f32 v4, v4;
	[tilespmem:s18+$0xA0] =	vst v13;
	v2 =	vmul.f32 v11, v11  }
0x1b5: {  	v12 =	vadd.f32 v32, v3;
	v3 =	vadd.f32 v28, v15;
	v7 =	vmul.f32 v29, v26;
	[tilespmem:s18+$0x120] =	vst v1;
	v1 =	vld [tilespmem:s10+$0x121F0]  }
0x1b6: {  	v13 =	vadd.f32 v34, v5;
	v14 =	vld [tilespmem:s11+$0xFFFFFFF0];
	v0 =	vadd.f32 v2, v0;
	v2 =	vmul.f32 v8, v8  }
0x1b7: {  	v15 =	vadd.f32 v7, v3;
	v5 =	vld [tilespmem:s10+$0x12270]  }
0x1b8: {  	v16 =	vmul.f32 v12, v12;
	v17 =	vmul.f32 v13, v13;
	v0 =	vadd.f32 v2, v0;
	v3 =	vld [tilespmem:s10+$0x121E0]  }
0x1b9: {  	v2 =	vmul.f32 v15, v15;
	v7 =	vld [tilespmem:s10+$0x12260]  }
0x1ba: {  	v16 =	vadd.f32 v17, v16;
	v17 =	vld [tilespmem:s18+$0x121B0];
	v18 =	vmul.f32 $5.000000000e-01, v0;
	v0 =	vshra.s32 v0, $0x1  }
0x1bb: {  	v19 =	vld [tilespmem:s18+$0x12230];
	v20 =	vsub.s32 $0x5F3759DF, v0  }
0x1bc: {  	v0 =	vadd.f32 v2, v16;
	v16 =	vld [tilespmem:s18+$0x120B0];
	v18 =	vmul.f32 v20, v18  }
0x1bd: {  	v21 =	vld [tilespmem:s18+$0x12130]  }
0x1be: {  	v22 =	vmul.f32 $5.000000000e-01, v0;
	v0 =	vshra.s32 v0, $0x1;
	v2 =	vld.idx.msk [tilespmem:v14+s24+$0x0], $0xffff;
	v18 =	vmul.f32 v20, v18  }
0x1bf: {  	v24 =	vsub.s32 $0x5F3759DF, v0;
	v0 =	vld.idx.msk [tilespmem:v14+s29+$0x0], $0xffff  }
0x1c0: {  	v22 =	vmul.f32 v24, v22;
	v26 =	vld.idx.msk [tilespmem:v14+s23+$0x0], $0xffff;
	v18 =	vsub.f32 $1.500000000e+00, v18  }
0x1c1: {  	v27 =	vld.idx.msk [tilespmem:v14+s30+$0x0], $0xffff  }
0x1c2: {  	v22 =	vmul.f32 v24, v22;
	v28 =	vld.idx.msk [tilespmem:v14+s14+$0x0], $0xffff;
	v18 =	vmul.f32 v20, v18  }
0x1c3: {  	v20 =	vld.idx.msk [tilespmem:v14+s22+$0x0], $0xffff;
	[tilespmem:s10+$0xA050] =	vst v6  }
0x1c4: {  	v6 =	vsub.f32 $1.500000000e+00, v22;
	v22 =	vld.idx.msk [tilespmem:v14+s25+$0x0], $0xffff;
	[tilespmem:s10+$0xA0D0] =	vst v25;
	v4 =	vmul.f32 v18, v4  }
0x1c5: {  	v11 =	vmul.f32 v18, v11;
	v25 =	vld.idx.msk [tilespmem:v14+s26+$0x0], $0xffff;
	[tilespmem:s10+$0xA150] =	vst v23  }
0x1c6: {  	v6 =	vmul.f32 v24, v6;
	v23 =	vld.idx.msk [tilespmem:v14+s31+$0x0], $0xffff;
	[tilespmem:s10+$0x50] =	vst v4;
	v4 =	vmul.f32 v18, v8  }
0x1c7: {  	v8 =	vld.idx.msk [tilespmem:v14+s28+$0x0], $0xffff;
	[tilespmem:s10+$0xD0] =	vst v11  }
0x1c8: {  	v11 =	vmul.f32 v6, v12;
	v12 =	vmul.f32 v6, v13;
	v13 =	vld.idx.msk [tilespmem:v14+s0+$0x0], $0xffff;
	[tilespmem:s10+$0x150] =	vst v4  }
0x1c9: {  	v6 =	vmul.f32 v6, v15;
	v15 =	vmul.f32 v26, v17;
	v18 =	vld [tilespmem:s19+$0x20]  }
0x1ca: {  	v20 =	vmul.f32 v20, v21;
	[tilespmem:s16+$0xA000] =	vst v9;
	v9 =	vmul.f32 v28, v16;
	v24 =	vld [tilespmem:s10+$0x120E0]  }
0x1cb: {  	[tilespmem:s16+$0xA080] =	vst v10;
	v10 =	vld.idx.msk [tilespmem:v14+s5+$0x0], $0xffff;
	v14 =	vmul.f32 v22, v16;
	v22 =	vmul.f32 v25, v21  }
0x1cc: {  	v19 =	vadd.f32 $-1.000000000e+00, v19;
	v16 =	vmul.f32 v27, v16;
	v21 =	vmul.f32 v23, v21;
	[tilespmem:s16+$0xA100] =	vst v29;
	v23 =	vld [tilespmem:s10+$0x12160]  }
0x1cd: {  	v9 =	vadd.f32 v20, v9;
	v8 =	vmul.f32 v8, v17;
	[tilespmem:s16+$0x0] =	vst v11;
	v4 =	vld [tilespmem:s16+$0x12190];
	v11 =	vadd.f32 v22, v14  }
0x1ce: {  	v14 =	vmul.f32 v2, v19;
	v16 =	vadd.f32 v21, v16;
	v13 =	vmul.f32 v13, v17;
	[tilespmem:s16+$0x80] =	vst v12;
	v12 =	vld [tilespmem:s16+$0x12210]  }
0x1cf: {  	[tilespmem:s16+$0x100] =	vst v6;
	v17 =	vld [tilespmem:s16+$0x12090];
	v6 =	vadd.f32 v15, v9;
	v8 =	vadd.f32 v8, v11;
	v9 =	vmul.f32 v0, v19  }
0x1d0: {  	v11 =	vadd.f32 v13, v16;
	v15 =	vld [tilespmem:s1+$0xFFFFFFD0]  }
0x1d1: {  	v13 =	vadd.f32 v14, v6;
	v8 =	vadd.f32 v9, v8;
	v9 =	vmul.f32 v10, v19;
	v6 =	vld.idx.msk [tilespmem:v18+s24+$0x0], $0xffff  }
0x1d2: {  	v14 =	vld.idx.msk [tilespmem:v18+s23+$0x0], $0xffff  }
0x1d3: {  	v16 =	vadd.f32 v9, v11;
	v9 =	vmul.f32 v13, v13;
	v11 =	vmul.f32 v8, v8;
	v19 =	vld.idx.msk [tilespmem:v18+s30+$0x0], $0xffff  }
0x1d4: {  	v20 =	vld.idx.msk [tilespmem:v18+s14+$0x0], $0xffff  }
0x1d5: {  	v9 =	vadd.f32 v11, v9;
	v11 =	vmul.f32 v16, v16;
	v21 =	vld.idx.msk [tilespmem:v18+s22+$0x0], $0xffff  }
0x1d6: {  	v22 =	vld.idx.msk [tilespmem:v18+s25+$0x0], $0xffff  }
0x1d7: {  	v9 =	vadd.f32 v11, v9;
	v11 =	vld.idx.msk [tilespmem:v18+s26+$0x0], $0xffff  }
0x1d8: {  	v25 =	vld.idx.msk [tilespmem:v18+s31+$0x0], $0xffff  }
0x1d9: {  	v26 =	vmul.f32 $5.000000000e-01, v9;
	v9 =	vshra.s32 v9, $0x1;
	v27 =	vld.idx.msk [tilespmem:v18+s28+$0x0], $0xffff  }
0x1da: {  	v9 =	vsub.s32 $0x5F3759DF, v9;
	v28 =	vld.idx.msk [tilespmem:v18+s0+$0x0], $0xffff  }
0x1db: {  	v14 =	vmul.f32 v14, v3;
	v26 =	vmul.f32 v9, v26;
	v29 =	vld.idx.msk [tilespmem:v18+s29+$0x0], $0xffff  }
0x1dc: {  	v20 =	vmul.f32 v20, v24;
	v21 =	vmul.f32 v21, v23;
	v30 =	vld [tilespmem:s16+$0x12110]  }
0x1dd: {  	v31 =	vld.idx.msk [tilespmem:v18+s5+$0x0], $0xffff;
	v18 =	vmul.f32 v22, v24;
	v22 =	vmul.f32 v11, v23  }
0x1de: {  	v7 =	vadd.f32 $-1.000000000e+00, v7;
	v19 =	vmul.f32 v19, v24;
	v23 =	vmul.f32 v25, v23;
	v11 =	vld.idx.msk [tilespmem:v15+s24+$0x0], $0xffff  }
0x1df: {  	v20 =	vadd.f32 v21, v20;
	v21 =	vmul.f32 v27, v3;
	v24 =	vld.idx.msk [tilespmem:v15+s0+$0x0], $0xffff;
	v18 =	vadd.f32 v22, v18  }
0x1e0: {  	v25 =	vmul.f32 v6, v7;
	v19 =	vadd.f32 v23, v19;
	v3 =	vmul.f32 v28, v3;
	v22 =	vld.idx.msk [tilespmem:v15+s23+$0x0], $0xffff  }
0x1e1: {  	v14 =	vadd.f32 v14, v20;
	v20 =	vmul.f32 v29, v7;
	v23 =	vld.idx.msk [tilespmem:v15+s30+$0x0], $0xffff;
	v18 =	vadd.f32 v21, v18  }
0x1e2: {  	v26 =	vmul.f32 v9, v26;
	v3 =	vadd.f32 v3, v19;
	v21 =	vld.idx.msk [tilespmem:v15+s31+$0x0], $0xffff  }
0x1e3: {  	v25 =	vadd.f32 v25, v14;
	v7 =	vmul.f32 v31, v7;
	v19 =	vld.idx.msk [tilespmem:v15+s14+$0x0], $0xffff;
	v20 =	vadd.f32 v20, v18  }
0x1e4: {  	v18 =	vadd.f32 $-1.000000000e+00, v12;
	v12 =	vsub.f32 $1.500000000e+00, v26;
	v14 =	vld.idx.msk [tilespmem:v15+s22+$0x0], $0xffff  }
0x1e5: {  	v27 =	vadd.f32 v7, v3;
	v3 =	vmul.f32 v25, v25;
	v26 =	vld.idx.msk [tilespmem:v15+s25+$0x0], $0xffff;
	v7 =	vmul.f32 v20, v20  }
0x1e6: {  	v12 =	vmul.f32 v9, v12;
	v28 =	vld.idx.msk [tilespmem:v15+s26+$0x0], $0xffff  }
0x1e7: {  	v32 =	vmul.f32 v11, v18;
	[tilespmem:s18+$0xA030] =	vst v2;
	v2 =	vadd.f32 v7, v3;
	v3 =	vmul.f32 v27, v27;
	v9 =	vld [tilespmem:s10+$0x120F0]  }
0x1e8: {  	v22 =	vmul.f32 v22, v4;
	v7 =	vld.idx.msk [tilespmem:v15+s28+$0x0], $0xffff;
	[tilespmem:s18+$0xA0B0] =	vst v0;
	v0 =	vmul.f32 v12, v13  }
0x1e9: {  	v23 =	vmul.f32 v23, v17;
	v8 =	vmul.f32 v12, v8;
	[tilespmem:s18+$0xA130] =	vst v10;
	v2 =	vadd.f32 v3, v2;
	v10 =	vld [tilespmem:s10+$0x12170]  }
0x1ea: {  	v3 =	vmul.f32 v19, v17;
	v13 =	vld.idx.msk [tilespmem:v15+s29+$0x0], $0xffff;
	[tilespmem:s18+$0x30] =	vst v0;
	v0 =	vmul.f32 v12, v16  }
0x1eb: {  	v14 =	vmul.f32 v14, v30;
	v12 =	vld.idx.msk [tilespmem:v15+s5+$0x0], $0xffff;
	[tilespmem:s18+$0xB0] =	vst v8;
	v8 =	vmul.f32 $5.000000000e-01, v2;
	v2 =	vshra.s32 v2, $0x1  }
0x1ec: {  	v15 =	vmul.f32 v26, v17;
	v16 =	vmul.f32 v28, v30;
	[tilespmem:s18+$0x130] =	vst v0;
	v0 =	vld [tilespmem:s18+$0x121D0];
	v26 =	vsub.s32 $0x5F3759DF, v2  }
0x1ed: {  	v2 =	vmul.f32 v21, v30;
	v33 =	vld [tilespmem:s11+$0x0];
	v8 =	vmul.f32 v26, v8  }
0x1ee: {  	v14 =	vadd.f32 v14, v3;
	v15 =	vadd.f32 v16, v15;
	v7 =	vmul.f32 v7, v4;
	v3 =	vld [tilespmem:s18+$0x12250]  }
0x1ef: {  	v17 =	vmul.f32 v24, v4;
	v16 =	vadd.f32 v2, v23;
	v2 =	vld [tilespmem:s18+$0x120D0];
	v8 =	vmul.f32 v26, v8  }
0x1f0: {  	v19 =	vadd.f32 v22, v14;
	v7 =	vadd.f32 v7, v15;
	v15 =	vmul.f32 v13, v18;
	v4 =	vld [tilespmem:s18+$0x12150]  }
0x1f1: {  	v16 =	vadd.f32 v17, v16;
	v17 =	vmul.f32 v12, v18;
	v14 =	vld [tilespmem:s18+$0x121C0];
	v8 =	vsub.f32 $1.500000000e+00, v8  }
0x1f2: {  	v21 =	vadd.f32 v32, v19;
	v23 =	vadd.f32 v15, v7;
	v19 =	vld [tilespmem:s18+$0x12240]  }
0x1f3: {  	v22 =	vadd.f32 v17, v16;
	v17 =	vld [tilespmem:s18+$0x120C0];
	v15 =	vmul.f32 v26, v8  }
0x1f4: {  	v7 =	vmul.f32 v21, v21;
	v8 =	vmul.f32 v23, v23;
	v18 =	vld [tilespmem:s18+$0x12140];
	[tilespmem:s10+$0xA060] =	vst v6  }
0x1f5: {  	v16 =	vmul.f32 v22, v22;
	v6 =	vld.idx.msk [tilespmem:v33+s5+$0x0], $0xffff;
	[tilespmem:s10+$0xA0E0] =	vst v29;
	v24 =	vmul.f32 v15, v25  }
0x1f6: {  	v25 =	vadd.f32 v8, v7;
	v26 =	vmul.f32 v15, v20;
	v8 =	vld.idx.msk [tilespmem:v33+s24+$0x0], $0xffff;
	[tilespmem:s10+$0xA160] =	vst v31  }
0x1f7: {  	v15 =	vmul.f32 v15, v27;
	v7 =	vld.idx.msk [tilespmem:v33+s29+$0x0], $0xffff;
	[tilespmem:s10+$0x60] =	vst v24  }
0x1f8: {  	v16 =	vadd.f32 v16, v25;
	v20 =	vld.idx.msk [tilespmem:v33+s0+$0x0], $0xffff;
	[tilespmem:s10+$0xE0] =	vst v26  }
0x1f9: {  	v24 =	vld.idx.msk [tilespmem:v33+s23+$0x0], $0xffff;
	[tilespmem:s10+$0x160] =	vst v15  }
0x1fa: {  	v26 =	vmul.f32 $5.000000000e-01, v16;
	v16 =	vshra.s32 v16, $0x1;
	v15 =	vld [tilespmem:s19+$0x30];
	s19 =	smov.u32 s11;
	s11 =	smov.u32 s1  }
0x1fb: {  	v16 =	vsub.s32 $0x5F3759DF, v16;
	v25 =	vld.idx.msk [tilespmem:v33+s28+$0x0], $0xffff  }
0x1fc: {  	v27 =	vmul.f32 v16, v26;
	v28 =	vld.idx.msk [tilespmem:v33+s30+$0x0], $0xffff  }
.Ltmp0:
0x1fd: {  	v26 =	vld.idx.msk [tilespmem:v33+s31+$0x0], $0xffff;
	(pc) =	sbr.rel @p1 .LBB2_3-.Ltmp0, $4  }
0x1fe: {  	v27 =	vmul.f32 v16, v27;
	v29 =	vld.idx.msk [tilespmem:v33+s14+$0x0], $0xffff  }
0x1ff: {  	v30 =	vld.idx.msk [tilespmem:v33+s22+$0x0], $0xffff  }
0x200: {  	v32 =	vsub.f32 $1.500000000e+00, v27;
	v27 =	vld.idx.msk [tilespmem:v33+s25+$0x0], $0xffff  }
0x201: {  	s3 =	sadd.s32 $0x800, s3;
	v31 =	vld.idx.msk [tilespmem:v33+s26+$0x0], $0xffff  }
0x202: {  	_ =	sdelay $0x2  }
0x203: {  	v32 =	vmul.f32 v16, v32  }
0x204: {  	v16 =	vld.idx.msk [tilespmem:v15+s24+$0x0], $0xffff;
	v28 =	vmul.f32 v28, v17;
	v24 =	vmul.f32 v24, v14  }
0x205: {  	v33 =	vld.idx.msk [tilespmem:v15+s23+$0x0], $0xffff;
	[tilespmem:s16+$0xA010] =	vst v11;
	v25 =	vmul.f32 v25, v14;
	v14 =	vmul.f32 v20, v14  }
0x206: {  	[tilespmem:s16+$0xA110] =	vst v12;
	v12 =	vld.idx.msk [tilespmem:v15+s22+$0x0], $0xffff;
	v29 =	vmul.f32 v29, v17;
	v11 =	vmul.f32 v32, v21  }
0x207: {  	[tilespmem:s16+$0xA090] =	vst v13;
	v20 =	vld.idx.msk [tilespmem:v15+s28+$0x0], $0xffff;
	v21 =	vmul.f32 v32, v23;
	v13 =	vmul.f32 v32, v22  }
0x208: {  	v23 =	vld.idx.msk [tilespmem:v15+s30+$0x0], $0xffff;
	v30 =	vmul.f32 v30, v18;
	v17 =	vmul.f32 v27, v17  }
0x209: {  	v22 =	vld.idx.msk [tilespmem:v15+s14+$0x0], $0xffff;
	v27 =	vmul.f32 v31, v18;
	v18 =	vmul.f32 v26, v18  }
0x20a: {  	v19 =	vadd.f32 $-1.000000000e+00, v19;
	[tilespmem:s16+$0x10] =	vst v11;
	v11 =	vld.idx.msk [tilespmem:v15+s25+$0x0], $0xffff;
	v29 =	vadd.f32 v30, v29  }
0x20b: {  	[tilespmem:s16+$0x90] =	vst v21;
	v21 =	vld.idx.msk [tilespmem:v15+s26+$0x0], $0xffff;
	v17 =	vadd.f32 v27, v17;
	v18 =	vadd.f32 v18, v28  }
0x20c: {  	v26 =	vld.idx.msk [tilespmem:v15+s31+$0x0], $0xffff;
	[tilespmem:s16+$0x110] =	vst v13;
	v27 =	vmul.f32 v8, v19;
	v24 =	vadd.f32 v24, v29  }
0x20d: {  	v28 =	vmul.f32 v7, v19;
	v17 =	vadd.f32 v25, v17;
	v13 =	vadd.f32 v14, v18;
	v14 =	vld [tilespmem:s11+$0xFFFFFFE0]  }
0x20e: {  	v30 =	vld [tilespmem:s16+$0x12220];
	v12 =	vmul.f32 v12, v10;
	v22 =	vmul.f32 v22, v9  }
0x20f: {  	v29 =	vld [tilespmem:s16+$0x121A0];
	v18 =	vmul.f32 v6, v19;
	v24 =	vadd.f32 v27, v24;
	v17 =	vadd.f32 v28, v17  }
0x210: {  	v19 =	vld.idx.msk [tilespmem:v15+s0+$0x0], $0xffff;
	v11 =	vmul.f32 v11, v9;
	v21 =	vmul.f32 v21, v10  }
0x211: {  	v25 =	vld.idx.msk [tilespmem:v15+s29+$0x0], $0xffff;
	v13 =	vadd.f32 v18, v13;
	v18 =	vmul.f32 v24, v24;
	v28 =	vmul.f32 v17, v17  }
0x212: {  	v5 =	vadd.f32 $-1.000000000e+00, v5;
	v15 =	vld.idx.msk [tilespmem:v15+s5+$0x0], $0xffff;
	v9 =	vmul.f32 v23, v9;
	v10 =	vmul.f32 v26, v10  }
0x213: {  	v12 =	vadd.f32 v12, v22;
	v22 =	vld [tilespmem:s16+$0x120A0];
	v18 =	vadd.f32 v28, v18;
	v28 =	vmul.f32 v13, v13  }
0x214: {  	v20 =	vmul.f32 v20, v1;
	v27 =	vmul.f32 v33, v1;
	v11 =	vadd.f32 v21, v11;
	v21 =	vld [tilespmem:s16+$0x12120]  }
0x215: {  	v9 =	vadd.f32 v10, v9;
	v18 =	vadd.f32 v28, v18;
	v10 =	vld.idx.msk [tilespmem:v14+s23+$0x0], $0xffff  }
0x216: {  	v12 =	vadd.f32 v27, v12;
	v1 =	vmul.f32 v19, v1;
	v11 =	vadd.f32 v20, v11;
	v19 =	vld.idx.msk [tilespmem:v14+s28+$0x0], $0xffff  }
0x217: {  	v20 =	vmul.f32 v25, v5;
	v27 =	vld.idx.msk [tilespmem:v14+s30+$0x0], $0xffff;
	v26 =	vmul.f32 $5.000000000e-01, v18;
	v18 =	vshra.s32 v18, $0x1  }
0x218: {  	v23 =	vmul.f32 v16, v5;
	v1 =	vadd.f32 v1, v9;
	v9 =	vld.idx.msk [tilespmem:v14+s14+$0x0], $0xffff;
	v18 =	vsub.s32 $0x5F3759DF, v18  }
0x219: {  	v5 =	vmul.f32 v15, v5;
	v20 =	vadd.f32 v20, v11;
	v11 =	vld.idx.msk [tilespmem:v14+s22+$0x0], $0xffff;
	v26 =	vmul.f32 v18, v26  }
0x21a: {  	v31 =	vld.idx.msk [tilespmem:v14+s26+$0x0], $0xffff  }
0x21b: {  	v12 =	vadd.f32 v23, v12;
	v23 =	vadd.f32 v5, v1;
	v1 =	vld.idx.msk [tilespmem:v14+s25+$0x0], $0xffff;
	v5 =	vmul.f32 v18, v26  }
0x21c: {  	v54 =	vld.idx.msk [tilespmem:v14+s31+$0x0], $0xffff;
	v28 =	vmul.f32 v20, v20  }
0x21d: {  	v34 =	vld.idx.msk [tilespmem:v14+s24+$0x0], $0xffff;
	v10 =	vmul.f32 v10, v29;
	v27 =	vmul.f32 v27, v22;
	v5 =	vsub.f32 $1.500000000e+00, v5  }
0x21e: {  	v35 =	vld.idx.msk [tilespmem:v14+s0+$0x0], $0xffff;
	v9 =	vmul.f32 v9, v22;
	v26 =	vmul.f32 v12, v12  }
0x21f: {  	v11 =	vmul.f32 v11, v21;
	v5 =	vmul.f32 v18, v5;
	v18 =	vld.idx.msk [tilespmem:v14+s29+$0x0], $0xffff  }
0x220: {  	v1 =	vmul.f32 v1, v22;
	v22 =	vadd.f32 v28, v26;
	v26 =	vmul.f32 v31, v21  }
0x221: {  	[tilespmem:s18+$0xA0C0] =	vst v7;
	v19 =	vmul.f32 v19, v29;
	v7 =	vadd.f32 v11, v9;
	v28 =	vld.idx.msk [tilespmem:v14+s5+$0x0], $0xffff;
	v14 =	vadd.f32 $-1.000000000e+00, v30  }
0x222: {  	[tilespmem:s18+$0xA040] =	vst v8;
	v1 =	vadd.f32 v26, v1;
	v8 =	vmul.f32 v5, v17;
	v17 =	vmul.f32 v54, v21  }
0x223: {  	[tilespmem:s18+$0xA140] =	vst v6;
	v11 =	vmul.f32 v35, v29;
	v7 =	vadd.f32 v10, v7;
	v6 =	vmul.f32 v34, v14  }
0x224: {  	v1 =	vadd.f32 v19, v1;
	v9 =	vadd.f32 v17, v27;
	v10 =	vmul.f32 v18, v14  }
0x225: {  	v6 =	vadd.f32 v6, v7  }
0x226: {  	[tilespmem:s18+$0xC0] =	vst v8;
	v8 =	vadd.f32 v11, v9;
	v17 =	vadd.f32 v10, v1;
	v1 =	vmul.f32 v28, v14  }
0x227: {  	v53 =	vmul.f32 v23, v23;
	v24 =	vmul.f32 v5, v24  }
0x228: {  	v21 =	vadd.f32 v1, v8;
	v1 =	vmul.f32 v6, v6;
	v8 =	vmul.f32 v17, v17  }
0x229: {  	v5 =	vmul.f32 v5, v13;
	v13 =	vadd.f32 v53, v22  }
0x22a: {  	[tilespmem:s18+$0x40] =	vst v24;
	v1 =	vadd.f32 v8, v1;
	v8 =	vmul.f32 v21, v21  }
0x22b: {  	[tilespmem:s18+$0x140] =	vst v5;
	v5 =	vmul.f32 $5.000000000e-01, v13;
	v7 =	vshra.s32 v13, $0x1  }
0x22c: {  	v19 =	vld [tilespmem:s19+$0x10];
	v7 =	vsub.s32 $0x5F3759DF, v7;
	v1 =	vadd.f32 v8, v1  }
0x22d: {  	v5 =	vmul.f32 v7, v5  }
0x22e: {  	v9 =	vmul.f32 $5.000000000e-01, v1;
	v1 =	vshra.s32 v1, $0x1  }
0x22f: {  	v5 =	vmul.f32 v7, v5;
	v10 =	vsub.s32 $0x5F3759DF, v1  }
0x230: {  	v9 =	vmul.f32 v10, v9  }
0x231: {  	v8 =	vsub.f32 $1.500000000e+00, v5  }
0x232: {  	[tilespmem:s10+$0xA070] =	vst v16;
	v9 =	vmul.f32 v10, v9  }
0x233: {  	[tilespmem:s10+$0xA170] =	vst v15;
	v7 =	vmul.f32 v7, v8  }
0x234: {  	[tilespmem:s16+$0xA020] =	vst v34;
	v5 =	vld.idx.msk [tilespmem:v19+s24+$0x0], $0xffff;
	v9 =	vsub.f32 $1.500000000e+00, v9  }
0x235: {  	[tilespmem:s16+$0xA120] =	vst v28;
	v11 =	vld.idx.msk [tilespmem:v19+s14+$0x0], $0xffff;
	v13 =	vmul.f32 v7, v23  }
0x236: {  	[tilespmem:s16+$0xA0A0] =	vst v18;
	v14 =	vld.idx.msk [tilespmem:v19+s25+$0x0], $0xffff;
	v15 =	vmul.f32 v7, v12;
	v16 =	vmul.f32 v10, v9  }
0x237: {  	v8 =	vld.idx.msk [tilespmem:v19+s23+$0x0], $0xffff;
	v7 =	vmul.f32 v7, v20;
	[tilespmem:s10+$0x170] =	vst v13  }
0x238: {  	v1 =	vld.idx.msk [tilespmem:v19+s30+$0x0], $0xffff;
	[tilespmem:s10+$0x70] =	vst v15;
	v18 =	vmul.f32 v16, v6  }
0x239: {  	v12 =	vld.idx.msk [tilespmem:v19+s22+$0x0], $0xffff;
	[tilespmem:s10+$0xF0] =	vst v7;
	v17 =	vmul.f32 v16, v17  }
0x23a: {  	v15 =	vld.idx.msk [tilespmem:v19+s26+$0x0], $0xffff;
	v16 =	vmul.f32 v16, v21;
	[tilespmem:s16+$0x20] =	vst v18  }
0x23b: {  	v13 =	vld.idx.msk [tilespmem:v19+s31+$0x0], $0xffff;
	[tilespmem:s16+$0xA0] =	vst v17  }
0x23c: {  	v7 =	vld.idx.msk [tilespmem:v19+s29+$0x0], $0xffff;
	[tilespmem:s16+$0x120] =	vst v16  }
0x23d: {  	v16 =	vld [tilespmem:s11+$0xFFFFFFF0]  }
0x23e: {  	v10 =	vld.idx.msk [tilespmem:v19+s28+$0x0], $0xffff  }
0x23f: {  	v9 =	vld.idx.msk [tilespmem:v19+s0+$0x0], $0xffff  }
0x240: {  	[tilespmem:s10+$0xA0F0] =	vst v25;
	v6 =	vld.idx.msk [tilespmem:v19+s5+$0x0], $0xffff  }
0x241: {  	v17 =	vld [tilespmem:s16+$0x121B0]  }
0x242: {  	v18 =	vld [tilespmem:s16+$0x12230]  }
0x243: {  	v19 =	vld [tilespmem:s16+$0x120B0]  }
0x244: {  	v20 =	vld [tilespmem:s16+$0x12130]  }
0x245: {  	v21 =	vld.idx.msk [tilespmem:v16+s24+$0x0], $0xffff  }
0x246: {  	v22 =	vld.idx.msk [tilespmem:v16+s23+$0x0], $0xffff  }
0x247: {  	v23 =	vld.idx.msk [tilespmem:v16+s30+$0x0], $0xffff  }
0x248: {  	v24 =	vld.idx.msk [tilespmem:v16+s14+$0x0], $0xffff  }
0x249: {  	v25 =	vld.idx.msk [tilespmem:v16+s22+$0x0], $0xffff  }
0x24a: {  	v26 =	vld.idx.msk [tilespmem:v16+s25+$0x0], $0xffff  }
0x24b: {  	v27 =	vld.idx.msk [tilespmem:v16+s26+$0x0], $0xffff  }
0x24c: {  	v28 =	vld.idx.msk [tilespmem:v16+s31+$0x0], $0xffff  }
0x24d: {  	v29 =	vld.idx.msk [tilespmem:v16+s28+$0x0], $0xffff  }
0x24e: {  	v30 =	vld.idx.msk [tilespmem:v16+s0+$0x0], $0xffff;
	v22 =	vmul.f32 v22, v17  }
0x24f: {  	v31 =	vld.idx.msk [tilespmem:v16+s29+$0x0], $0xffff;
	v24 =	vmul.f32 v24, v19;
	v25 =	vmul.f32 v25, v20  }
0x250: {  	v26 =	vmul.f32 v26, v19;
	v27 =	vmul.f32 v27, v20  }
0x251: {  	v18 =	vadd.f32 $-1.000000000e+00, v18;
	v16 =	vld.idx.msk [tilespmem:v16+s5+$0x0], $0xffff;
	v19 =	vmul.f32 v23, v19;
	v20 =	vmul.f32 v28, v20  }
0x252: {  	v23 =	vadd.f32 v25, v24;
	v24 =	vadd.f32 v27, v26;
	v25 =	vmul.f32 v29, v17  }
0x253: {  	v26 =	vmul.f32 v21, v18;
	v19 =	vadd.f32 v20, v19;
	v17 =	vmul.f32 v30, v17  }
0x254: {  	v20 =	vadd.f32 v22, v23;
	v22 =	vadd.f32 v25, v24;
	v23 =	vmul.f32 v31, v18  }
0x255: {  	v17 =	vadd.f32 v17, v19  }
0x256: {  	v18 =	vmul.f32 v16, v18;
	v19 =	vadd.f32 v26, v20;
	v20 =	vadd.f32 v23, v22;
	_ =	sdelay $0x1  }
0x257: {  	v17 =	vadd.f32 v18, v17;
	v18 =	vmul.f32 v19, v19;
	v22 =	vmul.f32 v20, v20;
	_ =	sdelay $0x1  }
0x258: {  	v18 =	vadd.f32 v22, v18;
	v22 =	vmul.f32 v17, v17;
	_ =	sdelay $0x1  }
0x259: {  	v18 =	vadd.f32 v22, v18;
	_ =	sdelay $0x1  }
0x25a: {  	v22 =	vmul.f32 $5.000000000e-01, v18;
	v18 =	vshra.s32 v18, $0x1  }
0x25b: {  	v18 =	vsub.s32 $0x5F3759DF, v18  }
0x25c: {  	v22 =	vmul.f32 v18, v22;
	_ =	sdelay $0x1  }
0x25d: {  	v22 =	vmul.f32 v18, v22;
	_ =	sdelay $0x1  }
0x25e: {  	v22 =	vsub.f32 $1.500000000e+00, v22;
	_ =	sdelay $0x1  }
0x25f: {  	v18 =	vmul.f32 v18, v22  }
0x260: {  	[tilespmem:s16+$0xA030] =	vst v21  }
0x261: {  	[tilespmem:s16+$0xA0B0] =	vst v31;
	v19 =	vmul.f32 v18, v19  }
0x262: {  	[tilespmem:s16+$0xA130] =	vst v16;
	v16 =	vmul.f32 v18, v20  }
0x263: {  	v17 =	vmul.f32 v18, v17;
	[tilespmem:s16+$0x30] =	vst v19  }
0x264: {  	[tilespmem:s16+$0xB0] =	vst v16  }
0x265: {  	[tilespmem:s16+$0x130] =	vst v17  }
0x266: {  	v16 =	vld [tilespmem:s11+$0x0];
	_ =	sdelay $0x3  }
0x267: {  	v18 =	vld [tilespmem:s16+$0x12240]  }
0x268: {  	v20 =	vld [tilespmem:s16+$0x12140]  }
0x269: {  	v17 =	vld [tilespmem:s16+$0x121C0]  }
0x26a: {  	v19 =	vld [tilespmem:s16+$0x120C0]  }
0x26b: {  	v21 =	vld.idx.msk [tilespmem:v16+s24+$0x0], $0xffff  }
0x26c: {  	v22 =	vld.idx.msk [tilespmem:v16+s23+$0x0], $0xffff  }
0x26d: {  	v23 =	vld.idx.msk [tilespmem:v16+s30+$0x0], $0xffff  }
0x26e: {  	v24 =	vld.idx.msk [tilespmem:v16+s14+$0x0], $0xffff  }
0x26f: {  	v25 =	vld.idx.msk [tilespmem:v16+s22+$0x0], $0xffff  }
0x270: {  	v26 =	vld.idx.msk [tilespmem:v16+s25+$0x0], $0xffff  }
0x271: {  	v27 =	vld.idx.msk [tilespmem:v16+s26+$0x0], $0xffff  }
0x272: {  	v28 =	vld.idx.msk [tilespmem:v16+s31+$0x0], $0xffff  }
0x273: {  	v29 =	vld.idx.msk [tilespmem:v16+s28+$0x0], $0xffff  }
0x274: {  	v30 =	vld.idx.msk [tilespmem:v16+s0+$0x0], $0xffff;
	v23 =	vmul.f32 v23, v19  }
0x275: {  	v31 =	vld.idx.msk [tilespmem:v16+s29+$0x0], $0xffff;
	v24 =	vmul.f32 v24, v19;
	v25 =	vmul.f32 v25, v20  }
0x276: {  	v19 =	vmul.f32 v26, v19;
	v26 =	vmul.f32 v27, v20  }
0x277: {  	v18 =	vadd.f32 $-1.000000000e+00, v18;
	v16 =	vld.idx.msk [tilespmem:v16+s5+$0x0], $0xffff;
	v20 =	vmul.f32 v28, v20;
	v22 =	vmul.f32 v22, v17  }
0x278: {  	v24 =	vadd.f32 v25, v24;
	v19 =	vadd.f32 v26, v19;
	v25 =	vmul.f32 v29, v17  }
0x279: {  	v20 =	vadd.f32 v20, v23;
	v17 =	vmul.f32 v30, v17;
	v23 =	vmul.f32 v21, v18  }
0x27a: {  	v26 =	vmul.f32 v31, v18;
	v22 =	vadd.f32 v22, v24;
	v19 =	vadd.f32 v25, v19  }
0x27b: {  	v17 =	vadd.f32 v17, v20  }
0x27c: {  	v18 =	vmul.f32 v16, v18;
	v20 =	vadd.f32 v23, v22;
	v19 =	vadd.f32 v26, v19;
	_ =	sdelay $0x1  }
0x27d: {  	v17 =	vadd.f32 v18, v17;
	v18 =	vmul.f32 v20, v20;
	v22 =	vmul.f32 v19, v19;
	_ =	sdelay $0x1  }
0x27e: {  	v18 =	vadd.f32 v22, v18;
	v22 =	vmul.f32 v17, v17;
	_ =	sdelay $0x1  }
0x27f: {  	v18 =	vadd.f32 v22, v18;
	_ =	sdelay $0x1  }
0x280: {  	v22 =	vmul.f32 $5.000000000e-01, v18;
	v18 =	vshra.s32 v18, $0x1  }
0x281: {  	v18 =	vsub.s32 $0x5F3759DF, v18  }
0x282: {  	v22 =	vmul.f32 v18, v22;
	_ =	sdelay $0x1  }
0x283: {  	v11 =	vmul.f32 v11, v2;
	v22 =	vmul.f32 v18, v22  }
0x284: {  	v14 =	vmul.f32 v14, v2;
	v8 =	vmul.f32 v8, v0  }
0x285: {  	v12 =	vmul.f32 v12, v4;
	v15 =	vmul.f32 v15, v4;
	v22 =	vsub.f32 $1.500000000e+00, v22  }
0x286: {  	v3 =	vadd.f32 $-1.000000000e+00, v3;
	v1 =	vmul.f32 v1, v2;
	v2 =	vmul.f32 v13, v4  }
0x287: {  	v11 =	vadd.f32 v12, v11;
	v12 =	vadd.f32 v15, v14;
	v14 =	vmul.f32 v18, v22  }
0x288: {  	v15 =	vmul.f32 v5, v3;
	v1 =	vadd.f32 v2, v1;
	v10 =	vmul.f32 v10, v0;
	[tilespmem:s16+$0xA040] =	vst v21  }
0x289: {  	v2 =	vadd.f32 v8, v11;
	v0 =	vmul.f32 v9, v0;
	[tilespmem:s16+$0xA0C0] =	vst v31;
	v8 =	vmul.f32 v14, v20  }
0x28a: {  	v9 =	vadd.f32 v10, v12;
	v10 =	vmul.f32 v7, v3;
	[tilespmem:s16+$0xA140] =	vst v16;
	v11 =	vmul.f32 v14, v19  }
0x28b: {  	v0 =	vadd.f32 v0, v1;
	v1 =	vmul.f32 v14, v17;
	[tilespmem:s16+$0x40] =	vst v8  }
0x28c: {  	v2 =	vadd.f32 v15, v2;
	v3 =	vmul.f32 v6, v3;
	v8 =	vadd.f32 v10, v9;
	[tilespmem:s16+$0xC0] =	vst v11  }
0x28d: {  	[tilespmem:s16+$0x140] =	vst v1  }
0x28e: {  	v3 =	vadd.f32 v3, v0;
	v0 =	vmul.f32 v2, v2;
	v9 =	vld [tilespmem:s11+$0x10];
	v1 =	vmul.f32 v8, v8;
	_ =	sdelay $0x1  }
0x28f: {  	v10 =	vmul.f32 v3, v3;
	v1 =	vadd.f32 v1, v0;
	_ =	sdelay $0x1  }
0x290: {  	v4 =	vld [tilespmem:s16+$0x120D0];
	v10 =	vadd.f32 v10, v1  }
0x291: {  	v13 =	vld [tilespmem:s16+$0x12150]  }
0x292: {  	v24 =	vld [tilespmem:s16+$0x12250];
	v12 =	vmul.f32 $5.000000000e-01, v10;
	v10 =	vshra.s32 v10, $0x1  }
0x293: {  	v23 =	vld [tilespmem:s16+$0x121D0];
	v10 =	vsub.s32 $0x5F3759DF, v10  }
0x294: {  	v15 =	vld.idx.msk [tilespmem:v9+s24+$0x0], $0xffff;
	v12 =	vmul.f32 v10, v12  }
0x295: {  	v16 =	vld.idx.msk [tilespmem:v9+s23+$0x0], $0xffff  }
0x296: {  	v17 =	vld.idx.msk [tilespmem:v9+s30+$0x0], $0xffff;
	v12 =	vmul.f32 v10, v12  }
0x297: {  	v18 =	vld.idx.msk [tilespmem:v9+s14+$0x0], $0xffff  }
0x298: {  	v19 =	vld.idx.msk [tilespmem:v9+s22+$0x0], $0xffff;
	v12 =	vsub.f32 $1.500000000e+00, v12  }
0x299: {  	v20 =	vld.idx.msk [tilespmem:v9+s25+$0x0], $0xffff  }
0x29a: {  	v10 =	vmul.f32 v10, v12;
	v12 =	vld.idx.msk [tilespmem:v9+s26+$0x0], $0xffff  }
0x29b: {  	v21 =	vld.idx.msk [tilespmem:v9+s31+$0x0], $0xffff  }
0x29c: {  	v22 =	vld.idx.msk [tilespmem:v9+s28+$0x0], $0xffff;
	v18 =	vmul.f32 v18, v4  }
0x29d: {  	[tilespmem:s18+$0xA050] =	vst v5;
	v25 =	vld.idx.msk [tilespmem:v9+s29+$0x0], $0xffff;
	v19 =	vmul.f32 v19, v13;
	v2 =	vmul.f32 v10, v2  }
0x29e: {  	[tilespmem:s18+$0xA0D0] =	vst v7;
	v8 =	vmul.f32 v10, v8;
	v3 =	vmul.f32 v10, v3;
	v10 =	vld.idx.msk [tilespmem:v9+s0+$0x0], $0xffff  }
0x29f: {  	[tilespmem:s18+$0xA150] =	vst v6;
	v7 =	vadd.f32 $-1.000000000e+00, v24;
	v5 =	vmul.f32 v20, v4;
	v12 =	vmul.f32 v12, v13  }
0x2a0: {  	v16 =	vmul.f32 v16, v23;
	v4 =	vmul.f32 v17, v4;
	v6 =	vadd.f32 v19, v18;
	v9 =	vld.idx.msk [tilespmem:v9+s5+$0x0], $0xffff  }
0x2a1: {  	[tilespmem:s18+$0x50] =	vst v2;
	v13 =	vmul.f32 v21, v13;
	v5 =	vadd.f32 v12, v5;
	v12 =	vmul.f32 v22, v23  }
0x2a2: {  	v6 =	vadd.f32 v16, v6;
	v2 =	vmul.f32 v15, v7;
	[tilespmem:s18+$0xD0] =	vst v8;
	v8 =	vmul.f32 v25, v7  }
0x2a3: {  	v4 =	vadd.f32 v13, v4;
	v10 =	vmul.f32 v10, v23;
	v5 =	vadd.f32 v12, v5  }
0x2a4: {  	v6 =	vadd.f32 v2, v6  }
0x2a5: {  	[tilespmem:s18+$0x150] =	vst v3;
	v2 =	vmul.f32 v9, v7;
	v3 =	vadd.f32 v10, v4;
	v5 =	vadd.f32 v8, v5;
	_ =	sdelay $0x1  }
0x2a6: {  	v7 =	vadd.f32 v2, v3;
	v2 =	vmul.f32 v6, v6;
	v3 =	vmul.f32 v5, v5;
	_ =	sdelay $0x1  }
0x2a7: {  	v2 =	vadd.f32 v3, v2;
	v3 =	vmul.f32 v7, v7  }
0x2a8: {  	v4 =	vld [tilespmem:s19+$0x20]  }
0x2a9: {  	v2 =	vadd.f32 v3, v2;
	_ =	sdelay $0x1  }
0x2aa: {  	v3 =	vmul.f32 $5.000000000e-01, v2;
	v2 =	vshra.s32 v2, $0x1  }
0x2ab: {  	v14 =	vld [tilespmem:s18+$0x12260];
	v16 =	vsub.s32 $0x5F3759DF, v2  }
0x2ac: {  	v11 =	vld [tilespmem:s18+$0x121E0];
	v2 =	vmul.f32 v16, v3  }
0x2ad: {  	v10 =	vld [tilespmem:s18+$0x12160]  }
0x2ae: {  	v8 =	vld [tilespmem:s18+$0x120E0];
	v20 =	vmul.f32 v16, v2  }
0x2af: {  	v12 =	vld.idx.msk [tilespmem:v4+s24+$0x0], $0xffff  }
0x2b0: {  	v13 =	vld.idx.msk [tilespmem:v4+s23+$0x0], $0xffff;
	v20 =	vsub.f32 $1.500000000e+00, v20  }
0x2b1: {  	v17 =	vld.idx.msk [tilespmem:v4+s30+$0x0], $0xffff  }
0x2b2: {  	v18 =	vld.idx.msk [tilespmem:v4+s14+$0x0], $0xffff;
	v16 =	vmul.f32 v16, v20  }
0x2b3: {  	[tilespmem:s16+$0xA050] =	vst v15;
	v19 =	vld.idx.msk [tilespmem:v4+s22+$0x0], $0xffff  }
0x2b4: {  	[tilespmem:s16+$0xA0D0] =	vst v25;
	v15 =	vld.idx.msk [tilespmem:v4+s26+$0x0], $0xffff;
	v6 =	vmul.f32 v16, v6  }
0x2b5: {  	[tilespmem:s16+$0xA150] =	vst v9;
	v23 =	vld.idx.msk [tilespmem:v4+s31+$0x0], $0xffff;
	v5 =	vmul.f32 v16, v5  }
0x2b6: {  	v20 =	vld.idx.msk [tilespmem:v4+s25+$0x0], $0xffff;
	[tilespmem:s16+$0x50] =	vst v6;
	v6 =	vmul.f32 v16, v7  }
0x2b7: {  	v9 =	vld.idx.msk [tilespmem:v4+s28+$0x0], $0xffff;
	[tilespmem:s16+$0xD0] =	vst v5  }
0x2b8: {  	v7 =	vld.idx.msk [tilespmem:v4+s0+$0x0], $0xffff;
	[tilespmem:s16+$0x150] =	vst v6  }
0x2b9: {  	v6 =	vmul.f32 v18, v8;
	v18 =	vld [tilespmem:s11+$0x20]  }
0x2ba: {  	v13 =	vmul.f32 v13, v11;
	v15 =	vmul.f32 v15, v10;
	v5 =	vld.idx.msk [tilespmem:v4+s29+$0x0], $0xffff  }
0x2bb: {  	v16 =	vmul.f32 v19, v10;
	v19 =	vmul.f32 v20, v8  }
0x2bc: {  	v14 =	vadd.f32 $-1.000000000e+00, v14;
	v4 =	vld.idx.msk [tilespmem:v4+s5+$0x0], $0xffff;
	v10 =	vmul.f32 v23, v10;
	v8 =	vmul.f32 v17, v8  }
0x2bd: {  	v21 =	vld [tilespmem:s16+$0x121E0];
	v9 =	vmul.f32 v9, v11;
	v15 =	vadd.f32 v15, v19;
	v6 =	vadd.f32 v16, v6  }
0x2be: {  	v22 =	vld [tilespmem:s16+$0x12260];
	v16 =	vmul.f32 v12, v14;
	v8 =	vadd.f32 v10, v8;
	v7 =	vmul.f32 v7, v11  }
0x2bf: {  	v9 =	vadd.f32 v9, v15;
	v10 =	vmul.f32 v5, v14;
	v11 =	vld [tilespmem:s16+$0x12160];
	v6 =	vadd.f32 v13, v6  }
0x2c0: {  	v7 =	vadd.f32 v7, v8;
	v8 =	vld [tilespmem:s16+$0x120E0]  }
0x2c1: {  	v9 =	vadd.f32 v10, v9;
	v10 =	vmul.f32 v4, v14;
	v6 =	vadd.f32 v16, v6;
	v13 =	vld.idx.msk [tilespmem:v18+s24+$0x0], $0xffff  }
0x2c2: {  	v15 =	vld.idx.msk [tilespmem:v18+s23+$0x0], $0xffff  }
0x2c3: {  	v7 =	vadd.f32 v10, v7;
	v14 =	vmul.f32 v9, v9;
	v10 =	vmul.f32 v6, v6;
	v17 =	vld.idx.msk [tilespmem:v18+s14+$0x0], $0xffff  }
0x2c4: {  	v19 =	vld.idx.msk [tilespmem:v18+s22+$0x0], $0xffff  }
0x2c5: {  	v20 =	vld.idx.msk [tilespmem:v18+s26+$0x0], $0xffff;
	v10 =	vadd.f32 v14, v10;
	v14 =	vmul.f32 v7, v7  }
0x2c6: {  	v24 =	vld.idx.msk [tilespmem:v18+s31+$0x0], $0xffff  }
0x2c7: {  	v10 =	vadd.f32 v14, v10;
	v14 =	vld.idx.msk [tilespmem:v18+s25+$0x0], $0xffff  }
0x2c8: {  	v16 =	vld.idx.msk [tilespmem:v18+s30+$0x0], $0xffff  }
0x2c9: {  	v25 =	vld.idx.msk [tilespmem:v18+s28+$0x0], $0xffff;
	v23 =	vmul.f32 $5.000000000e-01, v10  }
0x2ca: {  	v26 =	vld.idx.msk [tilespmem:v18+s0+$0x0], $0xffff;
	v15 =	vmul.f32 v15, v21;
	v17 =	vmul.f32 v17, v8  }
0x2cb: {  	v27 =	vld.idx.msk [tilespmem:v18+s29+$0x0], $0xffff;
	v10 =	vshra.s32 v10, $0x1;
	v19 =	vmul.f32 v19, v11;
	v20 =	vmul.f32 v20, v11  }
0x2cc: {  	v11 =	vmul.f32 v24, v11;
	v10 =	vsub.s32 $0x5F3759DF, v10;
	v14 =	vmul.f32 v14, v8  }
0x2cd: {  	v22 =	vadd.f32 $-1.000000000e+00, v22;
	v18 =	vld.idx.msk [tilespmem:v18+s5+$0x0], $0xffff;
	v23 =	vmul.f32 v10, v23;
	v8 =	vmul.f32 v16, v8  }
0x2ce: {  	v16 =	vadd.f32 v19, v17;
	v17 =	vmul.f32 v25, v21;
	v14 =	vadd.f32 v20, v14  }
0x2cf: {  	v19 =	vmul.f32 v13, v22;
	v8 =	vadd.f32 v11, v8;
	v11 =	vmul.f32 v26, v21  }
0x2d0: {  	v15 =	vadd.f32 v15, v16;
	v16 =	vmul.f32 v27, v22;
	v14 =	vadd.f32 v17, v14  }
0x2d1: {  	v17 =	vmul.f32 v10, v23;
	v8 =	vadd.f32 v11, v8  }
0x2d2: {  	v11 =	vadd.f32 v19, v15;
	v15 =	vmul.f32 v18, v22;
	v14 =	vadd.f32 v16, v14  }
0x2d3: {  	v16 =	vsub.f32 $1.500000000e+00, v17  }
0x2d4: {  	v8 =	vadd.f32 v15, v8;
	v15 =	vmul.f32 v11, v11;
	v19 =	vmul.f32 v14, v14  }
0x2d5: {  	v10 =	vmul.f32 v10, v16  }
0x2d6: {  	[tilespmem:s18+$0xA060] =	vst v12;
	v12 =	vadd.f32 v19, v15;
	v15 =	vmul.f32 v8, v8  }
0x2d7: {  	[tilespmem:s18+$0xA0E0] =	vst v5;
	v5 =	vmul.f32 v10, v6  }
0x2d8: {  	[tilespmem:s18+$0xA160] =	vst v4;
	v4 =	vmul.f32 v10, v9;
	v6 =	vadd.f32 v15, v12  }
0x2d9: {  	[tilespmem:s18+$0x60] =	vst v5;
	v5 =	vmul.f32 v10, v7  }
0x2da: {  	[tilespmem:s18+$0xE0] =	vst v4;
	v4 =	vmul.f32 $5.000000000e-01, v6;
	v6 =	vshra.s32 v6, $0x1  }
0x2db: {  	v0 =	vld [tilespmem:s18+$0x121F0];
	[tilespmem:s18+$0x160] =	vst v5;
	v5 =	vsub.s32 $0x5F3759DF, v6  }
0x2dc: {  	v6 =	vld [tilespmem:s19+$0x30];
	v4 =	vmul.f32 v5, v4  }
0x2dd: {  	v1 =	vld [tilespmem:s18+$0x12270]  }
0x2de: {  	v3 =	vld [tilespmem:s16+$0x12270];
	v4 =	vmul.f32 v5, v4  }
0x2df: {  	v2 =	vld [tilespmem:s16+$0x121F0]  }
0x2e0: {  	v20 =	vld [tilespmem:s18+$0x12170];
	v4 =	vsub.f32 $1.500000000e+00, v4  }
0x2e1: {  	v17 =	vld [tilespmem:s18+$0x120F0]  }
0x2e2: {  	v9 =	vld [tilespmem:s16+$0x12170];
	v4 =	vmul.f32 v5, v4  }
0x2e3: {  	[tilespmem:s16+$0xA060] =	vst v13;
	v7 =	vld [tilespmem:s16+$0x120F0]  }
0x2e4: {  	[tilespmem:s16+$0xA0E0] =	vst v27;
	v5 =	vld.idx.msk [tilespmem:v6+s24+$0x0], $0xffff;
	v10 =	vmul.f32 v4, v11  }
0x2e5: {  	[tilespmem:s16+$0xA160] =	vst v18;
	v13 =	vld.idx.msk [tilespmem:v6+s30+$0x0], $0xffff;
	v12 =	vmul.f32 v4, v14  }
0x2e6: {  	v15 =	vld.idx.msk [tilespmem:v6+s31+$0x0], $0xffff;
	v4 =	vmul.f32 v4, v8;
	[tilespmem:s16+$0x60] =	vst v10  }
0x2e7: {  	v16 =	vld.idx.msk [tilespmem:v6+s28+$0x0], $0xffff;
	[tilespmem:s16+$0xE0] =	vst v12  }
0x2e8: {  	v8 =	vld.idx.msk [tilespmem:v6+s14+$0x0], $0xffff;
	[tilespmem:s16+$0x160] =	vst v4  }
0x2e9: {  	v4 =	vld [tilespmem:s11+$0x30]  }
0x2ea: {  	v14 =	vld.idx.msk [tilespmem:v6+s26+$0x0], $0xffff  }
0x2eb: {  	v10 =	vld.idx.msk [tilespmem:v6+s22+$0x0], $0xffff  }
0x2ec: {  	v12 =	vld.idx.msk [tilespmem:v6+s25+$0x0], $0xffff  }
0x2ed: {  	v11 =	vld.idx.msk [tilespmem:v6+s23+$0x0], $0xffff  }
0x2ee: {  	v18 =	vld.idx.msk [tilespmem:v6+s0+$0x0], $0xffff  }
0x2ef: {  	v19 =	vld.idx.msk [tilespmem:v6+s29+$0x0], $0xffff;
	v13 =	vmul.f32 v13, v17  }
0x2f0: {  	v6 =	vld.idx.msk [tilespmem:v6+s5+$0x0], $0xffff;
	v8 =	vmul.f32 v8, v17;
	v14 =	vmul.f32 v14, v20  }
0x2f1: {  	v10 =	vmul.f32 v10, v20;
	v12 =	vmul.f32 v12, v17;
	v21 =	vld.idx.msk [tilespmem:v4+s24+$0x0], $0xffff  }
0x2f2: {  	v1 =	vadd.f32 $-1.000000000e+00, v1;
	v15 =	vmul.f32 v15, v20;
	v11 =	vmul.f32 v11, v0;
	v17 =	vld.idx.msk [tilespmem:v4+s23+$0x0], $0xffff  }
0x2f3: {  	v8 =	vadd.f32 v10, v8;
	v10 =	vadd.f32 v14, v12;
	v12 =	vmul.f32 v16, v0;
	v14 =	vld.idx.msk [tilespmem:v4+s30+$0x0], $0xffff  }
0x2f4: {  	v13 =	vadd.f32 v15, v13;
	v16 =	vmul.f32 v5, v1;
	v0 =	vmul.f32 v18, v0;
	v15 =	vld.idx.msk [tilespmem:v4+s14+$0x0], $0xffff  }
0x2f5: {  	v8 =	vadd.f32 v11, v8;
	v10 =	vadd.f32 v12, v10;
	v11 =	vmul.f32 v19, v1;
	v12 =	vld.idx.msk [tilespmem:v4+s22+$0x0], $0xffff  }
0x2f6: {  	v0 =	vadd.f32 v0, v13;
	v1 =	vmul.f32 v6, v1;
	v13 =	vld.idx.msk [tilespmem:v4+s25+$0x0], $0xffff  }
0x2f7: {  	v8 =	vadd.f32 v16, v8;
	v10 =	vadd.f32 v11, v10;
	v11 =	vld.idx.msk [tilespmem:v4+s26+$0x0], $0xffff  }
0x2f8: {  	v0 =	vadd.f32 v1, v0;
	v1 =	vld.idx.msk [tilespmem:v4+s31+$0x0], $0xffff  }
0x2f9: {  	v20 =	vld.idx.msk [tilespmem:v4+s28+$0x0], $0xffff;
	v16 =	vmul.f32 v8, v8;
	v18 =	vmul.f32 v10, v10  }
0x2fa: {  	v23 =	vld.idx.msk [tilespmem:v4+s0+$0x0], $0xffff;
	v22 =	vmul.f32 v0, v0;
	v17 =	vmul.f32 v17, v2  }
0x2fb: {  	v24 =	vld.idx.msk [tilespmem:v4+s29+$0x0], $0xffff;
	v15 =	vmul.f32 v15, v7;
	v12 =	vmul.f32 v12, v9  }
0x2fc: {  	v3 =	vadd.f32 $-1.000000000e+00, v3;
	v13 =	vmul.f32 v13, v7;
	v11 =	vmul.f32 v11, v9  }
0x2fd: {  	v4 =	vld.idx.msk [tilespmem:v4+s5+$0x0], $0xffff;
	v7 =	vmul.f32 v14, v7;
	v16 =	vadd.f32 v18, v16;
	v1 =	vmul.f32 v1, v9  }
0x2fe: {  	v9 =	vadd.f32 v12, v15;
	v12 =	vmul.f32 v20, v2;
	v11 =	vadd.f32 v11, v13  }
0x2ff: {  	v2 =	vmul.f32 v23, v2;
	v13 =	vmul.f32 v21, v3;
	v1 =	vadd.f32 v1, v7  }
0x300: {  	v7 =	vadd.f32 v17, v9;
	v9 =	vadd.f32 v12, v11;
	v11 =	vmul.f32 v24, v3  }
0x301: {  	v12 =	vadd.f32 v22, v16;
	v1 =	vadd.f32 v2, v1  }
0x302: {  	v2 =	vadd.f32 v13, v7;
	v3 =	vmul.f32 v4, v3;
	v7 =	vadd.f32 v11, v9  }
0x303: {  	v9 =	vmul.f32 $5.000000000e-01, v12;
	v11 =	vshra.s32 v12, $0x1  }
0x304: {  	v1 =	vadd.f32 v3, v1;
	v3 =	vmul.f32 v2, v2;
	v12 =	vmul.f32 v7, v7  }
0x305: {  	v11 =	vsub.s32 $0x5F3759DF, v11  }
0x306: {  	v9 =	vmul.f32 v11, v9;
	v3 =	vadd.f32 v12, v3;
	v12 =	vmul.f32 v1, v1;
	_ =	sdelay $0x1  }
0x307: {  	v9 =	vmul.f32 v11, v9;
	v3 =	vadd.f32 v12, v3;
	_ =	sdelay $0x1  }
0x308: {  	v9 =	vsub.f32 $1.500000000e+00, v9;
	v12 =	vmul.f32 $5.000000000e-01, v3;
	v3 =	vshra.s32 v3, $0x1  }
0x309: {  	v3 =	vsub.s32 $0x5F3759DF, v3  }
0x30a: {  	v9 =	vmul.f32 v11, v9;
	v11 =	vmul.f32 v3, v12  }
0x30b: {  	[tilespmem:s18+$0xA070] =	vst v5  }
0x30c: {  	[tilespmem:s18+$0xA0F0] =	vst v19;
	v0 =	vmul.f32 v9, v0;
	v5 =	vmul.f32 v3, v11  }
0x30d: {  	[tilespmem:s18+$0xA170] =	vst v6  }
0x30e: {  	[tilespmem:s18+$0x170] =	vst v0;
	v0 =	vmul.f32 v9, v10;
	v5 =	vsub.f32 $1.500000000e+00, v5  }
0x30f: {  	[tilespmem:s16+$0xA070] =	vst v21  }
0x310: {  	[tilespmem:s18+$0xF0] =	vst v0;
	v0 =	vmul.f32 v3, v5  }
0x311: {  	[tilespmem:s16+$0xA0F0] =	vst v24;
	v6 =	vmul.f32 v9, v8  }
0x312: {  	[tilespmem:s16+$0xA170] =	vst v4;
	v1 =	vmul.f32 v0, v1  }
0x313: {  	[tilespmem:s18+$0x70] =	vst v6;
	v2 =	vmul.f32 v0, v2  }
0x314: {  	s1 =	sshll.u32 s15, $0xC;
	v0 =	vmul.f32 v0, v7;
	[tilespmem:s16+$0x170] =	vst v1  }
0x315: {  	s1 =	sadd.s32 s9, s1;
	s2 =	rddreg [dreg:$0x3];
	[tilespmem:s16+$0x70] =	vst v2  }
0x316: {  	s3 =	simm.s32 $0xA000;
	s2 =	sadd.s32 s2, s1;
	s19 =	rddreg [dreg:$0x4];
	[tilespmem:s16+$0xF0] =	vst v0  }
0x317: {  	[hbm4b:s2+s6] =	stream.linear.scatter [tilespmem:s3], [sflag:$0x5], $0x4000, $0x38;
	[tilespmem:$0x1A080] =	vst v63  }
0x318: {  	p1 =	seq.s32 s15, $0x7;
	s1 =	sadd.s32 s19, s1  }
0x319: {  	[hbm4b:s1+s6] =	stream.linear.scatter [tilespmem:s6], [sflag:$0x6], $0x4000, $0x38;
	[tilespmem:$0x1A080] =	vst v63  }
0x31a: {  	s2 =	rddreg [dreg:$0x9];
	s1 =	sshll.u32 @!p1 s15, $0x6  }
0x31b: {  	s1 =	sadd.s32 @!p1 s1, s2  }
0x31c: {  	s10 =	simm.s32 @!p1 $0x12080;
	s2 =	sshll.u32 @!p1 s1, $0x6  }
0x31d: {  	s3 =	simm.s32 @!p1 $0x0;
	s1 =	sshll.u32 @!p1 s1, $0x4;
	s2 =	sadd.s32 @!p1 s4, s2  }
0x31e: {  	[tilespmem:s10], [sflag:$0x1] =	stream.linear.gather @!p1 [hbm4b:s2+s3], $0x4000, $0x38;
	[tilespmem:$0x1A080] =	vst v63  }
0x31f: {  	s1 =	sadd.s32 @!p1 s12, s1;
	s2 =	simm.s32 @!p1 $0x8000  }
0x320: {  	[tilespmem:s2], [sflag:$0x2] =	stream.linear.gather @!p1 [hbm4b:s1+s3], $0x1000, $0x38;
	[tilespmem:$0x1A080] =	vst v63  }
0x321: {  	_ =	swait.ge [sflag:s17], $0x4000  }
0x322: {  	[sflag:s17] =	ssyncset.done $0x0  }
0x323: {  	[sflag:s17] =	ssyncadd.s32 $0xFFFFC000  }
0x324: {  	_ =	swait.ge [sflag:s7], $0x1000  }
0x325: {  	[sflag:s7] =	ssyncset.done $0x0  }
0x326: {  	s1 =	simm.s32 @!p0 $0x7;
	[sflag:s7] =	ssyncadd.s32 $0xFFFFF000  }
0x327: {  	_ =	swait.ge @!p0 [sflag:s1], $0x4000  }
0x328: {  	[sflag:s1] =	ssyncset.done @!p0 $0x0  }
0x329: {  	[sflag:s1] =	ssyncadd.s32 @!p0 $0xFFFFC000;
	s1 =	simm.s32 @!p0 $0x8  }
0x32a: {  	_ =	swait.ge @!p0 [sflag:s1], $0x4000  }
0x32b: {  	[sflag:s1] =	ssyncset.done @!p0 $0x0  }
0x32c: {  	s3 =	simm.s32 $0x9040;
	[sflag:s1] =	ssyncadd.s32 @!p0 $0xFFFFC000  }
0x32d: {  	v0 =	vld [tilespmem:s3+$0xFFFFFFC0];
	_ =	sdelay $0x2  }
0x32e: {  	s18 =	simm.s32 $0x0  }
0x32f: {  	v1 =	vld [tilespmem:s18+$0x16180]  }
0x330: {  	v2 =	vld [tilespmem:s18+$0x16200]  }
0x331: {  	v5 =	vld [tilespmem:s18+$0x16080]  }
0x332: {  	v6 =	vld [tilespmem:s18+$0x16100]  }
0x333: {  	v3 =	vld.idx.msk [tilespmem:v0+s24+$0x0], $0xffff  }
0x334: {  	v4 =	vld.idx.msk [tilespmem:v0+s23+$0x0], $0xffff  }
0x335: {  	v8 =	vld.idx.msk [tilespmem:v0+s14+$0x0], $0xffff  }
0x336: {  	v9 =	vld.idx.msk [tilespmem:v0+s22+$0x0], $0xffff  }
0x337: {  	v10 =	vld.idx.msk [tilespmem:v0+s25+$0x0], $0xffff  }
0x338: {  	v11 =	vld.idx.msk [tilespmem:v0+s26+$0x0], $0xffff  }
0x339: {  	v12 =	vld.idx.msk [tilespmem:v0+s30+$0x0], $0xffff  }
0x33a: {  	v13 =	vld.idx.msk [tilespmem:v0+s31+$0x0], $0xffff  }
0x33b: {  	v7 =	vld.idx.msk [tilespmem:v0+s28+$0x0], $0xffff  }
0x33c: {  	v15 =	vld.idx.msk [tilespmem:v0+s0+$0x0], $0xffff;
	v8 =	vmul.f32 v8, v5  }
0x33d: {  	v14 =	vld.idx.msk [tilespmem:v0+s29+$0x0], $0xffff;
	v9 =	vmul.f32 v9, v6;
	v10 =	vmul.f32 v10, v5  }
0x33e: {  	v11 =	vmul.f32 v11, v6;
	v4 =	vmul.f32 v4, v1  }
0x33f: {  	v2 =	vadd.f32 $-1.000000000e+00, v2;
	v0 =	vld.idx.msk [tilespmem:v0+s5+$0x0], $0xffff;
	v5 =	vmul.f32 v12, v5;
	v6 =	vmul.f32 v13, v6  }
0x340: {  	v7 =	vmul.f32 v7, v1;
	v8 =	vadd.f32 v9, v8;
	v9 =	vadd.f32 v11, v10  }
0x341: {  	v1 =	vmul.f32 v15, v1;
	v10 =	vmul.f32 v3, v2;
	v5 =	vadd.f32 v6, v5  }
0x342: {  	v11 =	vmul.f32 v14, v2;
	v4 =	vadd.f32 v4, v8;
	v6 =	vadd.f32 v7, v9  }
0x343: {  	v1 =	vadd.f32 v1, v5  }
0x344: {  	v2 =	vmul.f32 v0, v2;
	v4 =	vadd.f32 v10, v4;
	v5 =	vadd.f32 v11, v6;
	_ =	sdelay $0x1  }
0x345: {  	v1 =	vadd.f32 v2, v1;
	v2 =	vmul.f32 v4, v4;
	v6 =	vmul.f32 v5, v5;
	_ =	sdelay $0x1  }
0x346: {  	v7 =	vmul.f32 v1, v1;
	v2 =	vadd.f32 v6, v2;
	_ =	sdelay $0x1  }
0x347: {  	v2 =	vadd.f32 v7, v2;
	_ =	sdelay $0x1  }
0x348: {  	v6 =	vmul.f32 $5.000000000e-01, v2;
	v2 =	vshra.s32 v2, $0x1  }
0x349: {  	v2 =	vsub.s32 $0x5F3759DF, v2  }
0x34a: {  	v6 =	vmul.f32 v2, v6;
	_ =	sdelay $0x1  }
0x34b: {  	v6 =	vmul.f32 v2, v6;
	_ =	sdelay $0x1  }
0x34c: {  	v6 =	vsub.f32 $1.500000000e+00, v6;
	_ =	sdelay $0x1  }
0x34d: {  	v2 =	vmul.f32 v2, v6  }
0x34e: {  	[tilespmem:s18+$0xE000] =	vst v3  }
0x34f: {  	[tilespmem:s18+$0xE080] =	vst v14;
	v3 =	vmul.f32 v2, v4  }
0x350: {  	[tilespmem:s18+$0xE100] =	vst v0;
	v0 =	vmul.f32 v2, v5  }
0x351: {  	v1 =	vmul.f32 v2, v1;
	[tilespmem:s18+$0x4000] =	vst v3  }
0x352: {  	[tilespmem:s18+$0x4080] =	vst v0  }
0x353: {  	[tilespmem:s18+$0x4100] =	vst v1  }
0x354: {  	v1 =	vld [tilespmem:s3+$0xFFFFFFD0];
	_ =	sdelay $0x3  }
0x355: {  	v2 =	vld [tilespmem:s18+$0x16090]  }
0x356: {  	v4 =	vld [tilespmem:s18+$0x16110]  }
0x357: {  	v3 =	vld [tilespmem:s18+$0x16190]  }
0x358: {  	v0 =	vld [tilespmem:s18+$0x16210]  }
0x359: {  	v5 =	vld.idx.msk [tilespmem:v1+s24+$0x0], $0xffff  }
0x35a: {  	v6 =	vld.idx.msk [tilespmem:v1+s23+$0x0], $0xffff  }
0x35b: {  	v7 =	vld.idx.msk [tilespmem:v1+s30+$0x0], $0xffff  }
0x35c: {  	v8 =	vld.idx.msk [tilespmem:v1+s14+$0x0], $0xffff  }
0x35d: {  	v9 =	vld.idx.msk [tilespmem:v1+s22+$0x0], $0xffff  }
0x35e: {  	v10 =	vld.idx.msk [tilespmem:v1+s25+$0x0], $0xffff  }
0x35f: {  	v11 =	vld.idx.msk [tilespmem:v1+s26+$0x0], $0xffff  }
0x360: {  	v12 =	vld.idx.msk [tilespmem:v1+s31+$0x0], $0xffff  }
0x361: {  	v13 =	vld.idx.msk [tilespmem:v1+s28+$0x0], $0xffff  }
0x362: {  	v14 =	vld.idx.msk [tilespmem:v1+s0+$0x0], $0xffff;
	v6 =	vmul.f32 v6, v3  }
0x363: {  	v15 =	vld.idx.msk [tilespmem:v1+s29+$0x0], $0xffff;
	v8 =	vmul.f32 v8, v2;
	v9 =	vmul.f32 v9, v4  }
0x364: {  	v10 =	vmul.f32 v10, v2;
	v11 =	vmul.f32 v11, v4  }
0x365: {  	v0 =	vadd.f32 $-1.000000000e+00, v0;
	v1 =	vld.idx.msk [tilespmem:v1+s5+$0x0], $0xffff;
	v2 =	vmul.f32 v7, v2;
	v4 =	vmul.f32 v12, v4  }
0x366: {  	v7 =	vadd.f32 v9, v8;
	v8 =	vadd.f32 v11, v10;
	v9 =	vmul.f32 v13, v3  }
0x367: {  	v10 =	vmul.f32 v5, v0;
	v2 =	vadd.f32 v4, v2;
	v3 =	vmul.f32 v14, v3  }
0x368: {  	v4 =	vadd.f32 v6, v7;
	v6 =	vadd.f32 v9, v8;
	v7 =	vmul.f32 v15, v0  }
0x369: {  	v2 =	vadd.f32 v3, v2  }
0x36a: {  	v0 =	vmul.f32 v1, v0;
	v3 =	vadd.f32 v10, v4;
	v4 =	vadd.f32 v7, v6;
	_ =	sdelay $0x1  }
0x36b: {  	v0 =	vadd.f32 v0, v2;
	v2 =	vmul.f32 v3, v3;
	v6 =	vmul.f32 v4, v4;
	_ =	sdelay $0x1  }
0x36c: {  	v7 =	vmul.f32 v0, v0;
	v2 =	vadd.f32 v6, v2;
	_ =	sdelay $0x1  }
0x36d: {  	v2 =	vadd.f32 v7, v2;
	_ =	sdelay $0x1  }
0x36e: {  	v6 =	vmul.f32 $5.000000000e-01, v2;
	v2 =	vshra.s32 v2, $0x1  }
0x36f: {  	v2 =	vsub.s32 $0x5F3759DF, v2  }
0x370: {  	v6 =	vmul.f32 v2, v6;
	_ =	sdelay $0x1  }
0x371: {  	v6 =	vmul.f32 v2, v6;
	_ =	sdelay $0x1  }
0x372: {  	v6 =	vsub.f32 $1.500000000e+00, v6;
	_ =	sdelay $0x1  }
0x373: {  	v2 =	vmul.f32 v2, v6  }
0x374: {  	[tilespmem:s18+$0xE010] =	vst v5  }
0x375: {  	[tilespmem:s18+$0xE090] =	vst v15;
	v3 =	vmul.f32 v2, v3  }
0x376: {  	[tilespmem:s18+$0xE110] =	vst v1;
	v4 =	vmul.f32 v2, v4  }
0x377: {  	v0 =	vmul.f32 v2, v0;
	[tilespmem:s18+$0x4010] =	vst v3  }
0x378: {  	[tilespmem:s18+$0x4090] =	vst v4  }
0x379: {  	[tilespmem:s18+$0x4110] =	vst v0  }
0x37a: {  	v0 =	vld [tilespmem:s3+$0xFFFFFFE0];
	_ =	sdelay $0x2  }
0x37b: {  	s16 =	simm.s32 $0x90C0;
	v5 =	vld [tilespmem:s18+$0x16120]  }
0x37c: {  	v1 =	vld [tilespmem:s16+$0xFFFFFFC0]  }
0x37d: {  	v2 =	vld [tilespmem:s18+$0x161A0]  }
0x37e: {  	v3 =	vld [tilespmem:s18+$0x16220]  }
0x37f: {  	v4 =	vld [tilespmem:s18+$0x160A0]  }
0x380: {  	v6 =	vld.idx.msk [tilespmem:v0+s23+$0x0], $0xffff  }
0x381: {  	v7 =	vld.idx.msk [tilespmem:v0+s28+$0x0], $0xffff  }
0x382: {  	v8 =	vld.idx.msk [tilespmem:v0+s30+$0x0], $0xffff  }
0x383: {  	v9 =	vld.idx.msk [tilespmem:v0+s14+$0x0], $0xffff  }
0x384: {  	v10 =	vld.idx.msk [tilespmem:v0+s22+$0x0], $0xffff  }
0x385: {  	v11 =	vld.idx.msk [tilespmem:v0+s25+$0x0], $0xffff  }
0x386: {  	v12 =	vld.idx.msk [tilespmem:v0+s26+$0x0], $0xffff  }
0x387: {  	v13 =	vld.idx.msk [tilespmem:v0+s31+$0x0], $0xffff  }
0x388: {  	v14 =	vld.idx.msk [tilespmem:v0+s24+$0x0], $0xffff  }
0x389: {  	v15 =	vld.idx.msk [tilespmem:v0+s0+$0x0], $0xffff;
	v6 =	vmul.f32 v6, v2  }
0x38a: {  	v16 =	vld.idx.msk [tilespmem:v0+s29+$0x0], $0xffff;
	v9 =	vmul.f32 v9, v4;
	v10 =	vmul.f32 v10, v5  }
0x38b: {  	v11 =	vmul.f32 v11, v4;
	v12 =	vmul.f32 v12, v5  }
0x38c: {  	v3 =	vadd.f32 $-1.000000000e+00, v3;
	v0 =	vld.idx.msk [tilespmem:v0+s5+$0x0], $0xffff;
	v4 =	vmul.f32 v8, v4;
	v5 =	vmul.f32 v13, v5  }
0x38d: {  	v7 =	vmul.f32 v7, v2;
	v8 =	vadd.f32 v10, v9;
	v9 =	vadd.f32 v12, v11  }
0x38e: {  	v2 =	vmul.f32 v15, v2;
	v10 =	vmul.f32 v14, v3;
	v4 =	vadd.f32 v5, v4  }
0x38f: {  	v17 =	vld.idx.msk [tilespmem:v1+s22+$0x0], $0xffff;
	v5 =	vadd.f32 v6, v8;
	v6 =	vadd.f32 v7, v9;
	v7 =	vmul.f32 v16, v3  }
0x390: {  	v19 =	vld.idx.msk [tilespmem:v1+s25+$0x0], $0xffff;
	v2 =	vadd.f32 v2, v4  }
0x391: {  	v20 =	vld.idx.msk [tilespmem:v1+s26+$0x0], $0xffff;
	v3 =	vmul.f32 v0, v3;
	v5 =	vadd.f32 v10, v5;
	v6 =	vadd.f32 v7, v6  }
0x392: {  	v21 =	vld.idx.msk [tilespmem:v1+s30+$0x0], $0xffff  }
0x393: {  	s19 =	simm.s32 $0x200;
	v22 =	vld.idx.msk [tilespmem:v1+s31+$0x0], $0xffff;
	v2 =	vadd.f32 v3, v2;
	v3 =	vmul.f32 v5, v5;
	v10 =	vmul.f32 v6, v6  }
0x394: {  	v13 =	vld [tilespmem:s19+$0x16100]  }
0x395: {  	v15 =	vld.idx.msk [tilespmem:v1+s28+$0x0], $0xffff;
	v3 =	vadd.f32 v10, v3;
	v10 =	vmul.f32 v2, v2  }
0x396: {  	v11 =	vld.idx.msk [tilespmem:v1+s23+$0x0], $0xffff  }
0x397: {  	v12 =	vld [tilespmem:s19+$0x16080];
	v3 =	vadd.f32 v10, v3  }
0x398: {  	v4 =	vld [tilespmem:s19+$0x16200]  }
0x399: {  	v10 =	vld.idx.msk [tilespmem:v1+s14+$0x0], $0xffff;
	v18 =	vmul.f32 $5.000000000e-01, v3;
	v3 =	vshra.s32 v3, $0x1  }
0x39a: {  	v8 =	vld [tilespmem:s19+$0x16180];
	v3 =	vsub.s32 $0x5F3759DF, v3  }
0x39b: {  	v24 =	vld.idx.msk [tilespmem:v1+s0+$0x0], $0xffff;
	v18 =	vmul.f32 v3, v18  }
0x39c: {  	v9 =	vld.idx.msk [tilespmem:v1+s29+$0x0], $0xffff;
	v17 =	vmul.f32 v17, v13;
	v20 =	vmul.f32 v20, v13  }
0x39d: {  	v13 =	vmul.f32 v22, v13;
	v7 =	vld.idx.msk [tilespmem:v1+s24+$0x0], $0xffff;
	v18 =	vmul.f32 v3, v18  }
0x39e: {  	v19 =	vmul.f32 v19, v12;
	v4 =	vadd.f32 $-1.000000000e+00, v4;
	v10 =	vmul.f32 v10, v12  }
0x39f: {  	v11 =	vmul.f32 v11, v8;
	v15 =	vmul.f32 v15, v8;
	v1 =	vld.idx.msk [tilespmem:v1+s5+$0x0], $0xffff;
	v18 =	vsub.f32 $1.500000000e+00, v18  }
0x3a0: {  	v8 =	vmul.f32 v24, v8;
	v10 =	vadd.f32 v17, v10;
	v17 =	vadd.f32 v20, v19  }
0x3a1: {  	v12 =	vmul.f32 v21, v12;
	v3 =	vmul.f32 v3, v18  }
0x3a2: {  	[tilespmem:s18+$0xE120] =	vst v0;
	v23 =	vmul.f32 v7, v4;
	v25 =	vmul.f32 v9, v4;
	v0 =	vadd.f32 v15, v17  }
0x3a3: {  	[tilespmem:s18+$0xE020] =	vst v14;
	v10 =	vadd.f32 v11, v10;
	v11 =	vadd.f32 v13, v12;
	v5 =	vmul.f32 v3, v5  }
0x3a4: {  	[tilespmem:s18+$0xE0A0] =	vst v16;
	v4 =	vmul.f32 v1, v4;
	v0 =	vadd.f32 v25, v0;
	v6 =	vmul.f32 v3, v6  }
0x3a5: {  	v2 =	vmul.f32 v3, v2;
	v3 =	vadd.f32 v23, v10;
	[tilespmem:s18+$0x4020] =	vst v5;
	v5 =	vadd.f32 v8, v11  }
0x3a6: {  	[tilespmem:s18+$0x40A0] =	vst v6  }
0x3a7: {  	[tilespmem:s18+$0x4120] =	vst v2;
	v6 =	vmul.f32 v0, v0;
	v4 =	vadd.f32 v4, v5;
	v5 =	vmul.f32 v3, v3  }
0x3a8: {  	v2 =	vld [tilespmem:s3+$0xFFFFFFF0]  }
0x3a9: {  	v8 =	vmul.f32 v4, v4;
	v5 =	vadd.f32 v6, v5;
	_ =	sdelay $0x1  }
0x3aa: {  	v5 =	vadd.f32 v8, v5  }
0x3ab: {  	v12 =	vld [tilespmem:s18+$0x16130]  }
0x3ac: {  	v10 =	vld [tilespmem:s18+$0x160B0];
	v11 =	vmul.f32 $5.000000000e-01, v5;
	v5 =	vshra.s32 v5, $0x1  }
0x3ad: {  	v6 =	vld [tilespmem:s18+$0x161B0];
	v5 =	vsub.s32 $0x5F3759DF, v5  }
0x3ae: {  	v8 =	vld [tilespmem:s18+$0x16230];
	v11 =	vmul.f32 v5, v11  }
0x3af: {  	v13 =	vld.idx.msk [tilespmem:v2+s24+$0x0], $0xffff  }
0x3b0: {  	v14 =	vld.idx.msk [tilespmem:v2+s23+$0x0], $0xffff;
	v11 =	vmul.f32 v5, v11  }
0x3b1: {  	v15 =	vld.idx.msk [tilespmem:v2+s30+$0x0], $0xffff  }
0x3b2: {  	v16 =	vld.idx.msk [tilespmem:v2+s14+$0x0], $0xffff;
	v11 =	vsub.f32 $1.500000000e+00, v11  }
0x3b3: {  	v17 =	vld.idx.msk [tilespmem:v2+s22+$0x0], $0xffff  }
0x3b4: {  	v18 =	vld.idx.msk [tilespmem:v2+s25+$0x0], $0xffff;
	v5 =	vmul.f32 v5, v11  }
0x3b5: {  	[tilespmem:s19+$0xE000] =	vst v7;
	v19 =	vld.idx.msk [tilespmem:v2+s26+$0x0], $0xffff  }
0x3b6: {  	[tilespmem:s19+$0xE080] =	vst v9;
	v20 =	vld.idx.msk [tilespmem:v2+s28+$0x0], $0xffff;
	v3 =	vmul.f32 v5, v3  }
0x3b7: {  	[tilespmem:s19+$0xE100] =	vst v1;
	v11 =	vld.idx.msk [tilespmem:v2+s31+$0x0], $0xffff;
	v0 =	vmul.f32 v5, v0  }
0x3b8: {  	v21 =	vld.idx.msk [tilespmem:v2+s0+$0x0], $0xffff;
	v7 =	vmul.f32 v16, v10;
	v4 =	vmul.f32 v5, v4;
	[tilespmem:s19+$0x4000] =	vst v3  }
0x3b9: {  	v16 =	vmul.f32 v17, v12;
	v5 =	vmul.f32 v14, v6;
	v14 =	vld.idx.msk [tilespmem:v2+s29+$0x0], $0xffff;
	[tilespmem:s19+$0x4080] =	vst v0  }
0x3ba: {  	v9 =	vmul.f32 v18, v10;
	v17 =	vmul.f32 v19, v12;
	v2 =	vld.idx.msk [tilespmem:v2+s5+$0x0], $0xffff;
	[tilespmem:s19+$0x4100] =	vst v4  }
0x3bb: {  	v1 =	vadd.f32 $-1.000000000e+00, v8;
	v8 =	vmul.f32 v15, v10;
	v3 =	vadd.f32 v16, v7;
	v4 =	vld [tilespmem:s16+$0xFFFFFFD0]  }
0x3bc: {  	v7 =	vadd.f32 v17, v9;
	v9 =	vmul.f32 v20, v6;
	v10 =	vmul.f32 v11, v12  }
0x3bd: {  	v6 =	vmul.f32 v21, v6;
	v12 =	vmul.f32 v13, v1;
	v0 =	vadd.f32 v5, v3  }
0x3be: {  	v3 =	vadd.f32 v9, v7;
	v8 =	vadd.f32 v10, v8;
	v5 =	vmul.f32 v14, v1  }
0x3bf: {  	v0 =	vadd.f32 v12, v0  }
0x3c0: {  	v11 =	vld [tilespmem:s19+$0x16190];
	v1 =	vmul.f32 v2, v1;
	v6 =	vadd.f32 v6, v8;
	v3 =	vadd.f32 v5, v3  }
0x3c1: {  	v7 =	vld [tilespmem:s19+$0x16210]  }
0x3c2: {  	v9 =	vld [tilespmem:s19+$0x16110];
	v5 =	vmul.f32 v0, v0;
	v1 =	vadd.f32 v1, v6;
	v6 =	vmul.f32 v3, v3  }
0x3c3: {  	v12 =	vld.idx.msk [tilespmem:v4+s23+$0x0], $0xffff  }
0x3c4: {  	v5 =	vadd.f32 v6, v5;
	v6 =	vmul.f32 v1, v1;
	v15 =	vld.idx.msk [tilespmem:v4+s30+$0x0], $0xffff  }
0x3c5: {  	v16 =	vld.idx.msk [tilespmem:v4+s14+$0x0], $0xffff  }
0x3c6: {  	v17 =	vld.idx.msk [tilespmem:v4+s22+$0x0], $0xffff;
	v5 =	vadd.f32 v6, v5  }
0x3c7: {  	v18 =	vld.idx.msk [tilespmem:v4+s25+$0x0], $0xffff  }
0x3c8: {  	v19 =	vld.idx.msk [tilespmem:v4+s26+$0x0], $0xffff;
	v8 =	vmul.f32 $5.000000000e-01, v5;
	v5 =	vshra.s32 v5, $0x1  }
0x3c9: {  	v6 =	vld [tilespmem:s19+$0x16090];
	v5 =	vsub.s32 $0x5F3759DF, v5  }
0x3ca: {  	v20 =	vld.idx.msk [tilespmem:v4+s31+$0x0], $0xffff;
	v8 =	vmul.f32 v5, v8  }
0x3cb: {  	v21 =	vld.idx.msk [tilespmem:v4+s28+$0x0], $0xffff  }
0x3cc: {  	v22 =	vld.idx.msk [tilespmem:v4+s0+$0x0], $0xffff;
	v12 =	vmul.f32 v12, v11;
	v8 =	vmul.f32 v5, v8  }
0x3cd: {  	v10 =	vld.idx.msk [tilespmem:v4+s24+$0x0], $0xffff;
	v17 =	vmul.f32 v17, v9;
	v19 =	vmul.f32 v19, v9  }
0x3ce: {  	v23 =	vld.idx.msk [tilespmem:v4+s29+$0x0], $0xffff;
	v16 =	vmul.f32 v16, v6;
	v18 =	vmul.f32 v18, v6;
	v8 =	vsub.f32 $1.500000000e+00, v8  }
0x3cf: {  	v7 =	vadd.f32 $-1.000000000e+00, v7;
	v6 =	vmul.f32 v15, v6;
	v15 =	vld.idx.msk [tilespmem:v4+s5+$0x0], $0xffff;
	v4 =	vmul.f32 v20, v9  }
0x3d0: {  	[tilespmem:s18+$0xE030] =	vst v13;
	v9 =	vadd.f32 v17, v16;
	v13 =	vadd.f32 v19, v18;
	v5 =	vmul.f32 v5, v8  }
0x3d1: {  	v16 =	vmul.f32 v21, v11;
	v4 =	vadd.f32 v4, v6;
	v6 =	vmul.f32 v22, v11  }
0x3d2: {  	[tilespmem:s18+$0xE130] =	vst v2;
	v2 =	vadd.f32 v12, v9;
	v8 =	vmul.f32 v10, v7;
	v0 =	vmul.f32 v5, v0  }
0x3d3: {  	[tilespmem:s18+$0xE0B0] =	vst v14;
	v11 =	vmul.f32 v23, v7;
	v9 =	vadd.f32 v16, v13;
	v3 =	vmul.f32 v5, v3  }
0x3d4: {  	v2 =	vadd.f32 v8, v2;
	[tilespmem:s18+$0x4030] =	vst v0;
	v0 =	vmul.f32 v5, v1  }
0x3d5: {  	v1 =	vadd.f32 v6, v4;
	[tilespmem:s18+$0x40B0] =	vst v3;
	v3 =	vmul.f32 v15, v7;
	v4 =	vadd.f32 v11, v9  }
0x3d6: {  	[tilespmem:s18+$0x4130] =	vst v0  }
0x3d7: {  	v3 =	vadd.f32 v3, v1;
	v1 =	vmul.f32 v2, v2;
	v6 =	vmul.f32 v4, v4;
	v5 =	vld [tilespmem:s3+$0x0];
	_ =	sdelay $0x1  }
0x3d8: {  	v12 =	vld [tilespmem:s18+$0x16140];
	v7 =	vmul.f32 v3, v3;
	v6 =	vadd.f32 v6, v1  }
0x3d9: {  	v8 =	vld [tilespmem:s18+$0x161C0]  }
0x3da: {  	v9 =	vld [tilespmem:s18+$0x160C0];
	v6 =	vadd.f32 v7, v6  }
0x3db: {  	v0 =	vld [tilespmem:s18+$0x161D0]  }
0x3dc: {  	v1 =	vld [tilespmem:s18+$0x16250];
	v11 =	vmul.f32 $5.000000000e-01, v6;
	v6 =	vshra.s32 v6, $0x1  }
0x3dd: {  	v7 =	vld [tilespmem:s18+$0x16240];
	v6 =	vsub.s32 $0x5F3759DF, v6  }
0x3de: {  	v11 =	vmul.f32 v6, v11;
	v13 =	vld.idx.msk [tilespmem:v5+s24+$0x0], $0xffff  }
0x3df: {  	v16 =	vld.idx.msk [tilespmem:v5+s30+$0x0], $0xffff  }
0x3e0: {  	v17 =	vld.idx.msk [tilespmem:v5+s14+$0x0], $0xffff;
	v11 =	vmul.f32 v6, v11  }
0x3e1: {  	v18 =	vld.idx.msk [tilespmem:v5+s22+$0x0], $0xffff  }
0x3e2: {  	v19 =	vld.idx.msk [tilespmem:v5+s25+$0x0], $0xffff;
	v11 =	vsub.f32 $1.500000000e+00, v11  }
0x3e3: {  	v20 =	vld.idx.msk [tilespmem:v5+s26+$0x0], $0xffff  }
0x3e4: {  	v6 =	vmul.f32 v6, v11;
	v11 =	vld.idx.msk [tilespmem:v5+s31+$0x0], $0xffff  }
0x3e5: {  	[tilespmem:s19+$0xE010] =	vst v10;
	v14 =	vld.idx.msk [tilespmem:v5+s23+$0x0], $0xffff;
	v10 =	vmul.f32 v16, v9  }
0x3e6: {  	v21 =	vld.idx.msk [tilespmem:v5+s28+$0x0], $0xffff;
	v17 =	vmul.f32 v17, v9;
	v18 =	vmul.f32 v18, v12  }
0x3e7: {  	[tilespmem:s19+$0xE090] =	vst v23;
	v24 =	vld.idx.msk [tilespmem:v5+s0+$0x0], $0xffff;
	v9 =	vmul.f32 v19, v9;
	v2 =	vmul.f32 v6, v2  }
0x3e8: {  	[tilespmem:s19+$0xE110] =	vst v15;
	v16 =	vld.idx.msk [tilespmem:v5+s29+$0x0], $0xffff;
	v15 =	vmul.f32 v20, v12;
	v22 =	vmul.f32 v6, v4  }
0x3e9: {  	v19 =	vld.idx.msk [tilespmem:v5+s5+$0x0], $0xffff;
	v3 =	vmul.f32 v6, v3;
	[tilespmem:s19+$0x4010] =	vst v2;
	v5 =	vmul.f32 v11, v12  }
0x3ea: {  	s1 =	simm.s32 $0x9140;
	v7 =	vadd.f32 $-1.000000000e+00, v7;
	v4 =	vld [tilespmem:s18+$0x160D0];
	v2 =	vmul.f32 v14, v8;
	[tilespmem:s19+$0x4090] =	vst v22;
	v11 =	vadd.f32 v18, v17  }
0x3eb: {  	v9 =	vadd.f32 v15, v9;
	[tilespmem:s19+$0x4110] =	vst v3;
	v12 =	vmul.f32 v21, v8;
	v10 =	vadd.f32 v5, v10;
	v5 =	vld [tilespmem:s1+$0xFFFFFFC0]  }
0x3ec: {  	v8 =	vmul.f32 v24, v8;
	v2 =	vadd.f32 v2, v11;
	v11 =	vld [tilespmem:s16+$0xFFFFFFE0]  }
0x3ed: {  	v6 =	vld [tilespmem:s18+$0x16150];
	v14 =	vmul.f32 v13, v7;
	v3 =	vmul.f32 v16, v7;
	v9 =	vadd.f32 v12, v9  }
0x3ee: {  	s10 =	simm.s32 $0x400;
	v15 =	vld [tilespmem:s19+$0x160A0];
	v8 =	vadd.f32 v8, v10  }
0x3ef: {  	v7 =	vmul.f32 v19, v7;
	v17 =	vld [tilespmem:s10+$0x16180];
	v12 =	vadd.f32 v14, v2;
	v9 =	vadd.f32 v3, v9  }
0x3f0: {  	v10 =	vld [tilespmem:s19+$0x161A0]  }
0x3f1: {  	v14 =	vld [tilespmem:s19+$0x16220];
	v7 =	vadd.f32 v7, v8;
	v2 =	vmul.f32 v12, v12;
	v3 =	vmul.f32 v9, v9  }
0x3f2: {  	v8 =	vld [tilespmem:s19+$0x16120]  }
0x3f3: {  	v3 =	vadd.f32 v3, v2;
	v20 =	vmul.f32 v7, v7;
	v2 =	vld.idx.msk [tilespmem:v5+s24+$0x0], $0xffff  }
0x3f4: {  	v21 =	vld.idx.msk [tilespmem:v11+s23+$0x0], $0xffff  }
0x3f5: {  	v3 =	vadd.f32 v20, v3;
	v20 =	vld.idx.msk [tilespmem:v11+s28+$0x0], $0xffff  }
0x3f6: {  	v22 =	vld.idx.msk [tilespmem:v11+s30+$0x0], $0xffff  }
0x3f7: {  	v26 =	vld.idx.msk [tilespmem:v11+s22+$0x0], $0xffff;
	v23 =	vmul.f32 $5.000000000e-01, v3;
	v3 =	vshra.s32 v3, $0x1  }
0x3f8: {  	v27 =	vld.idx.msk [tilespmem:v11+s26+$0x0], $0xffff;
	v25 =	vsub.s32 $0x5F3759DF, v3  }
0x3f9: {  	v29 =	vld.idx.msk [tilespmem:v11+s31+$0x0], $0xffff;
	v3 =	vmul.f32 v25, v23  }
0x3fa: {  	v24 =	vld.idx.msk [tilespmem:v11+s14+$0x0], $0xffff  }
0x3fb: {  	v30 =	vld.idx.msk [tilespmem:v11+s24+$0x0], $0xffff;
	v28 =	vmul.f32 v25, v3  }
0x3fc: {  	v31 =	vld.idx.msk [tilespmem:v11+s0+$0x0], $0xffff  }
0x3fd: {  	[tilespmem:s18+$0xE0C0] =	vst v16;
	v23 =	vld.idx.msk [tilespmem:v11+s25+$0x0], $0xffff;
	v22 =	vmul.f32 v22, v15;
	v26 =	vmul.f32 v26, v8;
	v28 =	vsub.f32 $1.500000000e+00, v28  }
0x3fe: {  	[tilespmem:s18+$0xE140] =	vst v19;
	v19 =	vld.idx.msk [tilespmem:v5+s23+$0x0], $0xffff;
	v16 =	vmul.f32 v27, v8;
	v8 =	vmul.f32 v29, v8  }
0x3ff: {  	v3 =	vld.idx.msk [tilespmem:v5+s29+$0x0], $0xffff;
	v25 =	vmul.f32 v25, v28  }
0x400: {  	v8 =	vadd.f32 v8, v22;
	v22 =	vld.idx.msk [tilespmem:v5+s28+$0x0], $0xffff  }
0x401: {  	v24 =	vmul.f32 v24, v15;
	v28 =	vld.idx.msk [tilespmem:v11+s29+$0x0], $0xffff;
	v12 =	vmul.f32 v25, v12  }
0x402: {  	[tilespmem:s18+$0xE040] =	vst v13;
	v13 =	vmul.f32 v23, v15;
	v15 =	vld.idx.msk [tilespmem:v5+s0+$0x0], $0xffff;
	v9 =	vmul.f32 v25, v9  }
0x403: {  	v14 =	vadd.f32 $-1.000000000e+00, v14;
	v21 =	vmul.f32 v21, v10;
	v11 =	vld.idx.msk [tilespmem:v11+s5+$0x0], $0xffff;
	v7 =	vmul.f32 v25, v7;
	[tilespmem:s18+$0x4040] =	vst v12  }
0x404: {  	v18 =	vld [tilespmem:s10+$0x16200];
	v23 =	vadd.f32 v26, v24;
	v13 =	vadd.f32 v16, v13;
	v12 =	vmul.f32 v20, v10;
	[tilespmem:s18+$0x40C0] =	vst v9  }
0x405: {  	v24 =	vld.idx.msk [tilespmem:v5+s22+$0x0], $0xffff;
	v16 =	vmul.f32 v30, v14;
	v10 =	vmul.f32 v31, v10;
	[tilespmem:s18+$0x4140] =	vst v7  }
0x406: {  	v7 =	vadd.f32 v21, v23;
	v21 =	vld [tilespmem:s3+$0x10];
	v12 =	vadd.f32 v12, v13;
	v13 =	vmul.f32 v28, v14  }
0x407: {  	v26 =	vld.idx.msk [tilespmem:v5+s26+$0x0], $0xffff;
	v8 =	vadd.f32 v10, v8  }
0x408: {  	v25 =	vld.idx.msk [tilespmem:v5+s25+$0x0], $0xffff;
	v7 =	vadd.f32 v16, v7;
	v12 =	vadd.f32 v13, v12;
	v13 =	vmul.f32 v11, v14  }
0x409: {  	v20 =	vld [tilespmem:s10+$0x16080]  }
0x40a: {  	v9 =	vld [tilespmem:s10+$0x16100];
	v8 =	vadd.f32 v13, v8;
	v13 =	vmul.f32 v7, v7;
	v23 =	vmul.f32 v12, v12  }
0x40b: {  	v10 =	vld.idx.msk [tilespmem:v5+s30+$0x0], $0xffff  }
0x40c: {  	v16 =	vld.idx.msk [tilespmem:v5+s14+$0x0], $0xffff;
	v13 =	vadd.f32 v23, v13;
	v23 =	vmul.f32 v8, v8  }
0x40d: {  	v14 =	vld.idx.msk [tilespmem:v5+s31+$0x0], $0xffff  }
0x40e: {  	v18 =	vadd.f32 $-1.000000000e+00, v18;
	v27 =	vld.idx.msk [tilespmem:v21+s23+$0x0], $0xffff;
	v13 =	vadd.f32 v23, v13  }
0x40f: {  	v31 =	vld.idx.msk [tilespmem:v21+s30+$0x0], $0xffff  }
0x410: {  	v55 =	vmul.f32 v2, v18;
	v56 =	vld.idx.msk [tilespmem:v21+s14+$0x0], $0xffff;
	v29 =	vmul.f32 $5.000000000e-01, v13;
	v13 =	vshra.s32 v13, $0x1  }
0x411: {  	v19 =	vmul.f32 v19, v17;
	v57 =	vmul.f32 v3, v18;
	v58 =	vld.idx.msk [tilespmem:v21+s22+$0x0], $0xffff;
	v13 =	vsub.s32 $0x5F3759DF, v13  }
0x412: {  	v15 =	vmul.f32 v15, v17;
	v36 =	vld.idx.msk [tilespmem:v21+s25+$0x0], $0xffff;
	v29 =	vmul.f32 v13, v29  }
0x413: {  	v17 =	vmul.f32 v22, v17;
	v24 =	vmul.f32 v24, v9;
	v37 =	vld.idx.msk [tilespmem:v21+s31+$0x0], $0xffff  }
0x414: {  	v10 =	vmul.f32 v10, v20;
	v22 =	vmul.f32 v13, v29;
	v29 =	vld.idx.msk [tilespmem:v21+s26+$0x0], $0xffff  }
0x415: {  	v16 =	vmul.f32 v16, v20;
	v20 =	vmul.f32 v25, v20;
	v38 =	vld.idx.msk [tilespmem:v21+s28+$0x0], $0xffff  }
0x416: {  	v1 =	vadd.f32 $-1.000000000e+00, v1;
	v14 =	vmul.f32 v14, v9;
	v9 =	vmul.f32 v26, v9;
	v25 =	vld.idx.msk [tilespmem:v21+s0+$0x0], $0xffff  }
0x417: {  	v16 =	vadd.f32 v24, v16;
	v23 =	vld.idx.msk [tilespmem:v21+s24+$0x0], $0xffff;
	v26 =	vmul.f32 v27, v0;
	v33 =	vmul.f32 v56, v4  }
0x418: {  	v9 =	vadd.f32 v9, v20;
	v27 =	vld.idx.msk [tilespmem:v21+s29+$0x0], $0xffff;
	v35 =	vmul.f32 v58, v6;
	v36 =	vmul.f32 v36, v4  }
0x419: {  	v10 =	vadd.f32 v14, v10;
	v4 =	vmul.f32 v31, v4;
	v29 =	vmul.f32 v29, v6  }
0x41a: {  	v59 =	vmul.f32 v38, v0;
	v21 =	vld.idx.msk [tilespmem:v21+s5+$0x0], $0xffff;
	v22 =	vsub.f32 $1.500000000e+00, v22;
	v6 =	vmul.f32 v37, v6  }
0x41b: {  	v0 =	vmul.f32 v25, v0;
	v31 =	vadd.f32 v35, v33;
	v29 =	vadd.f32 v29, v36  }
0x41c: {  	v60 =	vmul.f32 v23, v1;
	v13 =	vmul.f32 v13, v22;
	v4 =	vadd.f32 v6, v4  }
0x41d: {  	v5 =	vld.idx.msk [tilespmem:v5+s5+$0x0], $0xffff;
	v6 =	vadd.f32 v26, v31;
	v26 =	vmul.f32 v27, v1;
	v25 =	vadd.f32 v59, v29  }
0x41e: {  	[tilespmem:s19+$0xE020] =	vst v30;
	v14 =	vadd.f32 v19, v16;
	v7 =	vmul.f32 v13, v7;
	v0 =	vadd.f32 v0, v4  }
0x41f: {  	[tilespmem:s19+$0xE0A0] =	vst v28;
	v1 =	vmul.f32 v21, v1;
	v4 =	vadd.f32 v60, v6;
	v6 =	vadd.f32 v26, v25  }
0x420: {  	v12 =	vmul.f32 v13, v12;
	[tilespmem:s19+$0x4020] =	vst v7;
	v7 =	vmul.f32 v13, v8;
	v8 =	vadd.f32 v17, v9  }
0x421: {  	[tilespmem:s19+$0xE120] =	vst v11;
	v11 =	vadd.f32 v1, v0;
	v0 =	vmul.f32 v4, v4;
	v1 =	vmul.f32 v6, v6  }
0x422: {  	v30 =	vld [tilespmem:s10+$0x16110];
	v10 =	vadd.f32 v15, v10;
	[tilespmem:s19+$0x40A0] =	vst v12;
	v12 =	vadd.f32 v55, v14;
	v13 =	vmul.f32 v5, v18  }
0x423: {  	v19 =	vld [tilespmem:s19+$0x16230];
	[tilespmem:s19+$0x4120] =	vst v7;
	v7 =	vadd.f32 v57, v8;
	v9 =	vmul.f32 v11, v11;
	v1 =	vadd.f32 v1, v0  }
0x424: {  	v10 =	vadd.f32 v13, v10;
	v8 =	vld [tilespmem:s16+$0xFFFFFFF0]  }
0x425: {  	v20 =	vld [tilespmem:s19+$0x16130];
	v13 =	vmul.f32 v12, v12;
	v14 =	vmul.f32 v7, v7;
	v9 =	vadd.f32 v9, v1  }
0x426: {  	v15 =	vld [tilespmem:s18+$0x161E0];
	v18 =	vmul.f32 v10, v10  }
0x427: {  	v17 =	vld [tilespmem:s18+$0x16260];
	v13 =	vadd.f32 v14, v13;
	v16 =	vmul.f32 $5.000000000e-01, v9;
	v9 =	vshra.s32 v9, $0x1  }
0x428: {  	v14 =	vld [tilespmem:s19+$0x161B0];
	v9 =	vsub.s32 $0x5F3759DF, v9  }
0x429: {  	v0 =	vld [tilespmem:s18+$0x161F0];
	v13 =	vadd.f32 v18, v13;
	v16 =	vmul.f32 v9, v16  }
0x42a: {  	v18 =	vld [tilespmem:s19+$0x160B0]  }
0x42b: {  	v1 =	vld [tilespmem:s18+$0x16270];
	v22 =	vmul.f32 $5.000000000e-01, v13;
	v13 =	vshra.s32 v13, $0x1;
	v16 =	vmul.f32 v9, v16  }
0x42c: {  	v24 =	vld.idx.msk [tilespmem:v8+s24+$0x0], $0xffff;
	v13 =	vsub.s32 $0x5F3759DF, v13  }
0x42d: {  	v25 =	vld.idx.msk [tilespmem:v8+s29+$0x0], $0xffff;
	v22 =	vmul.f32 v13, v22;
	v16 =	vsub.f32 $1.500000000e+00, v16  }
0x42e: {  	v26 =	vld.idx.msk [tilespmem:v8+s23+$0x0], $0xffff  }
0x42f: {  	[tilespmem:s18+$0xE050] =	vst v23;
	v23 =	vld.idx.msk [tilespmem:v8+s14+$0x0], $0xffff;
	v22 =	vmul.f32 v13, v22;
	v9 =	vmul.f32 v9, v16  }
0x430: {  	[tilespmem:s18+$0xE0D0] =	vst v27;
	v27 =	vld.idx.msk [tilespmem:v8+s22+$0x0], $0xffff  }
0x431: {  	[tilespmem:s18+$0xE150] =	vst v21;
	v21 =	vsub.f32 $1.500000000e+00, v22;
	v22 =	vld.idx.msk [tilespmem:v8+s25+$0x0], $0xffff;
	v4 =	vmul.f32 v9, v4  }
0x432: {  	[tilespmem:s10+$0xE080] =	vst v3;
	v16 =	vld.idx.msk [tilespmem:v8+s30+$0x0], $0xffff;
	v6 =	vmul.f32 v9, v6  }
0x433: {  	[tilespmem:s18+$0x4050] =	vst v4;
	v4 =	vmul.f32 v9, v11;
	v9 =	vld.idx.msk [tilespmem:v8+s26+$0x0], $0xffff  }
0x434: {  	[tilespmem:s18+$0x40D0] =	vst v6;
	v6 =	vmul.f32 v13, v21;
	v11 =	vld.idx.msk [tilespmem:v8+s31+$0x0], $0xffff  }
0x435: {  	[tilespmem:s18+$0x4150] =	vst v4;
	v4 =	vld.idx.msk [tilespmem:v8+s28+$0x0], $0xffff  }
0x436: {  	[tilespmem:s10+$0xE100] =	vst v5;
	v5 =	vmul.f32 v23, v18;
	v3 =	vmul.f32 v6, v10;
	v10 =	vld [tilespmem:s3+$0x20]  }
0x437: {  	[tilespmem:s10+$0xE000] =	vst v2;
	v13 =	vmul.f32 v27, v20;
	v2 =	vmul.f32 v6, v12;
	v12 =	vld.idx.msk [tilespmem:v8+s0+$0x0], $0xffff  }
0x438: {  	v21 =	vld [tilespmem:s18+$0x160E0];
	v16 =	vmul.f32 v16, v18;
	v7 =	vmul.f32 v6, v7  }
0x439: {  	v8 =	vld.idx.msk [tilespmem:v8+s5+$0x0], $0xffff;
	[tilespmem:s10+$0x4000] =	vst v2;
	v2 =	vmul.f32 v22, v18;
	v9 =	vmul.f32 v9, v20  }
0x43a: {  	v6 =	vmul.f32 v26, v14;
	v5 =	vadd.f32 v13, v5;
	v22 =	vld [tilespmem:s10+$0x16190];
	[tilespmem:s10+$0x4080] =	vst v7;
	v11 =	vmul.f32 v11, v20  }
0x43b: {  	v19 =	vadd.f32 $-1.000000000e+00, v19;
	v7 =	vld [tilespmem:s10+$0x16210];
	[tilespmem:s10+$0x4100] =	vst v3;
	v2 =	vadd.f32 v9, v2;
	v4 =	vmul.f32 v4, v14  }
0x43c: {  	v3 =	vadd.f32 v6, v5;
	v5 =	vld [tilespmem:s1+$0xFFFFFFD0];
	v11 =	vadd.f32 v11, v16;
	v12 =	vmul.f32 v12, v14  }
0x43d: {  	v13 =	vmul.f32 v24, v19;
	v9 =	vld [tilespmem:s18+$0x16160];
	v2 =	vadd.f32 v4, v2;
	v4 =	vmul.f32 v25, v19  }
0x43e: {  	v6 =	vadd.f32 v12, v11;
	v11 =	vld.idx.msk [tilespmem:v10+s24+$0x0], $0xffff  }
0x43f: {  	v3 =	vadd.f32 v13, v3;
	v4 =	vadd.f32 v4, v2;
	v2 =	vmul.f32 v8, v19;
	v12 =	vld.idx.msk [tilespmem:v10+s23+$0x0], $0xffff  }
0x440: {  	v16 =	vld.idx.msk [tilespmem:v10+s30+$0x0], $0xffff  }
0x441: {  	v18 =	vld.idx.msk [tilespmem:v10+s14+$0x0], $0xffff;
	v6 =	vadd.f32 v2, v6;
	v2 =	vmul.f32 v3, v3;
	v13 =	vmul.f32 v4, v4  }
0x442: {  	v19 =	vld.idx.msk [tilespmem:v10+s22+$0x0], $0xffff  }
0x443: {  	v20 =	vld.idx.msk [tilespmem:v10+s25+$0x0], $0xffff;
	v2 =	vadd.f32 v13, v2;
	v13 =	vmul.f32 v6, v6  }
0x444: {  	v23 =	vld.idx.msk [tilespmem:v10+s31+$0x0], $0xffff  }
0x445: {  	v2 =	vadd.f32 v13, v2;
	v13 =	vld.idx.msk [tilespmem:v10+s26+$0x0], $0xffff  }
0x446: {  	v27 =	vld.idx.msk [tilespmem:v10+s28+$0x0], $0xffff  }
0x447: {  	v28 =	vld.idx.msk [tilespmem:v10+s0+$0x0], $0xffff;
	v29 =	vmul.f32 v12, v15  }
0x448: {  	v17 =	vadd.f32 $-1.000000000e+00, v17;
	v31 =	vld.idx.msk [tilespmem:v10+s29+$0x0], $0xffff;
	v18 =	vmul.f32 v18, v21;
	v19 =	vmul.f32 v19, v9  }
0x449: {  	[tilespmem:s19+$0xE030] =	vst v24;
	v24 =	vadd.f32 $-1.000000000e+00, v7;
	v61 =	vld.idx.msk [tilespmem:v10+s5+$0x0], $0xffff;
	v16 =	vmul.f32 v16, v21;
	v10 =	vmul.f32 v20, v21  }
0x44a: {  	v14 =	vld [tilespmem:s10+$0x16090];
	v20 =	vmul.f32 v11, v17;
	v18 =	vadd.f32 v19, v18;
	v13 =	vmul.f32 v13, v9  }
0x44b: {  	v7 =	vld.idx.msk [tilespmem:v5+s28+$0x0], $0xffff;
	v26 =	vmul.f32 $5.000000000e-01, v2;
	v2 =	vshra.s32 v2, $0x1;
	v9 =	vmul.f32 v23, v9  }
0x44c: {  	v12 =	vld.idx.msk [tilespmem:v5+s24+$0x0], $0xffff;
	v2 =	vsub.s32 $0x5F3759DF, v2;
	v10 =	vadd.f32 v13, v10;
	v13 =	vmul.f32 v27, v15  }
0x44d: {  	v21 =	vld.idx.msk [tilespmem:v5+s23+$0x0], $0xffff;
	v26 =	vmul.f32 v2, v26;
	v9 =	vadd.f32 v9, v16;
	v15 =	vmul.f32 v28, v15  }
0x44e: {  	v19 =	vld.idx.msk [tilespmem:v5+s0+$0x0], $0xffff;
	v16 =	vadd.f32 v29, v18;
	v10 =	vadd.f32 v13, v10;
	v13 =	vmul.f32 v31, v17  }
0x44f: {  	v23 =	vld.idx.msk [tilespmem:v5+s30+$0x0], $0xffff;
	v18 =	vmul.f32 v2, v26;
	v9 =	vadd.f32 v15, v9  }
0x450: {  	v20 =	vadd.f32 v20, v16;
	v15 =	vld.idx.msk [tilespmem:v5+s14+$0x0], $0xffff;
	v27 =	vadd.f32 v13, v10;
	v10 =	vmul.f32 v61, v17  }
0x451: {  	v26 =	vld.idx.msk [tilespmem:v5+s31+$0x0], $0xffff;
	v13 =	vsub.f32 $1.500000000e+00, v18  }
0x452: {  	v16 =	vld.idx.msk [tilespmem:v5+s22+$0x0], $0xffff;
	v17 =	vmul.f32 v20, v20;
	v62 =	vadd.f32 v10, v9;
	v9 =	vmul.f32 v27, v27  }
0x453: {  	v28 =	vld.idx.msk [tilespmem:v5+s25+$0x0], $0xffff;
	v10 =	vmul.f32 v2, v13  }
0x454: {  	v19 =	vmul.f32 v19, v22;
	v13 =	vld.idx.msk [tilespmem:v5+s26+$0x0], $0xffff;
	v9 =	vadd.f32 v9, v17;
	v17 =	vmul.f32 v62, v62  }
0x455: {  	[tilespmem:s19+$0xE0B0] =	vst v25;
	v2 =	vld [tilespmem:s18+$0x160F0];
	v15 =	vmul.f32 v15, v14;
	v6 =	vmul.f32 v10, v6  }
0x456: {  	[tilespmem:s19+$0xE130] =	vst v8;
	v18 =	vmul.f32 v10, v3;
	v4 =	vmul.f32 v10, v4;
	v3 =	vld [tilespmem:s18+$0x16170];
	v8 =	vadd.f32 v17, v9  }
0x457: {  	v10 =	vmul.f32 v21, v22;
	v17 =	vld.idx.msk [tilespmem:v5+s29+$0x0], $0xffff;
	[tilespmem:s19+$0x4130] =	vst v6;
	v6 =	vmul.f32 v16, v30  }
0x458: {  	[tilespmem:s19+$0x4030] =	vst v18;
	v18 =	vld.idx.msk [tilespmem:v5+s5+$0x0], $0xffff;
	v16 =	vmul.f32 v28, v14;
	v5 =	vmul.f32 $5.000000000e-01, v8;
	v8 =	vshra.s32 v8, $0x1  }
0x459: {  	[tilespmem:s19+$0x40B0] =	vst v4;
	v4 =	vld [tilespmem:s19+$0x161D0];
	v14 =	vmul.f32 v23, v14;
	v13 =	vmul.f32 v13, v30;
	v8 =	vsub.s32 $0x5F3759DF, v8  }
0x45a: {  	v23 =	vmul.f32 v26, v30;
	v63 =	vld [tilespmem:s16+$0x0];
	v21 =	vmul.f32 v8, v5  }
0x45b: {  	v15 =	vadd.f32 v6, v15;
	v6 =	vld [tilespmem:s19+$0x16250];
	v13 =	vadd.f32 v13, v16;
	v16 =	vmul.f32 v7, v22  }
0x45c: {  	v9 =	vmul.f32 v12, v24;
	v14 =	vadd.f32 v23, v14;
	v7 =	vld [tilespmem:s19+$0x16150];
	v21 =	vmul.f32 v8, v21  }
0x45d: {  	v5 =	vld [tilespmem:s19+$0x160D0];
	v10 =	vadd.f32 v10, v15;
	v16 =	vadd.f32 v16, v13;
	v22 =	vmul.f32 v17, v24  }
0x45e: {  	v19 =	vadd.f32 v19, v14;
	v15 =	vld [tilespmem:s19+$0x16240];
	v21 =	vsub.f32 $1.500000000e+00, v21  }
0x45f: {  	v14 =	vld [tilespmem:s19+$0x160C0];
	v23 =	vmul.f32 v18, v24;
	v28 =	vadd.f32 v9, v10;
	v29 =	vadd.f32 v22, v16  }
0x460: {  	[tilespmem:s18+$0xE060] =	vst v11;
	v13 =	vld [tilespmem:s19+$0x161C0];
	v8 =	vmul.f32 v8, v21  }
0x461: {  	[tilespmem:s18+$0xE0E0] =	vst v31;
	v30 =	vadd.f32 v23, v19;
	v16 =	vld [tilespmem:s19+$0x16140];
	v19 =	vmul.f32 v28, v28;
	v11 =	vmul.f32 v29, v29  }
0x462: {  	[tilespmem:s18+$0xE160] =	vst v61;
	v9 =	vld.idx.msk [tilespmem:v63+s5+$0x0], $0xffff;
	v20 =	vmul.f32 v8, v20  }
0x463: {  	v10 =	vld.idx.msk [tilespmem:v63+s24+$0x0], $0xffff;
	v21 =	vmul.f32 v30, v30;
	v23 =	vadd.f32 v11, v19;
	v22 =	vmul.f32 v8, v27  }
0x464: {  	v25 =	vld.idx.msk [tilespmem:v63+s31+$0x0], $0xffff;
	v8 =	vmul.f32 v8, v62;
	[tilespmem:s18+$0x4060] =	vst v20  }
0x465: {  	v26 =	vld.idx.msk [tilespmem:v63+s25+$0x0], $0xffff;
	v21 =	vadd.f32 v21, v23;
	[tilespmem:s18+$0x40E0] =	vst v22  }
0x466: {  	v11 =	vld.idx.msk [tilespmem:v63+s29+$0x0], $0xffff;
	[tilespmem:s18+$0x4160] =	vst v8  }
0x467: {  	v8 =	vld [tilespmem:s3+$0x30];
	v23 =	vmul.f32 $5.000000000e-01, v21;
	v22 =	vshra.s32 v21, $0x1  }
0x468: {  	v19 =	vld.idx.msk [tilespmem:v63+s0+$0x0], $0xffff;
	v31 =	vsub.s32 $0x5F3759DF, v22  }
0x469: {  	v20 =	vld.idx.msk [tilespmem:v63+s23+$0x0], $0xffff;
	v24 =	vmul.f32 v31, v23  }
0x46a: {  	v21 =	vld.idx.msk [tilespmem:v63+s28+$0x0], $0xffff  }
0x46b: {  	v22 =	vld.idx.msk [tilespmem:v63+s30+$0x0], $0xffff;
	v27 =	vmul.f32 v31, v24  }
0x46c: {  	v23 =	vld.idx.msk [tilespmem:v63+s14+$0x0], $0xffff  }
0x46d: {  	v24 =	vld.idx.msk [tilespmem:v63+s22+$0x0], $0xffff;
	v32 =	vsub.f32 $1.500000000e+00, v27  }
0x46e: {  	s11 =	simm.s32 $0x9140;
	s3 =	simm.s32 $0x1800;
	v27 =	vld.idx.msk [tilespmem:v63+s26+$0x0], $0xffff  }
.LBB2_5:
0x46f: {  	p0 =	sne.s32 s3, $0xF800;
	v31 =	vmul.f32 v31, v32;
	v32 =	vld.idx.msk [tilespmem:v8+s24+$0x0], $0xffff  }
0x470: {  	v15 =	vadd.f32 $-1.000000000e+00, v15;
	v33 =	vld.idx.msk [tilespmem:v8+s23+$0x0], $0xffff  }
0x471: {  	[tilespmem:s10+$0xE010] =	vst v12;
	v12 =	vmul.f32 v31, v28;
	v28 =	vmul.f32 v31, v29;
	v29 =	vld.idx.msk [tilespmem:v8+s30+$0x0], $0xffff  }
0x472: {  	[tilespmem:s10+$0xE090] =	vst v17;
	v17 =	vmul.f32 v31, v30;
	v30 =	vmul.f32 v9, v15;
	v31 =	vld.idx.msk [tilespmem:v8+s14+$0x0], $0xffff  }
0x473: {  	[tilespmem:s10+$0xE110] =	vst v18;
	v18 =	vmul.f32 v22, v14;
	v22 =	vmul.f32 v25, v16;
	v25 =	vld.idx.msk [tilespmem:v8+s22+$0x0], $0xffff  }
0x474: {  	[tilespmem:s10+$0x4010] =	vst v12;
	v12 =	vmul.f32 v23, v14;
	v23 =	vmul.f32 v24, v16;
	v24 =	vld.idx.msk [tilespmem:v8+s25+$0x0], $0xffff  }
0x475: {  	v14 =	vmul.f32 v26, v14;
	v16 =	vmul.f32 v27, v16;
	v27 =	vadd.f32 $-1.000000000e+00, v1;
	[tilespmem:s10+$0x4090] =	vst v28;
	v26 =	vld.idx.msk [tilespmem:v8+s26+$0x0], $0xffff  }
0x476: {  	v19 =	vmul.f32 v19, v13;
	v1 =	vmul.f32 v20, v13;
	v18 =	vadd.f32 v22, v18;
	v20 =	vld.idx.msk [tilespmem:v8+s31+$0x0], $0xffff  }
0x477: {  	v13 =	vmul.f32 v21, v13;
	v12 =	vadd.f32 v23, v12;
	v14 =	vadd.f32 v16, v14;
	v16 =	vld.idx.msk [tilespmem:v8+s28+$0x0], $0xffff  }
0x478: {  	v21 =	vmul.f32 v10, v15;
	v15 =	vmul.f32 v11, v15;
	v18 =	vadd.f32 v19, v18;
	v19 =	vld.idx.msk [tilespmem:v8+s0+$0x0], $0xffff  }
0x479: {  	s1 =	sadd.s32 $0x80, s1;
	v22 =	vmul.f32 v33, v0;
	v12 =	vadd.f32 v1, v12;
	v13 =	vadd.f32 v13, v14;
	v14 =	vld.idx.msk [tilespmem:v8+s29+$0x0], $0xffff  }
0x47a: {  	v23 =	vmul.f32 v25, v3;
	v1 =	vld [tilespmem:s1+$0xFFFFFFC0];
	[tilespmem:s10+$0x4110] =	vst v17;
	v17 =	vadd.f32 v30, v18;
	v18 =	vmul.f32 v31, v2  }
0x47b: {  	v21 =	vadd.f32 v21, v12;
	v12 =	vmul.f32 v24, v2;
	v24 =	vmul.f32 v26, v3;
	v8 =	vld.idx.msk [tilespmem:v8+s5+$0x0], $0xffff  }
0x47c: {  	v15 =	vadd.f32 v15, v13;
	v2 =	vmul.f32 v29, v2;
	v3 =	vmul.f32 v20, v3;
	v25 =	vld [tilespmem:s11+$0xFFFFFFE0];
	[tilespmem:s18+$0xE070] =	vst v32  }
0x47d: {  	v13 =	vadd.f32 v23, v18;
	v12 =	vadd.f32 v24, v12;
	v16 =	vmul.f32 v16, v0;
	v20 =	vld [tilespmem:s10+$0x161A0]  }
0x47e: {  	v23 =	vmul.f32 v32, v27;
	v2 =	vadd.f32 v3, v2;
	v0 =	vmul.f32 v19, v0;
	v18 =	vld [tilespmem:s10+$0x16220]  }
0x47f: {  	v3 =	vadd.f32 v22, v13;
	v12 =	vadd.f32 v16, v12;
	v13 =	vmul.f32 v14, v27;
	v19 =	vld [tilespmem:s10+$0x160A0];
	[tilespmem:s18+$0xE0F0] =	vst v14  }
0x480: {  	s2 =	sshra.s32 s3, $0x2;
	v16 =	vmul.f32 v21, v21;
	v22 =	vmul.f32 v15, v15;
	v24 =	vadd.f32 v0, v2;
	v14 =	vld [tilespmem:s10+$0x16120]  }
0x481: {  	v23 =	vadd.f32 v23, v3;
	v26 =	vadd.f32 v13, v12;
	v3 =	vmul.f32 v8, v27;
	v0 =	vld [tilespmem:s2+$0x16180];
	[tilespmem:s18+$0xE170] =	vst v8  }
0x482: {  	v12 =	vmul.f32 v17, v17;
	v8 =	vadd.f32 v22, v16;
	v27 =	vld [tilespmem:s2+$0x16200]  }
0x483: {  	v16 =	vadd.f32 v3, v24;
	v3 =	vmul.f32 v23, v23;
	v13 =	vmul.f32 v26, v26;
	v2 =	vld.idx.msk [tilespmem:v1+s24+$0x0], $0xffff  }
0x484: {  	v8 =	vadd.f32 v12, v8;
	v22 =	vld.idx.msk [tilespmem:v25+s23+$0x0], $0xffff  }
0x485: {  	v3 =	vadd.f32 v13, v3;
	v13 =	vmul.f32 v16, v16;
	v12 =	vld.idx.msk [tilespmem:v25+s28+$0x0], $0xffff  }
0x486: {  	v28 =	vmul.f32 $5.000000000e-01, v8;
	v8 =	vshra.s32 v8, $0x1;
	v24 =	vld.idx.msk [tilespmem:v25+s30+$0x0], $0xffff  }
0x487: {  	v8 =	vsub.s32 $0x5F3759DF, v8;
	v3 =	vadd.f32 v13, v3;
	v29 =	vld.idx.msk [tilespmem:v25+s14+$0x0], $0xffff  }
0x488: {  	v13 =	vmul.f32 v8, v28;
	v30 =	vld.idx.msk [tilespmem:v25+s22+$0x0], $0xffff  }
0x489: {  	v31 =	vmul.f32 $5.000000000e-01, v3;
	v3 =	vshra.s32 v3, $0x1;
	v28 =	vld.idx.msk [tilespmem:v25+s25+$0x0], $0xffff  }
0x48a: {  	v13 =	vmul.f32 v8, v13;
	v33 =	vsub.s32 $0x5F3759DF, v3;
	v32 =	vld.idx.msk [tilespmem:v25+s26+$0x0], $0xffff  }
0x48b: {  	v31 =	vmul.f32 v33, v31;
	v3 =	vld.idx.msk [tilespmem:v1+s29+$0x0], $0xffff  }
0x48c: {  	v22 =	vmul.f32 v22, v20;
	v35 =	vmul.f32 v12, v20;
	v13 =	vsub.f32 $1.500000000e+00, v13;
	v34 =	vld.idx.msk [tilespmem:v25+s31+$0x0], $0xffff  }
0x48d: {  	v24 =	vmul.f32 v24, v19;
	v31 =	vmul.f32 v33, v31;
	v12 =	vld.idx.msk [tilespmem:v25+s24+$0x0], $0xffff  }
0x48e: {  	v29 =	vmul.f32 v29, v19;
	v8 =	vmul.f32 v8, v13;
	v36 =	vld.idx.msk [tilespmem:v25+s0+$0x0], $0xffff  }
0x48f: {  	v30 =	vmul.f32 v30, v14;
	v19 =	vmul.f32 v28, v19;
	v28 =	vsub.f32 $1.500000000e+00, v31;
	v13 =	vld.idx.msk [tilespmem:v25+s29+$0x0], $0xffff;
	[tilespmem:s19+$0xE040] =	vst v10  }
0x490: {  	v32 =	vmul.f32 v32, v14;
	v31 =	vld.idx.msk [tilespmem:v1+s0+$0x0], $0xffff;
	[tilespmem:s19+$0xE0C0] =	vst v11;
	v11 =	vmul.f32 v8, v21  }
0x491: {  	v10 =	vld.idx.msk [tilespmem:v25+s5+$0x0], $0xffff;
	[tilespmem:s19+$0xE140] =	vst v9;
	v9 =	vmul.f32 v8, v15;
	v15 =	vmul.f32 v33, v28  }
0x492: {  	v18 =	vadd.f32 $-1.000000000e+00, v18;
	v14 =	vmul.f32 v34, v14;
	v8 =	vmul.f32 v8, v17;
	v21 =	vld.idx.msk [tilespmem:v1+s23+$0x0], $0xffff;
	[tilespmem:s19+$0x4040] =	vst v11  }
0x493: {  	v17 =	vadd.f32 v30, v29;
	v19 =	vadd.f32 v32, v19;
	v11 =	vld [tilespmem:s2+$0x16080];
	[tilespmem:s19+$0x40C0] =	vst v9;
	v9 =	vmul.f32 v15, v16  }
0x494: {  	v25 =	vmul.f32 v12, v18;
	v14 =	vadd.f32 v14, v24;
	v20 =	vmul.f32 v36, v20;
	v16 =	vld [tilespmem:s2+$0x16100];
	[tilespmem:s19+$0x4140] =	vst v8  }
0x495: {  	v8 =	vadd.f32 v22, v17;
	v17 =	vadd.f32 v35, v19;
	v19 =	vmul.f32 v13, v18;
	v22 =	vld [tilespmem:s16+$0x10];
	[tilespmem:s18+$0x4170] =	vst v9  }
0x496: {  	v14 =	vadd.f32 v20, v14;
	v20 =	vmul.f32 v15, v23;
	v15 =	vmul.f32 v15, v26;
	v9 =	vld.idx.msk [tilespmem:v1+s28+$0x0], $0xffff  }
0x497: {  	v24 =	vadd.f32 v25, v8;
	v17 =	vadd.f32 v19, v17;
	v8 =	vmul.f32 v10, v18;
	v23 =	vld.idx.msk [tilespmem:v1+s30+$0x0], $0xffff  }
0x498: {  	v18 =	vld.idx.msk [tilespmem:v1+s31+$0x0], $0xffff;
	[tilespmem:s18+$0x4070] =	vst v20  }
0x499: {  	v14 =	vadd.f32 v8, v14;
	v8 =	vmul.f32 v24, v24;
	v20 =	vmul.f32 v17, v17;
	v19 =	vld.idx.msk [tilespmem:v1+s14+$0x0], $0xffff  }
0x49a: {  	v25 =	vld.idx.msk [tilespmem:v1+s22+$0x0], $0xffff;
	[tilespmem:s18+$0x40F0] =	vst v15;
	s18 =	smov.u32 s19;
	s19 =	smov.u32 s10;
	s10 =	smov.u32 s2  }
0x49b: {  	v8 =	vadd.f32 v20, v8;
	v20 =	vmul.f32 v14, v14;
	v15 =	vld.idx.msk [tilespmem:v1+s25+$0x0], $0xffff  }
0x49c: {  	v26 =	vld.idx.msk [tilespmem:v1+s26+$0x0], $0xffff  }
0x49d: {  	v20 =	vadd.f32 v20, v8;
	v8 =	vld.idx.msk [tilespmem:v22+s24+$0x0], $0xffff  }
0x49e: {  	v27 =	vadd.f32 $-1.000000000e+00, v27;
	v28 =	vld.idx.msk [tilespmem:v22+s23+$0x0], $0xffff  }
0x49f: {  	v29 =	vmul.f32 $5.000000000e-01, v20;
	v20 =	vshra.s32 v20, $0x1;
	v30 =	vld.idx.msk [tilespmem:v22+s30+$0x0], $0xffff  }
0x4a0: {  	v32 =	vmul.f32 v2, v27;
	v20 =	vsub.s32 $0x5F3759DF, v20;
	v33 =	vld.idx.msk [tilespmem:v22+s14+$0x0], $0xffff  }
0x4a1: {  	v34 =	vmul.f32 v3, v27;
	v29 =	vmul.f32 v20, v29;
	v35 =	vld.idx.msk [tilespmem:v22+s22+$0x0], $0xffff  }
0x4a2: {  	v31 =	vmul.f32 v31, v0;
	v21 =	vmul.f32 v21, v0;
	v36 =	vld.idx.msk [tilespmem:v22+s25+$0x0], $0xffff  }
0x4a3: {  	v0 =	vmul.f32 v9, v0;
	v9 =	vmul.f32 v20, v29;
	v29 =	vld.idx.msk [tilespmem:v22+s26+$0x0], $0xffff  }
0x4a4: {  	v23 =	vmul.f32 v23, v11;
	v18 =	vmul.f32 v18, v16;
	v37 =	vld.idx.msk [tilespmem:v22+s31+$0x0], $0xffff  }
0x4a5: {  	v19 =	vmul.f32 v19, v11;
	v25 =	vmul.f32 v25, v16;
	v9 =	vsub.f32 $1.500000000e+00, v9;
	v38 =	vld.idx.msk [tilespmem:v22+s28+$0x0], $0xffff  }
0x4a6: {  	v11 =	vmul.f32 v15, v11;
	v15 =	vmul.f32 v26, v16;
	v16 =	vld.idx.msk [tilespmem:v22+s0+$0x0], $0xffff  }
0x4a7: {  	v6 =	vadd.f32 $-1.000000000e+00, v6;
	v26 =	vmul.f32 v28, v4;
	v9 =	vmul.f32 v20, v9;
	v20 =	vld.idx.msk [tilespmem:v22+s29+$0x0], $0xffff  }
0x4a8: {  	v18 =	vadd.f32 v18, v23;
	v23 =	vmul.f32 v33, v5;
	v28 =	vmul.f32 v35, v7  }
0x4a9: {  	v19 =	vadd.f32 v25, v19;
	v25 =	vmul.f32 v36, v5;
	v29 =	vmul.f32 v29, v7;
	v22 =	vld.idx.msk [tilespmem:v22+s5+$0x0], $0xffff  }
0x4aa: {  	v11 =	vadd.f32 v15, v11;
	v5 =	vmul.f32 v30, v5;
	v7 =	vmul.f32 v37, v7  }
0x4ab: {  	v15 =	vadd.f32 v28, v23;
	v23 =	vadd.f32 v29, v25;
	v25 =	vmul.f32 v38, v4  }
0x4ac: {  	v5 =	vadd.f32 v7, v5;
	v4 =	vmul.f32 v16, v4;
	v28 =	vld.idx.msk [tilespmem:v1+s5+$0x0], $0xffff;
	v1 =	vmul.f32 v8, v6  }
0x4ad: {  	v7 =	vadd.f32 v26, v15;
	v15 =	vmul.f32 v20, v6;
	[tilespmem:s19+$0xE020] =	vst v12;
	v12 =	vadd.f32 v25, v23  }
0x4ae: {  	v16 =	vmul.f32 v9, v17;
	v4 =	vadd.f32 v4, v5;
	[tilespmem:s19+$0xE0A0] =	vst v13;
	v13 =	vmul.f32 v9, v24  }
0x4af: {  	v7 =	vadd.f32 v1, v7;
	v1 =	vmul.f32 v22, v6;
	[tilespmem:s19+$0xE120] =	vst v10;
	v10 =	vadd.f32 v15, v12  }
0x4b0: {  	v5 =	vadd.f32 v21, v19;
	v6 =	vadd.f32 v0, v11;
	v0 =	vmul.f32 v9, v14;
	[tilespmem:s19+$0x4020] =	vst v13  }
0x4b1: {  	v11 =	vadd.f32 v1, v4;
	v1 =	vmul.f32 v7, v7;
	[tilespmem:s19+$0x40A0] =	vst v16;
	v4 =	vmul.f32 v10, v10  }
0x4b2: {  	v12 =	vadd.f32 v32, v5;
	v5 =	vadd.f32 v31, v18;
	v9 =	vmul.f32 v28, v27;
	[tilespmem:s19+$0x4120] =	vst v0;
	v0 =	vld [tilespmem:s18+$0x161F0]  }
0x4b3: {  	v13 =	vadd.f32 v34, v6;
	v6 =	vmul.f32 v11, v11;
	v14 =	vld [tilespmem:s11+$0xFFFFFFF0];
	v4 =	vadd.f32 v4, v1  }
0x4b4: {  	v15 =	vadd.f32 v9, v5;
	v1 =	vld [tilespmem:s18+$0x16270]  }
0x4b5: {  	v16 =	vmul.f32 v13, v13;
	v5 =	vmul.f32 v12, v12;
	v4 =	vadd.f32 v6, v4;
	v6 =	vld [tilespmem:s18+$0x161E0]  }
0x4b6: {  	v17 =	vmul.f32 v15, v15;
	v9 =	vld [tilespmem:s18+$0x16260]  }
0x4b7: {  	v5 =	vadd.f32 v16, v5;
	v16 =	vld [tilespmem:s19+$0x161B0];
	v18 =	vmul.f32 $5.000000000e-01, v4;
	v4 =	vshra.s32 v4, $0x1  }
0x4b8: {  	v19 =	vld [tilespmem:s19+$0x16230];
	v21 =	vsub.s32 $0x5F3759DF, v4  }
0x4b9: {  	v4 =	vadd.f32 v17, v5;
	v17 =	vld [tilespmem:s19+$0x160B0];
	v18 =	vmul.f32 v21, v18  }
0x4ba: {  	v23 =	vld [tilespmem:s19+$0x16130]  }
0x4bb: {  	v24 =	vmul.f32 $5.000000000e-01, v4;
	v4 =	vshra.s32 v4, $0x1;
	v5 =	vld.idx.msk [tilespmem:v14+s24+$0x0], $0xffff;
	v18 =	vmul.f32 v21, v18  }
0x4bc: {  	v25 =	vsub.s32 $0x5F3759DF, v4;
	v4 =	vld.idx.msk [tilespmem:v14+s29+$0x0], $0xffff  }
0x4bd: {  	v24 =	vmul.f32 v25, v24;
	v26 =	vld.idx.msk [tilespmem:v14+s23+$0x0], $0xffff;
	v18 =	vsub.f32 $1.500000000e+00, v18  }
0x4be: {  	v27 =	vld.idx.msk [tilespmem:v14+s30+$0x0], $0xffff  }
0x4bf: {  	v24 =	vmul.f32 v25, v24;
	v29 =	vld.idx.msk [tilespmem:v14+s14+$0x0], $0xffff;
	v18 =	vmul.f32 v21, v18  }
0x4c0: {  	v21 =	vld.idx.msk [tilespmem:v14+s22+$0x0], $0xffff;
	[tilespmem:s18+$0xE050] =	vst v8  }
0x4c1: {  	v8 =	vsub.f32 $1.500000000e+00, v24;
	v24 =	vld.idx.msk [tilespmem:v14+s25+$0x0], $0xffff;
	[tilespmem:s18+$0xE0D0] =	vst v20;
	v7 =	vmul.f32 v18, v7  }
0x4c2: {  	v10 =	vmul.f32 v18, v10;
	v20 =	vld.idx.msk [tilespmem:v14+s26+$0x0], $0xffff;
	[tilespmem:s18+$0xE150] =	vst v22  }
0x4c3: {  	v8 =	vmul.f32 v25, v8;
	v22 =	vld.idx.msk [tilespmem:v14+s31+$0x0], $0xffff;
	[tilespmem:s18+$0x4050] =	vst v7;
	v7 =	vmul.f32 v18, v11  }
0x4c4: {  	v11 =	vld.idx.msk [tilespmem:v14+s28+$0x0], $0xffff;
	[tilespmem:s18+$0x40D0] =	vst v10  }
0x4c5: {  	v10 =	vmul.f32 v8, v12;
	v12 =	vmul.f32 v8, v13;
	v13 =	vld.idx.msk [tilespmem:v14+s0+$0x0], $0xffff;
	[tilespmem:s18+$0x4150] =	vst v7  }
0x4c6: {  	v8 =	vmul.f32 v8, v15;
	v15 =	vmul.f32 v26, v16;
	v18 =	vld [tilespmem:s16+$0x20]  }
0x4c7: {  	v21 =	vmul.f32 v21, v23;
	[tilespmem:s10+$0xE000] =	vst v2;
	v2 =	vmul.f32 v29, v17;
	v25 =	vld [tilespmem:s18+$0x160E0]  }
0x4c8: {  	v20 =	vmul.f32 v20, v23;
	[tilespmem:s10+$0xE080] =	vst v3;
	v3 =	vld.idx.msk [tilespmem:v14+s5+$0x0], $0xffff;
	v14 =	vmul.f32 v24, v17  }
0x4c9: {  	v19 =	vadd.f32 $-1.000000000e+00, v19;
	v17 =	vmul.f32 v27, v17;
	v22 =	vmul.f32 v22, v23;
	[tilespmem:s10+$0xE100] =	vst v28;
	v23 =	vld [tilespmem:s18+$0x16160]  }
0x4ca: {  	v2 =	vadd.f32 v21, v2;
	v11 =	vmul.f32 v11, v16;
	[tilespmem:s10+$0x4000] =	vst v10;
	v7 =	vld [tilespmem:s10+$0x16190];
	v10 =	vadd.f32 v20, v14  }
0x4cb: {  	v17 =	vadd.f32 v22, v17;
	v13 =	vmul.f32 v13, v16;
	[tilespmem:s10+$0x4080] =	vst v12;
	v14 =	vld [tilespmem:s10+$0x16210];
	v12 =	vmul.f32 v5, v19  }
0x4cc: {  	v2 =	vadd.f32 v15, v2;
	[tilespmem:s10+$0x4100] =	vst v8;
	v16 =	vld [tilespmem:s10+$0x16090];
	v8 =	vadd.f32 v11, v10;
	v10 =	vmul.f32 v4, v19  }
0x4cd: {  	v13 =	vadd.f32 v13, v17;
	v11 =	vld [tilespmem:s1+$0xFFFFFFD0]  }
0x4ce: {  	v15 =	vadd.f32 v12, v2;
	v2 =	vmul.f32 v3, v19;
	v10 =	vadd.f32 v10, v8;
	v8 =	vld.idx.msk [tilespmem:v18+s24+$0x0], $0xffff  }
0x4cf: {  	v12 =	vld.idx.msk [tilespmem:v18+s23+$0x0], $0xffff  }
0x4d0: {  	v13 =	vadd.f32 v2, v13;
	v2 =	vmul.f32 v15, v15;
	v17 =	vmul.f32 v10, v10;
	v19 =	vld.idx.msk [tilespmem:v18+s30+$0x0], $0xffff  }
0x4d1: {  	v20 =	vld.idx.msk [tilespmem:v18+s14+$0x0], $0xffff  }
0x4d2: {  	v2 =	vadd.f32 v17, v2;
	v17 =	vmul.f32 v13, v13;
	v21 =	vld.idx.msk [tilespmem:v18+s22+$0x0], $0xffff  }
0x4d3: {  	v22 =	vld.idx.msk [tilespmem:v18+s25+$0x0], $0xffff  }
0x4d4: {  	v2 =	vadd.f32 v17, v2;
	v17 =	vld.idx.msk [tilespmem:v18+s26+$0x0], $0xffff  }
0x4d5: {  	v24 =	vld.idx.msk [tilespmem:v18+s31+$0x0], $0xffff  }
0x4d6: {  	v26 =	vmul.f32 $5.000000000e-01, v2;
	v2 =	vshra.s32 v2, $0x1;
	v27 =	vld.idx.msk [tilespmem:v18+s28+$0x0], $0xffff  }
0x4d7: {  	v2 =	vsub.s32 $0x5F3759DF, v2;
	v28 =	vld.idx.msk [tilespmem:v18+s0+$0x0], $0xffff  }
0x4d8: {  	v29 =	vmul.f32 v12, v6;
	v26 =	vmul.f32 v2, v26;
	v31 =	vld.idx.msk [tilespmem:v18+s29+$0x0], $0xffff  }
0x4d9: {  	v20 =	vmul.f32 v20, v25;
	v21 =	vmul.f32 v21, v23;
	v30 =	vld [tilespmem:s10+$0x16110]  }
0x4da: {  	v17 =	vmul.f32 v17, v23;
	v32 =	vld.idx.msk [tilespmem:v18+s5+$0x0], $0xffff;
	v18 =	vmul.f32 v22, v25  }
0x4db: {  	v9 =	vadd.f32 $-1.000000000e+00, v9;
	v19 =	vmul.f32 v19, v25;
	v22 =	vmul.f32 v24, v23;
	v12 =	vld.idx.msk [tilespmem:v11+s24+$0x0], $0xffff  }
0x4dc: {  	v20 =	vadd.f32 v21, v20;
	v23 =	vld.idx.msk [tilespmem:v11+s0+$0x0], $0xffff;
	v17 =	vadd.f32 v17, v18;
	v18 =	vmul.f32 v27, v6  }
0x4dd: {  	v24 =	vmul.f32 v8, v9;
	v19 =	vadd.f32 v22, v19;
	v6 =	vmul.f32 v28, v6;
	v21 =	vld.idx.msk [tilespmem:v11+s23+$0x0], $0xffff  }
0x4de: {  	v20 =	vadd.f32 v29, v20;
	v22 =	vld.idx.msk [tilespmem:v11+s30+$0x0], $0xffff;
	v17 =	vadd.f32 v18, v17;
	v18 =	vmul.f32 v31, v9  }
0x4df: {  	v26 =	vmul.f32 v2, v26;
	v6 =	vadd.f32 v6, v19;
	v25 =	vld.idx.msk [tilespmem:v11+s31+$0x0], $0xffff  }
0x4e0: {  	v20 =	vadd.f32 v24, v20;
	v9 =	vmul.f32 v32, v9;
	v19 =	vld.idx.msk [tilespmem:v11+s14+$0x0], $0xffff;
	v24 =	vadd.f32 v18, v17  }
0x4e1: {  	v14 =	vadd.f32 $-1.000000000e+00, v14;
	v17 =	vsub.f32 $1.500000000e+00, v26;
	v27 =	vld.idx.msk [tilespmem:v11+s22+$0x0], $0xffff  }
0x4e2: {  	v33 =	vadd.f32 v9, v6;
	v6 =	vmul.f32 v20, v20;
	v26 =	vld.idx.msk [tilespmem:v11+s25+$0x0], $0xffff;
	v9 =	vmul.f32 v24, v24  }
0x4e3: {  	v18 =	vmul.f32 v2, v17;
	v28 =	vld.idx.msk [tilespmem:v11+s26+$0x0], $0xffff  }
0x4e4: {  	v29 =	vmul.f32 v12, v14;
	[tilespmem:s19+$0xE030] =	vst v5;
	v5 =	vadd.f32 v9, v6;
	v6 =	vmul.f32 v33, v33;
	v2 =	vld [tilespmem:s18+$0x160F0]  }
0x4e5: {  	v21 =	vmul.f32 v21, v7;
	v9 =	vld.idx.msk [tilespmem:v11+s28+$0x0], $0xffff;
	[tilespmem:s19+$0xE0B0] =	vst v4;
	v4 =	vmul.f32 v18, v15  }
0x4e6: {  	v10 =	vmul.f32 v18, v10;
	v15 =	vmul.f32 v22, v16;
	[tilespmem:s19+$0xE130] =	vst v3;
	v5 =	vadd.f32 v6, v5;
	v3 =	vld [tilespmem:s18+$0x16170]  }
0x4e7: {  	v6 =	vmul.f32 v19, v16;
	v17 =	vld.idx.msk [tilespmem:v11+s29+$0x0], $0xffff;
	[tilespmem:s19+$0x4030] =	vst v4;
	v4 =	vmul.f32 v18, v13  }
0x4e8: {  	v18 =	vld.idx.msk [tilespmem:v11+s5+$0x0], $0xffff;
	v11 =	vmul.f32 v27, v30;
	[tilespmem:s19+$0x40B0] =	vst v10;
	v10 =	vmul.f32 $5.000000000e-01, v5;
	v5 =	vshra.s32 v5, $0x1  }
0x4e9: {  	v13 =	vmul.f32 v26, v16;
	v16 =	vmul.f32 v28, v30;
	[tilespmem:s19+$0x4130] =	vst v4;
	v4 =	vld [tilespmem:s19+$0x161D0];
	v19 =	vsub.s32 $0x5F3759DF, v5  }
0x4ea: {  	v5 =	vmul.f32 v25, v30;
	v27 =	vld [tilespmem:s11+$0x0];
	v10 =	vmul.f32 v19, v10  }
0x4eb: {  	v11 =	vadd.f32 v11, v6;
	v13 =	vadd.f32 v16, v13;
	v9 =	vmul.f32 v9, v7;
	v6 =	vld [tilespmem:s19+$0x16250]  }
0x4ec: {  	v16 =	vmul.f32 v23, v7;
	v15 =	vadd.f32 v5, v15;
	v5 =	vld [tilespmem:s19+$0x160D0];
	v10 =	vmul.f32 v19, v10  }
0x4ed: {  	v11 =	vadd.f32 v21, v11;
	v9 =	vadd.f32 v9, v13;
	v21 =	vmul.f32 v17, v14;
	v7 =	vld [tilespmem:s19+$0x16150]  }
0x4ee: {  	v16 =	vadd.f32 v16, v15;
	v14 =	vmul.f32 v18, v14;
	v13 =	vld [tilespmem:s19+$0x161C0];
	v10 =	vsub.f32 $1.500000000e+00, v10  }
0x4ef: {  	v28 =	vadd.f32 v29, v11;
	v29 =	vadd.f32 v21, v9;
	v15 =	vld [tilespmem:s19+$0x16240]  }
0x4f0: {  	v30 =	vadd.f32 v14, v16;
	v14 =	vld [tilespmem:s19+$0x160C0];
	v19 =	vmul.f32 v19, v10  }
0x4f1: {  	v10 =	vmul.f32 v28, v28;
	v11 =	vmul.f32 v29, v29;
	v16 =	vld [tilespmem:s19+$0x16140];
	[tilespmem:s18+$0xE060] =	vst v8  }
0x4f2: {  	v8 =	vmul.f32 v30, v30;
	v9 =	vld.idx.msk [tilespmem:v27+s5+$0x0], $0xffff;
	[tilespmem:s18+$0xE0E0] =	vst v31;
	v20 =	vmul.f32 v19, v20  }
0x4f3: {  	v21 =	vadd.f32 v11, v10;
	v22 =	vmul.f32 v19, v24;
	v10 =	vld.idx.msk [tilespmem:v27+s24+$0x0], $0xffff;
	[tilespmem:s18+$0xE160] =	vst v32  }
0x4f4: {  	v23 =	vmul.f32 v19, v33;
	v11 =	vld.idx.msk [tilespmem:v27+s29+$0x0], $0xffff;
	[tilespmem:s18+$0x4060] =	vst v20  }
0x4f5: {  	v8 =	vadd.f32 v8, v21;
	v19 =	vld.idx.msk [tilespmem:v27+s0+$0x0], $0xffff;
	[tilespmem:s18+$0x40E0] =	vst v22  }
0x4f6: {  	v20 =	vld.idx.msk [tilespmem:v27+s23+$0x0], $0xffff;
	[tilespmem:s18+$0x4160] =	vst v23  }
0x4f7: {  	v22 =	vmul.f32 $5.000000000e-01, v8;
	v21 =	vshra.s32 v8, $0x1;
	v8 =	vld [tilespmem:s16+$0x30];
	s16 =	smov.u32 s11;
	s11 =	smov.u32 s1  }
0x4f8: {  	v31 =	vsub.s32 $0x5F3759DF, v21;
	v21 =	vld.idx.msk [tilespmem:v27+s28+$0x0], $0xffff  }
0x4f9: {  	v23 =	vmul.f32 v31, v22;
	v22 =	vld.idx.msk [tilespmem:v27+s30+$0x0], $0xffff  }
.Ltmp1:
0x4fa: {  	v25 =	vld.idx.msk [tilespmem:v27+s31+$0x0], $0xffff;
	(pc) =	sbr.rel @p0 .LBB2_5-.Ltmp1, $4  }
0x4fb: {  	v26 =	vmul.f32 v31, v23;
	v23 =	vld.idx.msk [tilespmem:v27+s14+$0x0], $0xffff  }
0x4fc: {  	v24 =	vld.idx.msk [tilespmem:v27+s22+$0x0], $0xffff  }
0x4fd: {  	v32 =	vsub.f32 $1.500000000e+00, v26;
	v26 =	vld.idx.msk [tilespmem:v27+s25+$0x0], $0xffff  }
0x4fe: {  	s3 =	sadd.s32 $0x800, s3;
	v27 =	vld.idx.msk [tilespmem:v27+s26+$0x0], $0xffff  }
0x4ff: {  	v31 =	vmul.f32 v31, v32  }
0x500: {  	[tilespmem:s10+$0xE010] =	vst v12  }
0x501: {  	[tilespmem:s10+$0xE090] =	vst v17;
	v52 =	vmul.f32 v31, v28  }
0x502: {  	[tilespmem:s10+$0xE110] =	vst v18;
	v53 =	vmul.f32 v31, v29  }
0x503: {  	v54 =	vmul.f32 v31, v30;
	[tilespmem:s10+$0x4010] =	vst v52  }
0x504: {  	[tilespmem:s10+$0x4090] =	vst v53  }
0x505: {  	[tilespmem:s10+$0x4110] =	vst v54  }
0x506: {  	v12 =	vld [tilespmem:s11+$0xFFFFFFE0];
	_ =	sdelay $0x3  }
0x507: {  	v55 =	vld [tilespmem:s10+$0x161A0]  }
0x508: {  	v56 =	vld [tilespmem:s10+$0x16220]  }
0x509: {  	v57 =	vld [tilespmem:s10+$0x160A0]  }
0x50a: {  	v58 =	vld [tilespmem:s10+$0x16120]  }
0x50b: {  	v59 =	vld.idx.msk [tilespmem:v12+s23+$0x0], $0xffff  }
0x50c: {  	v60 =	vld.idx.msk [tilespmem:v12+s28+$0x0], $0xffff  }
0x50d: {  	v61 =	vld.idx.msk [tilespmem:v12+s30+$0x0], $0xffff  }
0x50e: {  	v33 =	vld.idx.msk [tilespmem:v12+s14+$0x0], $0xffff  }
0x50f: {  	v34 =	vld.idx.msk [tilespmem:v12+s22+$0x0], $0xffff  }
0x510: {  	v35 =	vld.idx.msk [tilespmem:v12+s25+$0x0], $0xffff  }
0x511: {  	v36 =	vld.idx.msk [tilespmem:v12+s26+$0x0], $0xffff  }
0x512: {  	v37 =	vld.idx.msk [tilespmem:v12+s31+$0x0], $0xffff  }
0x513: {  	v38 =	vld.idx.msk [tilespmem:v12+s24+$0x0], $0xffff  }
0x514: {  	v39 =	vld.idx.msk [tilespmem:v12+s0+$0x0], $0xffff;
	v32 =	vmul.f32 v61, v57  }
0x515: {  	v40 =	vld.idx.msk [tilespmem:v12+s29+$0x0], $0xffff;
	v33 =	vmul.f32 v33, v57;
	v34 =	vmul.f32 v34, v58  }
0x516: {  	v28 =	vmul.f32 v35, v57;
	v62 =	vmul.f32 v36, v58  }
0x517: {  	v18 =	vadd.f32 $-1.000000000e+00, v56;
	v12 =	vld.idx.msk [tilespmem:v12+s5+$0x0], $0xffff;
	v29 =	vmul.f32 v37, v58;
	v30 =	vmul.f32 v59, v55  }
0x518: {  	v31 =	vmul.f32 v60, v55;
	v33 =	vadd.f32 v34, v33;
	v28 =	vadd.f32 v62, v28  }
0x519: {  	v17 =	vmul.f32 v39, v55;
	v63 =	vmul.f32 v38, v18;
	v29 =	vadd.f32 v29, v32  }
0x51a: {  	v36 =	vmul.f32 v40, v18;
	v30 =	vadd.f32 v30, v33;
	v28 =	vadd.f32 v31, v28  }
0x51b: {  	v17 =	vadd.f32 v17, v29  }
0x51c: {  	v18 =	vmul.f32 v12, v18;
	v37 =	vadd.f32 v63, v30;
	v28 =	vadd.f32 v36, v28;
	_ =	sdelay $0x1  }
0x51d: {  	v17 =	vadd.f32 v18, v17;
	v39 =	vmul.f32 v37, v37;
	v41 =	vmul.f32 v28, v28;
	_ =	sdelay $0x1  }
0x51e: {  	v42 =	vmul.f32 v17, v17;
	v18 =	vadd.f32 v41, v39;
	_ =	sdelay $0x1  }
0x51f: {  	v18 =	vadd.f32 v42, v18;
	_ =	sdelay $0x1  }
0x520: {  	v30 =	vmul.f32 $5.000000000e-01, v18;
	v18 =	vshra.s32 v18, $0x1  }
0x521: {  	v18 =	vsub.s32 $0x5F3759DF, v18  }
0x522: {  	v30 =	vmul.f32 v18, v30;
	_ =	sdelay $0x1  }
0x523: {  	v30 =	vmul.f32 v18, v30;
	_ =	sdelay $0x1  }
0x524: {  	v30 =	vsub.f32 $1.500000000e+00, v30;
	_ =	sdelay $0x1  }
0x525: {  	v18 =	vmul.f32 v18, v30  }
0x526: {  	[tilespmem:s10+$0xE020] =	vst v38  }
0x527: {  	[tilespmem:s10+$0xE0A0] =	vst v40;
	v29 =	vmul.f32 v18, v37  }
0x528: {  	[tilespmem:s10+$0xE120] =	vst v12;
	v28 =	vmul.f32 v18, v28  }
0x529: {  	v43 =	vmul.f32 v18, v17;
	[tilespmem:s10+$0x4020] =	vst v29  }
0x52a: {  	[tilespmem:s10+$0x40A0] =	vst v28  }
0x52b: {  	[tilespmem:s10+$0x4120] =	vst v43  }
0x52c: {  	v12 =	vld [tilespmem:s11+$0xFFFFFFF0];
	_ =	sdelay $0x3  }
0x52d: {  	v44 =	vld [tilespmem:s10+$0x161B0]  }
0x52e: {  	v45 =	vld [tilespmem:s10+$0x16230]  }
0x52f: {  	v46 =	vld [tilespmem:s10+$0x160B0]  }
0x530: {  	v47 =	vld [tilespmem:s10+$0x16130]  }
0x531: {  	v30 =	vld.idx.msk [tilespmem:v12+s24+$0x0], $0xffff  }
0x532: {  	v48 =	vld.idx.msk [tilespmem:v12+s23+$0x0], $0xffff  }
0x533: {  	v49 =	vld.idx.msk [tilespmem:v12+s30+$0x0], $0xffff  }
0x534: {  	v50 =	vld.idx.msk [tilespmem:v12+s14+$0x0], $0xffff  }
0x535: {  	v51 =	vld.idx.msk [tilespmem:v12+s22+$0x0], $0xffff  }
0x536: {  	v52 =	vld.idx.msk [tilespmem:v12+s25+$0x0], $0xffff  }
0x537: {  	v22 =	vmul.f32 v22, v14;
	v54 =	vld.idx.msk [tilespmem:v12+s26+$0x0], $0xffff  }
0x538: {  	v25 =	vmul.f32 v25, v16;
	v23 =	vmul.f32 v23, v14;
	v56 =	vld.idx.msk [tilespmem:v12+s31+$0x0], $0xffff  }
0x539: {  	v24 =	vmul.f32 v24, v16;
	v53 =	vmul.f32 v26, v14;
	v57 =	vld.idx.msk [tilespmem:v12+s28+$0x0], $0xffff  }
0x53a: {  	v55 =	vmul.f32 v27, v16;
	v59 =	vld.idx.msk [tilespmem:v12+s0+$0x0], $0xffff;
	v60 =	vmul.f32 v50, v46  }
0x53b: {  	v22 =	vadd.f32 v25, v22;
	v62 =	vld.idx.msk [tilespmem:v12+s29+$0x0], $0xffff;
	v61 =	vmul.f32 v52, v46;
	v28 =	vmul.f32 v49, v46  }
0x53c: {  	v23 =	vadd.f32 v24, v23;
	v63 =	vmul.f32 v51, v47;
	v26 =	vmul.f32 v54, v47  }
0x53d: {  	v18 =	vadd.f32 $-1.000000000e+00, v45;
	v12 =	vld.idx.msk [tilespmem:v12+s5+$0x0], $0xffff;
	v31 =	vmul.f32 v48, v44;
	v27 =	vmul.f32 v56, v47  }
0x53e: {  	v25 =	vmul.f32 v57, v44;
	v24 =	vadd.f32 v63, v60;
	v16 =	vadd.f32 v26, v61  }
0x53f: {  	v33 =	vmul.f32 v30, v18;
	v17 =	vmul.f32 v59, v44;
	v27 =	vadd.f32 v27, v28  }
0x540: {  	v35 =	vmul.f32 v62, v18;
	v34 =	vadd.f32 v31, v24;
	v16 =	vadd.f32 v25, v16  }
0x541: {  	v58 =	vmul.f32 v21, v13;
	v17 =	vadd.f32 v17, v27  }
0x542: {  	v18 =	vmul.f32 v12, v18;
	v21 =	vadd.f32 v33, v34;
	v16 =	vadd.f32 v35, v16;
	_ =	sdelay $0x1  }
0x543: {  	v38 =	vadd.f32 v18, v17;
	v39 =	vmul.f32 v21, v21;
	v40 =	vmul.f32 v16, v16;
	_ =	sdelay $0x1  }
0x544: {  	v41 =	vmul.f32 v38, v38;
	v17 =	vadd.f32 v40, v39;
	_ =	sdelay $0x1  }
0x545: {  	v17 =	vadd.f32 v41, v17  }
0x546: {  	v20 =	vmul.f32 v20, v13;
	v19 =	vmul.f32 v19, v13;
	v15 =	vadd.f32 $-1.000000000e+00, v15  }
0x547: {  	v14 =	vadd.f32 v55, v53;
	v45 =	vmul.f32 $5.000000000e-01, v17;
	v17 =	vshra.s32 v17, $0x1  }
0x548: {  	v36 =	vmul.f32 v10, v15;
	v37 =	vmul.f32 v11, v15;
	v17 =	vsub.s32 $0x5F3759DF, v17  }
0x549: {  	v19 =	vadd.f32 v19, v22;
	v15 =	vmul.f32 v9, v15;
	v46 =	vmul.f32 v17, v45  }
0x54a: {  	v20 =	vadd.f32 v20, v23;
	v13 =	vadd.f32 v58, v14  }
0x54b: {  	v15 =	vadd.f32 v15, v19;
	v19 =	vmul.f32 v17, v46  }
0x54c: {  	v20 =	vadd.f32 v36, v20;
	v13 =	vadd.f32 v37, v13  }
0x54d: {  	v48 =	vsub.f32 $1.500000000e+00, v19  }
0x54e: {  	v42 =	vmul.f32 v20, v20;
	v22 =	vmul.f32 v13, v13  }
0x54f: {  	[tilespmem:s19+$0xE140] =	vst v9;
	v50 =	vmul.f32 v17, v48  }
0x550: {  	v43 =	vadd.f32 v22, v42;
	v44 =	vmul.f32 v15, v15;
	[tilespmem:s10+$0xE030] =	vst v30  }
0x551: {  	[tilespmem:s10+$0xE0B0] =	vst v62;
	v52 =	vmul.f32 v50, v21  }
0x552: {  	[tilespmem:s10+$0xE130] =	vst v12;
	v18 =	vadd.f32 v44, v43;
	v53 =	vmul.f32 v50, v16  }
0x553: {  	v9 =	vmul.f32 v50, v38;
	[tilespmem:s10+$0x4030] =	vst v52  }
0x554: {  	v47 =	vmul.f32 $5.000000000e-01, v18;
	v18 =	vshra.s32 v18, $0x1;
	[tilespmem:s10+$0x40B0] =	vst v53  }
0x555: {  	v18 =	vsub.s32 $0x5F3759DF, v18;
	[tilespmem:s10+$0x4130] =	vst v9  }
0x556: {  	v22 =	vmul.f32 v18, v47;
	v57 =	vld [tilespmem:s11+$0x0];
	_ =	sdelay $0x1  }
0x557: {  	v49 =	vmul.f32 v18, v22;
	_ =	sdelay $0x1  }
0x558: {  	v58 =	vld [tilespmem:s10+$0x161C0];
	v51 =	vsub.f32 $1.500000000e+00, v49  }
0x559: {  	v59 =	vld [tilespmem:s10+$0x16240]  }
0x55a: {  	[tilespmem:s19+$0xE040] =	vst v10;
	v60 =	vld [tilespmem:s10+$0x160C0];
	v10 =	vmul.f32 v18, v51  }
0x55b: {  	v61 =	vld [tilespmem:s10+$0x16140]  }
0x55c: {  	v56 =	vmul.f32 v10, v15;
	v15 =	vld.idx.msk [tilespmem:v57+s24+$0x0], $0xffff  }
0x55d: {  	v62 =	vld.idx.msk [tilespmem:v57+s23+$0x0], $0xffff  }
0x55e: {  	v63 =	vld.idx.msk [tilespmem:v57+s30+$0x0], $0xffff  }
0x55f: {  	v28 =	vld.idx.msk [tilespmem:v57+s14+$0x0], $0xffff  }
0x560: {  	v29 =	vld.idx.msk [tilespmem:v57+s22+$0x0], $0xffff  }
0x561: {  	v30 =	vld.idx.msk [tilespmem:v57+s25+$0x0], $0xffff  }
0x562: {  	v31 =	vld.idx.msk [tilespmem:v57+s26+$0x0], $0xffff  }
0x563: {  	v32 =	vld.idx.msk [tilespmem:v57+s31+$0x0], $0xffff  }
0x564: {  	v54 =	vmul.f32 v10, v20;
	v33 =	vld.idx.msk [tilespmem:v57+s28+$0x0], $0xffff  }
0x565: {  	v55 =	vmul.f32 v10, v13;
	v34 =	vld.idx.msk [tilespmem:v57+s0+$0x0], $0xffff;
	v17 =	vmul.f32 v63, v60  }
0x566: {  	[tilespmem:s19+$0xE0C0] =	vst v11;
	v35 =	vld.idx.msk [tilespmem:v57+s29+$0x0], $0xffff;
	v18 =	vmul.f32 v28, v60;
	v19 =	vmul.f32 v29, v61  }
0x567: {  	[tilespmem:s19+$0x4040] =	vst v54;
	v13 =	vmul.f32 v30, v60;
	v36 =	vmul.f32 v31, v61  }
0x568: {  	v12 =	vadd.f32 $-1.000000000e+00, v59;
	[tilespmem:s19+$0x40C0] =	vst v55;
	v10 =	vld.idx.msk [tilespmem:v57+s5+$0x0], $0xffff;
	v14 =	vmul.f32 v32, v61;
	v16 =	vmul.f32 v62, v58  }
0x569: {  	[tilespmem:s19+$0x4140] =	vst v56;
	v37 =	vmul.f32 v33, v58;
	v18 =	vadd.f32 v19, v18;
	v13 =	vadd.f32 v36, v13  }
0x56a: {  	v9 =	vld [tilespmem:s16+$0x10];
	v11 =	vmul.f32 v34, v58;
	v38 =	vmul.f32 v15, v12;
	v14 =	vadd.f32 v14, v17  }
0x56b: {  	v39 =	vmul.f32 v35, v12;
	v16 =	vadd.f32 v16, v18;
	v13 =	vadd.f32 v37, v13  }
0x56c: {  	v11 =	vadd.f32 v11, v14  }
0x56d: {  	v12 =	vmul.f32 v10, v12;
	v40 =	vadd.f32 v38, v16;
	v13 =	vadd.f32 v39, v13;
	_ =	sdelay $0x1  }
0x56e: {  	v11 =	vadd.f32 v12, v11;
	v42 =	vmul.f32 v40, v40;
	v43 =	vmul.f32 v13, v13;
	_ =	sdelay $0x1  }
0x56f: {  	v46 =	vmul.f32 v11, v11;
	v12 =	vadd.f32 v43, v42  }
0x570: {  	v44 =	vld.idx.msk [tilespmem:v9+s30+$0x0], $0xffff  }
0x571: {  	v45 =	vld.idx.msk [tilespmem:v9+s14+$0x0], $0xffff;
	v12 =	vadd.f32 v46, v12  }
0x572: {  	v47 =	vld.idx.msk [tilespmem:v9+s22+$0x0], $0xffff  }
0x573: {  	v48 =	vld.idx.msk [tilespmem:v9+s25+$0x0], $0xffff;
	v51 =	vmul.f32 $5.000000000e-01, v12;
	v12 =	vshra.s32 v12, $0x1  }
0x574: {  	v49 =	vld.idx.msk [tilespmem:v9+s26+$0x0], $0xffff;
	v12 =	vsub.s32 $0x5F3759DF, v12  }
0x575: {  	v54 =	vld.idx.msk [tilespmem:v9+s29+$0x0], $0xffff;
	v24 =	vmul.f32 v12, v51  }
0x576: {  	v50 =	vld.idx.msk [tilespmem:v9+s31+$0x0], $0xffff  }
0x577: {  	v52 =	vld.idx.msk [tilespmem:v9+s28+$0x0], $0xffff;
	v24 =	vmul.f32 v12, v24  }
0x578: {  	v6 =	vadd.f32 $-1.000000000e+00, v6;
	v20 =	vmul.f32 v45, v5  }
0x579: {  	v41 =	vld.idx.msk [tilespmem:v9+s23+$0x0], $0xffff;
	v21 =	vmul.f32 v47, v7;
	v22 =	vmul.f32 v48, v5;
	v24 =	vsub.f32 $1.500000000e+00, v24  }
0x57a: {  	v53 =	vld.idx.msk [tilespmem:v9+s0+$0x0], $0xffff;
	v57 =	vmul.f32 v44, v5;
	v25 =	vmul.f32 v54, v6  }
0x57b: {  	v58 =	vmul.f32 v50, v7;
	v16 =	vld.idx.msk [tilespmem:v9+s24+$0x0], $0xffff;
	v12 =	vmul.f32 v12, v24  }
0x57c: {  	v61 =	vmul.f32 v52, v4;
	[tilespmem:s10+$0xE040] =	vst v15;
	v18 =	vmul.f32 v49, v7  }
0x57d: {  	[tilespmem:s10+$0xE0C0] =	vst v35;
	v20 =	vadd.f32 v21, v20;
	v9 =	vld.idx.msk [tilespmem:v9+s5+$0x0], $0xffff;
	v14 =	vmul.f32 v12, v40  }
0x57e: {  	[tilespmem:s10+$0xE140] =	vst v10;
	v17 =	vmul.f32 v41, v4;
	v18 =	vadd.f32 v18, v22;
	v26 =	vmul.f32 v12, v13  }
0x57f: {  	v63 =	vmul.f32 v53, v4;
	v5 =	vadd.f32 v58, v57;
	v27 =	vmul.f32 v12, v11;
	[tilespmem:s10+$0x4040] =	vst v14  }
0x580: {  	v20 =	vadd.f32 v17, v20;
	v62 =	vmul.f32 v16, v6;
	v24 =	vadd.f32 v61, v18;
	[tilespmem:s10+$0x40C0] =	vst v26  }
0x581: {  	v4 =	vadd.f32 v63, v5;
	[tilespmem:s10+$0x4140] =	vst v27  }
0x582: {  	v6 =	vmul.f32 v9, v6;
	v7 =	vadd.f32 v62, v20;
	v31 =	vadd.f32 v25, v24;
	v10 =	vld [tilespmem:s11+$0x10];
	_ =	sdelay $0x1  }
0x583: {  	v6 =	vadd.f32 v6, v4;
	v32 =	vmul.f32 v7, v7;
	v33 =	vmul.f32 v31, v31;
	_ =	sdelay $0x1  }
0x584: {  	v59 =	vld [tilespmem:s10+$0x160D0];
	v34 =	vmul.f32 v6, v6;
	v5 =	vadd.f32 v33, v32  }
0x585: {  	v55 =	vld [tilespmem:s10+$0x161D0]  }
0x586: {  	v56 =	vld [tilespmem:s10+$0x16250];
	v12 =	vadd.f32 v34, v5  }
0x587: {  	v60 =	vld [tilespmem:s10+$0x16150]  }
0x588: {  	v35 =	vmul.f32 $5.000000000e-01, v12;
	v12 =	vshra.s32 v12, $0x1;
	v36 =	vld.idx.msk [tilespmem:v10+s23+$0x0], $0xffff  }
0x589: {  	v12 =	vsub.s32 $0x5F3759DF, v12;
	v37 =	vld.idx.msk [tilespmem:v10+s30+$0x0], $0xffff  }
0x58a: {  	v14 =	vmul.f32 v12, v35;
	v38 =	vld.idx.msk [tilespmem:v10+s14+$0x0], $0xffff  }
0x58b: {  	v39 =	vld.idx.msk [tilespmem:v10+s22+$0x0], $0xffff  }
0x58c: {  	v40 =	vld.idx.msk [tilespmem:v10+s25+$0x0], $0xffff;
	v14 =	vmul.f32 v12, v14  }
0x58d: {  	v41 =	vld.idx.msk [tilespmem:v10+s26+$0x0], $0xffff  }
0x58e: {  	v25 =	vld.idx.msk [tilespmem:v10+s31+$0x0], $0xffff;
	v14 =	vsub.f32 $1.500000000e+00, v14  }
0x58f: {  	v42 =	vld.idx.msk [tilespmem:v10+s28+$0x0], $0xffff  }
0x590: {  	v17 =	vld.idx.msk [tilespmem:v10+s24+$0x0], $0xffff;
	v12 =	vmul.f32 v12, v14  }
0x591: {  	v18 =	vmul.f32 v36, v55;
	v22 =	vmul.f32 v38, v59  }
0x592: {  	v43 =	vld.idx.msk [tilespmem:v10+s0+$0x0], $0xffff;
	v23 =	vmul.f32 v39, v60;
	v45 =	vmul.f32 v40, v59  }
0x593: {  	v46 =	vadd.f32 $-1.000000000e+00, v56;
	v44 =	vld.idx.msk [tilespmem:v10+s29+$0x0], $0xffff;
	v14 =	vmul.f32 v41, v60;
	v19 =	vmul.f32 v37, v59  }
0x594: {  	v47 =	vmul.f32 v25, v60;
	v49 =	vmul.f32 v42, v55  }
0x595: {  	v10 =	vld.idx.msk [tilespmem:v10+s5+$0x0], $0xffff;
	v50 =	vmul.f32 v17, v46;
	v7 =	vmul.f32 v12, v7  }
0x596: {  	v11 =	vmul.f32 v12, v31;
	v48 =	vadd.f32 v23, v22;
	v14 =	vadd.f32 v14, v45  }
0x597: {  	v6 =	vmul.f32 v12, v6;
	v19 =	vadd.f32 v47, v19;
	v12 =	vmul.f32 v43, v55  }
0x598: {  	[tilespmem:s19+$0xE150] =	vst v9;
	v52 =	vmul.f32 v44, v46;
	v9 =	vadd.f32 v18, v48;
	v51 =	vadd.f32 v49, v14  }
0x599: {  	[tilespmem:s19+$0xE0D0] =	vst v54;
	v53 =	vadd.f32 v12, v19  }
0x59a: {  	v55 =	vmul.f32 v10, v46;
	[tilespmem:s19+$0x40D0] =	vst v11;
	v9 =	vadd.f32 v50, v9;
	v11 =	vadd.f32 v52, v51  }
0x59b: {  	[tilespmem:s19+$0xE050] =	vst v16  }
0x59c: {  	[tilespmem:s19+$0x4050] =	vst v7;
	v56 =	vadd.f32 v55, v53;
	v57 =	vmul.f32 v9, v9;
	v58 =	vmul.f32 v11, v11  }
0x59d: {  	[tilespmem:s19+$0x4150] =	vst v6  }
0x59e: {  	v54 =	vld [tilespmem:s16+$0x20];
	v59 =	vmul.f32 v56, v56;
	v6 =	vadd.f32 v58, v57;
	_ =	sdelay $0x1  }
0x59f: {  	v6 =	vadd.f32 v59, v6;
	_ =	sdelay $0x1  }
0x5a0: {  	v15 =	vld [tilespmem:s19+$0x16260];
	v7 =	vmul.f32 $5.000000000e-01, v6;
	v6 =	vshra.s32 v6, $0x1  }
0x5a1: {  	v61 =	vld [tilespmem:s19+$0x16160];
	v63 =	vsub.s32 $0x5F3759DF, v6  }
0x5a2: {  	v13 =	vld [tilespmem:s19+$0x161E0];
	v6 =	vmul.f32 v63, v7  }
0x5a3: {  	v60 =	vld [tilespmem:s19+$0x160E0]  }
0x5a4: {  	v19 =	vld.idx.msk [tilespmem:v54+s24+$0x0], $0xffff;
	v35 =	vmul.f32 v63, v6  }
0x5a5: {  	v62 =	vld.idx.msk [tilespmem:v54+s23+$0x0], $0xffff  }
0x5a6: {  	v32 =	vld.idx.msk [tilespmem:v54+s30+$0x0], $0xffff;
	v25 =	vsub.f32 $1.500000000e+00, v35  }
0x5a7: {  	v33 =	vld.idx.msk [tilespmem:v54+s14+$0x0], $0xffff  }
0x5a8: {  	v34 =	vld.idx.msk [tilespmem:v54+s22+$0x0], $0xffff;
	v21 =	vmul.f32 v63, v25  }
0x5a9: {  	[tilespmem:s10+$0xE050] =	vst v17;
	v36 =	vld.idx.msk [tilespmem:v54+s25+$0x0], $0xffff  }
0x5aa: {  	[tilespmem:s10+$0xE0D0] =	vst v44;
	v37 =	vld.idx.msk [tilespmem:v54+s26+$0x0], $0xffff;
	v9 =	vmul.f32 v21, v9  }
0x5ab: {  	[tilespmem:s10+$0xE150] =	vst v10;
	v38 =	vld.idx.msk [tilespmem:v54+s31+$0x0], $0xffff;
	v39 =	vmul.f32 v21, v11  }
0x5ac: {  	v40 =	vld.idx.msk [tilespmem:v54+s28+$0x0], $0xffff;
	v41 =	vmul.f32 v21, v56;
	[tilespmem:s10+$0x4050] =	vst v9  }
0x5ad: {  	v42 =	vld.idx.msk [tilespmem:v54+s0+$0x0], $0xffff;
	[tilespmem:s10+$0x40D0] =	vst v39  }
0x5ae: {  	v10 =	vld.idx.msk [tilespmem:v54+s29+$0x0], $0xffff;
	v20 =	vmul.f32 v62, v13;
	[tilespmem:s10+$0x4150] =	vst v41  }
0x5af: {  	v43 =	vmul.f32 v33, v60;
	v44 =	vmul.f32 v34, v61;
	v45 =	vld [tilespmem:s11+$0x20]  }
0x5b0: {  	v46 =	vmul.f32 v36, v60;
	v17 =	vmul.f32 v37, v61  }
0x5b1: {  	v15 =	vadd.f32 $-1.000000000e+00, v15;
	v12 =	vld.idx.msk [tilespmem:v54+s5+$0x0], $0xffff;
	v16 =	vmul.f32 v32, v60;
	v18 =	vmul.f32 v38, v61  }
0x5b2: {  	v17 =	vadd.f32 v17, v46;
	v11 =	vmul.f32 v40, v13;
	v9 =	vadd.f32 v44, v43  }
0x5b3: {  	v28 =	vld [tilespmem:s10+$0x16260];
	v47 =	vmul.f32 v19, v15;
	v16 =	vadd.f32 v18, v16;
	v13 =	vmul.f32 v42, v13  }
0x5b4: {  	v26 =	vld [tilespmem:s10+$0x161E0];
	v48 =	vmul.f32 v10, v15;
	v11 =	vadd.f32 v11, v17;
	v9 =	vadd.f32 v20, v9  }
0x5b5: {  	v49 =	vld [tilespmem:s10+$0x160E0];
	v13 =	vadd.f32 v13, v16  }
0x5b6: {  	v51 =	vld [tilespmem:s10+$0x16160];
	v50 =	vmul.f32 v12, v15;
	v11 =	vadd.f32 v48, v11;
	v9 =	vadd.f32 v47, v9  }
0x5b7: {  	v17 =	vld.idx.msk [tilespmem:v45+s24+$0x0], $0xffff  }
0x5b8: {  	v13 =	vadd.f32 v50, v13;
	v53 =	vmul.f32 v11, v11;
	v52 =	vmul.f32 v9, v9;
	v54 =	vld.idx.msk [tilespmem:v45+s23+$0x0], $0xffff  }
0x5b9: {  	v55 =	vld.idx.msk [tilespmem:v45+s30+$0x0], $0xffff  }
0x5ba: {  	v56 =	vmul.f32 v13, v13;
	v14 =	vadd.f32 v53, v52;
	v57 =	vld.idx.msk [tilespmem:v45+s14+$0x0], $0xffff  }
0x5bb: {  	v58 =	vld.idx.msk [tilespmem:v45+s22+$0x0], $0xffff  }
0x5bc: {  	v59 =	vld.idx.msk [tilespmem:v45+s25+$0x0], $0xffff;
	v14 =	vadd.f32 v56, v14  }
0x5bd: {  	v60 =	vld.idx.msk [tilespmem:v45+s26+$0x0], $0xffff  }
0x5be: {  	v62 =	vld.idx.msk [tilespmem:v45+s31+$0x0], $0xffff;
	v61 =	vmul.f32 $5.000000000e-01, v14;
	v14 =	vshra.s32 v14, $0x1  }
0x5bf: {  	v63 =	vld.idx.msk [tilespmem:v45+s28+$0x0], $0xffff;
	v14 =	vsub.s32 $0x5F3759DF, v14  }
0x5c0: {  	v36 =	vld.idx.msk [tilespmem:v45+s0+$0x0], $0xffff;
	v27 =	vmul.f32 v14, v61;
	v20 =	vmul.f32 v54, v26  }
0x5c1: {  	v32 =	vld.idx.msk [tilespmem:v45+s29+$0x0], $0xffff;
	v22 =	vmul.f32 v57, v49;
	v24 =	vmul.f32 v58, v51  }
0x5c2: {  	v18 =	vmul.f32 v59, v49;
	v25 =	vmul.f32 v60, v51  }
0x5c3: {  	v28 =	vadd.f32 $-1.000000000e+00, v28;
	v23 =	vld.idx.msk [tilespmem:v45+s5+$0x0], $0xffff;
	v16 =	vmul.f32 v55, v49;
	v15 =	vmul.f32 v62, v51  }
0x5c4: {  	v38 =	vmul.f32 v63, v26;
	v37 =	vadd.f32 v24, v22;
	v18 =	vadd.f32 v25, v18  }
0x5c5: {  	v30 =	vld.idx.msk [tilespmem:v8+s29+$0x0], $0xffff;
	v39 =	vmul.f32 v17, v28;
	v40 =	vmul.f32 v36, v26;
	v15 =	vadd.f32 v15, v16  }
0x5c6: {  	v4 =	vld [tilespmem:s19+$0x161F0];
	v41 =	vmul.f32 v32, v28;
	v20 =	vadd.f32 v20, v37;
	v18 =	vadd.f32 v38, v18  }
0x5c7: {  	v5 =	vld [tilespmem:s19+$0x16270];
	v42 =	vmul.f32 v14, v27;
	v15 =	vadd.f32 v40, v15  }
0x5c8: {  	v7 =	vld [tilespmem:s10+$0x16270];
	v44 =	vmul.f32 v23, v28;
	v20 =	vadd.f32 v39, v20;
	v18 =	vadd.f32 v41, v18  }
0x5c9: {  	v6 =	vld [tilespmem:s10+$0x161F0];
	v22 =	vsub.f32 $1.500000000e+00, v42  }
0x5ca: {  	v43 =	vld.idx.msk [tilespmem:v8+s23+$0x0], $0xffff;
	v15 =	vadd.f32 v44, v15;
	v46 =	vmul.f32 v20, v20;
	v47 =	vmul.f32 v18, v18  }
0x5cb: {  	v48 =	vld.idx.msk [tilespmem:v8+s14+$0x0], $0xffff;
	v14 =	vmul.f32 v14, v22  }
0x5cc: {  	[tilespmem:s19+$0xE060] =	vst v19;
	v52 =	vld.idx.msk [tilespmem:v8+s25+$0x0], $0xffff;
	v50 =	vmul.f32 v15, v15;
	v49 =	vadd.f32 v47, v46  }
0x5cd: {  	[tilespmem:s19+$0xE0E0] =	vst v10;
	v45 =	vld.idx.msk [tilespmem:v8+s30+$0x0], $0xffff;
	v9 =	vmul.f32 v14, v9  }
0x5ce: {  	[tilespmem:s19+$0xE160] =	vst v12;
	v56 =	vld.idx.msk [tilespmem:v8+s31+$0x0], $0xffff;
	v11 =	vmul.f32 v14, v11;
	v53 =	vadd.f32 v50, v49  }
0x5cf: {  	v51 =	vld.idx.msk [tilespmem:v8+s22+$0x0], $0xffff;
	v55 =	vmul.f32 v14, v13;
	[tilespmem:s19+$0x4060] =	vst v9  }
0x5d0: {  	v54 =	vld.idx.msk [tilespmem:v8+s26+$0x0], $0xffff;
	[tilespmem:s19+$0x40E0] =	vst v11;
	v57 =	vmul.f32 $5.000000000e-01, v53;
	v12 =	vshra.s32 v53, $0x1  }
0x5d1: {  	v58 =	vld.idx.msk [tilespmem:v8+s28+$0x0], $0xffff;
	[tilespmem:s19+$0x4160] =	vst v55;
	v12 =	vsub.s32 $0x5F3759DF, v12  }
0x5d2: {  	v59 =	vld [tilespmem:s16+$0x30];
	v11 =	vmul.f32 v12, v57  }
0x5d3: {  	v60 =	vld.idx.msk [tilespmem:v8+s0+$0x0], $0xffff  }
0x5d4: {  	v61 =	vadd.f32 $-1.000000000e+00, v1;
	v1 =	vld.idx.msk [tilespmem:v8+s5+$0x0], $0xffff;
	v11 =	vmul.f32 v12, v11  }
0x5d5: {  	v25 =	vld [tilespmem:s19+$0x160F0]  }
0x5d6: {  	v63 =	vmul.f32 v56, v3;
	v27 =	vld [tilespmem:s19+$0x16170];
	v24 =	vsub.f32 $1.500000000e+00, v11  }
0x5d7: {  	v26 =	vmul.f32 v51, v3;
	v19 =	vmul.f32 v54, v3;
	v3 =	vld [tilespmem:s10+$0x16170]  }
0x5d8: {  	v9 =	vld.idx.msk [tilespmem:v8+s24+$0x0], $0xffff;
	v8 =	vmul.f32 v12, v24  }
0x5d9: {  	[tilespmem:s10+$0xE060] =	vst v17;
	v14 =	vld [tilespmem:s10+$0x160F0]  }
0x5da: {  	[tilespmem:s10+$0xE0E0] =	vst v32;
	v13 =	vld.idx.msk [tilespmem:v59+s24+$0x0], $0xffff;
	v37 =	vmul.f32 v8, v20  }
0x5db: {  	[tilespmem:s10+$0xE160] =	vst v23;
	v38 =	vld.idx.msk [tilespmem:v59+s23+$0x0], $0xffff;
	v39 =	vmul.f32 v8, v18  }
0x5dc: {  	v40 =	vld.idx.msk [tilespmem:v59+s30+$0x0], $0xffff;
	v8 =	vmul.f32 v8, v15;
	[tilespmem:s10+$0x4060] =	vst v37  }
0x5dd: {  	v42 =	vld.idx.msk [tilespmem:v59+s14+$0x0], $0xffff;
	[tilespmem:s10+$0x40E0] =	vst v39  }
0x5de: {  	v62 =	vmul.f32 v45, v2;
	v16 =	vmul.f32 v43, v0;
	v43 =	vld.idx.msk [tilespmem:v59+s22+$0x0], $0xffff;
	[tilespmem:s10+$0x4160] =	vst v8  }
0x5df: {  	v10 =	vmul.f32 v52, v2;
	v22 =	vmul.f32 v48, v2;
	v17 =	vld [tilespmem:s11+$0x30]  }
0x5e0: {  	v35 =	vmul.f32 v60, v0;
	v2 =	vadd.f32 v63, v62;
	v46 =	vld.idx.msk [tilespmem:v59+s25+$0x0], $0xffff  }
0x5e1: {  	v33 =	vmul.f32 v58, v0;
	v10 =	vadd.f32 v19, v10;
	v31 =	vadd.f32 v26, v22;
	v48 =	vld.idx.msk [tilespmem:v59+s26+$0x0], $0xffff  }
0x5e2: {  	v36 =	vmul.f32 v30, v61;
	v41 =	vmul.f32 v1, v61;
	v0 =	vadd.f32 v35, v2;
	v49 =	vld.idx.msk [tilespmem:v59+s31+$0x0], $0xffff  }
0x5e3: {  	v10 =	vadd.f32 v33, v10;
	v34 =	vmul.f32 v9, v61;
	v50 =	vld.idx.msk [tilespmem:v59+s28+$0x0], $0xffff;
	v11 =	vadd.f32 v16, v31  }
0x5e4: {  	v0 =	vadd.f32 v41, v0;
	v51 =	vld.idx.msk [tilespmem:v59+s0+$0x0], $0xffff  }
0x5e5: {  	v10 =	vadd.f32 v36, v10;
	v26 =	vld.idx.msk [tilespmem:v59+s29+$0x0], $0xffff;
	v11 =	vadd.f32 v34, v11  }
0x5e6: {  	v47 =	vmul.f32 v0, v0;
	v21 =	vld.idx.msk [tilespmem:v59+s5+$0x0], $0xffff  }
0x5e7: {  	v45 =	vmul.f32 v10, v10;
	v44 =	vmul.f32 v11, v11;
	v28 =	vld.idx.msk [tilespmem:v17+s24+$0x0], $0xffff  }
0x5e8: {  	v2 =	vmul.f32 v38, v4;
	v15 =	vmul.f32 v42, v25;
	v53 =	vld.idx.msk [tilespmem:v17+s23+$0x0], $0xffff  }
0x5e9: {  	v5 =	vadd.f32 $-1.000000000e+00, v5;
	v16 =	vmul.f32 v43, v27;
	v19 =	vmul.f32 v46, v25;
	v55 =	vld.idx.msk [tilespmem:v17+s30+$0x0], $0xffff  }
0x5ea: {  	v7 =	vadd.f32 $-1.000000000e+00, v7;
	v20 =	vmul.f32 v48, v27;
	v18 =	vmul.f32 v40, v25;
	v57 =	vld.idx.msk [tilespmem:v17+s14+$0x0], $0xffff  }
0x5eb: {  	v22 =	vmul.f32 v49, v27;
	v12 =	vmul.f32 v50, v4;
	v8 =	vadd.f32 v45, v44;
	v59 =	vld.idx.msk [tilespmem:v17+s22+$0x0], $0xffff  }
0x5ec: {  	v56 =	vmul.f32 v13, v5;
	v15 =	vadd.f32 v16, v15;
	v54 =	vadd.f32 v20, v19;
	v60 =	vld.idx.msk [tilespmem:v17+s25+$0x0], $0xffff  }
0x5ed: {  	v4 =	vmul.f32 v51, v4;
	v18 =	vadd.f32 v22, v18;
	v8 =	vadd.f32 v47, v8;
	v61 =	vld.idx.msk [tilespmem:v17+s26+$0x0], $0xffff  }
0x5ee: {  	v58 =	vmul.f32 v26, v5;
	v5 =	vmul.f32 v21, v5;
	v2 =	vadd.f32 v2, v15;
	v63 =	vld.idx.msk [tilespmem:v17+s31+$0x0], $0xffff  }
0x5ef: {  	v12 =	vadd.f32 v12, v54;
	v4 =	vadd.f32 v4, v18;
	v52 =	vmul.f32 $5.000000000e-01, v8;
	v38 =	vld.idx.msk [tilespmem:v17+s28+$0x0], $0xffff  }
0x5f0: {  	v8 =	vshra.s32 v8, $0x1;
	v2 =	vadd.f32 v56, v2;
	v40 =	vld.idx.msk [tilespmem:v17+s0+$0x0], $0xffff;
	v25 =	vmul.f32 v53, v6  }
0x5f1: {  	v12 =	vadd.f32 v58, v12;
	v32 =	vld.idx.msk [tilespmem:v17+s29+$0x0], $0xffff;
	v22 =	vmul.f32 v57, v14;
	v16 =	vmul.f32 v59, v3  }
0x5f2: {  	v4 =	vadd.f32 v5, v4;
	v18 =	vmul.f32 v60, v14;
	v15 =	vmul.f32 v61, v3  }
0x5f3: {  	v8 =	vsub.s32 $0x5F3759DF, v8;
	v17 =	vld.idx.msk [tilespmem:v17+s5+$0x0], $0xffff;
	v14 =	vmul.f32 v55, v14;
	v3 =	vmul.f32 v63, v3  }
0x5f4: {  	v42 =	vmul.f32 v38, v6;
	v41 =	vadd.f32 v16, v22;
	v15 =	vadd.f32 v15, v18  }
0x5f5: {  	v43 =	vmul.f32 v28, v7;
	v6 =	vmul.f32 v40, v6;
	v3 =	vadd.f32 v3, v14  }
0x5f6: {  	v45 =	vmul.f32 v32, v7;
	v5 =	vadd.f32 v25, v41;
	v44 =	vadd.f32 v42, v15  }
0x5f7: {  	v36 =	vmul.f32 v2, v2;
	v37 =	vmul.f32 v12, v12;
	v3 =	vadd.f32 v6, v3  }
0x5f8: {  	v7 =	vmul.f32 v17, v7;
	v5 =	vadd.f32 v43, v5;
	v48 =	vadd.f32 v45, v44  }
0x5f9: {  	v62 =	vmul.f32 v8, v52;
	v39 =	vmul.f32 v4, v4;
	v23 =	vadd.f32 v37, v36  }
0x5fa: {  	v3 =	vadd.f32 v7, v3;
	v52 =	vmul.f32 v5, v5;
	v53 =	vmul.f32 v48, v48  }
0x5fb: {  	v47 =	vadd.f32 v39, v23  }
0x5fc: {  	v55 =	vmul.f32 v3, v3;
	v7 =	vadd.f32 v53, v52  }
0x5fd: {  	[tilespmem:s18+$0xE0F0] =	vst v30;
	v46 =	vmul.f32 v8, v62;
	v50 =	vmul.f32 $5.000000000e-01, v47;
	v51 =	vshra.s32 v47, $0x1  }
0x5fe: {  	[tilespmem:s18+$0xE170] =	vst v1;
	v54 =	vsub.s32 $0x5F3759DF, v51;
	v7 =	vadd.f32 v55, v7  }
0x5ff: {  	[tilespmem:s18+$0xE070] =	vst v9;
	v49 =	vsub.f32 $1.500000000e+00, v46;
	v15 =	vmul.f32 v54, v50  }
0x600: {  	[tilespmem:s19+$0xE070] =	vst v13;
	v59 =	vmul.f32 $5.000000000e-01, v7;
	v7 =	vshra.s32 v7, $0x1  }
0x601: {  	[tilespmem:s19+$0xE0F0] =	vst v26;
	v8 =	vmul.f32 v8, v49;
	v56 =	vmul.f32 v54, v15;
	v60 =	vsub.s32 $0x5F3759DF, v7  }
0x602: {  	[tilespmem:s19+$0xE170] =	vst v21;
	v7 =	vmul.f32 v60, v59  }
0x603: {  	v0 =	vmul.f32 v8, v0;
	[tilespmem:s10+$0xE070] =	vst v28;
	v58 =	vsub.f32 $1.500000000e+00, v56  }
0x604: {  	[tilespmem:s10+$0xE0F0] =	vst v32;
	v7 =	vmul.f32 v60, v7  }
0x605: {  	v57 =	vmul.f32 v8, v11;
	[tilespmem:s18+$0x4170] =	vst v0;
	v0 =	vmul.f32 v54, v58  }
0x606: {  	v8 =	vmul.f32 v8, v10;
	[tilespmem:s10+$0xE170] =	vst v17;
	v61 =	vsub.f32 $1.500000000e+00, v7  }
0x607: {  	[tilespmem:s18+$0x4070] =	vst v57;
	v4 =	vmul.f32 v0, v4  }
0x608: {  	[tilespmem:s18+$0x40F0] =	vst v8;
	v2 =	vmul.f32 v0, v2;
	v62 =	vmul.f32 v60, v61  }
0x609: {  	v0 =	vmul.f32 v0, v12;
	[tilespmem:s19+$0x4170] =	vst v4  }
0x60a: {  	[tilespmem:s19+$0x4070] =	vst v2;
	v1 =	vmul.f32 v62, v3  }
0x60b: {  	s15 =	sadd.s32 $0x1, s15;
	[tilespmem:s19+$0x40F0] =	vst v0;
	v63 =	vmul.f32 v62, v5  }
0x60c: {  	s1 =	sshll.u32 s13, $0xB;
	p0 =	sne.s32 s15, $0x8;
	v0 =	vmul.f32 v62, v48;
	[tilespmem:s10+$0x4170] =	vst v1  }
.Ltmp2:
0x60d: {  	s2 =	rddreg [dreg:$0x3];
	s1 =	sadd.s32 s9, s1;
	[tilespmem:s10+$0x4070] =	vst v63;
	(pc) =	sbr.rel @p0 .LBB2_2-.Ltmp2, $4  }
0x60e: {  	s3 =	simm.s32 $0xE000;
	s2 =	sadd.s32 s2, s1;
	s18 =	rddreg [dreg:$0x4];
	[tilespmem:s10+$0x40F0] =	vst v0  }
0x60f: {  	[hbm4b:s2+s6] =	stream.linear.scatter [tilespmem:s3], [sflag:$0x7], $0x4000, $0x38;
	[tilespmem:$0x1A080] =	vst v63  }
0x610: {  	s1 =	sadd.s32 s18, s1;
	s19 =	simm.s32 $0x4000  }
0x611: {  	[hbm4b:s1+s6] =	stream.linear.scatter [tilespmem:s19], [sflag:$0x8], $0x4000, $0x38;
	[tilespmem:$0x1A080] =	vst v63  }
0x612: {  	s1 =	simm.s32 $0x5  }
0x613: {  	_ =	swait.ge [sflag:s1], $0x4000  }
0x614: {  	[sflag:s1] =	ssyncset.done $0x0  }
0x615: {  	s16 =	simm.s32 $0x6;
	[sflag:s1] =	ssyncadd.s32 $0xFFFFC000  }
0x616: {  	_ =	swait.ge [sflag:s16], $0x4000  }
0x617: {  	[sflag:s16] =	ssyncset.done $0x0  }
0x618: {  	s18 =	simm.s32 $0x7;
	[sflag:s16] =	ssyncadd.s32 $0xFFFFC000  }
0x619: {  	_ =	swait.ge [sflag:s18], $0x4000  }
0x61a: {  	[sflag:s18] =	ssyncset.done $0x0  }
0x61b: {  	s2 =	simm.s32 $0x8;
	[sflag:s18] =	ssyncadd.s32 $0xFFFFC000  }
0x61c: {  	_ =	swait.ge [sflag:s2], $0x4000  }
0x61d: {  	s3 =	rddreg [dreg:$0xb]  }
0x61e: {  	s19 =	rddreg [dreg:$0xa];
	s3 =	sadd.s32 $0x1, s3  }
0x61f: {  	p0 =	sne.s32 s3, s19  }
.Ltmp3:
0x620: {  	_ = 	snop;
	(pc) =	sbr.rel @p0 .LBB2_1-.Ltmp3, $3  }
0x621: {  	_ =	sdelay $0x1  }
0x622: {  	[sflag:s2] =	ssyncset.done $0x0  }
0x623: {  	[sflag:s2] =	ssyncadd.s32 $0xFFFFC000  }
0x624: {  	_ =	sfence.sel $0x180000  }
0x625: {  	[bflag:$0x0] =	sbarrier.arrive $0xFFFF  }
0x626: {  	_ =	strace $0x90000047  }
0x627: {  	s0 =	stileid.u32;
	[bflag:$0x2] =	sbarrier.arrive $0xFFFF  }
0x628: {  	p0 =	sne.s32 s0, $0x0;
	s0 =	rddreg [dreg:$0x5]  }
0x629: {  	s0 =	sadd.s32 @!p0 $0x100000, s0  }
0x62a: {  	[sflag:s0] =	ssyncadd.tile.s32 @!p0 $0x1;
	_ =	shalt  }
.Lfunc_end2:
_tile_overlayer_lowered:
.L_overlay_start_2:
0x62b: {  	(tag) =	ssettag $0x2  }
0x62c: {  	s0 =	rddreg [dreg:$0x0];
	s2 =	stileid.u32  }
0x62d: {  	s1 =	rddreg [dreg:$0x1];
	p0 =	sne.s32 s2, $0x0  }
0x62e: {  	s3 =	rddreg [dreg:$0x2];
	[bflag:$0x3] =	sbarrier.arrive $0xFFFF;
	s2 =	simm.s32 @!p0 $0x1C09  }
0x62f: {  	[timem:s3], [sflag:s2] =	dma.local @!p0 [hbm:s0], s1  }
0x630: {  	s0 =	simm.s32 @!p0 $0x9  }
0x631: {  	_ =	swait.ge @!p0 [sflag:s0], s1  }
0x632: {  	s1 =	ssub.s32 @!p0 $0x0, s1;
	[sflag:s0] =	ssyncset.done @!p0 $0x0  }
0x633: {  	[sflag:s0] =	ssyncadd.s32 @!p0 s1  }
0x634: {  	[bflag:$0x3] =	sbarrier.arrive $0xFFFF  }
0x635: {  	_ =	shalt  }

</sc_bundles>
